<compile_context>
chip_gen: v7x
topology: tpu7x:2x2x1
jax: 0.10.2.dev20260603
libtpu: 0.0.44.dev20260713+nightly
codegen_flags: <defaults>
</compile_context>

<pallas_src>
import functools

import jax
import jax.numpy as jnp
from jax import lax
from jax.experimental import pallas as pl
from jax.experimental.pallas import tpu as pltpu
from jax.experimental.pallas import tpu_sc as plsc

N_NODES = 10000
N_EDGES = 160000
D_IN = 256
D_HID = 512

_MESH = plsc.VectorSubcoreMesh(core_axis_name="c", subcore_axis_name="s")

_EB = 128


@functools.partial(
    pl.kernel,
    out_type=jax.ShapeDtypeStruct((2, N_NODES), jnp.float32),
    mesh=_MESH,
    scratch_types=[
        [pltpu.VMEM((_EB,), jnp.int32) for _ in range(3)],
        pltpu.VMEM((_EB,), jnp.float32),
        pltpu.VMEM_SHARED((N_NODES,), jnp.float32),
        [pltpu.SemaphoreType.DMA for _ in range(3)],
        [pltpu.SemaphoreType.DMA for _ in range(3)],
    ],
)
def _deg_kernel(dst_hbm, zeros_hbm, out_hbm, idx_v, ones_v, acc,
                sem_i, sem_s):
    c = lax.axis_index("c")
    s = lax.axis_index("s")

    @pl.when(s == 0)
    def _init():
        pltpu.sync_copy(zeros_hbm, acc)

    for i in range(_EB // 16):
        ones_v[pl.ds(i * 16, 16)] = jnp.ones((16,), jnp.float32)

    half = N_EDGES // 2
    per_tile = 5120
    base = c * half + s * per_tile
    nb = jnp.where(s == 15, 25, per_tile // _EB)

    def f_idx(b, j):
        pltpu.async_copy(dst_hbm.at[pl.ds(base + b * _EB, _EB)], idx_v[j],
                         sem_i[j])

    def w_idx(j):
        pltpu.make_async_copy(dst_hbm.at[pl.ds(0, _EB)], idx_v[j],
                              sem_i[j]).wait()

    def f_s(j):
        pltpu.async_copy(ones_v, acc.at[idx_v[j]], sem_s[j], add=True)

    def w_s(j):
        pltpu.make_async_copy(ones_v, acc.at[pl.ds(0, _EB)], sem_s[j]).wait()

    f_idx(0, 0)
    f_idx(1, 1)
    plsc.subcore_barrier()

    def body(w, carry):
        for j in range(3):
            b = 3 * w + j

            @pl.when(b < nb)
            def _batch():
                j2 = (j + 2) % 3
                w_idx(j)
                f_s(j)

                @pl.when(b + 2 < nb)
                def _():
                    @pl.when(b >= 1)
                    def _():
                        w_s(j2)

                    f_idx(b + 2, j2)

        return carry

    lax.fori_loop(0, (nb + 2) // 3, body, 0)
    w_s(2)
    w_s(0)
    w_s(1)
    plsc.subcore_barrier()

    @pl.when(s == 0)
    def _writeback():
        pltpu.sync_copy(acc, out_hbm.at[c])


_RPT = 80
_NPT = 640


def _make_agg(n_chunks):
    @functools.partial(
        pl.kernel,
        out_type=jax.ShapeDtypeStruct((n_chunks * N_NODES, 128), jnp.float32),
        mesh=_MESH,
        scratch_types=[
            [pltpu.VMEM((_EB,), jnp.int32) for _ in range(3)],
            [pltpu.VMEM((_EB,), jnp.int32) for _ in range(3)],
            [pltpu.VMEM((_EB, 128), jnp.float32) for _ in range(3)],
            pltpu.VMEM_SHARED((N_NODES, 128), jnp.float32),
            [pltpu.SemaphoreType.DMA for _ in range(3)],
            [pltpu.SemaphoreType.DMA for _ in range(3)],
            [pltpu.SemaphoreType.DMA for _ in range(3)],
            [pltpu.SemaphoreType.DMA for _ in range(3)],
        ],
    )
    def _agg(src_hbm, dst_hbm, g_hbm, out_hbm,
             src_v, dst_v, bufs, acc, sem_si, sem_di, sem_g, sem_s):
        c = lax.axis_index("c")
        s = lax.axis_index("s")
        nb = jnp.where(s == 15, 50, _RPT)
        e0 = s * (_RPT * _EB)

        def f_sidx(b, j):
            pltpu.async_copy(src_hbm.at[pl.ds(e0 + b * _EB, _EB)], src_v[j],
                             sem_si[j])

        def w_sidx(j):
            pltpu.make_async_copy(src_hbm.at[pl.ds(0, _EB)], src_v[j],
                                  sem_si[j]).wait()

        def f_didx(b, j):
            pltpu.async_copy(dst_hbm.at[pl.ds(e0 + b * _EB, _EB)], dst_v[j],
                             sem_di[j])

        def w_didx(j):
            pltpu.make_async_copy(dst_hbm.at[pl.ds(0, _EB)], dst_v[j],
                                  sem_di[j]).wait()

        def adjust(j, row_off):
            for i in range(_EB // 16):
                sl = pl.ds(i * 16, 16)
                src_v[j][sl] = src_v[j][sl] + row_off

        def f_g(j):
            pltpu.async_copy(g_hbm.at[src_v[j]], bufs[j], sem_g[j])

        def w_g(j):
            pltpu.make_async_copy(g_hbm.at[pl.ds(0, _EB)], bufs[j],
                                  sem_g[j]).wait()

        def f_s(j):
            pltpu.async_copy(bufs[j], acc.at[dst_v[j]], sem_s[j], add=True)

        def w_s(j):
            pltpu.make_async_copy(bufs[j], acc.at[pl.ds(0, _EB)],
                                  sem_s[j]).wait()

        for jj in range(n_chunks // 2):
            chunk = c + 2 * jj
            row_off = chunk * N_NODES

            @pl.when(s < 15)
            def _init():
                pltpu.sync_copy(g_hbm.at[pl.ds(row_off + s * _NPT, _NPT)],
                                acc.at[pl.ds(s * _NPT, _NPT)])

            @pl.when(s == 15)
            def _init_last():
                pltpu.sync_copy(g_hbm.at[pl.ds(row_off + 15 * _NPT, 400)],
                                acc.at[pl.ds(15 * _NPT, 400)])

            pltpu.sync_copy(src_hbm.at[pl.ds(e0, _EB)], src_v[0])
            adjust(0, row_off)
            f_g(0)
            pltpu.sync_copy(src_hbm.at[pl.ds(e0 + _EB, _EB)], src_v[1])
            adjust(1, row_off)
            f_g(1)
            f_sidx(2, 2)
            f_didx(0, 0)
            f_didx(1, 1)
            plsc.subcore_barrier()

            def body(w, carry):
                for j in range(3):
                    b = 3 * w + j

                    @pl.when(b < nb)
                    def _batch():
                        j2 = (j + 2) % 3
                        w_g(j)

                        @pl.when(b + 3 < nb)
                        def _():
                            f_sidx(b + 3, j)

                        w_didx(j)
                        f_s(j)

                        @pl.when(b + 2 < nb)
                        def _():
                            @pl.when(b >= 1)
                            def _():
                                w_s(j2)

                            w_sidx(j2)
                            adjust(j2, row_off)
                            f_g(j2)
                            f_didx(b + 2, j2)

                return carry

            nw = (nb + 2) // 3
            lax.fori_loop(0, nw, body, 0)
            w_s(2)
            w_s(0)
            w_s(1)
            plsc.subcore_barrier()

            @pl.when(s < 15)
            def _writeback():
                pltpu.sync_copy(acc.at[pl.ds(s * _NPT, _NPT)],
                                out_hbm.at[pl.ds(row_off + s * _NPT, _NPT)])

            @pl.when(s == 15)
            def _writeback_last():
                pltpu.sync_copy(acc.at[pl.ds(15 * _NPT, 400)],
                                out_hbm.at[pl.ds(row_off + 15 * _NPT, 400)])

            plsc.subcore_barrier()

    return _agg


_agg2 = _make_agg(2)
_agg4 = _make_agg(4)


_BN = 2000
_NB = N_NODES // _BN


def _dinv(deg_ref):
    return lax.rsqrt(deg_ref[:, 0:1] + deg_ref[:, 1:2] + 1.0)


def _scale_body(x_ref, deg_ref, out_ref):
    g = x_ref[...] * _dinv(deg_ref)
    out_ref[0] = g[:, :128]
    out_ref[1] = g[:, 128:]


def _mm1_body(a_ref, deg_ref, w1_ref, b1_ref, out_ref):
    p = jnp.dot(a_ref[0].astype(jnp.bfloat16), w1_ref[0:128, :],
                preferred_element_type=jnp.float32)
    p += jnp.dot(a_ref[1].astype(jnp.bfloat16), w1_ref[128:256, :],
                 preferred_element_type=jnp.float32)
    di = _dinv(deg_ref)
    h = jnp.maximum(di * p + b1_ref[...], 0.0)
    g = di * h
    for j in range(4):
        out_ref[j] = g[:, j * 128:(j + 1) * 128]


def _mm2_body(a_ref, deg_ref, w2_ref, b2_ref, wl_ref, bl_ref, out_ref):
    i = pl.program_id(0)
    p = jnp.dot(a_ref[0].astype(jnp.bfloat16), w2_ref[0:128, :],
                preferred_element_type=jnp.float32)
    for j in range(1, 4):
        p += jnp.dot(a_ref[j].astype(jnp.bfloat16),
                     w2_ref[j * 128:(j + 1) * 128, :],
                     preferred_element_type=jnp.float32)
    h = jnp.maximum(_dinv(deg_ref) * p + b2_ref[...], 0.0)
    part = jnp.sum(h * wl_ref[...], axis=(0, 1), keepdims=True)

    @pl.when(i == 0)
    def _first():
        out_ref[...] = part

    @pl.when(i != 0)
    def _accum():
        out_ref[...] = out_ref[...] + part

    @pl.when(i == _NB - 1)
    def _final():
        v = out_ref[...] * (1.0 / N_NODES) + bl_ref[...]
        out_ref[...] = jax.nn.sigmoid(v)


_scale = pl.pallas_call(
    _scale_body,
    grid=(_NB,),
    in_specs=[
        pl.BlockSpec((_BN, D_IN), lambda i: (i, 0)),
        pl.BlockSpec((_BN, 2), lambda i: (i, 0)),
    ],
    out_specs=pl.BlockSpec((2, _BN, 128), lambda i: (0, i, 0)),
    out_shape=jax.ShapeDtypeStruct((2, N_NODES, 128), jnp.float32),
)

_mm1 = pl.pallas_call(
    _mm1_body,
    grid=(_NB,),
    in_specs=[
        pl.BlockSpec((2, _BN, 128), lambda i: (0, i, 0)),
        pl.BlockSpec((_BN, 2), lambda i: (i, 0)),
        pl.BlockSpec((D_IN, D_HID), lambda i: (0, 0)),
        pl.BlockSpec((1, D_HID), lambda i: (0, 0)),
    ],
    out_specs=pl.BlockSpec((4, _BN, 128), lambda i: (0, i, 0)),
    out_shape=jax.ShapeDtypeStruct((4, N_NODES, 128), jnp.float32),
)

_mm2 = pl.pallas_call(
    _mm2_body,
    grid=(_NB,),
    in_specs=[
        pl.BlockSpec((4, _BN, 128), lambda i: (0, i, 0)),
        pl.BlockSpec((_BN, 2), lambda i: (i, 0)),
        pl.BlockSpec((D_HID, D_HID), lambda i: (0, 0)),
        pl.BlockSpec((1, D_HID), lambda i: (0, 0)),
        pl.BlockSpec((1, D_HID), lambda i: (0, 0)),
        pl.BlockSpec((1, 1), lambda i: (0, 0)),
    ],
    out_specs=pl.BlockSpec((1, 1), lambda i: (0, 0)),
    out_shape=jax.ShapeDtypeStruct((1, 1), jnp.float32),
)


def kernel(x, edge_index, W1, b1, W2, b2, Wl, bl):
    src = edge_index[0]
    dst = edge_index[1]
    zeros_n = jnp.zeros((N_NODES,), jnp.float32)

    deg_parts = _deg_kernel(dst, zeros_n)
    deg_t = deg_parts.T

    g0 = _scale(x, deg_t)
    acc0 = _agg2(src, dst, g0.reshape(2 * N_NODES, 128))

    g1 = _mm1(acc0.reshape(2, N_NODES, 128), deg_t, W1.astype(jnp.bfloat16),
              b1.reshape(1, D_HID))
    acc1 = _agg4(src, dst, g1.reshape(4 * N_NODES, 128))

    out = _mm2(acc1.reshape(4, N_NODES, 128), deg_t, W2.astype(jnp.bfloat16),
               b2.reshape(1, D_HID), Wl.reshape(1, D_HID),
               bl.reshape(1, 1))
    return out.reshape(1)

# --- scband reference (transcript-rebuilt; emitter-appended) ---
"""Pipeline reference for scband-gnn-35210141892974 (READ-ONLY COPY).

The authoritative reference and input builder live on the scoring server;
editing this copy changes nothing except your own understanding.
"""

import jax, jax.numpy as jnp
import numpy as np

N = 10000
E = 160000
D = 256
H = 512


def setup_inputs(seed: int = 0) -> dict:
    key = jax.random.key(seed)
    ks = jax.random.split(key, 8)
    x = jax.random.normal(ks[0], (N, D), dtype=jnp.float32)
    edge_index = jax.random.randint(ks[1], (2, E), 0, N, dtype=jnp.int32)
    W1 = jax.random.normal(ks[2], (D, H), dtype=jnp.float32) * (1.0 / np.sqrt(D))
    b1 = jnp.zeros((H,), dtype=jnp.float32)
    W2 = jax.random.normal(ks[3], (H, H), dtype=jnp.float32) * (1.0 / np.sqrt(H))
    b2 = jnp.zeros((H,), dtype=jnp.float32)
    Wl = jax.random.normal(ks[4], (H, 1), dtype=jnp.float32) * (1.0 / np.sqrt(H))
    bl = jnp.zeros((1,), dtype=jnp.float32)
    return {"x": x, "edge_index": edge_index, "W1": W1, "b1": b1, "W2": W2, "b2": b2, "Wl": Wl, "bl": bl}


def _gcn_conv(x, edge_index, W, b):
    # Faithful GCNConv: linear transform, add self-loops, symmetric deg^-1/2 normalization, scatter-add aggregation, bias.
    n = x.shape[0]
    loop = jnp.arange(n, dtype=edge_index.dtype)
    src = jnp.concatenate([edge_index[0], loop])
    dst = jnp.concatenate([edge_index[1], loop])
    h = x @ W
    deg = jnp.zeros((n,), dtype=h.dtype).at[dst].add(1.0)
    dinv = jnp.where(deg > 0, 1.0 / jnp.sqrt(deg), 0.0)
    norm = dinv[src] * dinv[dst]
    msg = h[src] * norm[:, None]
    out = jnp.zeros_like(h).at[dst].add(msg)
    return out + b


def reference(x, edge_index, W1, b1, W2, b2, Wl, bl):
    h = jax.nn.relu(_gcn_conv(x, edge_index, W1, b1))
    h = jax.nn.relu(_gcn_conv(h, edge_index, W2, b2))
    h = h @ Wl + bl
    return jax.nn.sigmoid(h.mean(axis=0))

if __name__ == "__main__":
    import jax
    _d = setup_inputs()
    print(jax.jit(kernel)(*tuple(_d.values())))

</pallas_src>

<mosaic_0001>
#map = affine_map<(d0, d1) -> (0)>
#map1 = affine_map<(d0, d1) -> (0, 0)>
module attributes {stable_mosaic.version = 14 : i64} {
  func.func @_deg_kernel(%arg0: i32, %arg1: i32, %arg2: memref<160000xi32, #tpu.memory_space<hbm>>, %arg3: memref<10000xf32, #tpu.memory_space<hbm>>, %arg4: memref<2x10000xf32, #tpu.memory_space<hbm>>, %arg5: memref<128xi32, #tpu.memory_space<vmem>>, %arg6: memref<128xi32, #tpu.memory_space<vmem>>, %arg7: memref<128xi32, #tpu.memory_space<vmem>>, %arg8: memref<128xf32, #tpu.memory_space<vmem>>, %arg9: memref<10000xf32, #tpu.memory_space<vmem_shared>>, %arg10: memref<!tpu.dma_semaphore, #tpu.memory_space<semaphore_mem>>, %arg11: memref<!tpu.dma_semaphore, #tpu.memory_space<semaphore_mem>>, %arg12: memref<!tpu.dma_semaphore, #tpu.memory_space<semaphore_mem>>, %arg13: memref<!tpu.dma_semaphore, #tpu.memory_space<semaphore_mem>>, %arg14: memref<!tpu.dma_semaphore, #tpu.memory_space<semaphore_mem>>, %arg15: memref<!tpu.dma_semaphore, #tpu.memory_space<semaphore_mem>>) attributes {dimension_semantics = [#tpu.dimension_semantics<core_parallel>, #tpu.dimension_semantics<subcore_parallel>], iteration_bounds = array<i64: 2, 16>, scalar_prefetch = 0 : i64, scratch_operands = 11 : i64, tpu.core_type = #tpu.core_type<sc_vector_subcore>, window_params = [{transform_indices = #map}, {transform_indices = #map}, {transform_indices = #map1}]} {
    %eq3A = arith.constant 0 : i32
    %eq3A_0 = arith.cmpi eq, %arg1, %eq3A : i32
    %convert_element_type3A = arith.extui %eq3A_0 : i1 to i32
    %cond3A = arith.constant 0 : i32
    %cond3A_1 = arith.cmpi ne, %convert_element_type3A, %cond3A : i32
    scf.if %cond3A_1 {
      "tpu.region"() ({
        %run_scoped3A = tpu.sem_alloc : memref<!tpu.dma_semaphore, #tpu.memory_space<semaphore_mem>>
        tpu.enqueue_dma source(%arg3 : memref<10000xf32, #tpu.memory_space<hbm>>) target(%arg9 : memref<10000xf32, #tpu.memory_space<vmem_shared>>) target_semaphore(%run_scoped3A : memref<!tpu.dma_semaphore, #tpu.memory_space<semaphore_mem>>)
        tpu.wait_dma2 semaphore(%run_scoped3A : memref<!tpu.dma_semaphore, #tpu.memory_space<semaphore_mem>>) src(%arg3 : memref<10000xf32, #tpu.memory_space<hbm>>) dst(%arg9 : memref<10000xf32, #tpu.memory_space<vmem_shared>>)
        tpu.yield
      }) : () -> ()
    } else {
    }
    %broadcast_in_dim3A = arith.constant 1.000000e+00 : f32
    %broadcast_in_dim3A_2 = vector.broadcast %broadcast_in_dim3A : f32 to vector<16xf32>
    %swap3A = arith.constant 0 : index
    %swap3A_3 = tpu.vector_load %arg8[%swap3A] {strides = array<i32>} : memref<128xf32, #tpu.memory_space<vmem>>, vector<16xf32>,
    %swap3A_4 = vector.shape_cast %swap3A_3 : vector<16xf32> to vector<16xf32>
    %swap3A_5 = vector.shape_cast %broadcast_in_dim3A_2 : vector<16xf32> to vector<16xf32>
    tpu.vector_store %arg8[%swap3A], %swap3A_5 {strides = array<i32>} : memref<128xf32, #tpu.memory_space<vmem>>, vector<16xf32>,
    %broadcast_in_dim3A_6 = arith.constant 1.000000e+00 : f32
    %broadcast_in_dim3A_7 = vector.broadcast %broadcast_in_dim3A_6 : f32 to vector<16xf32>
    %swap3A_8 = arith.constant 16 : index
    %swap3A_9 = tpu.vector_load %arg8[%swap3A_8] {strides = array<i32>} : memref<128xf32, #tpu.memory_space<vmem>>, vector<16xf32>,
    %swap3A_10 = vector.shape_cast %swap3A_9 : vector<16xf32> to vector<16xf32>
    %swap3A_11 = vector.shape_cast %broadcast_in_dim3A_7 : vector<16xf32> to vector<16xf32>
    tpu.vector_store %arg8[%swap3A_8], %swap3A_11 {strides = array<i32>} : memref<128xf32, #tpu.memory_space<vmem>>, vector<16xf32>,
    %broadcast_in_dim3A_12 = arith.constant 1.000000e+00 : f32
    %broadcast_in_dim3A_13 = vector.broadcast %broadcast_in_dim3A_12 : f32 to vector<16xf32>
    %swap3A_14 = arith.constant 32 : index
    %swap3A_15 = tpu.vector_load %arg8[%swap3A_14] {strides = array<i32>} : memref<128xf32, #tpu.memory_space<vmem>>, vector<16xf32>,
    %swap3A_16 = vector.shape_cast %swap3A_15 : vector<16xf32> to vector<16xf32>
    %swap3A_17 = vector.shape_cast %broadcast_in_dim3A_13 : vector<16xf32> to vector<16xf32>
    tpu.vector_store %arg8[%swap3A_14], %swap3A_17 {strides = array<i32>} : memref<128xf32, #tpu.memory_space<vmem>>, vector<16xf32>,
    %broadcast_in_dim3A_18 = arith.constant 1.000000e+00 : f32
    %broadcast_in_dim3A_19 = vector.broadcast %broadcast_in_dim3A_18 : f32 to vector<16xf32>
    %swap3A_20 = arith.constant 48 : index
    %swap3A_21 = tpu.vector_load %arg8[%swap3A_20] {strides = array<i32>} : memref<128xf32, #tpu.memory_space<vmem>>, vector<16xf32>,
    %swap3A_22 = vector.shape_cast %swap3A_21 : vector<16xf32> to vector<16xf32>
    %swap3A_23 = vector.shape_cast %broadcast_in_dim3A_19 : vector<16xf32> to vector<16xf32>
    tpu.vector_store %arg8[%swap3A_20], %swap3A_23 {strides = array<i32>} : memref<128xf32, #tpu.memory_space<vmem>>, vector<16xf32>,
    %broadcast_in_dim3A_24 = arith.constant 1.000000e+00 : f32
    %broadcast_in_dim3A_25 = vector.broadcast %broadcast_in_dim3A_24 : f32 to vector<16xf32>
    %swap3A_26 = arith.constant 64 : index
    %swap3A_27 = tpu.vector_load %arg8[%swap3A_26] {strides = array<i32>} : memref<128xf32, #tpu.memory_space<vmem>>, vector<16xf32>,
    %swap3A_28 = vector.shape_cast %swap3A_27 : vector<16xf32> to vector<16xf32>
    %swap3A_29 = vector.shape_cast %broadcast_in_dim3A_25 : vector<16xf32> to vector<16xf32>
    tpu.vector_store %arg8[%swap3A_26], %swap3A_29 {strides = array<i32>} : memref<128xf32, #tpu.memory_space<vmem>>, vector<16xf32>,
    %broadcast_in_dim3A_30 = arith.constant 1.000000e+00 : f32
    %broadcast_in_dim3A_31 = vector.broadcast %broadcast_in_dim3A_30 : f32 to vector<16xf32>
    %swap3A_32 = arith.constant 80 : index
    %swap3A_33 = tpu.vector_load %arg8[%swap3A_32] {strides = array<i32>} : memref<128xf32, #tpu.memory_space<vmem>>, vector<16xf32>,
    %swap3A_34 = vector.shape_cast %swap3A_33 : vector<16xf32> to vector<16xf32>
    %swap3A_35 = vector.shape_cast %broadcast_in_dim3A_31 : vector<16xf32> to vector<16xf32>
    tpu.vector_store %arg8[%swap3A_32], %swap3A_35 {strides = array<i32>} : memref<128xf32, #tpu.memory_space<vmem>>, vector<16xf32>,
    %broadcast_in_dim3A_36 = arith.constant 1.000000e+00 : f32
    %broadcast_in_dim3A_37 = vector.broadcast %broadcast_in_dim3A_36 : f32 to vector<16xf32>
    %swap3A_38 = arith.constant 96 : index
    %swap3A_39 = tpu.vector_load %arg8[%swap3A_38] {strides = array<i32>} : memref<128xf32, #tpu.memory_space<vmem>>, vector<16xf32>,
    %swap3A_40 = vector.shape_cast %swap3A_39 : vector<16xf32> to vector<16xf32>
    %swap3A_41 = vector.shape_cast %broadcast_in_dim3A_37 : vector<16xf32> to vector<16xf32>
    tpu.vector_store %arg8[%swap3A_38], %swap3A_41 {strides = array<i32>} : memref<128xf32, #tpu.memory_space<vmem>>, vector<16xf32>,
    %broadcast_in_dim3A_42 = arith.constant 1.000000e+00 : f32
    %broadcast_in_dim3A_43 = vector.broadcast %broadcast_in_dim3A_42 : f32 to vector<16xf32>
    %swap3A_44 = arith.constant 112 : index
    %swap3A_45 = tpu.vector_load %arg8[%swap3A_44] {strides = array<i32>} : memref<128xf32, #tpu.memory_space<vmem>>, vector<16xf32>,
    %swap3A_46 = vector.shape_cast %swap3A_45 : vector<16xf32> to vector<16xf32>
    %swap3A_47 = vector.shape_cast %broadcast_in_dim3A_43 : vector<16xf32> to vector<16xf32>
    tpu.vector_store %arg8[%swap3A_44], %swap3A_47 {strides = array<i32>} : memref<128xf32, #tpu.memory_space<vmem>>, vector<16xf32>,
    %mul3A = arith.constant 80000 : i32
    %mul3A_48 = arith.muli %arg0, %mul3A : i32
    %mul3A_49 = arith.constant 5120 : i32
    %mul3A_50 = arith.muli %arg1, %mul3A_49 : i32
    %add3A = arith.addi %mul3A_48, %mul3A_50 : i32
    %eq3A_51 = arith.constant 15 : i32
    %eq3A_52 = arith.cmpi eq, %arg1, %eq3A_51 : i32
    %jit3A = arith.constant 25 : i32
    %jit3A_53 = arith.constant 40 : i32
    %select_n3A = arith.select %eq3A_52, %jit3A, %jit3A_53 : i32
    %add3A_54 = arith.constant 0 : i32
    %add3A_55 = arith.addi %add3A, %add3A_54 : i32
    %dma_start3A = tpu.memref_slice %arg2[%add3A_55] : memref<160000xi32, #tpu.memory_space<hbm>> -> memref<128xi32, #tpu.memory_space<hbm>>
    %dma_start3A_56 = tpu.memref_slice %arg2[%add3A_55] : memref<160000xi32, #tpu.memory_space<hbm>> -> memref<128xi32, #tpu.memory_space<hbm>>
    tpu.enqueue_dma source(%dma_start3A_56 : memref<128xi32, #tpu.memory_space<hbm>>) target(%arg5 : memref<128xi32, #tpu.memory_space<vmem>>) target_semaphore(%arg10 : memref<!tpu.dma_semaphore, #tpu.memory_space<semaphore_mem>>)
    %add3A_57 = arith.constant 128 : i32
    %add3A_58 = arith.addi %add3A, %add3A_57 : i32
    %dma_start3A_59 = tpu.memref_slice %arg2[%add3A_58] : memref<160000xi32, #tpu.memory_space<hbm>> -> memref<128xi32, #tpu.memory_space<hbm>>
    %dma_start3A_60 = tpu.memref_slice %arg2[%add3A_58] : memref<160000xi32, #tpu.memory_space<hbm>> -> memref<128xi32, #tpu.memory_space<hbm>>
    tpu.enqueue_dma source(%dma_start3A_60 : memref<128xi32, #tpu.memory_space<hbm>>) target(%arg6 : memref<128xi32, #tpu.memory_space<vmem>>) target_semaphore(%arg11 : memref<!tpu.dma_semaphore, #tpu.memory_space<semaphore_mem>>)
    %barrier3A = arith.constant 0 : index
    tpu.barrier barrier_id(%barrier3A)
    %add3A_61 = arith.constant 2 : i32
    %add3A_62 = arith.addi %select_n3A, %add3A_61 : i32
    %jit3A_63 = arith.constant 3 : i32
    %div3A = arith.divsi %add3A_62, %jit3A_63 : i32
    %sign3A = arith.constant 0 : i32
    %sign3A_64 = arith.cmpi sgt, %add3A_62, %sign3A : i32
    %sign3A_65 = arith.extui %sign3A_64 : i1 to i32
    %sign3A_66 = arith.constant 0 : i32
    %sign3A_67 = arith.cmpi slt, %add3A_62, %sign3A_66 : i32
    %sign3A_68 = arith.extui %sign3A_67 : i1 to i32
    %sign3A_69 = arith.subi %sign3A_65, %sign3A_68 : i32
    %sign3A_70 = arith.constant 0 : i32
    %sign3A_71 = arith.cmpi sgt, %jit3A_63, %sign3A_70 : i32
    %sign3A_72 = arith.extui %sign3A_71 : i1 to i32
    %sign3A_73 = arith.constant 0 : i32
    %sign3A_74 = arith.cmpi slt, %jit3A_63, %sign3A_73 : i32
    %sign3A_75 = arith.extui %sign3A_74 : i1 to i32
    %sign3A_76 = arith.subi %sign3A_72, %sign3A_75 : i32
    %ne3A = arith.cmpi ne, %sign3A_69, %sign3A_76 : i32
    %rem3A = arith.remsi %add3A_62, %jit3A_63 : i32
    %ne3A_77 = arith.constant 0 : i32
    %ne3A_78 = arith.cmpi ne, %rem3A, %ne3A_77 : i32
    %and3A = arith.andi %ne3A, %ne3A_78 : i1
    %sub3A = arith.constant 1 : i32
    %sub3A_79 = arith.subi %div3A, %sub3A : i32
    %select_n3A_80 = arith.select %and3A, %sub3A_79, %div3A : i32
    %while3A = arith.constant 0 : i32
    %while3A_81 = arith.constant 0 : i32
    %while3A_82 = arith.subi %select_n3A_80, %while3A_81 : i32
    %while3A_83 = arith.addi %while3A_81, %while3A_82 : i32
    %while3A_84 = arith.constant 1 : i32
    %while3A_85 = arith.divsi %while3A_82, %while3A_84 : i32
    %while3A_86 = arith.muli %while3A_85, %while3A_84 : i32
    %while3A_87 = arith.addi %while3A_81, %while3A_86 : i32
    %while3A_88 = arith.constant 1 : i32
    scf.for %while3A_107 = %while3A_81 to %while3A_87 step %while3A_88  : i32 {
      %mul3A_108 = arith.constant 3 : i32
      %mul3A_109 = arith.muli %mul3A_108, %while3A_107 : i32
      %add3A_110 = arith.constant 0 : i32
      %add3A_111 = arith.addi %mul3A_109, %add3A_110 : i32
      %lt3A = arith.cmpi slt, %add3A_111, %select_n3A : i32
      %convert_element_type3A_112 = arith.extui %lt3A : i1 to i32
      %cond3A_113 = arith.constant 0 : i32
      %cond3A_114 = arith.cmpi ne, %convert_element_type3A_112, %cond3A_113 : i32
      scf.if %cond3A_114 {
        %dma_wait3A_131 = arith.constant 0 : i32
        %dma_wait3A_132 = tpu.memref_slice %arg2[%dma_wait3A_131] : memref<160000xi32, #tpu.memory_space<hbm>> -> memref<128xi32, #tpu.memory_space<hbm>>
        %dma_wait3A_133 = arith.constant 0 : i32
        %dma_wait3A_134 = tpu.memref_slice %arg2[%dma_wait3A_133] : memref<160000xi32, #tpu.memory_space<hbm>> -> memref<128xi32, #tpu.memory_space<hbm>>
        tpu.wait_dma2 semaphore(%arg10 : memref<!tpu.dma_semaphore, #tpu.memory_space<semaphore_mem>>) src(%dma_wait3A_134 : memref<128xi32, #tpu.memory_space<hbm>>) dst(%arg5 : memref<128xi32, #tpu.memory_space<vmem>>)
        %dma_start3A_135 = arith.constant 0 : i32
        %dma_start3A_136 = tpu.memref_slice %arg9[%dma_start3A_135] : memref<10000xf32, #tpu.memory_space<vmem_shared>> -> memref<10000xf32, #tpu.memory_space<vmem_shared>>
        tpu.enqueue_indirect_dma source(%arg8 : memref<128xf32, #tpu.memory_space<vmem>>) target(%dma_start3A_136 : memref<10000xf32, #tpu.memory_space<vmem_shared>>) offsets(%arg5 : memref<128xi32, #tpu.memory_space<vmem>>) semaphore(%arg13 : memref<!tpu.dma_semaphore, #tpu.memory_space<semaphore_mem>>) {add = true}
        %add3A_137 = arith.constant 2 : i32
        %add3A_138 = arith.addi %add3A_111, %add3A_137 : i32
        %lt3A_139 = arith.cmpi slt, %add3A_138, %select_n3A : i32
        %convert_element_type3A_140 = arith.extui %lt3A_139 : i1 to i32
        %cond3A_141 = arith.constant 0 : i32
        %cond3A_142 = arith.cmpi ne, %convert_element_type3A_140, %cond3A_141 : i32
        scf.if %cond3A_142 {
          %ge3A = arith.constant 1 : i32
          %ge3A_143 = arith.cmpi sge, %add3A_111, %ge3A : i32
          %convert_element_type3A_144 = arith.extui %ge3A_143 : i1 to i32
          %cond3A_145 = arith.constant 0 : i32
          %cond3A_146 = arith.cmpi ne, %convert_element_type3A_144, %cond3A_145 : i32
          scf.if %cond3A_146 {
            %dma_wait3A_154 = arith.constant 0 : i32
            %dma_wait3A_155 = tpu.memref_slice %arg9[%dma_wait3A_154] : memref<10000xf32, #tpu.memory_space<vmem_shared>> -> memref<128xf32, #tpu.memory_space<vmem_shared>>
            %dma_wait3A_156 = arith.constant 0 : i32
            %dma_wait3A_157 = tpu.memref_slice %arg9[%dma_wait3A_156] : memref<10000xf32, #tpu.memory_space<vmem_shared>> -> memref<128xf32, #tpu.memory_space<vmem_shared>>
            tpu.wait_dma2 semaphore(%arg15 : memref<!tpu.dma_semaphore, #tpu.memory_space<semaphore_mem>>) src(%arg8 : memref<128xf32, #tpu.memory_space<vmem>>) dst(%dma_wait3A_157 : memref<128xf32, #tpu.memory_space<vmem_shared>>)
          } else {
          }
          %add3A_147 = arith.constant 2 : i32
          %add3A_148 = arith.addi %add3A_111, %add3A_147 : i32
          %mul3A_149 = arith.constant 128 : i32
          %mul3A_150 = arith.muli %add3A_148, %mul3A_149 : i32
          %add3A_151 = arith.addi %add3A, %mul3A_150 : i32
          %dma_start3A_152 = tpu.memref_slice %arg2[%add3A_151] : memref<160000xi32, #tpu.memory_space<hbm>> -> memref<128xi32, #tpu.memory_space<hbm>>
          %dma_start3A_153 = tpu.memref_slice %arg2[%add3A_151] : memref<160000xi32, #tpu.memory_space<hbm>> -> memref<128xi32, #tpu.memory_space<hbm>>
          tpu.enqueue_dma source(%dma_start3A_153 : memref<128xi32, #tpu.memory_space<hbm>>) target(%arg7 : memref<128xi32, #tpu.memory_space<vmem>>) target_semaphore(%arg12 : memref<!tpu.dma_semaphore, #tpu.memory_space<semaphore_mem>>)
        } else {
        }
      } else {
      }
      %mul3A_115 = arith.constant 3 : i32
      %mul3A_116 = arith.muli %mul3A_115, %while3A_107 : i32
      %add3A_117 = arith.constant 1 : i32
      %add3A_118 = arith.addi %mul3A_116, %add3A_117 : i32
      %lt3A_119 = arith.cmpi slt, %add3A_118, %select_n3A : i32
      %convert_element_type3A_120 = arith.extui %lt3A_119 : i1 to i32
      %cond3A_121 = arith.constant 0 : i32
      %cond3A_122 = arith.cmpi ne, %convert_element_type3A_120, %cond3A_121 : i32
      scf.if %cond3A_122 {
        %dma_wait3A_131 = arith.constant 0 : i32
        %dma_wait3A_132 = tpu.memref_slice %arg2[%dma_wait3A_131] : memref<160000xi32, #tpu.memory_space<hbm>> -> memref<128xi32, #tpu.memory_space<hbm>>
        %dma_wait3A_133 = arith.constant 0 : i32
        %dma_wait3A_134 = tpu.memref_slice %arg2[%dma_wait3A_133] : memref<160000xi32, #tpu.memory_space<hbm>> -> memref<128xi32, #tpu.memory_space<hbm>>
        tpu.wait_dma2 semaphore(%arg11 : memref<!tpu.dma_semaphore, #tpu.memory_space<semaphore_mem>>) src(%dma_wait3A_134 : memref<128xi32, #tpu.memory_space<hbm>>) dst(%arg6 : memref<128xi32, #tpu.memory_space<vmem>>)
        %dma_start3A_135 = arith.constant 0 : i32
        %dma_start3A_136 = tpu.memref_slice %arg9[%dma_start3A_135] : memref<10000xf32, #tpu.memory_space<vmem_shared>> -> memref<10000xf32, #tpu.memory_space<vmem_shared>>
        tpu.enqueue_indirect_dma source(%arg8 : memref<128xf32, #tpu.memory_space<vmem>>) target(%dma_start3A_136 : memref<10000xf32, #tpu.memory_space<vmem_shared>>) offsets(%arg6 : memref<128xi32, #tpu.memory_space<vmem>>) semaphore(%arg14 : memref<!tpu.dma_semaphore, #tpu.memory_space<semaphore_mem>>) {add = true}
        %add3A_137 = arith.constant 2 : i32
        %add3A_138 = arith.addi %add3A_118, %add3A_137 : i32
        %lt3A_139 = arith.cmpi slt, %add3A_138, %select_n3A : i32
        %convert_element_type3A_140 = arith.extui %lt3A_139 : i1 to i32
        %cond3A_141 = arith.constant 0 : i32
        %cond3A_142 = arith.cmpi ne, %convert_element_type3A_140, %cond3A_141 : i32
        scf.if %cond3A_142 {
          %ge3A = arith.constant 1 : i32
          %ge3A_143 = arith.cmpi sge, %add3A_118, %ge3A : i32
          %convert_element_type3A_144 = arith.extui %ge3A_143 : i1 to i32
          %cond3A_145 = arith.constant 0 : i32
          %cond3A_146 = arith.cmpi ne, %convert_element_type3A_144, %cond3A_145 : i32
          scf.if %cond3A_146 {
            %dma_wait3A_154 = arith.constant 0 : i32
            %dma_wait3A_155 = tpu.memref_slice %arg9[%dma_wait3A_154] : memref<10000xf32, #tpu.memory_space<vmem_shared>> -> memref<128xf32, #tpu.memory_space<vmem_shared>>
            %dma_wait3A_156 = arith.constant 0 : i32
            %dma_wait3A_157 = tpu.memref_slice %arg9[%dma_wait3A_156] : memref<10000xf32, #tpu.memory_space<vmem_shared>> -> memref<128xf32, #tpu.memory_space<vmem_shared>>
            tpu.wait_dma2 semaphore(%arg13 : memref<!tpu.dma_semaphore, #tpu.memory_space<semaphore_mem>>) src(%arg8 : memref<128xf32, #tpu.memory_space<vmem>>) dst(%dma_wait3A_157 : memref<128xf32, #tpu.memory_space<vmem_shared>>)
          } else {
          }
          %add3A_147 = arith.constant 2 : i32
          %add3A_148 = arith.addi %add3A_118, %add3A_147 : i32
          %mul3A_149 = arith.constant 128 : i32
          %mul3A_150 = arith.muli %add3A_148, %mul3A_149 : i32
          %add3A_151 = arith.addi %add3A, %mul3A_150 : i32
          %dma_start3A_152 = tpu.memref_slice %arg2[%add3A_151] : memref<160000xi32, #tpu.memory_space<hbm>> -> memref<128xi32, #tpu.memory_space<hbm>>
          %dma_start3A_153 = tpu.memref_slice %arg2[%add3A_151] : memref<160000xi32, #tpu.memory_space<hbm>> -> memref<128xi32, #tpu.memory_space<hbm>>
          tpu.enqueue_dma source(%dma_start3A_153 : memref<128xi32, #tpu.memory_space<hbm>>) target(%arg5 : memref<128xi32, #tpu.memory_space<vmem>>) target_semaphore(%arg10 : memref<!tpu.dma_semaphore, #tpu.memory_space<semaphore_mem>>)
        } else {
        }
      } else {
      }
      %mul3A_123 = arith.constant 3 : i32
      %mul3A_124 = arith.muli %mul3A_123, %while3A_107 : i32
      %add3A_125 = arith.constant 2 : i32
      %add3A_126 = arith.addi %mul3A_124, %add3A_125 : i32
      %lt3A_127 = arith.cmpi slt, %add3A_126, %select_n3A : i32
      %convert_element_type3A_128 = arith.extui %lt3A_127 : i1 to i32
      %cond3A_129 = arith.constant 0 : i32
      %cond3A_130 = arith.cmpi ne, %convert_element_type3A_128, %cond3A_129 : i32
      scf.if %cond3A_130 {
        %dma_wait3A_131 = arith.constant 0 : i32
        %dma_wait3A_132 = tpu.memref_slice %arg2[%dma_wait3A_131] : memref<160000xi32, #tpu.memory_space<hbm>> -> memref<128xi32, #tpu.memory_space<hbm>>
        %dma_wait3A_133 = arith.constant 0 : i32
        %dma_wait3A_134 = tpu.memref_slice %arg2[%dma_wait3A_133] : memref<160000xi32, #tpu.memory_space<hbm>> -> memref<128xi32, #tpu.memory_space<hbm>>
        tpu.wait_dma2 semaphore(%arg12 : memref<!tpu.dma_semaphore, #tpu.memory_space<semaphore_mem>>) src(%dma_wait3A_134 : memref<128xi32, #tpu.memory_space<hbm>>) dst(%arg7 : memref<128xi32, #tpu.memory_space<vmem>>)
        %dma_start3A_135 = arith.constant 0 : i32
        %dma_start3A_136 = tpu.memref_slice %arg9[%dma_start3A_135] : memref<10000xf32, #tpu.memory_space<vmem_shared>> -> memref<10000xf32, #tpu.memory_space<vmem_shared>>
        tpu.enqueue_indirect_dma source(%arg8 : memref<128xf32, #tpu.memory_space<vmem>>) target(%dma_start3A_136 : memref<10000xf32, #tpu.memory_space<vmem_shared>>) offsets(%arg7 : memref<128xi32, #tpu.memory_space<vmem>>) semaphore(%arg15 : memref<!tpu.dma_semaphore, #tpu.memory_space<semaphore_mem>>) {add = true}
        %add3A_137 = arith.constant 2 : i32
        %add3A_138 = arith.addi %add3A_126, %add3A_137 : i32
        %lt3A_139 = arith.cmpi slt, %add3A_138, %select_n3A : i32
        %convert_element_type3A_140 = arith.extui %lt3A_139 : i1 to i32
        %cond3A_141 = arith.constant 0 : i32
        %cond3A_142 = arith.cmpi ne, %convert_element_type3A_140, %cond3A_141 : i32
        scf.if %cond3A_142 {
          %ge3A = arith.constant 1 : i32
          %ge3A_143 = arith.cmpi sge, %add3A_126, %ge3A : i32
          %convert_element_type3A_144 = arith.extui %ge3A_143 : i1 to i32
          %cond3A_145 = arith.constant 0 : i32
          %cond3A_146 = arith.cmpi ne, %convert_element_type3A_144, %cond3A_145 : i32
          scf.if %cond3A_146 {
            %dma_wait3A_154 = arith.constant 0 : i32
            %dma_wait3A_155 = tpu.memref_slice %arg9[%dma_wait3A_154] : memref<10000xf32, #tpu.memory_space<vmem_shared>> -> memref<128xf32, #tpu.memory_space<vmem_shared>>
            %dma_wait3A_156 = arith.constant 0 : i32
            %dma_wait3A_157 = tpu.memref_slice %arg9[%dma_wait3A_156] : memref<10000xf32, #tpu.memory_space<vmem_shared>> -> memref<128xf32, #tpu.memory_space<vmem_shared>>
            tpu.wait_dma2 semaphore(%arg14 : memref<!tpu.dma_semaphore, #tpu.memory_space<semaphore_mem>>) src(%arg8 : memref<128xf32, #tpu.memory_space<vmem>>) dst(%dma_wait3A_157 : memref<128xf32, #tpu.memory_space<vmem_shared>>)
          } else {
          }
          %add3A_147 = arith.constant 2 : i32
          %add3A_148 = arith.addi %add3A_126, %add3A_147 : i32
          %mul3A_149 = arith.constant 128 : i32
          %mul3A_150 = arith.muli %add3A_148, %mul3A_149 : i32
          %add3A_151 = arith.addi %add3A, %mul3A_150 : i32
          %dma_start3A_152 = tpu.memref_slice %arg2[%add3A_151] : memref<160000xi32, #tpu.memory_space<hbm>> -> memref<128xi32, #tpu.memory_space<hbm>>
          %dma_start3A_153 = tpu.memref_slice %arg2[%add3A_151] : memref<160000xi32, #tpu.memory_space<hbm>> -> memref<128xi32, #tpu.memory_space<hbm>>
          tpu.enqueue_dma source(%dma_start3A_153 : memref<128xi32, #tpu.memory_space<hbm>>) target(%arg6 : memref<128xi32, #tpu.memory_space<vmem>>) target_semaphore(%arg11 : memref<!tpu.dma_semaphore, #tpu.memory_space<semaphore_mem>>)
        } else {
        }
      } else {
      }
    }
    %while3A_89 = arith.constant 1 : i32
    scf.for %while3A_107 = %while3A_87 to %while3A_83 step %while3A_89  : i32 {
      %mul3A_108 = arith.constant 3 : i32
      %mul3A_109 = arith.muli %mul3A_108, %while3A_107 : i32
      %add3A_110 = arith.constant 0 : i32
      %add3A_111 = arith.addi %mul3A_109, %add3A_110 : i32
      %lt3A = arith.cmpi slt, %add3A_111, %select_n3A : i32
      %convert_element_type3A_112 = arith.extui %lt3A : i1 to i32
      %cond3A_113 = arith.constant 0 : i32
      %cond3A_114 = arith.cmpi ne, %convert_element_type3A_112, %cond3A_113 : i32
      scf.if %cond3A_114 {
        %dma_wait3A_131 = arith.constant 0 : i32
        %dma_wait3A_132 = tpu.memref_slice %arg2[%dma_wait3A_131] : memref<160000xi32, #tpu.memory_space<hbm>> -> memref<128xi32, #tpu.memory_space<hbm>>
        %dma_wait3A_133 = arith.constant 0 : i32
        %dma_wait3A_134 = tpu.memref_slice %arg2[%dma_wait3A_133] : memref<160000xi32, #tpu.memory_space<hbm>> -> memref<128xi32, #tpu.memory_space<hbm>>
        tpu.wait_dma2 semaphore(%arg10 : memref<!tpu.dma_semaphore, #tpu.memory_space<semaphore_mem>>) src(%dma_wait3A_134 : memref<128xi32, #tpu.memory_space<hbm>>) dst(%arg5 : memref<128xi32, #tpu.memory_space<vmem>>)
        %dma_start3A_135 = arith.constant 0 : i32
        %dma_start3A_136 = tpu.memref_slice %arg9[%dma_start3A_135] : memref<10000xf32, #tpu.memory_space<vmem_shared>> -> memref<10000xf32, #tpu.memory_space<vmem_shared>>
        tpu.enqueue_indirect_dma source(%arg8 : memref<128xf32, #tpu.memory_space<vmem>>) target(%dma_start3A_136 : memref<10000xf32, #tpu.memory_space<vmem_shared>>) offsets(%arg5 : memref<128xi32, #tpu.memory_space<vmem>>) semaphore(%arg13 : memref<!tpu.dma_semaphore, #tpu.memory_space<semaphore_mem>>) {add = true}
        %add3A_137 = arith.constant 2 : i32
        %add3A_138 = arith.addi %add3A_111, %add3A_137 : i32
        %lt3A_139 = arith.cmpi slt, %add3A_138, %select_n3A : i32
        %convert_element_type3A_140 = arith.extui %lt3A_139 : i1 to i32
        %cond3A_141 = arith.constant 0 : i32
        %cond3A_142 = arith.cmpi ne, %convert_element_type3A_140, %cond3A_141 : i32
        scf.if %cond3A_142 {
          %ge3A = arith.constant 1 : i32
          %ge3A_143 = arith.cmpi sge, %add3A_111, %ge3A : i32
          %convert_element_type3A_144 = arith.extui %ge3A_143 : i1 to i32
          %cond3A_145 = arith.constant 0 : i32
          %cond3A_146 = arith.cmpi ne, %convert_element_type3A_144, %cond3A_145 : i32
          scf.if %cond3A_146 {
            %dma_wait3A_154 = arith.constant 0 : i32
            %dma_wait3A_155 = tpu.memref_slice %arg9[%dma_wait3A_154] : memref<10000xf32, #tpu.memory_space<vmem_shared>> -> memref<128xf32, #tpu.memory_space<vmem_shared>>
            %dma_wait3A_156 = arith.constant 0 : i32
            %dma_wait3A_157 = tpu.memref_slice %arg9[%dma_wait3A_156] : memref<10000xf32, #tpu.memory_space<vmem_shared>> -> memref<128xf32, #tpu.memory_space<vmem_shared>>
            tpu.wait_dma2 semaphore(%arg15 : memref<!tpu.dma_semaphore, #tpu.memory_space<semaphore_mem>>) src(%arg8 : memref<128xf32, #tpu.memory_space<vmem>>) dst(%dma_wait3A_157 : memref<128xf32, #tpu.memory_space<vmem_shared>>)
          } else {
          }
          %add3A_147 = arith.constant 2 : i32
          %add3A_148 = arith.addi %add3A_111, %add3A_147 : i32
          %mul3A_149 = arith.constant 128 : i32
          %mul3A_150 = arith.muli %add3A_148, %mul3A_149 : i32
          %add3A_151 = arith.addi %add3A, %mul3A_150 : i32
          %dma_start3A_152 = tpu.memref_slice %arg2[%add3A_151] : memref<160000xi32, #tpu.memory_space<hbm>> -> memref<128xi32, #tpu.memory_space<hbm>>
          %dma_start3A_153 = tpu.memref_slice %arg2[%add3A_151] : memref<160000xi32, #tpu.memory_space<hbm>> -> memref<128xi32, #tpu.memory_space<hbm>>
          tpu.enqueue_dma source(%dma_start3A_153 : memref<128xi32, #tpu.memory_space<hbm>>) target(%arg7 : memref<128xi32, #tpu.memory_space<vmem>>) target_semaphore(%arg12 : memref<!tpu.dma_semaphore, #tpu.memory_space<semaphore_mem>>)
        } else {
        }
      } else {
      }
      %mul3A_115 = arith.constant 3 : i32
      %mul3A_116 = arith.muli %mul3A_115, %while3A_107 : i32
      %add3A_117 = arith.constant 1 : i32
      %add3A_118 = arith.addi %mul3A_116, %add3A_117 : i32
      %lt3A_119 = arith.cmpi slt, %add3A_118, %select_n3A : i32
      %convert_element_type3A_120 = arith.extui %lt3A_119 : i1 to i32
      %cond3A_121 = arith.constant 0 : i32
      %cond3A_122 = arith.cmpi ne, %convert_element_type3A_120, %cond3A_121 : i32
      scf.if %cond3A_122 {
        %dma_wait3A_131 = arith.constant 0 : i32
        %dma_wait3A_132 = tpu.memref_slice %arg2[%dma_wait3A_131] : memref<160000xi32, #tpu.memory_space<hbm>> -> memref<128xi32, #tpu.memory_space<hbm>>
        %dma_wait3A_133 = arith.constant 0 : i32
        %dma_wait3A_134 = tpu.memref_slice %arg2[%dma_wait3A_133] : memref<160000xi32, #tpu.memory_space<hbm>> -> memref<128xi32, #tpu.memory_space<hbm>>
        tpu.wait_dma2 semaphore(%arg11 : memref<!tpu.dma_semaphore, #tpu.memory_space<semaphore_mem>>) src(%dma_wait3A_134 : memref<128xi32, #tpu.memory_space<hbm>>) dst(%arg6 : memref<128xi32, #tpu.memory_space<vmem>>)
        %dma_start3A_135 = arith.constant 0 : i32
        %dma_start3A_136 = tpu.memref_slice %arg9[%dma_start3A_135] : memref<10000xf32, #tpu.memory_space<vmem_shared>> -> memref<10000xf32, #tpu.memory_space<vmem_shared>>
        tpu.enqueue_indirect_dma source(%arg8 : memref<128xf32, #tpu.memory_space<vmem>>) target(%dma_start3A_136 : memref<10000xf32, #tpu.memory_space<vmem_shared>>) offsets(%arg6 : memref<128xi32, #tpu.memory_space<vmem>>) semaphore(%arg14 : memref<!tpu.dma_semaphore, #tpu.memory_space<semaphore_mem>>) {add = true}
        %add3A_137 = arith.constant 2 : i32
        %add3A_138 = arith.addi %add3A_118, %add3A_137 : i32
        %lt3A_139 = arith.cmpi slt, %add3A_138, %select_n3A : i32
        %convert_element_type3A_140 = arith.extui %lt3A_139 : i1 to i32
        %cond3A_141 = arith.constant 0 : i32
        %cond3A_142 = arith.cmpi ne, %convert_element_type3A_140, %cond3A_141 : i32
        scf.if %cond3A_142 {
          %ge3A = arith.constant 1 : i32
          %ge3A_143 = arith.cmpi sge, %add3A_118, %ge3A : i32
          %convert_element_type3A_144 = arith.extui %ge3A_143 : i1 to i32
          %cond3A_145 = arith.constant 0 : i32
          %cond3A_146 = arith.cmpi ne, %convert_element_type3A_144, %cond3A_145 : i32
          scf.if %cond3A_146 {
            %dma_wait3A_154 = arith.constant 0 : i32
            %dma_wait3A_155 = tpu.memref_slice %arg9[%dma_wait3A_154] : memref<10000xf32, #tpu.memory_space<vmem_shared>> -> memref<128xf32, #tpu.memory_space<vmem_shared>>
            %dma_wait3A_156 = arith.constant 0 : i32
            %dma_wait3A_157 = tpu.memref_slice %arg9[%dma_wait3A_156] : memref<10000xf32, #tpu.memory_space<vmem_shared>> -> memref<128xf32, #tpu.memory_space<vmem_shared>>
            tpu.wait_dma2 semaphore(%arg13 : memref<!tpu.dma_semaphore, #tpu.memory_space<semaphore_mem>>) src(%arg8 : memref<128xf32, #tpu.memory_space<vmem>>) dst(%dma_wait3A_157 : memref<128xf32, #tpu.memory_space<vmem_shared>>)
          } else {
          }
          %add3A_147 = arith.constant 2 : i32
          %add3A_148 = arith.addi %add3A_118, %add3A_147 : i32
          %mul3A_149 = arith.constant 128 : i32
          %mul3A_150 = arith.muli %add3A_148, %mul3A_149 : i32
          %add3A_151 = arith.addi %add3A, %mul3A_150 : i32
          %dma_start3A_152 = tpu.memref_slice %arg2[%add3A_151] : memref<160000xi32, #tpu.memory_space<hbm>> -> memref<128xi32, #tpu.memory_space<hbm>>
          %dma_start3A_153 = tpu.memref_slice %arg2[%add3A_151] : memref<160000xi32, #tpu.memory_space<hbm>> -> memref<128xi32, #tpu.memory_space<hbm>>
          tpu.enqueue_dma source(%dma_start3A_153 : memref<128xi32, #tpu.memory_space<hbm>>) target(%arg5 : memref<128xi32, #tpu.memory_space<vmem>>) target_semaphore(%arg10 : memref<!tpu.dma_semaphore, #tpu.memory_space<semaphore_mem>>)
        } else {
        }
      } else {
      }
      %mul3A_123 = arith.constant 3 : i32
      %mul3A_124 = arith.muli %mul3A_123, %while3A_107 : i32
      %add3A_125 = arith.constant 2 : i32
      %add3A_126 = arith.addi %mul3A_124, %add3A_125 : i32
      %lt3A_127 = arith.cmpi slt, %add3A_126, %select_n3A : i32
      %convert_element_type3A_128 = arith.extui %lt3A_127 : i1 to i32
      %cond3A_129 = arith.constant 0 : i32
      %cond3A_130 = arith.cmpi ne, %convert_element_type3A_128, %cond3A_129 : i32
      scf.if %cond3A_130 {
        %dma_wait3A_131 = arith.constant 0 : i32
        %dma_wait3A_132 = tpu.memref_slice %arg2[%dma_wait3A_131] : memref<160000xi32, #tpu.memory_space<hbm>> -> memref<128xi32, #tpu.memory_space<hbm>>
        %dma_wait3A_133 = arith.constant 0 : i32
        %dma_wait3A_134 = tpu.memref_slice %arg2[%dma_wait3A_133] : memref<160000xi32, #tpu.memory_space<hbm>> -> memref<128xi32, #tpu.memory_space<hbm>>
        tpu.wait_dma2 semaphore(%arg12 : memref<!tpu.dma_semaphore, #tpu.memory_space<semaphore_mem>>) src(%dma_wait3A_134 : memref<128xi32, #tpu.memory_space<hbm>>) dst(%arg7 : memref<128xi32, #tpu.memory_space<vmem>>)
        %dma_start3A_135 = arith.constant 0 : i32
        %dma_start3A_136 = tpu.memref_slice %arg9[%dma_start3A_135] : memref<10000xf32, #tpu.memory_space<vmem_shared>> -> memref<10000xf32, #tpu.memory_space<vmem_shared>>
        tpu.enqueue_indirect_dma source(%arg8 : memref<128xf32, #tpu.memory_space<vmem>>) target(%dma_start3A_136 : memref<10000xf32, #tpu.memory_space<vmem_shared>>) offsets(%arg7 : memref<128xi32, #tpu.memory_space<vmem>>) semaphore(%arg15 : memref<!tpu.dma_semaphore, #tpu.memory_space<semaphore_mem>>) {add = true}
        %add3A_137 = arith.constant 2 : i32
        %add3A_138 = arith.addi %add3A_126, %add3A_137 : i32
        %lt3A_139 = arith.cmpi slt, %add3A_138, %select_n3A : i32
        %convert_element_type3A_140 = arith.extui %lt3A_139 : i1 to i32
        %cond3A_141 = arith.constant 0 : i32
        %cond3A_142 = arith.cmpi ne, %convert_element_type3A_140, %cond3A_141 : i32
        scf.if %cond3A_142 {
          %ge3A = arith.constant 1 : i32
          %ge3A_143 = arith.cmpi sge, %add3A_126, %ge3A : i32
          %convert_element_type3A_144 = arith.extui %ge3A_143 : i1 to i32
          %cond3A_145 = arith.constant 0 : i32
          %cond3A_146 = arith.cmpi ne, %convert_element_type3A_144, %cond3A_145 : i32
          scf.if %cond3A_146 {
            %dma_wait3A_154 = arith.constant 0 : i32
            %dma_wait3A_155 = tpu.memref_slice %arg9[%dma_wait3A_154] : memref<10000xf32, #tpu.memory_space<vmem_shared>> -> memref<128xf32, #tpu.memory_space<vmem_shared>>
            %dma_wait3A_156 = arith.constant 0 : i32
            %dma_wait3A_157 = tpu.memref_slice %arg9[%dma_wait3A_156] : memref<10000xf32, #tpu.memory_space<vmem_shared>> -> memref<128xf32, #tpu.memory_space<vmem_shared>>
            tpu.wait_dma2 semaphore(%arg14 : memref<!tpu.dma_semaphore, #tpu.memory_space<semaphore_mem>>) src(%arg8 : memref<128xf32, #tpu.memory_space<vmem>>) dst(%dma_wait3A_157 : memref<128xf32, #tpu.memory_space<vmem_shared>>)
          } else {
          }
          %add3A_147 = arith.constant 2 : i32
          %add3A_148 = arith.addi %add3A_126, %add3A_147 : i32
          %mul3A_149 = arith.constant 128 : i32
          %mul3A_150 = arith.muli %add3A_148, %mul3A_149 : i32
          %add3A_151 = arith.addi %add3A, %mul3A_150 : i32
          %dma_start3A_152 = tpu.memref_slice %arg2[%add3A_151] : memref<160000xi32, #tpu.memory_space<hbm>> -> memref<128xi32, #tpu.memory_space<hbm>>
          %dma_start3A_153 = tpu.memref_slice %arg2[%add3A_151] : memref<160000xi32, #tpu.memory_space<hbm>> -> memref<128xi32, #tpu.memory_space<hbm>>
          tpu.enqueue_dma source(%dma_start3A_153 : memref<128xi32, #tpu.memory_space<hbm>>) target(%arg6 : memref<128xi32, #tpu.memory_space<vmem>>) target_semaphore(%arg11 : memref<!tpu.dma_semaphore, #tpu.memory_space<semaphore_mem>>)
        } else {
        }
      } else {
      }
    }
    %dma_wait3A = arith.constant 0 : i32
    %dma_wait3A_90 = tpu.memref_slice %arg9[%dma_wait3A] : memref<10000xf32, #tpu.memory_space<vmem_shared>> -> memref<128xf32, #tpu.memory_space<vmem_shared>>
    %dma_wait3A_91 = arith.constant 0 : i32
    %dma_wait3A_92 = tpu.memref_slice %arg9[%dma_wait3A_91] : memref<10000xf32, #tpu.memory_space<vmem_shared>> -> memref<128xf32, #tpu.memory_space<vmem_shared>>
    tpu.wait_dma2 semaphore(%arg15 : memref<!tpu.dma_semaphore, #tpu.memory_space<semaphore_mem>>) src(%arg8 : memref<128xf32, #tpu.memory_space<vmem>>) dst(%dma_wait3A_92 : memref<128xf32, #tpu.memory_space<vmem_shared>>)
    %dma_wait3A_93 = arith.constant 0 : i32
    %dma_wait3A_94 = tpu.memref_slice %arg9[%dma_wait3A_93] : memref<10000xf32, #tpu.memory_space<vmem_shared>> -> memref<128xf32, #tpu.memory_space<vmem_shared>>
    %dma_wait3A_95 = arith.constant 0 : i32
    %dma_wait3A_96 = tpu.memref_slice %arg9[%dma_wait3A_95] : memref<10000xf32, #tpu.memory_space<vmem_shared>> -> memref<128xf32, #tpu.memory_space<vmem_shared>>
    tpu.wait_dma2 semaphore(%arg13 : memref<!tpu.dma_semaphore, #tpu.memory_space<semaphore_mem>>) src(%arg8 : memref<128xf32, #tpu.memory_space<vmem>>) dst(%dma_wait3A_96 : memref<128xf32, #tpu.memory_space<vmem_shared>>)
    %dma_wait3A_97 = arith.constant 0 : i32
    %dma_wait3A_98 = tpu.memref_slice %arg9[%dma_wait3A_97] : memref<10000xf32, #tpu.memory_space<vmem_shared>> -> memref<128xf32, #tpu.memory_space<vmem_shared>>
    %dma_wait3A_99 = arith.constant 0 : i32
    %dma_wait3A_100 = tpu.memref_slice %arg9[%dma_wait3A_99] : memref<10000xf32, #tpu.memory_space<vmem_shared>> -> memref<128xf32, #tpu.memory_space<vmem_shared>>
    tpu.wait_dma2 semaphore(%arg14 : memref<!tpu.dma_semaphore, #tpu.memory_space<semaphore_mem>>) src(%arg8 : memref<128xf32, #tpu.memory_space<vmem>>) dst(%dma_wait3A_100 : memref<128xf32, #tpu.memory_space<vmem_shared>>)
    %barrier3A_101 = arith.constant 0 : index
    tpu.barrier barrier_id(%barrier3A_101)
    %eq3A_102 = arith.constant 0 : i32
    %eq3A_103 = arith.cmpi eq, %arg1, %eq3A_102 : i32
    %convert_element_type3A_104 = arith.extui %eq3A_103 : i1 to i32
    %cond3A_105 = arith.constant 0 : i32
    %cond3A_106 = arith.cmpi ne, %convert_element_type3A_104, %cond3A_105 : i32
    scf.if %cond3A_106 {
      "tpu.region"() ({
        %run_scoped3A = tpu.sem_alloc : memref<!tpu.dma_semaphore, #tpu.memory_space<semaphore_mem>>
        %dma_start3A_107 = arith.constant 0 : i32
        %dma_start3A_108 = tpu.memref_slice %arg4[%arg0, %dma_start3A_107] : memref<2x10000xf32, #tpu.memory_space<hbm>> -> memref<1x10000xf32, #tpu.memory_space<hbm>>
        %dma_start3A_109 = tpu.memref_squeeze %dma_start3A_108 : memref<1x10000xf32, #tpu.memory_space<hbm>> -> memref<10000xf32, #tpu.memory_space<hbm>>
        tpu.enqueue_dma source(%arg9 : memref<10000xf32, #tpu.memory_space<vmem_shared>>) target(%dma_start3A_109 : memref<10000xf32, #tpu.memory_space<hbm>>) target_semaphore(%run_scoped3A : memref<!tpu.dma_semaphore, #tpu.memory_space<semaphore_mem>>)
        %dma_wait3A_110 = arith.constant 0 : i32
        %dma_wait3A_111 = tpu.memref_slice %arg4[%arg0, %dma_wait3A_110] : memref<2x10000xf32, #tpu.memory_space<hbm>> -> memref<1x10000xf32, #tpu.memory_space<hbm>>
        %dma_wait3A_112 = tpu.memref_squeeze %dma_wait3A_111 : memref<1x10000xf32, #tpu.memory_space<hbm>> -> memref<10000xf32, #tpu.memory_space<hbm>>
        tpu.wait_dma2 semaphore(%run_scoped3A : memref<!tpu.dma_semaphore, #tpu.memory_space<semaphore_mem>>) src(%arg9 : memref<10000xf32, #tpu.memory_space<vmem_shared>>) dst(%dma_wait3A_112 : memref<10000xf32, #tpu.memory_space<hbm>>)
        tpu.yield
      }) : () -> ()
    } else {
    }
    return
  }
}

#map = affine_map<(d0, d1) -> (0)>
#map1 = affine_map<(d0, d1) -> (0, 0)>
module attributes {stable_mosaic.version = 14 : i64} {
  func.func @_agg(%arg0: i32, %arg1: i32, %arg2: memref<160000xi32, #tpu.memory_space<hbm>>, %arg3: memref<160000xi32, #tpu.memory_space<hbm>>, %arg4: memref<20000x128xf32, #tpu.memory_space<hbm>>, %arg5: memref<20000x128xf32, #tpu.memory_space<hbm>>, %arg6: memref<128xi32, #tpu.memory_space<vmem>>, %arg7: memref<128xi32, #tpu.memory_space<vmem>>, %arg8: memref<128xi32, #tpu.memory_space<vmem>>, %arg9: memref<128xi32, #tpu.memory_space<vmem>>, %arg10: memref<128xi32, #tpu.memory_space<vmem>>, %arg11: memref<128xi32, #tpu.memory_space<vmem>>, %arg12: memref<128x128xf32, #tpu.memory_space<vmem>>, %arg13: memref<128x128xf32, #tpu.memory_space<vmem>>, %arg14: memref<128x128xf32, #tpu.memory_space<vmem>>, %arg15: memref<10000x128xf32, #tpu.memory_space<vmem_shared>>, %arg16: memref<!tpu.dma_semaphore, #tpu.memory_space<semaphore_mem>>, %arg17: memref<!tpu.dma_semaphore, #tpu.memory_space<semaphore_mem>>, %arg18: memref<!tpu.dma_semaphore, #tpu.memory_space<semaphore_mem>>, %arg19: memref<!tpu.dma_semaphore, #tpu.memory_space<semaphore_mem>>, %arg20: memref<!tpu.dma_semaphore, #tpu.memory_space<semaphore_mem>>, %arg21: memref<!tpu.dma_semaphore, #tpu.memory_space<semaphore_mem>>, %arg22: memref<!tpu.dma_semaphore, #tpu.memory_space<semaphore_mem>>, %arg23: memref<!tpu.dma_semaphore, #tpu.memory_space<semaphore_mem>>, %arg24: memref<!tpu.dma_semaphore, #tpu.memory_space<semaphore_mem>>, %arg25: memref<!tpu.dma_semaphore, #tpu.memory_space<semaphore_mem>>, %arg26: memref<!tpu.dma_semaphore, #tpu.memory_space<semaphore_mem>>, %arg27: memref<!tpu.dma_semaphore, #tpu.memory_space<semaphore_mem>>) attributes {dimension_semantics = [#tpu.dimension_semantics<core_parallel>, #tpu.dimension_semantics<subcore_parallel>], iteration_bounds = array<i64: 2, 16>, scalar_prefetch = 0 : i64, scratch_operands = 22 : i64, tpu.core_type = #tpu.core_type<sc_vector_subcore>, window_params = [{transform_indices = #map}, {transform_indices = #map}, {transform_indices = #map1}, {transform_indices = #map1}]} {
    %eq3A = arith.constant 15 : i32
    %eq3A_0 = arith.cmpi eq, %arg1, %eq3A : i32
    %jit3A = arith.constant 50 : i32
    %jit3A_1 = arith.constant 80 : i32
    %select_n3A = arith.select %eq3A_0, %jit3A, %jit3A_1 : i32
    %mul3A = arith.constant 10240 : i32
    %mul3A_2 = arith.muli %arg1, %mul3A : i32
    %add3A = arith.constant 0 : i32
    %add3A_3 = arith.addi %arg0, %add3A : i32
    %mul3A_4 = arith.constant 10000 : i32
    %mul3A_5 = arith.muli %add3A_3, %mul3A_4 : i32
    %lt3A = arith.constant 15 : i32
    %lt3A_6 = arith.cmpi slt, %arg1, %lt3A : i32
    %convert_element_type3A = arith.extui %lt3A_6 : i1 to i32
    %cond3A = arith.constant 0 : i32
    %cond3A_7 = arith.cmpi ne, %convert_element_type3A, %cond3A : i32
    scf.if %cond3A_7 {
      %mul3A_232 = arith.constant 640 : i32
      %mul3A_233 = arith.muli %arg1, %mul3A_232 : i32
      %add3A_234 = arith.addi %mul3A_5, %mul3A_233 : i32
      %mul3A_235 = arith.constant 640 : i32
      %mul3A_236 = arith.muli %arg1, %mul3A_235 : i32
      "tpu.region"() ({
        %run_scoped3A = tpu.sem_alloc : memref<!tpu.dma_semaphore, #tpu.memory_space<semaphore_mem>>
        %dma_start3A_237 = arith.constant 0 : i32
        %dma_start3A_238 = tpu.memref_slice %arg15[%mul3A_236, %dma_start3A_237] : memref<10000x128xf32, #tpu.memory_space<vmem_shared>> -> memref<640x128xf32, #tpu.memory_space<vmem_shared>>
        %dma_start3A_239 = arith.constant 0 : i32
        %dma_start3A_240 = tpu.memref_slice %arg4[%add3A_234, %dma_start3A_239] : memref<20000x128xf32, #tpu.memory_space<hbm>> -> memref<640x128xf32, #tpu.memory_space<hbm>>
        tpu.enqueue_dma source(%dma_start3A_240 : memref<640x128xf32, #tpu.memory_space<hbm>>) target(%dma_start3A_238 : memref<640x128xf32, #tpu.memory_space<vmem_shared>>) target_semaphore(%run_scoped3A : memref<!tpu.dma_semaphore, #tpu.memory_space<semaphore_mem>>)
        %dma_wait3A_241 = arith.constant 0 : i32
        %dma_wait3A_242 = tpu.memref_slice %arg15[%mul3A_236, %dma_wait3A_241] : memref<10000x128xf32, #tpu.memory_space<vmem_shared>> -> memref<640x128xf32, #tpu.memory_space<vmem_shared>>
        %dma_wait3A_243 = arith.constant 0 : i32
        %dma_wait3A_244 = tpu.memref_slice %arg4[%add3A_234, %dma_wait3A_243] : memref<20000x128xf32, #tpu.memory_space<hbm>> -> memref<640x128xf32, #tpu.memory_space<hbm>>
        tpu.wait_dma2 semaphore(%run_scoped3A : memref<!tpu.dma_semaphore, #tpu.memory_space<semaphore_mem>>) src(%dma_wait3A_244 : memref<640x128xf32, #tpu.memory_space<hbm>>) dst(%dma_wait3A_242 : memref<640x128xf32, #tpu.memory_space<vmem_shared>>)
        tpu.yield
      }) : () -> ()
    } else {
    }
    %eq3A_8 = arith.constant 15 : i32
    %eq3A_9 = arith.cmpi eq, %arg1, %eq3A_8 : i32
    %convert_element_type3A_10 = arith.extui %eq3A_9 : i1 to i32
    %cond3A_11 = arith.constant 0 : i32
    %cond3A_12 = arith.cmpi ne, %convert_element_type3A_10, %cond3A_11 : i32
    scf.if %cond3A_12 {
      %add3A_232 = arith.constant 9600 : i32
      %add3A_233 = arith.addi %mul3A_5, %add3A_232 : i32
      "tpu.region"() ({
        %run_scoped3A = tpu.sem_alloc : memref<!tpu.dma_semaphore, #tpu.memory_space<semaphore_mem>>
        %dma_start3A_234 = arith.constant 9600 : i32
        %dma_start3A_235 = arith.constant 0 : i32
        %dma_start3A_236 = tpu.memref_slice %arg15[%dma_start3A_234, %dma_start3A_235] : memref<10000x128xf32, #tpu.memory_space<vmem_shared>> -> memref<400x128xf32, #tpu.memory_space<vmem_shared>>
        %dma_start3A_237 = arith.constant 0 : i32
        %dma_start3A_238 = tpu.memref_slice %arg4[%add3A_233, %dma_start3A_237] : memref<20000x128xf32, #tpu.memory_space<hbm>> -> memref<400x128xf32, #tpu.memory_space<hbm>>
        tpu.enqueue_dma source(%dma_start3A_238 : memref<400x128xf32, #tpu.memory_space<hbm>>) target(%dma_start3A_236 : memref<400x128xf32, #tpu.memory_space<vmem_shared>>) target_semaphore(%run_scoped3A : memref<!tpu.dma_semaphore, #tpu.memory_space<semaphore_mem>>)
        %dma_wait3A_239 = arith.constant 9600 : i32
        %dma_wait3A_240 = arith.constant 0 : i32
        %dma_wait3A_241 = tpu.memref_slice %arg15[%dma_wait3A_239, %dma_wait3A_240] : memref<10000x128xf32, #tpu.memory_space<vmem_shared>> -> memref<400x128xf32, #tpu.memory_space<vmem_shared>>
        %dma_wait3A_242 = arith.constant 0 : i32
        %dma_wait3A_243 = tpu.memref_slice %arg4[%add3A_233, %dma_wait3A_242] : memref<20000x128xf32, #tpu.memory_space<hbm>> -> memref<400x128xf32, #tpu.memory_space<hbm>>
        tpu.wait_dma2 semaphore(%run_scoped3A : memref<!tpu.dma_semaphore, #tpu.memory_space<semaphore_mem>>) src(%dma_wait3A_243 : memref<400x128xf32, #tpu.memory_space<hbm>>) dst(%dma_wait3A_241 : memref<400x128xf32, #tpu.memory_space<vmem_shared>>)
        tpu.yield
      }) : () -> ()
    } else {
    }
    "tpu.region"() ({
      %run_scoped3A = tpu.sem_alloc : memref<!tpu.dma_semaphore, #tpu.memory_space<semaphore_mem>>
      %dma_start3A_232 = tpu.memref_slice %arg2[%mul3A_2] : memref<160000xi32, #tpu.memory_space<hbm>> -> memref<128xi32, #tpu.memory_space<hbm>>
      %dma_start3A_233 = tpu.memref_slice %arg2[%mul3A_2] : memref<160000xi32, #tpu.memory_space<hbm>> -> memref<128xi32, #tpu.memory_space<hbm>>
      tpu.enqueue_dma source(%dma_start3A_233 : memref<128xi32, #tpu.memory_space<hbm>>) target(%arg6 : memref<128xi32, #tpu.memory_space<vmem>>) target_semaphore(%run_scoped3A : memref<!tpu.dma_semaphore, #tpu.memory_space<semaphore_mem>>)
      %dma_wait3A_234 = tpu.memref_slice %arg2[%mul3A_2] : memref<160000xi32, #tpu.memory_space<hbm>> -> memref<128xi32, #tpu.memory_space<hbm>>
      %dma_wait3A_235 = tpu.memref_slice %arg2[%mul3A_2] : memref<160000xi32, #tpu.memory_space<hbm>> -> memref<128xi32, #tpu.memory_space<hbm>>
      tpu.wait_dma2 semaphore(%run_scoped3A : memref<!tpu.dma_semaphore, #tpu.memory_space<semaphore_mem>>) src(%dma_wait3A_235 : memref<128xi32, #tpu.memory_space<hbm>>) dst(%arg6 : memref<128xi32, #tpu.memory_space<vmem>>)
      tpu.yield
    }) : () -> ()
    %get3A = arith.constant 0 : index
    %get3A_13 = tpu.vector_load %arg6[%get3A] {strides = array<i32>} : memref<128xi32, #tpu.memory_space<vmem>>, vector<16xi32>,
    %get3A_14 = vector.shape_cast %get3A_13 : vector<16xi32> to vector<16xi32>
    %add3A_15 = vector.broadcast %mul3A_5 : i32 to vector<16xi32>
    %add3A_16 = arith.addi %get3A_14, %add3A_15 : vector<16xi32>
    %swap3A = arith.constant 0 : index
    %swap3A_17 = tpu.vector_load %arg6[%swap3A] {strides = array<i32>} : memref<128xi32, #tpu.memory_space<vmem>>, vector<16xi32>,
    %swap3A_18 = vector.shape_cast %swap3A_17 : vector<16xi32> to vector<16xi32>
    %swap3A_19 = vector.shape_cast %add3A_16 : vector<16xi32> to vector<16xi32>
    tpu.vector_store %arg6[%swap3A], %swap3A_19 {strides = array<i32>} : memref<128xi32, #tpu.memory_space<vmem>>, vector<16xi32>,
    %get3A_20 = arith.constant 16 : index
    %get3A_21 = tpu.vector_load %arg6[%get3A_20] {strides = array<i32>} : memref<128xi32, #tpu.memory_space<vmem>>, vector<16xi32>,
    %get3A_22 = vector.shape_cast %get3A_21 : vector<16xi32> to vector<16xi32>
    %add3A_23 = vector.broadcast %mul3A_5 : i32 to vector<16xi32>
    %add3A_24 = arith.addi %get3A_22, %add3A_23 : vector<16xi32>
    %swap3A_25 = arith.constant 16 : index
    %swap3A_26 = tpu.vector_load %arg6[%swap3A_25] {strides = array<i32>} : memref<128xi32, #tpu.memory_space<vmem>>, vector<16xi32>,
    %swap3A_27 = vector.shape_cast %swap3A_26 : vector<16xi32> to vector<16xi32>
    %swap3A_28 = vector.shape_cast %add3A_24 : vector<16xi32> to vector<16xi32>
    tpu.vector_store %arg6[%swap3A_25], %swap3A_28 {strides = array<i32>} : memref<128xi32, #tpu.memory_space<vmem>>, vector<16xi32>,
    %get3A_29 = arith.constant 32 : index
    %get3A_30 = tpu.vector_load %arg6[%get3A_29] {strides = array<i32>} : memref<128xi32, #tpu.memory_space<vmem>>, vector<16xi32>,
    %get3A_31 = vector.shape_cast %get3A_30 : vector<16xi32> to vector<16xi32>
    %add3A_32 = vector.broadcast %mul3A_5 : i32 to vector<16xi32>
    %add3A_33 = arith.addi %get3A_31, %add3A_32 : vector<16xi32>
    %swap3A_34 = arith.constant 32 : index
    %swap3A_35 = tpu.vector_load %arg6[%swap3A_34] {strides = array<i32>} : memref<128xi32, #tpu.memory_space<vmem>>, vector<16xi32>,
    %swap3A_36 = vector.shape_cast %swap3A_35 : vector<16xi32> to vector<16xi32>
    %swap3A_37 = vector.shape_cast %add3A_33 : vector<16xi32> to vector<16xi32>
    tpu.vector_store %arg6[%swap3A_34], %swap3A_37 {strides = array<i32>} : memref<128xi32, #tpu.memory_space<vmem>>, vector<16xi32>,
    %get3A_38 = arith.constant 48 : index
    %get3A_39 = tpu.vector_load %arg6[%get3A_38] {strides = array<i32>} : memref<128xi32, #tpu.memory_space<vmem>>, vector<16xi32>,
    %get3A_40 = vector.shape_cast %get3A_39 : vector<16xi32> to vector<16xi32>
    %add3A_41 = vector.broadcast %mul3A_5 : i32 to vector<16xi32>
    %add3A_42 = arith.addi %get3A_40, %add3A_41 : vector<16xi32>
    %swap3A_43 = arith.constant 48 : index
    %swap3A_44 = tpu.vector_load %arg6[%swap3A_43] {strides = array<i32>} : memref<128xi32, #tpu.memory_space<vmem>>, vector<16xi32>,
    %swap3A_45 = vector.shape_cast %swap3A_44 : vector<16xi32> to vector<16xi32>
    %swap3A_46 = vector.shape_cast %add3A_42 : vector<16xi32> to vector<16xi32>
    tpu.vector_store %arg6[%swap3A_43], %swap3A_46 {strides = array<i32>} : memref<128xi32, #tpu.memory_space<vmem>>, vector<16xi32>,
    %get3A_47 = arith.constant 64 : index
    %get3A_48 = tpu.vector_load %arg6[%get3A_47] {strides = array<i32>} : memref<128xi32, #tpu.memory_space<vmem>>, vector<16xi32>,
    %get3A_49 = vector.shape_cast %get3A_48 : vector<16xi32> to vector<16xi32>
    %add3A_50 = vector.broadcast %mul3A_5 : i32 to vector<16xi32>
    %add3A_51 = arith.addi %get3A_49, %add3A_50 : vector<16xi32>
    %swap3A_52 = arith.constant 64 : index
    %swap3A_53 = tpu.vector_load %arg6[%swap3A_52] {strides = array<i32>} : memref<128xi32, #tpu.memory_space<vmem>>, vector<16xi32>,
    %swap3A_54 = vector.shape_cast %swap3A_53 : vector<16xi32> to vector<16xi32>
    %swap3A_55 = vector.shape_cast %add3A_51 : vector<16xi32> to vector<16xi32>
    tpu.vector_store %arg6[%swap3A_52], %swap3A_55 {strides = array<i32>} : memref<128xi32, #tpu.memory_space<vmem>>, vector<16xi32>,
    %get3A_56 = arith.constant 80 : index
    %get3A_57 = tpu.vector_load %arg6[%get3A_56] {strides = array<i32>} : memref<128xi32, #tpu.memory_space<vmem>>, vector<16xi32>,
    %get3A_58 = vector.shape_cast %get3A_57 : vector<16xi32> to vector<16xi32>
    %add3A_59 = vector.broadcast %mul3A_5 : i32 to vector<16xi32>
    %add3A_60 = arith.addi %get3A_58, %add3A_59 : vector<16xi32>
    %swap3A_61 = arith.constant 80 : index
    %swap3A_62 = tpu.vector_load %arg6[%swap3A_61] {strides = array<i32>} : memref<128xi32, #tpu.memory_space<vmem>>, vector<16xi32>,
    %swap3A_63 = vector.shape_cast %swap3A_62 : vector<16xi32> to vector<16xi32>
    %swap3A_64 = vector.shape_cast %add3A_60 : vector<16xi32> to vector<16xi32>
    tpu.vector_store %arg6[%swap3A_61], %swap3A_64 {strides = array<i32>} : memref<128xi32, #tpu.memory_space<vmem>>, vector<16xi32>,
    %get3A_65 = arith.constant 96 : index
    %get3A_66 = tpu.vector_load %arg6[%get3A_65] {strides = array<i32>} : memref<128xi32, #tpu.memory_space<vmem>>, vector<16xi32>,
    %get3A_67 = vector.shape_cast %get3A_66 : vector<16xi32> to vector<16xi32>
    %add3A_68 = vector.broadcast %mul3A_5 : i32 to vector<16xi32>
    %add3A_69 = arith.addi %get3A_67, %add3A_68 : vector<16xi32>
    %swap3A_70 = arith.constant 96 : index
    %swap3A_71 = tpu.vector_load %arg6[%swap3A_70] {strides = array<i32>} : memref<128xi32, #tpu.memory_space<vmem>>, vector<16xi32>,
    %swap3A_72 = vector.shape_cast %swap3A_71 : vector<16xi32> to vector<16xi32>
    %swap3A_73 = vector.shape_cast %add3A_69 : vector<16xi32> to vector<16xi32>
    tpu.vector_store %arg6[%swap3A_70], %swap3A_73 {strides = array<i32>} : memref<128xi32, #tpu.memory_space<vmem>>, vector<16xi32>,
    %get3A_74 = arith.constant 112 : index
    %get3A_75 = tpu.vector_load %arg6[%get3A_74] {strides = array<i32>} : memref<128xi32, #tpu.memory_space<vmem>>, vector<16xi32>,
    %get3A_76 = vector.shape_cast %get3A_75 : vector<16xi32> to vector<16xi32>
    %add3A_77 = vector.broadcast %mul3A_5 : i32 to vector<16xi32>
    %add3A_78 = arith.addi %get3A_76, %add3A_77 : vector<16xi32>
    %swap3A_79 = arith.constant 112 : index
    %swap3A_80 = tpu.vector_load %arg6[%swap3A_79] {strides = array<i32>} : memref<128xi32, #tpu.memory_space<vmem>>, vector<16xi32>,
    %swap3A_81 = vector.shape_cast %swap3A_80 : vector<16xi32> to vector<16xi32>
    %swap3A_82 = vector.shape_cast %add3A_78 : vector<16xi32> to vector<16xi32>
    tpu.vector_store %arg6[%swap3A_79], %swap3A_82 {strides = array<i32>} : memref<128xi32, #tpu.memory_space<vmem>>, vector<16xi32>,
    %dma_start3A = arith.constant 0 : i32
    %dma_start3A_83 = arith.constant 0 : i32
    %dma_start3A_84 = tpu.memref_slice %arg4[%dma_start3A, %dma_start3A_83] : memref<20000x128xf32, #tpu.memory_space<hbm>> -> memref<20000x128xf32, #tpu.memory_space<hbm>>
    tpu.enqueue_indirect_dma source(%dma_start3A_84 : memref<20000x128xf32, #tpu.memory_space<hbm>>) target(%arg12 : memref<128x128xf32, #tpu.memory_space<vmem>>) offsets(%arg6 : memref<128xi32, #tpu.memory_space<vmem>>) semaphore(%arg22 : memref<!tpu.dma_semaphore, #tpu.memory_space<semaphore_mem>>)
    %add3A_85 = arith.constant 128 : i32
    %add3A_86 = arith.addi %mul3A_2, %add3A_85 : i32
    "tpu.region"() ({
      %run_scoped3A = tpu.sem_alloc : memref<!tpu.dma_semaphore, #tpu.memory_space<semaphore_mem>>
      %dma_start3A_232 = tpu.memref_slice %arg2[%add3A_86] : memref<160000xi32, #tpu.memory_space<hbm>> -> memref<128xi32, #tpu.memory_space<hbm>>
      %dma_start3A_233 = tpu.memref_slice %arg2[%add3A_86] : memref<160000xi32, #tpu.memory_space<hbm>> -> memref<128xi32, #tpu.memory_space<hbm>>
      tpu.enqueue_dma source(%dma_start3A_233 : memref<128xi32, #tpu.memory_space<hbm>>) target(%arg7 : memref<128xi32, #tpu.memory_space<vmem>>) target_semaphore(%run_scoped3A : memref<!tpu.dma_semaphore, #tpu.memory_space<semaphore_mem>>)
      %dma_wait3A_234 = tpu.memref_slice %arg2[%add3A_86] : memref<160000xi32, #tpu.memory_space<hbm>> -> memref<128xi32, #tpu.memory_space<hbm>>
      %dma_wait3A_235 = tpu.memref_slice %arg2[%add3A_86] : memref<160000xi32, #tpu.memory_space<hbm>> -> memref<128xi32, #tpu.memory_space<hbm>>
      tpu.wait_dma2 semaphore(%run_scoped3A : memref<!tpu.dma_semaphore, #tpu.memory_space<semaphore_mem>>) src(%dma_wait3A_235 : memref<128xi32, #tpu.memory_space<hbm>>) dst(%arg7 : memref<128xi32, #tpu.memory_space<vmem>>)
      tpu.yield
    }) : () -> ()
    %get3A_87 = arith.constant 0 : index
    %get3A_88 = tpu.vector_load %arg7[%get3A_87] {strides = array<i32>} : memref<128xi32, #tpu.memory_space<vmem>>, vector<16xi32>,
    %get3A_89 = vector.shape_cast %get3A_88 : vector<16xi32> to vector<16xi32>
    %add3A_90 = vector.broadcast %mul3A_5 : i32 to vector<16xi32>
    %add3A_91 = arith.addi %get3A_89, %add3A_90 : vector<16xi32>
    %swap3A_92 = arith.constant 0 : index
    %swap3A_93 = tpu.vector_load %arg7[%swap3A_92] {strides = array<i32>} : memref<128xi32, #tpu.memory_space<vmem>>, vector<16xi32>,
    %swap3A_94 = vector.shape_cast %swap3A_93 : vector<16xi32> to vector<16xi32>
    %swap3A_95 = vector.shape_cast %add3A_91 : vector<16xi32> to vector<16xi32>
    tpu.vector_store %arg7[%swap3A_92], %swap3A_95 {strides = array<i32>} : memref<128xi32, #tpu.memory_space<vmem>>, vector<16xi32>,
    %get3A_96 = arith.constant 16 : index
    %get3A_97 = tpu.vector_load %arg7[%get3A_96] {strides = array<i32>} : memref<128xi32, #tpu.memory_space<vmem>>, vector<16xi32>,
    %get3A_98 = vector.shape_cast %get3A_97 : vector<16xi32> to vector<16xi32>
    %add3A_99 = vector.broadcast %mul3A_5 : i32 to vector<16xi32>
    %add3A_100 = arith.addi %get3A_98, %add3A_99 : vector<16xi32>
    %swap3A_101 = arith.constant 16 : index
    %swap3A_102 = tpu.vector_load %arg7[%swap3A_101] {strides = array<i32>} : memref<128xi32, #tpu.memory_space<vmem>>, vector<16xi32>,
    %swap3A_103 = vector.shape_cast %swap3A_102 : vector<16xi32> to vector<16xi32>
    %swap3A_104 = vector.shape_cast %add3A_100 : vector<16xi32> to vector<16xi32>
    tpu.vector_store %arg7[%swap3A_101], %swap3A_104 {strides = array<i32>} : memref<128xi32, #tpu.memory_space<vmem>>, vector<16xi32>,
    %get3A_105 = arith.constant 32 : index
    %get3A_106 = tpu.vector_load %arg7[%get3A_105] {strides = array<i32>} : memref<128xi32, #tpu.memory_space<vmem>>, vector<16xi32>,
    %get3A_107 = vector.shape_cast %get3A_106 : vector<16xi32> to vector<16xi32>
    %add3A_108 = vector.broadcast %mul3A_5 : i32 to vector<16xi32>
    %add3A_109 = arith.addi %get3A_107, %add3A_108 : vector<16xi32>
    %swap3A_110 = arith.constant 32 : index
    %swap3A_111 = tpu.vector_load %arg7[%swap3A_110] {strides = array<i32>} : memref<128xi32, #tpu.memory_space<vmem>>, vector<16xi32>,
    %swap3A_112 = vector.shape_cast %swap3A_111 : vector<16xi32> to vector<16xi32>
    %swap3A_113 = vector.shape_cast %add3A_109 : vector<16xi32> to vector<16xi32>
    tpu.vector_store %arg7[%swap3A_110], %swap3A_113 {strides = array<i32>} : memref<128xi32, #tpu.memory_space<vmem>>, vector<16xi32>,
    %get3A_114 = arith.constant 48 : index
    %get3A_115 = tpu.vector_load %arg7[%get3A_114] {strides = array<i32>} : memref<128xi32, #tpu.memory_space<vmem>>, vector<16xi32>,
    %get3A_116 = vector.shape_cast %get3A_115 : vector<16xi32> to vector<16xi32>
    %add3A_117 = vector.broadcast %mul3A_5 : i32 to vector<16xi32>
    %add3A_118 = arith.addi %get3A_116, %add3A_117 : vector<16xi32>
    %swap3A_119 = arith.constant 48 : index
    %swap3A_120 = tpu.vector_load %arg7[%swap3A_119] {strides = array<i32>} : memref<128xi32, #tpu.memory_space<vmem>>, vector<16xi32>,
    %swap3A_121 = vector.shape_cast %swap3A_120 : vector<16xi32> to vector<16xi32>
    %swap3A_122 = vector.shape_cast %add3A_118 : vector<16xi32> to vector<16xi32>
    tpu.vector_store %arg7[%swap3A_119], %swap3A_122 {strides = array<i32>} : memref<128xi32, #tpu.memory_space<vmem>>, vector<16xi32>,
    %get3A_123 = arith.constant 64 : index
    %get3A_124 = tpu.vector_load %arg7[%get3A_123] {strides = array<i32>} : memref<128xi32, #tpu.memory_space<vmem>>, vector<16xi32>,
    %get3A_125 = vector.shape_cast %get3A_124 : vector<16xi32> to vector<16xi32>
    %add3A_126 = vector.broadcast %mul3A_5 : i32 to vector<16xi32>
    %add3A_127 = arith.addi %get3A_125, %add3A_126 : vector<16xi32>
    %swap3A_128 = arith.constant 64 : index
    %swap3A_129 = tpu.vector_load %arg7[%swap3A_128] {strides = array<i32>} : memref<128xi32, #tpu.memory_space<vmem>>, vector<16xi32>,
    %swap3A_130 = vector.shape_cast %swap3A_129 : vector<16xi32> to vector<16xi32>
    %swap3A_131 = vector.shape_cast %add3A_127 : vector<16xi32> to vector<16xi32>
    tpu.vector_store %arg7[%swap3A_128], %swap3A_131 {strides = array<i32>} : memref<128xi32, #tpu.memory_space<vmem>>, vector<16xi32>,
    %get3A_132 = arith.constant 80 : index
    %get3A_133 = tpu.vector_load %arg7[%get3A_132] {strides = array<i32>} : memref<128xi32, #tpu.memory_space<vmem>>, vector<16xi32>,
    %get3A_134 = vector.shape_cast %get3A_133 : vector<16xi32> to vector<16xi32>
    %add3A_135 = vector.broadcast %mul3A_5 : i32 to vector<16xi32>
    %add3A_136 = arith.addi %get3A_134, %add3A_135 : vector<16xi32>
    %swap3A_137 = arith.constant 80 : index
    %swap3A_138 = tpu.vector_load %arg7[%swap3A_137] {strides = array<i32>} : memref<128xi32, #tpu.memory_space<vmem>>, vector<16xi32>,
    %swap3A_139 = vector.shape_cast %swap3A_138 : vector<16xi32> to vector<16xi32>
    %swap3A_140 = vector.shape_cast %add3A_136 : vector<16xi32> to vector<16xi32>
    tpu.vector_store %arg7[%swap3A_137], %swap3A_140 {strides = array<i32>} : memref<128xi32, #tpu.memory_space<vmem>>, vector<16xi32>,
    %get3A_141 = arith.constant 96 : index
    %get3A_142 = tpu.vector_load %arg7[%get3A_141] {strides = array<i32>} : memref<128xi32, #tpu.memory_space<vmem>>, vector<16xi32>,
    %get3A_143 = vector.shape_cast %get3A_142 : vector<16xi32> to vector<16xi32>
    %add3A_144 = vector.broadcast %mul3A_5 : i32 to vector<16xi32>
    %add3A_145 = arith.addi %get3A_143, %add3A_144 : vector<16xi32>
    %swap3A_146 = arith.constant 96 : index
    %swap3A_147 = tpu.vector_load %arg7[%swap3A_146] {strides = array<i32>} : memref<128xi32, #tpu.memory_space<vmem>>, vector<16xi32>,
    %swap3A_148 = vector.shape_cast %swap3A_147 : vector<16xi32> to vector<16xi32>
    %swap3A_149 = vector.shape_cast %add3A_145 : vector<16xi32> to vector<16xi32>
    tpu.vector_store %arg7[%swap3A_146], %swap3A_149 {strides = array<i32>} : memref<128xi32, #tpu.memory_space<vmem>>, vector<16xi32>,
    %get3A_150 = arith.constant 112 : index
    %get3A_151 = tpu.vector_load %arg7[%get3A_150] {strides = array<i32>} : memref<128xi32, #tpu.memory_space<vmem>>, vector<16xi32>,
    %get3A_152 = vector.shape_cast %get3A_151 : vector<16xi32> to vector<16xi32>
    %add3A_153 = vector.broadcast %mul3A_5 : i32 to vector<16xi32>
    %add3A_154 = arith.addi %get3A_152, %add3A_153 : vector<16xi32>
    %swap3A_155 = arith.constant 112 : index
    %swap3A_156 = tpu.vector_load %arg7[%swap3A_155] {strides = array<i32>} : memref<128xi32, #tpu.memory_space<vmem>>, vector<16xi32>,
    %swap3A_157 = vector.shape_cast %swap3A_156 : vector<16xi32> to vector<16xi32>
    %swap3A_158 = vector.shape_cast %add3A_154 : vector<16xi32> to vector<16xi32>
    tpu.vector_store %arg7[%swap3A_155], %swap3A_158 {strides = array<i32>} : memref<128xi32, #tpu.memory_space<vmem>>, vector<16xi32>,
    %dma_start3A_159 = arith.constant 0 : i32
    %dma_start3A_160 = arith.constant 0 : i32
    %dma_start3A_161 = tpu.memref_slice %arg4[%dma_start3A_159, %dma_start3A_160] : memref<20000x128xf32, #tpu.memory_space<hbm>> -> memref<20000x128xf32, #tpu.memory_space<hbm>>
    tpu.enqueue_indirect_dma source(%dma_start3A_161 : memref<20000x128xf32, #tpu.memory_space<hbm>>) target(%arg13 : memref<128x128xf32, #tpu.memory_space<vmem>>) offsets(%arg7 : memref<128xi32, #tpu.memory_space<vmem>>) semaphore(%arg23 : memref<!tpu.dma_semaphore, #tpu.memory_space<semaphore_mem>>)
    %add3A_162 = arith.constant 256 : i32
    %add3A_163 = arith.addi %mul3A_2, %add3A_162 : i32
    %dma_start3A_164 = tpu.memref_slice %arg2[%add3A_163] : memref<160000xi32, #tpu.memory_space<hbm>> -> memref<128xi32, #tpu.memory_space<hbm>>
    %dma_start3A_165 = tpu.memref_slice %arg2[%add3A_163] : memref<160000xi32, #tpu.memory_space<hbm>> -> memref<128xi32, #tpu.memory_space<hbm>>
    tpu.enqueue_dma source(%dma_start3A_165 : memref<128xi32, #tpu.memory_space<hbm>>) target(%arg8 : memref<128xi32, #tpu.memory_space<vmem>>) target_semaphore(%arg18 : memref<!tpu.dma_semaphore, #tpu.memory_space<semaphore_mem>>)
    %add3A_166 = arith.constant 0 : i32
    %add3A_167 = arith.addi %mul3A_2, %add3A_166 : i32
    %dma_start3A_168 = tpu.memref_slice %arg3[%add3A_167] : memref<160000xi32, #tpu.memory_space<hbm>> -> memref<128xi32, #tpu.memory_space<hbm>>
    %dma_start3A_169 = tpu.memref_slice %arg3[%add3A_167] : memref<160000xi32, #tpu.memory_space<hbm>> -> memref<128xi32, #tpu.memory_space<hbm>>
    tpu.enqueue_dma source(%dma_start3A_169 : memref<128xi32, #tpu.memory_space<hbm>>) target(%arg9 : memref<128xi32, #tpu.memory_space<vmem>>) target_semaphore(%arg19 : memref<!tpu.dma_semaphore, #tpu.memory_space<semaphore_mem>>)
    %add3A_170 = arith.constant 128 : i32
    %add3A_171 = arith.addi %mul3A_2, %add3A_170 : i32
    %dma_start3A_172 = tpu.memref_slice %arg3[%add3A_171] : memref<160000xi32, #tpu.memory_space<hbm>> -> memref<128xi32, #tpu.memory_space<hbm>>
    %dma_start3A_173 = tpu.memref_slice %arg3[%add3A_171] : memref<160000xi32, #tpu.memory_space<hbm>> -> memref<128xi32, #tpu.memory_space<hbm>>
    tpu.enqueue_dma source(%dma_start3A_173 : memref<128xi32, #tpu.memory_space<hbm>>) target(%arg10 : memref<128xi32, #tpu.memory_space<vmem>>) target_semaphore(%arg20 : memref<!tpu.dma_semaphore, #tpu.memory_space<semaphore_mem>>)
    %barrier3A = arith.constant 0 : index
    tpu.barrier barrier_id(%barrier3A)
    %add3A_174 = arith.constant 2 : i32
    %add3A_175 = arith.addi %select_n3A, %add3A_174 : i32
    %jit3A_176 = arith.constant 3 : i32
    %div3A = arith.divsi %add3A_175, %jit3A_176 : i32
    %sign3A = arith.constant 0 : i32
    %sign3A_177 = arith.cmpi sgt, %add3A_175, %sign3A : i32
    %sign3A_178 = arith.extui %sign3A_177 : i1 to i32
    %sign3A_179 = arith.constant 0 : i32
    %sign3A_180 = arith.cmpi slt, %add3A_175, %sign3A_179 : i32
    %sign3A_181 = arith.extui %sign3A_180 : i1 to i32
    %sign3A_182 = arith.subi %sign3A_178, %sign3A_181 : i32
    %sign3A_183 = arith.constant 0 : i32
    %sign3A_184 = arith.cmpi sgt, %jit3A_176, %sign3A_183 : i32
    %sign3A_185 = arith.extui %sign3A_184 : i1 to i32
    %sign3A_186 = arith.constant 0 : i32
    %sign3A_187 = arith.cmpi slt, %jit3A_176, %sign3A_186 : i32
    %sign3A_188 = arith.extui %sign3A_187 : i1 to i32
    %sign3A_189 = arith.subi %sign3A_185, %sign3A_188 : i32
    %ne3A = arith.cmpi ne, %sign3A_182, %sign3A_189 : i32
    %rem3A = arith.remsi %add3A_175, %jit3A_176 : i32
    %ne3A_190 = arith.constant 0 : i32
    %ne3A_191 = arith.cmpi ne, %rem3A, %ne3A_190 : i32
    %and3A = arith.andi %ne3A, %ne3A_191 : i1
    %sub3A = arith.constant 1 : i32
    %sub3A_192 = arith.subi %div3A, %sub3A : i32
    %select_n3A_193 = arith.select %and3A, %sub3A_192, %div3A : i32
    %while3A = arith.constant 0 : i32
    %while3A_194 = arith.constant 0 : i32
    %while3A_195 = arith.subi %select_n3A_193, %while3A_194 : i32
    %while3A_196 = arith.addi %while3A_194, %while3A_195 : i32
    %while3A_197 = arith.constant 1 : i32
    %while3A_198 = arith.divsi %while3A_195, %while3A_197 : i32
    %while3A_199 = arith.muli %while3A_198, %while3A_197 : i32
    %while3A_200 = arith.addi %while3A_194, %while3A_199 : i32
    %while3A_201 = arith.constant 1 : i32
    scf.for %while3A_232 = %while3A_194 to %while3A_200 step %while3A_201  : i32 {
      %mul3A_233 = arith.constant 3 : i32
      %mul3A_234 = arith.muli %mul3A_233, %while3A_232 : i32
      %add3A_235 = arith.constant 0 : i32
      %add3A_236 = arith.addi %mul3A_234, %add3A_235 : i32
      %lt3A_237 = arith.cmpi slt, %add3A_236, %select_n3A : i32
      %convert_element_type3A_238 = arith.extui %lt3A_237 : i1 to i32
      %cond3A_239 = arith.constant 0 : i32
      %cond3A_240 = arith.cmpi ne, %convert_element_type3A_238, %cond3A_239 : i32
      scf.if %cond3A_240 {
        %dma_wait3A_257 = arith.constant 0 : i32
        %dma_wait3A_258 = arith.constant 0 : i32
        %dma_wait3A_259 = tpu.memref_slice %arg4[%dma_wait3A_257, %dma_wait3A_258] : memref<20000x128xf32, #tpu.memory_space<hbm>> -> memref<128x128xf32, #tpu.memory_space<hbm>>
        %dma_wait3A_260 = arith.constant 0 : i32
        %dma_wait3A_261 = arith.constant 0 : i32
        %dma_wait3A_262 = tpu.memref_slice %arg4[%dma_wait3A_260, %dma_wait3A_261] : memref<20000x128xf32, #tpu.memory_space<hbm>> -> memref<128x128xf32, #tpu.memory_space<hbm>>
        tpu.wait_dma2 semaphore(%arg22 : memref<!tpu.dma_semaphore, #tpu.memory_space<semaphore_mem>>) src(%dma_wait3A_262 : memref<128x128xf32, #tpu.memory_space<hbm>>) dst(%arg12 : memref<128x128xf32, #tpu.memory_space<vmem>>)
        %add3A_263 = arith.constant 3 : i32
        %add3A_264 = arith.addi %add3A_236, %add3A_263 : i32
        %lt3A_265 = arith.cmpi slt, %add3A_264, %select_n3A : i32
        %convert_element_type3A_266 = arith.extui %lt3A_265 : i1 to i32
        %cond3A_267 = arith.constant 0 : i32
        %cond3A_268 = arith.cmpi ne, %convert_element_type3A_266, %cond3A_267 : i32
        scf.if %cond3A_268 {
          %add3A_282 = arith.constant 3 : i32
          %add3A_283 = arith.addi %add3A_236, %add3A_282 : i32
          %mul3A_284 = arith.constant 128 : i32
          %mul3A_285 = arith.muli %add3A_283, %mul3A_284 : i32
          %add3A_286 = arith.addi %mul3A_2, %mul3A_285 : i32
          %dma_start3A_287 = tpu.memref_slice %arg2[%add3A_286] : memref<160000xi32, #tpu.memory_space<hbm>> -> memref<128xi32, #tpu.memory_space<hbm>>
          %dma_start3A_288 = tpu.memref_slice %arg2[%add3A_286] : memref<160000xi32, #tpu.memory_space<hbm>> -> memref<128xi32, #tpu.memory_space<hbm>>
          tpu.enqueue_dma source(%dma_start3A_288 : memref<128xi32, #tpu.memory_space<hbm>>) target(%arg6 : memref<128xi32, #tpu.memory_space<vmem>>) target_semaphore(%arg16 : memref<!tpu.dma_semaphore, #tpu.memory_space<semaphore_mem>>)
        } else {
        }
        %dma_wait3A_269 = arith.constant 0 : i32
        %dma_wait3A_270 = tpu.memref_slice %arg3[%dma_wait3A_269] : memref<160000xi32, #tpu.memory_space<hbm>> -> memref<128xi32, #tpu.memory_space<hbm>>
        %dma_wait3A_271 = arith.constant 0 : i32
        %dma_wait3A_272 = tpu.memref_slice %arg3[%dma_wait3A_271] : memref<160000xi32, #tpu.memory_space<hbm>> -> memref<128xi32, #tpu.memory_space<hbm>>
        tpu.wait_dma2 semaphore(%arg19 : memref<!tpu.dma_semaphore, #tpu.memory_space<semaphore_mem>>) src(%dma_wait3A_272 : memref<128xi32, #tpu.memory_space<hbm>>) dst(%arg9 : memref<128xi32, #tpu.memory_space<vmem>>)
        %dma_start3A_273 = arith.constant 0 : i32
        %dma_start3A_274 = arith.constant 0 : i32
        %dma_start3A_275 = tpu.memref_slice %arg15[%dma_start3A_273, %dma_start3A_274] : memref<10000x128xf32, #tpu.memory_space<vmem_shared>> -> memref<10000x128xf32, #tpu.memory_space<vmem_shared>>
        tpu.enqueue_indirect_dma source(%arg12 : memref<128x128xf32, #tpu.memory_space<vmem>>) target(%dma_start3A_275 : memref<10000x128xf32, #tpu.memory_space<vmem_shared>>) offsets(%arg9 : memref<128xi32, #tpu.memory_space<vmem>>) semaphore(%arg25 : memref<!tpu.dma_semaphore, #tpu.memory_space<semaphore_mem>>) {add = true}
        %add3A_276 = arith.constant 2 : i32
        %add3A_277 = arith.addi %add3A_236, %add3A_276 : i32
        %lt3A_278 = arith.cmpi slt, %add3A_277, %select_n3A : i32
        %convert_element_type3A_279 = arith.extui %lt3A_278 : i1 to i32
        %cond3A_280 = arith.constant 0 : i32
        %cond3A_281 = arith.cmpi ne, %convert_element_type3A_279, %cond3A_280 : i32
        scf.if %cond3A_281 {
          %ge3A = arith.constant 1 : i32
          %ge3A_282 = arith.cmpi sge, %add3A_236, %ge3A : i32
          %convert_element_type3A_283 = arith.extui %ge3A_282 : i1 to i32
          %cond3A_284 = arith.constant 0 : i32
          %cond3A_285 = arith.cmpi ne, %convert_element_type3A_283, %cond3A_284 : i32
          scf.if %cond3A_285 {
            %dma_wait3A_372 = arith.constant 0 : i32
            %dma_wait3A_373 = arith.constant 0 : i32
            %dma_wait3A_374 = tpu.memref_slice %arg15[%dma_wait3A_372, %dma_wait3A_373] : memref<10000x128xf32, #tpu.memory_space<vmem_shared>> -> memref<128x128xf32, #tpu.memory_space<vmem_shared>>
            %dma_wait3A_375 = arith.constant 0 : i32
            %dma_wait3A_376 = arith.constant 0 : i32
            %dma_wait3A_377 = tpu.memref_slice %arg15[%dma_wait3A_375, %dma_wait3A_376] : memref<10000x128xf32, #tpu.memory_space<vmem_shared>> -> memref<128x128xf32, #tpu.memory_space<vmem_shared>>
            tpu.wait_dma2 semaphore(%arg27 : memref<!tpu.dma_semaphore, #tpu.memory_space<semaphore_mem>>) src(%arg14 : memref<128x128xf32, #tpu.memory_space<vmem>>) dst(%dma_wait3A_377 : memref<128x128xf32, #tpu.memory_space<vmem_shared>>)
          } else {
          }
          %dma_wait3A_286 = arith.constant 0 : i32
          %dma_wait3A_287 = tpu.memref_slice %arg2[%dma_wait3A_286] : memref<160000xi32, #tpu.memory_space<hbm>> -> memref<128xi32, #tpu.memory_space<hbm>>
          %dma_wait3A_288 = arith.constant 0 : i32
          %dma_wait3A_289 = tpu.memref_slice %arg2[%dma_wait3A_288] : memref<160000xi32, #tpu.memory_space<hbm>> -> memref<128xi32, #tpu.memory_space<hbm>>
          tpu.wait_dma2 semaphore(%arg18 : memref<!tpu.dma_semaphore, #tpu.memory_space<semaphore_mem>>) src(%dma_wait3A_289 : memref<128xi32, #tpu.memory_space<hbm>>) dst(%arg8 : memref<128xi32, #tpu.memory_space<vmem>>)
          %get3A_290 = arith.constant 0 : index
          %get3A_291 = tpu.vector_load %arg8[%get3A_290] {strides = array<i32>} : memref<128xi32, #tpu.memory_space<vmem>>, vector<16xi32>,
          %get3A_292 = vector.shape_cast %get3A_291 : vector<16xi32> to vector<16xi32>
          %add3A_293 = vector.broadcast %mul3A_5 : i32 to vector<16xi32>
          %add3A_294 = arith.addi %get3A_292, %add3A_293 : vector<16xi32>
          %swap3A_295 = arith.constant 0 : index
          %swap3A_296 = tpu.vector_load %arg8[%swap3A_295] {strides = array<i32>} : memref<128xi32, #tpu.memory_space<vmem>>, vector<16xi32>,
          %swap3A_297 = vector.shape_cast %swap3A_296 : vector<16xi32> to vector<16xi32>
          %swap3A_298 = vector.shape_cast %add3A_294 : vector<16xi32> to vector<16xi32>
          tpu.vector_store %arg8[%swap3A_295], %swap3A_298 {strides = array<i32>} : memref<128xi32, #tpu.memory_space<vmem>>, vector<16xi32>,
          %get3A_299 = arith.constant 16 : index
          %get3A_300 = tpu.vector_load %arg8[%get3A_299] {strides = array<i32>} : memref<128xi32, #tpu.memory_space<vmem>>, vector<16xi32>,
          %get3A_301 = vector.shape_cast %get3A_300 : vector<16xi32> to vector<16xi32>
          %add3A_302 = vector.broadcast %mul3A_5 : i32 to vector<16xi32>
          %add3A_303 = arith.addi %get3A_301, %add3A_302 : vector<16xi32>
          %swap3A_304 = arith.constant 16 : index
          %swap3A_305 = tpu.vector_load %arg8[%swap3A_304] {strides = array<i32>} : memref<128xi32, #tpu.memory_space<vmem>>, vector<16xi32>,
          %swap3A_306 = vector.shape_cast %swap3A_305 : vector<16xi32> to vector<16xi32>
          %swap3A_307 = vector.shape_cast %add3A_303 : vector<16xi32> to vector<16xi32>
          tpu.vector_store %arg8[%swap3A_304], %swap3A_307 {strides = array<i32>} : memref<128xi32, #tpu.memory_space<vmem>>, vector<16xi32>,
          %get3A_308 = arith.constant 32 : index
          %get3A_309 = tpu.vector_load %arg8[%get3A_308] {strides = array<i32>} : memref<128xi32, #tpu.memory_space<vmem>>, vector<16xi32>,
          %get3A_310 = vector.shape_cast %get3A_309 : vector<16xi32> to vector<16xi32>
          %add3A_311 = vector.broadcast %mul3A_5 : i32 to vector<16xi32>
          %add3A_312 = arith.addi %get3A_310, %add3A_311 : vector<16xi32>
          %swap3A_313 = arith.constant 32 : index
          %swap3A_314 = tpu.vector_load %arg8[%swap3A_313] {strides = array<i32>} : memref<128xi32, #tpu.memory_space<vmem>>, vector<16xi32>,
          %swap3A_315 = vector.shape_cast %swap3A_314 : vector<16xi32> to vector<16xi32>
          %swap3A_316 = vector.shape_cast %add3A_312 : vector<16xi32> to vector<16xi32>
          tpu.vector_store %arg8[%swap3A_313], %swap3A_316 {strides = array<i32>} : memref<128xi32, #tpu.memory_space<vmem>>, vector<16xi32>,
          %get3A_317 = arith.constant 48 : index
          %get3A_318 = tpu.vector_load %arg8[%get3A_317] {strides = array<i32>} : memref<128xi32, #tpu.memory_space<vmem>>, vector<16xi32>,
          %get3A_319 = vector.shape_cast %get3A_318 : vector<16xi32> to vector<16xi32>
          %add3A_320 = vector.broadcast %mul3A_5 : i32 to vector<16xi32>
          %add3A_321 = arith.addi %get3A_319, %add3A_320 : vector<16xi32>
          %swap3A_322 = arith.constant 48 : index
          %swap3A_323 = tpu.vector_load %arg8[%swap3A_322] {strides = array<i32>} : memref<128xi32, #tpu.memory_space<vmem>>, vector<16xi32>,
          %swap3A_324 = vector.shape_cast %swap3A_323 : vector<16xi32> to vector<16xi32>
          %swap3A_325 = vector.shape_cast %add3A_321 : vector<16xi32> to vector<16xi32>
          tpu.vector_store %arg8[%swap3A_322], %swap3A_325 {strides = array<i32>} : memref<128xi32, #tpu.memory_space<vmem>>, vector<16xi32>,
          %get3A_326 = arith.constant 64 : index
          %get3A_327 = tpu.vector_load %arg8[%get3A_326] {strides = array<i32>} : memref<128xi32, #tpu.memory_space<vmem>>, vector<16xi32>,
          %get3A_328 = vector.shape_cast %get3A_327 : vector<16xi32> to vector<16xi32>
          %add3A_329 = vector.broadcast %mul3A_5 : i32 to vector<16xi32>
          %add3A_330 = arith.addi %get3A_328, %add3A_329 : vector<16xi32>
          %swap3A_331 = arith.constant 64 : index
          %swap3A_332 = tpu.vector_load %arg8[%swap3A_331] {strides = array<i32>} : memref<128xi32, #tpu.memory_space<vmem>>, vector<16xi32>,
          %swap3A_333 = vector.shape_cast %swap3A_332 : vector<16xi32> to vector<16xi32>
          %swap3A_334 = vector.shape_cast %add3A_330 : vector<16xi32> to vector<16xi32>
          tpu.vector_store %arg8[%swap3A_331], %swap3A_334 {strides = array<i32>} : memref<128xi32, #tpu.memory_space<vmem>>, vector<16xi32>,
          %get3A_335 = arith.constant 80 : index
          %get3A_336 = tpu.vector_load %arg8[%get3A_335] {strides = array<i32>} : memref<128xi32, #tpu.memory_space<vmem>>, vector<16xi32>,
          %get3A_337 = vector.shape_cast %get3A_336 : vector<16xi32> to vector<16xi32>
          %add3A_338 = vector.broadcast %mul3A_5 : i32 to vector<16xi32>
          %add3A_339 = arith.addi %get3A_337, %add3A_338 : vector<16xi32>
          %swap3A_340 = arith.constant 80 : index
          %swap3A_341 = tpu.vector_load %arg8[%swap3A_340] {strides = array<i32>} : memref<128xi32, #tpu.memory_space<vmem>>, vector<16xi32>,
          %swap3A_342 = vector.shape_cast %swap3A_341 : vector<16xi32> to vector<16xi32>
          %swap3A_343 = vector.shape_cast %add3A_339 : vector<16xi32> to vector<16xi32>
          tpu.vector_store %arg8[%swap3A_340], %swap3A_343 {strides = array<i32>} : memref<128xi32, #tpu.memory_space<vmem>>, vector<16xi32>,
          %get3A_344 = arith.constant 96 : index
          %get3A_345 = tpu.vector_load %arg8[%get3A_344] {strides = array<i32>} : memref<128xi32, #tpu.memory_space<vmem>>, vector<16xi32>,
          %get3A_346 = vector.shape_cast %get3A_345 : vector<16xi32> to vector<16xi32>
          %add3A_347 = vector.broadcast %mul3A_5 : i32 to vector<16xi32>
          %add3A_348 = arith.addi %get3A_346, %add3A_347 : vector<16xi32>
          %swap3A_349 = arith.constant 96 : index
          %swap3A_350 = tpu.vector_load %arg8[%swap3A_349] {strides = array<i32>} : memref<128xi32, #tpu.memory_space<vmem>>, vector<16xi32>,
          %swap3A_351 = vector.shape_cast %swap3A_350 : vector<16xi32> to vector<16xi32>
          %swap3A_352 = vector.shape_cast %add3A_348 : vector<16xi32> to vector<16xi32>
          tpu.vector_store %arg8[%swap3A_349], %swap3A_352 {strides = array<i32>} : memref<128xi32, #tpu.memory_space<vmem>>, vector<16xi32>,
          %get3A_353 = arith.constant 112 : index
          %get3A_354 = tpu.vector_load %arg8[%get3A_353] {strides = array<i32>} : memref<128xi32, #tpu.memory_space<vmem>>, vector<16xi32>,
          %get3A_355 = vector.shape_cast %get3A_354 : vector<16xi32> to vector<16xi32>
          %add3A_356 = vector.broadcast %mul3A_5 : i32 to vector<16xi32>
          %add3A_357 = arith.addi %get3A_355, %add3A_356 : vector<16xi32>
          %swap3A_358 = arith.constant 112 : index
          %swap3A_359 = tpu.vector_load %arg8[%swap3A_358] {strides = array<i32>} : memref<128xi32, #tpu.memory_space<vmem>>, vector<16xi32>,
          %swap3A_360 = vector.shape_cast %swap3A_359 : vector<16xi32> to vector<16xi32>
          %swap3A_361 = vector.shape_cast %add3A_357 : vector<16xi32> to vector<16xi32>
          tpu.vector_store %arg8[%swap3A_358], %swap3A_361 {strides = array<i32>} : memref<128xi32, #tpu.memory_space<vmem>>, vector<16xi32>,
          %dma_start3A_362 = arith.constant 0 : i32
          %dma_start3A_363 = arith.constant 0 : i32
          %dma_start3A_364 = tpu.memref_slice %arg4[%dma_start3A_362, %dma_start3A_363] : memref<20000x128xf32, #tpu.memory_space<hbm>> -> memref<20000x128xf32, #tpu.memory_space<hbm>>
          tpu.enqueue_indirect_dma source(%dma_start3A_364 : memref<20000x128xf32, #tpu.memory_space<hbm>>) target(%arg14 : memref<128x128xf32, #tpu.memory_space<vmem>>) offsets(%arg8 : memref<128xi32, #tpu.memory_space<vmem>>) semaphore(%arg24 : memref<!tpu.dma_semaphore, #tpu.memory_space<semaphore_mem>>)
          %add3A_365 = arith.constant 2 : i32
          %add3A_366 = arith.addi %add3A_236, %add3A_365 : i32
          %mul3A_367 = arith.constant 128 : i32
          %mul3A_368 = arith.muli %add3A_366, %mul3A_367 : i32
          %add3A_369 = arith.addi %mul3A_2, %mul3A_368 : i32
          %dma_start3A_370 = tpu.memref_slice %arg3[%add3A_369] : memref<160000xi32, #tpu.memory_space<hbm>> -> memref<128xi32, #tpu.memory_space<hbm>>
          %dma_start3A_371 = tpu.memref_slice %arg3[%add3A_369] : memref<160000xi32, #tpu.memory_space<hbm>> -> memref<128xi32, #tpu.memory_space<hbm>>
          tpu.enqueue_dma source(%dma_start3A_371 : memref<128xi32, #tpu.memory_space<hbm>>) target(%arg11 : memref<128xi32, #tpu.memory_space<vmem>>) target_semaphore(%arg21 : memref<!tpu.dma_semaphore, #tpu.memory_space<semaphore_mem>>)
        } else {
        }
      } else {
      }
      %mul3A_241 = arith.constant 3 : i32
      %mul3A_242 = arith.muli %mul3A_241, %while3A_232 : i32
      %add3A_243 = arith.constant 1 : i32
      %add3A_244 = arith.addi %mul3A_242, %add3A_243 : i32
      %lt3A_245 = arith.cmpi slt, %add3A_244, %select_n3A : i32
      %convert_element_type3A_246 = arith.extui %lt3A_245 : i1 to i32
      %cond3A_247 = arith.constant 0 : i32
      %cond3A_248 = arith.cmpi ne, %convert_element_type3A_246, %cond3A_247 : i32
      scf.if %cond3A_248 {
        %dma_wait3A_257 = arith.constant 0 : i32
        %dma_wait3A_258 = arith.constant 0 : i32
        %dma_wait3A_259 = tpu.memref_slice %arg4[%dma_wait3A_257, %dma_wait3A_258] : memref<20000x128xf32, #tpu.memory_space<hbm>> -> memref<128x128xf32, #tpu.memory_space<hbm>>
        %dma_wait3A_260 = arith.constant 0 : i32
        %dma_wait3A_261 = arith.constant 0 : i32
        %dma_wait3A_262 = tpu.memref_slice %arg4[%dma_wait3A_260, %dma_wait3A_261] : memref<20000x128xf32, #tpu.memory_space<hbm>> -> memref<128x128xf32, #tpu.memory_space<hbm>>
        tpu.wait_dma2 semaphore(%arg23 : memref<!tpu.dma_semaphore, #tpu.memory_space<semaphore_mem>>) src(%dma_wait3A_262 : memref<128x128xf32, #tpu.memory_space<hbm>>) dst(%arg13 : memref<128x128xf32, #tpu.memory_space<vmem>>)
        %add3A_263 = arith.constant 3 : i32
        %add3A_264 = arith.addi %add3A_244, %add3A_263 : i32
        %lt3A_265 = arith.cmpi slt, %add3A_264, %select_n3A : i32
        %convert_element_type3A_266 = arith.extui %lt3A_265 : i1 to i32
        %cond3A_267 = arith.constant 0 : i32
        %cond3A_268 = arith.cmpi ne, %convert_element_type3A_266, %cond3A_267 : i32
        scf.if %cond3A_268 {
          %add3A_282 = arith.constant 3 : i32
          %add3A_283 = arith.addi %add3A_244, %add3A_282 : i32
          %mul3A_284 = arith.constant 128 : i32
          %mul3A_285 = arith.muli %add3A_283, %mul3A_284 : i32
          %add3A_286 = arith.addi %mul3A_2, %mul3A_285 : i32
          %dma_start3A_287 = tpu.memref_slice %arg2[%add3A_286] : memref<160000xi32, #tpu.memory_space<hbm>> -> memref<128xi32, #tpu.memory_space<hbm>>
          %dma_start3A_288 = tpu.memref_slice %arg2[%add3A_286] : memref<160000xi32, #tpu.memory_space<hbm>> -> memref<128xi32, #tpu.memory_space<hbm>>
          tpu.enqueue_dma source(%dma_start3A_288 : memref<128xi32, #tpu.memory_space<hbm>>) target(%arg7 : memref<128xi32, #tpu.memory_space<vmem>>) target_semaphore(%arg17 : memref<!tpu.dma_semaphore, #tpu.memory_space<semaphore_mem>>)
        } else {
        }
        %dma_wait3A_269 = arith.constant 0 : i32
        %dma_wait3A_270 = tpu.memref_slice %arg3[%dma_wait3A_269] : memref<160000xi32, #tpu.memory_space<hbm>> -> memref<128xi32, #tpu.memory_space<hbm>>
        %dma_wait3A_271 = arith.constant 0 : i32
        %dma_wait3A_272 = tpu.memref_slice %arg3[%dma_wait3A_271] : memref<160000xi32, #tpu.memory_space<hbm>> -> memref<128xi32, #tpu.memory_space<hbm>>
        tpu.wait_dma2 semaphore(%arg20 : memref<!tpu.dma_semaphore, #tpu.memory_space<semaphore_mem>>) src(%dma_wait3A_272 : memref<128xi32, #tpu.memory_space<hbm>>) dst(%arg10 : memref<128xi32, #tpu.memory_space<vmem>>)
        %dma_start3A_273 = arith.constant 0 : i32
        %dma_start3A_274 = arith.constant 0 : i32
        %dma_start3A_275 = tpu.memref_slice %arg15[%dma_start3A_273, %dma_start3A_274] : memref<10000x128xf32, #tpu.memory_space<vmem_shared>> -> memref<10000x128xf32, #tpu.memory_space<vmem_shared>>
        tpu.enqueue_indirect_dma source(%arg13 : memref<128x128xf32, #tpu.memory_space<vmem>>) target(%dma_start3A_275 : memref<10000x128xf32, #tpu.memory_space<vmem_shared>>) offsets(%arg10 : memref<128xi32, #tpu.memory_space<vmem>>) semaphore(%arg26 : memref<!tpu.dma_semaphore, #tpu.memory_space<semaphore_mem>>) {add = true}
        %add3A_276 = arith.constant 2 : i32
        %add3A_277 = arith.addi %add3A_244, %add3A_276 : i32
        %lt3A_278 = arith.cmpi slt, %add3A_277, %select_n3A : i32
        %convert_element_type3A_279 = arith.extui %lt3A_278 : i1 to i32
        %cond3A_280 = arith.constant 0 : i32
        %cond3A_281 = arith.cmpi ne, %convert_element_type3A_279, %cond3A_280 : i32
        scf.if %cond3A_281 {
          %ge3A = arith.constant 1 : i32
          %ge3A_282 = arith.cmpi sge, %add3A_244, %ge3A : i32
          %convert_element_type3A_283 = arith.extui %ge3A_282 : i1 to i32
          %cond3A_284 = arith.constant 0 : i32
          %cond3A_285 = arith.cmpi ne, %convert_element_type3A_283, %cond3A_284 : i32
          scf.if %cond3A_285 {
            %dma_wait3A_372 = arith.constant 0 : i32
            %dma_wait3A_373 = arith.constant 0 : i32
            %dma_wait3A_374 = tpu.memref_slice %arg15[%dma_wait3A_372, %dma_wait3A_373] : memref<10000x128xf32, #tpu.memory_space<vmem_shared>> -> memref<128x128xf32, #tpu.memory_space<vmem_shared>>
            %dma_wait3A_375 = arith.constant 0 : i32
            %dma_wait3A_376 = arith.constant 0 : i32
            %dma_wait3A_377 = tpu.memref_slice %arg15[%dma_wait3A_375, %dma_wait3A_376] : memref<10000x128xf32, #tpu.memory_space<vmem_shared>> -> memref<128x128xf32, #tpu.memory_space<vmem_shared>>
            tpu.wait_dma2 semaphore(%arg25 : memref<!tpu.dma_semaphore, #tpu.memory_space<semaphore_mem>>) src(%arg12 : memref<128x128xf32, #tpu.memory_space<vmem>>) dst(%dma_wait3A_377 : memref<128x128xf32, #tpu.memory_space<vmem_shared>>)
          } else {
          }
          %dma_wait3A_286 = arith.constant 0 : i32
          %dma_wait3A_287 = tpu.memref_slice %arg2[%dma_wait3A_286] : memref<160000xi32, #tpu.memory_space<hbm>> -> memref<128xi32, #tpu.memory_space<hbm>>
          %dma_wait3A_288 = arith.constant 0 : i32
          %dma_wait3A_289 = tpu.memref_slice %arg2[%dma_wait3A_288] : memref<160000xi32, #tpu.memory_space<hbm>> -> memref<128xi32, #tpu.memory_space<hbm>>
          tpu.wait_dma2 semaphore(%arg16 : memref<!tpu.dma_semaphore, #tpu.memory_space<semaphore_mem>>) src(%dma_wait3A_289 : memref<128xi32, #tpu.memory_space<hbm>>) dst(%arg6 : memref<128xi32, #tpu.memory_space<vmem>>)
          %get3A_290 = arith.constant 0 : index
          %get3A_291 = tpu.vector_load %arg6[%get3A_290] {strides = array<i32>} : memref<128xi32, #tpu.memory_space<vmem>>, vector<16xi32>,
          %get3A_292 = vector.shape_cast %get3A_291 : vector<16xi32> to vector<16xi32>
          %add3A_293 = vector.broadcast %mul3A_5 : i32 to vector<16xi32>
          %add3A_294 = arith.addi %get3A_292, %add3A_293 : vector<16xi32>
          %swap3A_295 = arith.constant 0 : index
          %swap3A_296 = tpu.vector_load %arg6[%swap3A_295] {strides = array<i32>} : memref<128xi32, #tpu.memory_space<vmem>>, vector<16xi32>,
          %swap3A_297 = vector.shape_cast %swap3A_296 : vector<16xi32> to vector<16xi32>
          %swap3A_298 = vector.shape_cast %add3A_294 : vector<16xi32> to vector<16xi32>
          tpu.vector_store %arg6[%swap3A_295], %swap3A_298 {strides = array<i32>} : memref<128xi32, #tpu.memory_space<vmem>>, vector<16xi32>,
          %get3A_299 = arith.constant 16 : index
          %get3A_300 = tpu.vector_load %arg6[%get3A_299] {strides = array<i32>} : memref<128xi32, #tpu.memory_space<vmem>>, vector<16xi32>,
          %get3A_301 = vector.shape_cast %get3A_300 : vector<16xi32> to vector<16xi32>
          %add3A_302 = vector.broadcast %mul3A_5 : i32 to vector<16xi32>
          %add3A_303 = arith.addi %get3A_301, %add3A_302 : vector<16xi32>
          %swap3A_304 = arith.constant 16 : index
          %swap3A_305 = tpu.vector_load %arg6[%swap3A_304] {strides = array<i32>} : memref<128xi32, #tpu.memory_space<vmem>>, vector<16xi32>,
          %swap3A_306 = vector.shape_cast %swap3A_305 : vector<16xi32> to vector<16xi32>
          %swap3A_307 = vector.shape_cast %add3A_303 : vector<16xi32> to vector<16xi32>
          tpu.vector_store %arg6[%swap3A_304], %swap3A_307 {strides = array<i32>} : memref<128xi32, #tpu.memory_space<vmem>>, vector<16xi32>,
          %get3A_308 = arith.constant 32 : index
          %get3A_309 = tpu.vector_load %arg6[%get3A_308] {strides = array<i32>} : memref<128xi32, #tpu.memory_space<vmem>>, vector<16xi32>,
          %get3A_310 = vector.shape_cast %get3A_309 : vector<16xi32> to vector<16xi32>
          %add3A_311 = vector.broadcast %mul3A_5 : i32 to vector<16xi32>
          %add3A_312 = arith.addi %get3A_310, %add3A_311 : vector<16xi32>
          %swap3A_313 = arith.constant 32 : index
          %swap3A_314 = tpu.vector_load %arg6[%swap3A_313] {strides = array<i32>} : memref<128xi32, #tpu.memory_space<vmem>>, vector<16xi32>,
          %swap3A_315 = vector.shape_cast %swap3A_314 : vector<16xi32> to vector<16xi32>
          %swap3A_316 = vector.shape_cast %add3A_312 : vector<16xi32> to vector<16xi32>
          tpu.vector_store %arg6[%swap3A_313], %swap3A_316 {strides = array<i32>} : memref<128xi32, #tpu.memory_space<vmem>>, vector<16xi32>,
          %get3A_317 = arith.constant 48 : index
          %get3A_318 = tpu.vector_load %arg6[%get3A_317] {strides = array<i32>} : memref<128xi32, #tpu.memory_space<vmem>>, vector<16xi32>,
          %get3A_319 = vector.shape_cast %get3A_318 : vector<16xi32> to vector<16xi32>
          %add3A_320 = vector.broadcast %mul3A_5 : i32 to vector<16xi32>
          %add3A_321 = arith.addi %get3A_319, %add3A_320 : vector<16xi32>
          %swap3A_322 = arith.constant 48 : index
          %swap3A_323 = tpu.vector_load %arg6[%swap3A_322] {strides = array<i32>} : memref<128xi32, #tpu.memory_space<vmem>>, vector<16xi32>,
          %swap3A_324 = vector.shape_cast %swap3A_323 : vector<16xi32> to vector<16xi32>
          %swap3A_325 = vector.shape_cast %add3A_321 : vector<16xi32> to vector<16xi32>
          tpu.vector_store %arg6[%swap3A_322], %swap3A_325 {strides = array<i32>} : memref<128xi32, #tpu.memory_space<vmem>>, vector<16xi32>,
          %get3A_326 = arith.constant 64 : index
          %get3A_327 = tpu.vector_load %arg6[%get3A_326] {strides = array<i32>} : memref<128xi32, #tpu.memory_space<vmem>>, vector<16xi32>,
          %get3A_328 = vector.shape_cast %get3A_327 : vector<16xi32> to vector<16xi32>
          %add3A_329 = vector.broadcast %mul3A_5 : i32 to vector<16xi32>
          %add3A_330 = arith.addi %get3A_328, %add3A_329 : vector<16xi32>
          %swap3A_331 = arith.constant 64 : index
          %swap3A_332 = tpu.vector_load %arg6[%swap3A_331] {strides = array<i32>} : memref<128xi32, #tpu.memory_space<vmem>>, vector<16xi32>,
          %swap3A_333 = vector.shape_cast %swap3A_332 : vector<16xi32> to vector<16xi32>
          %swap3A_334 = vector.shape_cast %add3A_330 : vector<16xi32> to vector<16xi32>
          tpu.vector_store %arg6[%swap3A_331], %swap3A_334 {strides = array<i32>} : memref<128xi32, #tpu.memory_space<vmem>>, vector<16xi32>,
          %get3A_335 = arith.constant 80 : index
          %get3A_336 = tpu.vector_load %arg6[%get3A_335] {strides = array<i32>} : memref<128xi32, #tpu.memory_space<vmem>>, vector<16xi32>,
          %get3A_337 = vector.shape_cast %get3A_336 : vector<16xi32> to vector<16xi32>
          %add3A_338 = vector.broadcast %mul3A_5 : i32 to vector<16xi32>
          %add3A_339 = arith.addi %get3A_337, %add3A_338 : vector<16xi32>
          %swap3A_340 = arith.constant 80 : index
          %swap3A_341 = tpu.vector_load %arg6[%swap3A_340] {strides = array<i32>} : memref<128xi32, #tpu.memory_space<vmem>>, vector<16xi32>,
          %swap3A_342 = vector.shape_cast %swap3A_341 : vector<16xi32> to vector<16xi32>
          %swap3A_343 = vector.shape_cast %add3A_339 : vector<16xi32> to vector<16xi32>
          tpu.vector_store %arg6[%swap3A_340], %swap3A_343 {strides = array<i32>} : memref<128xi32, #tpu.memory_space<vmem>>, vector<16xi32>,
          %get3A_344 = arith.constant 96 : index
          %get3A_345 = tpu.vector_load %arg6[%get3A_344] {strides = array<i32>} : memref<128xi32, #tpu.memory_space<vmem>>, vector<16xi32>,
          %get3A_346 = vector.shape_cast %get3A_345 : vector<16xi32> to vector<16xi32>
          %add3A_347 = vector.broadcast %mul3A_5 : i32 to vector<16xi32>
          %add3A_348 = arith.addi %get3A_346, %add3A_347 : vector<16xi32>
          %swap3A_349 = arith.constant 96 : index
          %swap3A_350 = tpu.vector_load %arg6[%swap3A_349] {strides = array<i32>} : memref<128xi32, #tpu.memory_space<vmem>>, vector<16xi32>,
          %swap3A_351 = vector.shape_cast %swap3A_350 : vector<16xi32> to vector<16xi32>
          %swap3A_352 = vector.shape_cast %add3A_348 : vector<16xi32> to vector<16xi32>
          tpu.vector_store %arg6[%swap3A_349], %swap3A_352 {strides = array<i32>} : memref<128xi32, #tpu.memory_space<vmem>>, vector<16xi32>,
          %get3A_353 = arith.constant 112 : index
          %get3A_354 = tpu.vector_load %arg6[%get3A_353] {strides = array<i32>} : memref<128xi32, #tpu.memory_space<vmem>>, vector<16xi32>,
          %get3A_355 = vector.shape_cast %get3A_354 : vector<16xi32> to vector<16xi32>
          %add3A_356 = vector.broadcast %mul3A_5 : i32 to vector<16xi32>
          %add3A_357 = arith.addi %get3A_355, %add3A_356 : vector<16xi32>
          %swap3A_358 = arith.constant 112 : index
          %swap3A_359 = tpu.vector_load %arg6[%swap3A_358] {strides = array<i32>} : memref<128xi32, #tpu.memory_space<vmem>>, vector<16xi32>,
          %swap3A_360 = vector.shape_cast %swap3A_359 : vector<16xi32> to vector<16xi32>
          %swap3A_361 = vector.shape_cast %add3A_357 : vector<16xi32> to vector<16xi32>
          tpu.vector_store %arg6[%swap3A_358], %swap3A_361 {strides = array<i32>} : memref<128xi32, #tpu.memory_space<vmem>>, vector<16xi32>,
          %dma_start3A_362 = arith.constant 0 : i32
          %dma_start3A_363 = arith.constant 0 : i32
          %dma_start3A_364 = tpu.memref_slice %arg4[%dma_start3A_362, %dma_start3A_363] : memref<20000x128xf32, #tpu.memory_space<hbm>> -> memref<20000x128xf32, #tpu.memory_space<hbm>>
          tpu.enqueue_indirect_dma source(%dma_start3A_364 : memref<20000x128xf32, #tpu.memory_space<hbm>>) target(%arg12 : memref<128x128xf32, #tpu.memory_space<vmem>>) offsets(%arg6 : memref<128xi32, #tpu.memory_space<vmem>>) semaphore(%arg22 : memref<!tpu.dma_semaphore, #tpu.memory_space<semaphore_mem>>)
          %add3A_365 = arith.constant 2 : i32
          %add3A_366 = arith.addi %add3A_244, %add3A_365 : i32
          %mul3A_367 = arith.constant 128 : i32
          %mul3A_368 = arith.muli %add3A_366, %mul3A_367 : i32
          %add3A_369 = arith.addi %mul3A_2, %mul3A_368 : i32
          %dma_start3A_370 = tpu.memref_slice %arg3[%add3A_369] : memref<160000xi32, #tpu.memory_space<hbm>> -> memref<128xi32, #tpu.memory_space<hbm>>
          %dma_start3A_371 = tpu.memref_slice %arg3[%add3A_369] : memref<160000xi32, #tpu.memory_space<hbm>> -> memref<128xi32, #tpu.memory_space<hbm>>
          tpu.enqueue_dma source(%dma_start3A_371 : memref<128xi32, #tpu.memory_space<hbm>>) target(%arg9 : memref<128xi32, #tpu.memory_space<vmem>>) target_semaphore(%arg19 : memref<!tpu.dma_semaphore, #tpu.memory_space<semaphore_mem>>)
        } else {
        }
      } else {
      }
      %mul3A_249 = arith.constant 3 : i32
      %mul3A_250 = arith.muli %mul3A_249, %while3A_232 : i32
      %add3A_251 = arith.constant 2 : i32
      %add3A_252 = arith.addi %mul3A_250, %add3A_251 : i32
      %lt3A_253 = arith.cmpi slt, %add3A_252, %select_n3A : i32
      %convert_element_type3A_254 = arith.extui %lt3A_253 : i1 to i32
      %cond3A_255 = arith.constant 0 : i32
      %cond3A_256 = arith.cmpi ne, %convert_element_type3A_254, %cond3A_255 : i32
      scf.if %cond3A_256 {
        %dma_wait3A_257 = arith.constant 0 : i32
        %dma_wait3A_258 = arith.constant 0 : i32
        %dma_wait3A_259 = tpu.memref_slice %arg4[%dma_wait3A_257, %dma_wait3A_258] : memref<20000x128xf32, #tpu.memory_space<hbm>> -> memref<128x128xf32, #tpu.memory_space<hbm>>
        %dma_wait3A_260 = arith.constant 0 : i32
        %dma_wait3A_261 = arith.constant 0 : i32
        %dma_wait3A_262 = tpu.memref_slice %arg4[%dma_wait3A_260, %dma_wait3A_261] : memref<20000x128xf32, #tpu.memory_space<hbm>> -> memref<128x128xf32, #tpu.memory_space<hbm>>
        tpu.wait_dma2 semaphore(%arg24 : memref<!tpu.dma_semaphore, #tpu.memory_space<semaphore_mem>>) src(%dma_wait3A_262 : memref<128x128xf32, #tpu.memory_space<hbm>>) dst(%arg14 : memref<128x128xf32, #tpu.memory_space<vmem>>)
        %add3A_263 = arith.constant 3 : i32
        %add3A_264 = arith.addi %add3A_252, %add3A_263 : i32
        %lt3A_265 = arith.cmpi slt, %add3A_264, %select_n3A : i32
        %convert_element_type3A_266 = arith.extui %lt3A_265 : i1 to i32
        %cond3A_267 = arith.constant 0 : i32
        %cond3A_268 = arith.cmpi ne, %convert_element_type3A_266, %cond3A_267 : i32
        scf.if %cond3A_268 {
          %add3A_282 = arith.constant 3 : i32
          %add3A_283 = arith.addi %add3A_252, %add3A_282 : i32
          %mul3A_284 = arith.constant 128 : i32
          %mul3A_285 = arith.muli %add3A_283, %mul3A_284 : i32
          %add3A_286 = arith.addi %mul3A_2, %mul3A_285 : i32
          %dma_start3A_287 = tpu.memref_slice %arg2[%add3A_286] : memref<160000xi32, #tpu.memory_space<hbm>> -> memref<128xi32, #tpu.memory_space<hbm>>
          %dma_start3A_288 = tpu.memref_slice %arg2[%add3A_286] : memref<160000xi32, #tpu.memory_space<hbm>> -> memref<128xi32, #tpu.memory_space<hbm>>
          tpu.enqueue_dma source(%dma_start3A_288 : memref<128xi32, #tpu.memory_space<hbm>>) target(%arg8 : memref<128xi32, #tpu.memory_space<vmem>>) target_semaphore(%arg18 : memref<!tpu.dma_semaphore, #tpu.memory_space<semaphore_mem>>)
        } else {
        }
        %dma_wait3A_269 = arith.constant 0 : i32
        %dma_wait3A_270 = tpu.memref_slice %arg3[%dma_wait3A_269] : memref<160000xi32, #tpu.memory_space<hbm>> -> memref<128xi32, #tpu.memory_space<hbm>>
        %dma_wait3A_271 = arith.constant 0 : i32
        %dma_wait3A_272 = tpu.memref_slice %arg3[%dma_wait3A_271] : memref<160000xi32, #tpu.memory_space<hbm>> -> memref<128xi32, #tpu.memory_space<hbm>>
        tpu.wait_dma2 semaphore(%arg21 : memref<!tpu.dma_semaphore, #tpu.memory_space<semaphore_mem>>) src(%dma_wait3A_272 : memref<128xi32, #tpu.memory_space<hbm>>) dst(%arg11 : memref<128xi32, #tpu.memory_space<vmem>>)
        %dma_start3A_273 = arith.constant 0 : i32
        %dma_start3A_274 = arith.constant 0 : i32
        %dma_start3A_275 = tpu.memref_slice %arg15[%dma_start3A_273, %dma_start3A_274] : memref<10000x128xf32, #tpu.memory_space<vmem_shared>> -> memref<10000x128xf32, #tpu.memory_space<vmem_shared>>
        tpu.enqueue_indirect_dma source(%arg14 : memref<128x128xf32, #tpu.memory_space<vmem>>) target(%dma_start3A_275 : memref<10000x128xf32, #tpu.memory_space<vmem_shared>>) offsets(%arg11 : memref<128xi32, #tpu.memory_space<vmem>>) semaphore(%arg27 : memref<!tpu.dma_semaphore, #tpu.memory_space<semaphore_mem>>) {add = true}
        %add3A_276 = arith.constant 2 : i32
        %add3A_277 = arith.addi %add3A_252, %add3A_276 : i32
        %lt3A_278 = arith.cmpi slt, %add3A_277, %select_n3A : i32
        %convert_element_type3A_279 = arith.extui %lt3A_278 : i1 to i32
        %cond3A_280 = arith.constant 0 : i32
        %cond3A_281 = arith.cmpi ne, %convert_element_type3A_279, %cond3A_280 : i32
        scf.if %cond3A_281 {
          %ge3A = arith.constant 1 : i32
          %ge3A_282 = arith.cmpi sge, %add3A_252, %ge3A : i32
          %convert_element_type3A_283 = arith.extui %ge3A_282 : i1 to i32
          %cond3A_284 = arith.constant 0 : i32
          %cond3A_285 = arith.cmpi ne, %convert_element_type3A_283, %cond3A_284 : i32
          scf.if %cond3A_285 {
            %dma_wait3A_372 = arith.constant 0 : i32
            %dma_wait3A_373 = arith.constant 0 : i32
            %dma_wait3A_374 = tpu.memref_slice %arg15[%dma_wait3A_372, %dma_wait3A_373] : memref<10000x128xf32, #tpu.memory_space<vmem_shared>> -> memref<128x128xf32, #tpu.memory_space<vmem_shared>>
            %dma_wait3A_375 = arith.constant 0 : i32
            %dma_wait3A_376 = arith.constant 0 : i32
            %dma_wait3A_377 = tpu.memref_slice %arg15[%dma_wait3A_375, %dma_wait3A_376] : memref<10000x128xf32, #tpu.memory_space<vmem_shared>> -> memref<128x128xf32, #tpu.memory_space<vmem_shared>>
            tpu.wait_dma2 semaphore(%arg26 : memref<!tpu.dma_semaphore, #tpu.memory_space<semaphore_mem>>) src(%arg13 : memref<128x128xf32, #tpu.memory_space<vmem>>) dst(%dma_wait3A_377 : memref<128x128xf32, #tpu.memory_space<vmem_shared>>)
          } else {
          }
          %dma_wait3A_286 = arith.constant 0 : i32
          %dma_wait3A_287 = tpu.memref_slice %arg2[%dma_wait3A_286] : memref<160000xi32, #tpu.memory_space<hbm>> -> memref<128xi32, #tpu.memory_space<hbm>>
          %dma_wait3A_288 = arith.constant 0 : i32
          %dma_wait3A_289 = tpu.memref_slice %arg2[%dma_wait3A_288] : memref<160000xi32, #tpu.memory_space<hbm>> -> memref<128xi32, #tpu.memory_space<hbm>>
          tpu.wait_dma2 semaphore(%arg17 : memref<!tpu.dma_semaphore, #tpu.memory_space<semaphore_mem>>) src(%dma_wait3A_289 : memref<128xi32, #tpu.memory_space<hbm>>) dst(%arg7 : memref<128xi32, #tpu.memory_space<vmem>>)
          %get3A_290 = arith.constant 0 : index
          %get3A_291 = tpu.vector_load %arg7[%get3A_290] {strides = array<i32>} : memref<128xi32, #tpu.memory_space<vmem>>, vector<16xi32>,
          %get3A_292 = vector.shape_cast %get3A_291 : vector<16xi32> to vector<16xi32>
          %add3A_293 = vector.broadcast %mul3A_5 : i32 to vector<16xi32>
          %add3A_294 = arith.addi %get3A_292, %add3A_293 : vector<16xi32>
          %swap3A_295 = arith.constant 0 : index
          %swap3A_296 = tpu.vector_load %arg7[%swap3A_295] {strides = array<i32>} : memref<128xi32, #tpu.memory_space<vmem>>, vector<16xi32>,
          %swap3A_297 = vector.shape_cast %swap3A_296 : vector<16xi32> to vector<16xi32>
          %swap3A_298 = vector.shape_cast %add3A_294 : vector<16xi32> to vector<16xi32>
          tpu.vector_store %arg7[%swap3A_295], %swap3A_298 {strides = array<i32>} : memref<128xi32, #tpu.memory_space<vmem>>, vector<16xi32>,
          %get3A_299 = arith.constant 16 : index
          %get3A_300 = tpu.vector_load %arg7[%get3A_299] {strides = array<i32>} : memref<128xi32, #tpu.memory_space<vmem>>, vector<16xi32>,
          %get3A_301 = vector.shape_cast %get3A_300 : vector<16xi32> to vector<16xi32>
          %add3A_302 = vector.broadcast %mul3A_5 : i32 to vector<16xi32>
          %add3A_303 = arith.addi %get3A_301, %add3A_302 : vector<16xi32>
          %swap3A_304 = arith.constant 16 : index
          %swap3A_305 = tpu.vector_load %arg7[%swap3A_304] {strides = array<i32>} : memref<128xi32, #tpu.memory_space<vmem>>, vector<16xi32>,
          %swap3A_306 = vector.shape_cast %swap3A_305 : vector<16xi32> to vector<16xi32>
          %swap3A_307 = vector.shape_cast %add3A_303 : vector<16xi32> to vector<16xi32>
          tpu.vector_store %arg7[%swap3A_304], %swap3A_307 {strides = array<i32>} : memref<128xi32, #tpu.memory_space<vmem>>, vector<16xi32>,
          %get3A_308 = arith.constant 32 : index
          %get3A_309 = tpu.vector_load %arg7[%get3A_308] {strides = array<i32>} : memref<128xi32, #tpu.memory_space<vmem>>, vector<16xi32>,
          %get3A_310 = vector.shape_cast %get3A_309 : vector<16xi32> to vector<16xi32>
          %add3A_311 = vector.broadcast %mul3A_5 : i32 to vector<16xi32>
          %add3A_312 = arith.addi %get3A_310, %add3A_311 : vector<16xi32>
          %swap3A_313 = arith.constant 32 : index
          %swap3A_314 = tpu.vector_load %arg7[%swap3A_313] {strides = array<i32>} : memref<128xi32, #tpu.memory_space<vmem>>, vector<16xi32>,
          %swap3A_315 = vector.shape_cast %swap3A_314 : vector<16xi32> to vector<16xi32>
          %swap3A_316 = vector.shape_cast %add3A_312 : vector<16xi32> to vector<16xi32>
          tpu.vector_store %arg7[%swap3A_313], %swap3A_316 {strides = array<i32>} : memref<128xi32, #tpu.memory_space<vmem>>, vector<16xi32>,
          %get3A_317 = arith.constant 48 : index
          %get3A_318 = tpu.vector_load %arg7[%get3A_317] {strides = array<i32>} : memref<128xi32, #tpu.memory_space<vmem>>, vector<16xi32>,
          %get3A_319 = vector.shape_cast %get3A_318 : vector<16xi32> to vector<16xi32>
          %add3A_320 = vector.broadcast %mul3A_5 : i32 to vector<16xi32>
          %add3A_321 = arith.addi %get3A_319, %add3A_320 : vector<16xi32>
          %swap3A_322 = arith.constant 48 : index
          %swap3A_323 = tpu.vector_load %arg7[%swap3A_322] {strides = array<i32>} : memref<128xi32, #tpu.memory_space<vmem>>, vector<16xi32>,
          %swap3A_324 = vector.shape_cast %swap3A_323 : vector<16xi32> to vector<16xi32>
          %swap3A_325 = vector.shape_cast %add3A_321 : vector<16xi32> to vector<16xi32>
          tpu.vector_store %arg7[%swap3A_322], %swap3A_325 {strides = array<i32>} : memref<128xi32, #tpu.memory_space<vmem>>, vector<16xi32>,
          %get3A_326 = arith.constant 64 : index
          %get3A_327 = tpu.vector_load %arg7[%get3A_326] {strides = array<i32>} : memref<128xi32, #tpu.memory_space<vmem>>, vector<16xi32>,
          %get3A_328 = vector.shape_cast %get3A_327 : vector<16xi32> to vector<16xi32>
          %add3A_329 = vector.broadcast %mul3A_5 : i32 to vector<16xi32>
          %add3A_330 = arith.addi %get3A_328, %add3A_329 : vector<16xi32>
          %swap3A_331 = arith.constant 64 : index
          %swap3A_332 = tpu.vector_load %arg7[%swap3A_331] {strides = array<i32>} : memref<128xi32, #tpu.memory_space<vmem>>, vector<16xi32>,
          %swap3A_333 = vector.shape_cast %swap3A_332 : vector<16xi32> to vector<16xi32>
          %swap3A_334 = vector.shape_cast %add3A_330 : vector<16xi32> to vector<16xi32>
          tpu.vector_store %arg7[%swap3A_331], %swap3A_334 {strides = array<i32>} : memref<128xi32, #tpu.memory_space<vmem>>, vector<16xi32>,
          %get3A_335 = arith.constant 80 : index
          %get3A_336 = tpu.vector_load %arg7[%get3A_335] {strides = array<i32>} : memref<128xi32, #tpu.memory_space<vmem>>, vector<16xi32>,
          %get3A_337 = vector.shape_cast %get3A_336 : vector<16xi32> to vector<16xi32>
          %add3A_338 = vector.broadcast %mul3A_5 : i32 to vector<16xi32>
          %add3A_339 = arith.addi %get3A_337, %add3A_338 : vector<16xi32>
          %swap3A_340 = arith.constant 80 : index
          %swap3A_341 = tpu.vector_load %arg7[%swap3A_340] {strides = array<i32>} : memref<128xi32, #tpu.memory_space<vmem>>, vector<16xi32>,
          %swap3A_342 = vector.shape_cast %swap3A_341 : vector<16xi32> to vector<16xi32>
          %swap3A_343 = vector.shape_cast %add3A_339 : vector<16xi32> to vector<16xi32>
          tpu.vector_store %arg7[%swap3A_340], %swap3A_343 {strides = array<i32>} : memref<128xi32, #tpu.memory_space<vmem>>, vector<16xi32>,
          %get3A_344 = arith.constant 96 : index
          %get3A_345 = tpu.vector_load %arg7[%get3A_344] {strides = array<i32>} : memref<128xi32, #tpu.memory_space<vmem>>, vector<16xi32>,
          %get3A_346 = vector.shape_cast %get3A_345 : vector<16xi32> to vector<16xi32>
          %add3A_347 = vector.broadcast %mul3A_5 : i32 to vector<16xi32>
          %add3A_348 = arith.addi %get3A_346, %add3A_347 : vector<16xi32>
          %swap3A_349 = arith.constant 96 : index
          %swap3A_350 = tpu.vector_load %arg7[%swap3A_349] {strides = array<i32>} : memref<128xi32, #tpu.memory_space<vmem>>, vector<16xi32>,
          %swap3A_351 = vector.shape_cast %swap3A_350 : vector<16xi32> to vector<16xi32>
          %swap3A_352 = vector.shape_cast %add3A_348 : vector<16xi32> to vector<16xi32>
          tpu.vector_store %arg7[%swap3A_349], %swap3A_352 {strides = array<i32>} : memref<128xi32, #tpu.memory_space<vmem>>, vector<16xi32>,
          %get3A_353 = arith.constant 112 : index
          %get3A_354 = tpu.vector_load %arg7[%get3A_353] {strides = array<i32>} : memref<128xi32, #tpu.memory_space<vmem>>, vector<16xi32>,
          %get3A_355 = vector.shape_cast %get3A_354 : vector<16xi32> to vector<16xi32>
          %add3A_356 = vector.broadcast %mul3A_5 : i32 to vector<16xi32>
          %add3A_357 = arith.addi %get3A_355, %add3A_356 : vector<16xi32>
          %swap3A_358 = arith.constant 112 : index
          %swap3A_359 = tpu.vector_load %arg7[%swap3A_358] {strides = array<i32>} : memref<128xi32, #tpu.memory_space<vmem>>, vector<16xi32>,
          %swap3A_360 = vector.shape_cast %swap3A_359 : vector<16xi32> to vector<16xi32>
          %swap3A_361 = vector.shape_cast %add3A_357 : vector<16xi32> to vector<16xi32>
          tpu.vector_store %arg7[%swap3A_358], %swap3A_361 {strides = array<i32>} : memref<128xi32, #tpu.memory_space<vmem>>, vector<16xi32>,
          %dma_start3A_362 = arith.constant 0 : i32
          %dma_start3A_363 = arith.constant 0 : i32
          %dma_start3A_364 = tpu.memref_slice %arg4[%dma_start3A_362, %dma_start3A_363] : memref<20000x128xf32, #tpu.memory_space<hbm>> -> memref<20000x128xf32, #tpu.memory_space<hbm>>
          tpu.enqueue_indirect_dma source(%dma_start3A_364 : memref<20000x128xf32, #tpu.memory_space<hbm>>) target(%arg13 : memref<128x128xf32, #tpu.memory_space<vmem>>) offsets(%arg7 : memref<128xi32, #tpu.memory_space<vmem>>) semaphore(%arg23 : memref<!tpu.dma_semaphore, #tpu.memory_space<semaphore_mem>>)
          %add3A_365 = arith.constant 2 : i32
          %add3A_366 = arith.addi %add3A_252, %add3A_365 : i32
          %mul3A_367 = arith.constant 128 : i32
          %mul3A_368 = arith.muli %add3A_366, %mul3A_367 : i32
          %add3A_369 = arith.addi %mul3A_2, %mul3A_368 : i32
          %dma_start3A_370 = tpu.memref_slice %arg3[%add3A_369] : memref<160000xi32, #tpu.memory_space<hbm>> -> memref<128xi32, #tpu.memory_space<hbm>>
          %dma_start3A_371 = tpu.memref_slice %arg3[%add3A_369] : memref<160000xi32, #tpu.memory_space<hbm>> -> memref<128xi32, #tpu.memory_space<hbm>>
          tpu.enqueue_dma source(%dma_start3A_371 : memref<128xi32, #tpu.memory_space<hbm>>) target(%arg10 : memref<128xi32, #tpu.memory_space<vmem>>) target_semaphore(%arg20 : memref<!tpu.dma_semaphore, #tpu.memory_space<semaphore_mem>>)
        } else {
        }
      } else {
      }
    }
    %while3A_202 = arith.constant 1 : i32
    scf.for %while3A_232 = %while3A_200 to %while3A_196 step %while3A_202  : i32 {
      %mul3A_233 = arith.constant 3 : i32
      %mul3A_234 = arith.muli %mul3A_233, %while3A_232 : i32
      %add3A_235 = arith.constant 0 : i32
      %add3A_236 = arith.addi %mul3A_234, %add3A_235 : i32
      %lt3A_237 = arith.cmpi slt, %add3A_236, %select_n3A : i32
      %convert_element_type3A_238 = arith.extui %lt3A_237 : i1 to i32
      %cond3A_239 = arith.constant 0 : i32
      %cond3A_240 = arith.cmpi ne, %convert_element_type3A_238, %cond3A_239 : i32
      scf.if %cond3A_240 {
        %dma_wait3A_257 = arith.constant 0 : i32
        %dma_wait3A_258 = arith.constant 0 : i32
        %dma_wait3A_259 = tpu.memref_slice %arg4[%dma_wait3A_257, %dma_wait3A_258] : memref<20000x128xf32, #tpu.memory_space<hbm>> -> memref<128x128xf32, #tpu.memory_space<hbm>>
        %dma_wait3A_260 = arith.constant 0 : i32
        %dma_wait3A_261 = arith.constant 0 : i32
        %dma_wait3A_262 = tpu.memref_slice %arg4[%dma_wait3A_260, %dma_wait3A_261] : memref<20000x128xf32, #tpu.memory_space<hbm>> -> memref<128x128xf32, #tpu.memory_space<hbm>>
        tpu.wait_dma2 semaphore(%arg22 : memref<!tpu.dma_semaphore, #tpu.memory_space<semaphore_mem>>) src(%dma_wait3A_262 : memref<128x128xf32, #tpu.memory_space<hbm>>) dst(%arg12 : memref<128x128xf32, #tpu.memory_space<vmem>>)
        %add3A_263 = arith.constant 3 : i32
        %add3A_264 = arith.addi %add3A_236, %add3A_263 : i32
        %lt3A_265 = arith.cmpi slt, %add3A_264, %select_n3A : i32
        %convert_element_type3A_266 = arith.extui %lt3A_265 : i1 to i32
        %cond3A_267 = arith.constant 0 : i32
        %cond3A_268 = arith.cmpi ne, %convert_element_type3A_266, %cond3A_267 : i32
        scf.if %cond3A_268 {
          %add3A_282 = arith.constant 3 : i32
          %add3A_283 = arith.addi %add3A_236, %add3A_282 : i32
          %mul3A_284 = arith.constant 128 : i32
          %mul3A_285 = arith.muli %add3A_283, %mul3A_284 : i32
          %add3A_286 = arith.addi %mul3A_2, %mul3A_285 : i32
          %dma_start3A_287 = tpu.memref_slice %arg2[%add3A_286] : memref<160000xi32, #tpu.memory_space<hbm>> -> memref<128xi32, #tpu.memory_space<hbm>>
          %dma_start3A_288 = tpu.memref_slice %arg2[%add3A_286] : memref<160000xi32, #tpu.memory_space<hbm>> -> memref<128xi32, #tpu.memory_space<hbm>>
          tpu.enqueue_dma source(%dma_start3A_288 : memref<128xi32, #tpu.memory_space<hbm>>) target(%arg6 : memref<128xi32, #tpu.memory_space<vmem>>) target_semaphore(%arg16 : memref<!tpu.dma_semaphore, #tpu.memory_space<semaphore_mem>>)
        } else {
        }
        %dma_wait3A_269 = arith.constant 0 : i32
        %dma_wait3A_270 = tpu.memref_slice %arg3[%dma_wait3A_269] : memref<160000xi32, #tpu.memory_space<hbm>> -> memref<128xi32, #tpu.memory_space<hbm>>
        %dma_wait3A_271 = arith.constant 0 : i32
        %dma_wait3A_272 = tpu.memref_slice %arg3[%dma_wait3A_271] : memref<160000xi32, #tpu.memory_space<hbm>> -> memref<128xi32, #tpu.memory_space<hbm>>
        tpu.wait_dma2 semaphore(%arg19 : memref<!tpu.dma_semaphore, #tpu.memory_space<semaphore_mem>>) src(%dma_wait3A_272 : memref<128xi32, #tpu.memory_space<hbm>>) dst(%arg9 : memref<128xi32, #tpu.memory_space<vmem>>)
        %dma_start3A_273 = arith.constant 0 : i32
        %dma_start3A_274 = arith.constant 0 : i32
        %dma_start3A_275 = tpu.memref_slice %arg15[%dma_start3A_273, %dma_start3A_274] : memref<10000x128xf32, #tpu.memory_space<vmem_shared>> -> memref<10000x128xf32, #tpu.memory_space<vmem_shared>>
        tpu.enqueue_indirect_dma source(%arg12 : memref<128x128xf32, #tpu.memory_space<vmem>>) target(%dma_start3A_275 : memref<10000x128xf32, #tpu.memory_space<vmem_shared>>) offsets(%arg9 : memref<128xi32, #tpu.memory_space<vmem>>) semaphore(%arg25 : memref<!tpu.dma_semaphore, #tpu.memory_space<semaphore_mem>>) {add = true}
        %add3A_276 = arith.constant 2 : i32
        %add3A_277 = arith.addi %add3A_236, %add3A_276 : i32
        %lt3A_278 = arith.cmpi slt, %add3A_277, %select_n3A : i32
        %convert_element_type3A_279 = arith.extui %lt3A_278 : i1 to i32
        %cond3A_280 = arith.constant 0 : i32
        %cond3A_281 = arith.cmpi ne, %convert_element_type3A_279, %cond3A_280 : i32
        scf.if %cond3A_281 {
          %ge3A = arith.constant 1 : i32
          %ge3A_282 = arith.cmpi sge, %add3A_236, %ge3A : i32
          %convert_element_type3A_283 = arith.extui %ge3A_282 : i1 to i32
          %cond3A_284 = arith.constant 0 : i32
          %cond3A_285 = arith.cmpi ne, %convert_element_type3A_283, %cond3A_284 : i32
          scf.if %cond3A_285 {
            %dma_wait3A_372 = arith.constant 0 : i32
            %dma_wait3A_373 = arith.constant 0 : i32
            %dma_wait3A_374 = tpu.memref_slice %arg15[%dma_wait3A_372, %dma_wait3A_373] : memref<10000x128xf32, #tpu.memory_space<vmem_shared>> -> memref<128x128xf32, #tpu.memory_space<vmem_shared>>
            %dma_wait3A_375 = arith.constant 0 : i32
            %dma_wait3A_376 = arith.constant 0 : i32
            %dma_wait3A_377 = tpu.memref_slice %arg15[%dma_wait3A_375, %dma_wait3A_376] : memref<10000x128xf32, #tpu.memory_space<vmem_shared>> -> memref<128x128xf32, #tpu.memory_space<vmem_shared>>
            tpu.wait_dma2 semaphore(%arg27 : memref<!tpu.dma_semaphore, #tpu.memory_space<semaphore_mem>>) src(%arg14 : memref<128x128xf32, #tpu.memory_space<vmem>>) dst(%dma_wait3A_377 : memref<128x128xf32, #tpu.memory_space<vmem_shared>>)
          } else {
          }
          %dma_wait3A_286 = arith.constant 0 : i32
          %dma_wait3A_287 = tpu.memref_slice %arg2[%dma_wait3A_286] : memref<160000xi32, #tpu.memory_space<hbm>> -> memref<128xi32, #tpu.memory_space<hbm>>
          %dma_wait3A_288 = arith.constant 0 : i32
          %dma_wait3A_289 = tpu.memref_slice %arg2[%dma_wait3A_288] : memref<160000xi32, #tpu.memory_space<hbm>> -> memref<128xi32, #tpu.memory_space<hbm>>
          tpu.wait_dma2 semaphore(%arg18 : memref<!tpu.dma_semaphore, #tpu.memory_space<semaphore_mem>>) src(%dma_wait3A_289 : memref<128xi32, #tpu.memory_space<hbm>>) dst(%arg8 : memref<128xi32, #tpu.memory_space<vmem>>)
          %get3A_290 = arith.constant 0 : index
          %get3A_291 = tpu.vector_load %arg8[%get3A_290] {strides = array<i32>} : memref<128xi32, #tpu.memory_space<vmem>>, vector<16xi32>,
          %get3A_292 = vector.shape_cast %get3A_291 : vector<16xi32> to vector<16xi32>
          %add3A_293 = vector.broadcast %mul3A_5 : i32 to vector<16xi32>
          %add3A_294 = arith.addi %get3A_292, %add3A_293 : vector<16xi32>
          %swap3A_295 = arith.constant 0 : index
          %swap3A_296 = tpu.vector_load %arg8[%swap3A_295] {strides = array<i32>} : memref<128xi32, #tpu.memory_space<vmem>>, vector<16xi32>,
          %swap3A_297 = vector.shape_cast %swap3A_296 : vector<16xi32> to vector<16xi32>
          %swap3A_298 = vector.shape_cast %add3A_294 : vector<16xi32> to vector<16xi32>
          tpu.vector_store %arg8[%swap3A_295], %swap3A_298 {strides = array<i32>} : memref<128xi32, #tpu.memory_space<vmem>>, vector<16xi32>,
          %get3A_299 = arith.constant 16 : index
          %get3A_300 = tpu.vector_load %arg8[%get3A_299] {strides = array<i32>} : memref<128xi32, #tpu.memory_space<vmem>>, vector<16xi32>,
          %get3A_301 = vector.shape_cast %get3A_300 : vector<16xi32> to vector<16xi32>
          %add3A_302 = vector.broadcast %mul3A_5 : i32 to vector<16xi32>
          %add3A_303 = arith.addi %get3A_301, %add3A_302 : vector<16xi32>
          %swap3A_304 = arith.constant 16 : index
          %swap3A_305 = tpu.vector_load %arg8[%swap3A_304] {strides = array<i32>} : memref<128xi32, #tpu.memory_space<vmem>>, vector<16xi32>,
          %swap3A_306 = vector.shape_cast %swap3A_305 : vector<16xi32> to vector<16xi32>
          %swap3A_307 = vector.shape_cast %add3A_303 : vector<16xi32> to vector<16xi32>
          tpu.vector_store %arg8[%swap3A_304], %swap3A_307 {strides = array<i32>} : memref<128xi32, #tpu.memory_space<vmem>>, vector<16xi32>,
          %get3A_308 = arith.constant 32 : index
          %get3A_309 = tpu.vector_load %arg8[%get3A_308] {strides = array<i32>} : memref<128xi32, #tpu.memory_space<vmem>>, vector<16xi32>,
          %get3A_310 = vector.shape_cast %get3A_309 : vector<16xi32> to vector<16xi32>
          %add3A_311 = vector.broadcast %mul3A_5 : i32 to vector<16xi32>
          %add3A_312 = arith.addi %get3A_310, %add3A_311 : vector<16xi32>
          %swap3A_313 = arith.constant 32 : index
          %swap3A_314 = tpu.vector_load %arg8[%swap3A_313] {strides = array<i32>} : memref<128xi32, #tpu.memory_space<vmem>>, vector<16xi32>,
          %swap3A_315 = vector.shape_cast %swap3A_314 : vector<16xi32> to vector<16xi32>
          %swap3A_316 = vector.shape_cast %add3A_312 : vector<16xi32> to vector<16xi32>
          tpu.vector_store %arg8[%swap3A_313], %swap3A_316 {strides = array<i32>} : memref<128xi32, #tpu.memory_space<vmem>>, vector<16xi32>,
          %get3A_317 = arith.constant 48 : index
          %get3A_318 = tpu.vector_load %arg8[%get3A_317] {strides = array<i32>} : memref<128xi32, #tpu.memory_space<vmem>>, vector<16xi32>,
          %get3A_319 = vector.shape_cast %get3A_318 : vector<16xi32> to vector<16xi32>
          %add3A_320 = vector.broadcast %mul3A_5 : i32 to vector<16xi32>
          %add3A_321 = arith.addi %get3A_319, %add3A_320 : vector<16xi32>
          %swap3A_322 = arith.constant 48 : index
          %swap3A_323 = tpu.vector_load %arg8[%swap3A_322] {strides = array<i32>} : memref<128xi32, #tpu.memory_space<vmem>>, vector<16xi32>,
          %swap3A_324 = vector.shape_cast %swap3A_323 : vector<16xi32> to vector<16xi32>
          %swap3A_325 = vector.shape_cast %add3A_321 : vector<16xi32> to vector<16xi32>
          tpu.vector_store %arg8[%swap3A_322], %swap3A_325 {strides = array<i32>} : memref<128xi32, #tpu.memory_space<vmem>>, vector<16xi32>,
          %get3A_326 = arith.constant 64 : index
          %get3A_327 = tpu.vector_load %arg8[%get3A_326] {strides = array<i32>} : memref<128xi32, #tpu.memory_space<vmem>>, vector<16xi32>,
          %get3A_328 = vector.shape_cast %get3A_327 : vector<16xi32> to vector<16xi32>
          %add3A_329 = vector.broadcast %mul3A_5 : i32 to vector<16xi32>
          %add3A_330 = arith.addi %get3A_328, %add3A_329 : vector<16xi32>
          %swap3A_331 = arith.constant 64 : index
          %swap3A_332 = tpu.vector_load %arg8[%swap3A_331] {strides = array<i32>} : memref<128xi32, #tpu.memory_space<vmem>>, vector<16xi32>,
          %swap3A_333 = vector.shape_cast %swap3A_332 : vector<16xi32> to vector<16xi32>
          %swap3A_334 = vector.shape_cast %add3A_330 : vector<16xi32> to vector<16xi32>
          tpu.vector_store %arg8[%swap3A_331], %swap3A_334 {strides = array<i32>} : memref<128xi32, #tpu.memory_space<vmem>>, vector<16xi32>,
          %get3A_335 = arith.constant 80 : index
          %get3A_336 = tpu.vector_load %arg8[%get3A_335] {strides = array<i32>} : memref<128xi32, #tpu.memory_space<vmem>>, vector<16xi32>,
          %get3A_337 = vector.shape_cast %get3A_336 : vector<16xi32> to vector<16xi32>
          %add3A_338 = vector.broadcast %mul3A_5 : i32 to vector<16xi32>
          %add3A_339 = arith.addi %get3A_337, %add3A_338 : vector<16xi32>
          %swap3A_340 = arith.constant 80 : index
          %swap3A_341 = tpu.vector_load %arg8[%swap3A_340] {strides = array<i32>} : memref<128xi32, #tpu.memory_space<vmem>>, vector<16xi32>,
          %swap3A_342 = vector.shape_cast %swap3A_341 : vector<16xi32> to vector<16xi32>
          %swap3A_343 = vector.shape_cast %add3A_339 : vector<16xi32> to vector<16xi32>
          tpu.vector_store %arg8[%swap3A_340], %swap3A_343 {strides = array<i32>} : memref<128xi32, #tpu.memory_space<vmem>>, vector<16xi32>,
          %get3A_344 = arith.constant 96 : index
          %get3A_345 = tpu.vector_load %arg8[%get3A_344] {strides = array<i32>} : memref<128xi32, #tpu.memory_space<vmem>>, vector<16xi32>,
          %get3A_346 = vector.shape_cast %get3A_345 : vector<16xi32> to vector<16xi32>
          %add3A_347 = vector.broadcast %mul3A_5 : i32 to vector<16xi32>
          %add3A_348 = arith.addi %get3A_346, %add3A_347 : vector<16xi32>
          %swap3A_349 = arith.constant 96 : index
          %swap3A_350 = tpu.vector_load %arg8[%swap3A_349] {strides = array<i32>} : memref<128xi32, #tpu.memory_space<vmem>>, vector<16xi32>,
          %swap3A_351 = vector.shape_cast %swap3A_350 : vector<16xi32> to vector<16xi32>
          %swap3A_352 = vector.shape_cast %add3A_348 : vector<16xi32> to vector<16xi32>
          tpu.vector_store %arg8[%swap3A_349], %swap3A_352 {strides = array<i32>} : memref<128xi32, #tpu.memory_space<vmem>>, vector<16xi32>,
          %get3A_353 = arith.constant 112 : index
          %get3A_354 = tpu.vector_load %arg8[%get3A_353] {strides = array<i32>} : memref<128xi32, #tpu.memory_space<vmem>>, vector<16xi32>,
          %get3A_355 = vector.shape_cast %get3A_354 : vector<16xi32> to vector<16xi32>
          %add3A_356 = vector.broadcast %mul3A_5 : i32 to vector<16xi32>
          %add3A_357 = arith.addi %get3A_355, %add3A_356 : vector<16xi32>
          %swap3A_358 = arith.constant 112 : index
          %swap3A_359 = tpu.vector_load %arg8[%swap3A_358] {strides = array<i32>} : memref<128xi32, #tpu.memory_space<vmem>>, vector<16xi32>,
          %swap3A_360 = vector.shape_cast %swap3A_359 : vector<16xi32> to vector<16xi32>
          %swap3A_361 = vector.shape_cast %add3A_357 : vector<16xi32> to vector<16xi32>
          tpu.vector_store %arg8[%swap3A_358], %swap3A_361 {strides = array<i32>} : memref<128xi32, #tpu.memory_space<vmem>>, vector<16xi32>,
          %dma_start3A_362 = arith.constant 0 : i32
          %dma_start3A_363 = arith.constant 0 : i32
          %dma_start3A_364 = tpu.memref_slice %arg4[%dma_start3A_362, %dma_start3A_363] : memref<20000x128xf32, #tpu.memory_space<hbm>> -> memref<20000x128xf32, #tpu.memory_space<hbm>>
          tpu.enqueue_indirect_dma source(%dma_start3A_364 : memref<20000x128xf32, #tpu.memory_space<hbm>>) target(%arg14 : memref<128x128xf32, #tpu.memory_space<vmem>>) offsets(%arg8 : memref<128xi32, #tpu.memory_space<vmem>>) semaphore(%arg24 : memref<!tpu.dma_semaphore, #tpu.memory_space<semaphore_mem>>)
          %add3A_365 = arith.constant 2 : i32
          %add3A_366 = arith.addi %add3A_236, %add3A_365 : i32
          %mul3A_367 = arith.constant 128 : i32
          %mul3A_368 = arith.muli %add3A_366, %mul3A_367 : i32
          %add3A_369 = arith.addi %mul3A_2, %mul3A_368 : i32
          %dma_start3A_370 = tpu.memref_slice %arg3[%add3A_369] : memref<160000xi32, #tpu.memory_space<hbm>> -> memref<128xi32, #tpu.memory_space<hbm>>
          %dma_start3A_371 = tpu.memref_slice %arg3[%add3A_369] : memref<160000xi32, #tpu.memory_space<hbm>> -> memref<128xi32, #tpu.memory_space<hbm>>
          tpu.enqueue_dma source(%dma_start3A_371 : memref<128xi32, #tpu.memory_space<hbm>>) target(%arg11 : memref<128xi32, #tpu.memory_space<vmem>>) target_semaphore(%arg21 : memref<!tpu.dma_semaphore, #tpu.memory_space<semaphore_mem>>)
        } else {
        }
      } else {
      }
      %mul3A_241 = arith.constant 3 : i32
      %mul3A_242 = arith.muli %mul3A_241, %while3A_232 : i32
      %add3A_243 = arith.constant 1 : i32
      %add3A_244 = arith.addi %mul3A_242, %add3A_243 : i32
      %lt3A_245 = arith.cmpi slt, %add3A_244, %select_n3A : i32
      %convert_element_type3A_246 = arith.extui %lt3A_245 : i1 to i32
      %cond3A_247 = arith.constant 0 : i32
      %cond3A_248 = arith.cmpi ne, %convert_element_type3A_246, %cond3A_247 : i32
      scf.if %cond3A_248 {
        %dma_wait3A_257 = arith.constant 0 : i32
        %dma_wait3A_258 = arith.constant 0 : i32
        %dma_wait3A_259 = tpu.memref_slice %arg4[%dma_wait3A_257, %dma_wait3A_258] : memref<20000x128xf32, #tpu.memory_space<hbm>> -> memref<128x128xf32, #tpu.memory_space<hbm>>
        %dma_wait3A_260 = arith.constant 0 : i32
        %dma_wait3A_261 = arith.constant 0 : i32
        %dma_wait3A_262 = tpu.memref_slice %arg4[%dma_wait3A_260, %dma_wait3A_261] : memref<20000x128xf32, #tpu.memory_space<hbm>> -> memref<128x128xf32, #tpu.memory_space<hbm>>
        tpu.wait_dma2 semaphore(%arg23 : memref<!tpu.dma_semaphore, #tpu.memory_space<semaphore_mem>>) src(%dma_wait3A_262 : memref<128x128xf32, #tpu.memory_space<hbm>>) dst(%arg13 : memref<128x128xf32, #tpu.memory_space<vmem>>)
        %add3A_263 = arith.constant 3 : i32
        %add3A_264 = arith.addi %add3A_244, %add3A_263 : i32
        %lt3A_265 = arith.cmpi slt, %add3A_264, %select_n3A : i32
        %convert_element_type3A_266 = arith.extui %lt3A_265 : i1 to i32
        %cond3A_267 = arith.constant 0 : i32
        %cond3A_268 = arith.cmpi ne, %convert_element_type3A_266, %cond3A_267 : i32
        scf.if %cond3A_268 {
          %add3A_282 = arith.constant 3 : i32
          %add3A_283 = arith.addi %add3A_244, %add3A_282 : i32
          %mul3A_284 = arith.constant 128 : i32
          %mul3A_285 = arith.muli %add3A_283, %mul3A_284 : i32
          %add3A_286 = arith.addi %mul3A_2, %mul3A_285 : i32
          %dma_start3A_287 = tpu.memref_slice %arg2[%add3A_286] : memref<160000xi32, #tpu.memory_space<hbm>> -> memref<128xi32, #tpu.memory_space<hbm>>
          %dma_start3A_288 = tpu.memref_slice %arg2[%add3A_286] : memref<160000xi32, #tpu.memory_space<hbm>> -> memref<128xi32, #tpu.memory_space<hbm>>
          tpu.enqueue_dma source(%dma_start3A_288 : memref<128xi32, #tpu.memory_space<hbm>>) target(%arg7 : memref<128xi32, #tpu.memory_space<vmem>>) target_semaphore(%arg17 : memref<!tpu.dma_semaphore, #tpu.memory_space<semaphore_mem>>)
        } else {
        }
        %dma_wait3A_269 = arith.constant 0 : i32
        %dma_wait3A_270 = tpu.memref_slice %arg3[%dma_wait3A_269] : memref<160000xi32, #tpu.memory_space<hbm>> -> memref<128xi32, #tpu.memory_space<hbm>>
        %dma_wait3A_271 = arith.constant 0 : i32
        %dma_wait3A_272 = tpu.memref_slice %arg3[%dma_wait3A_271] : memref<160000xi32, #tpu.memory_space<hbm>> -> memref<128xi32, #tpu.memory_space<hbm>>
        tpu.wait_dma2 semaphore(%arg20 : memref<!tpu.dma_semaphore, #tpu.memory_space<semaphore_mem>>) src(%dma_wait3A_272 : memref<128xi32, #tpu.memory_space<hbm>>) dst(%arg10 : memref<128xi32, #tpu.memory_space<vmem>>)
        %dma_start3A_273 = arith.constant 0 : i32
        %dma_start3A_274 = arith.constant 0 : i32
        %dma_start3A_275 = tpu.memref_slice %arg15[%dma_start3A_273, %dma_start3A_274] : memref<10000x128xf32, #tpu.memory_space<vmem_shared>> -> memref<10000x128xf32, #tpu.memory_space<vmem_shared>>
        tpu.enqueue_indirect_dma source(%arg13 : memref<128x128xf32, #tpu.memory_space<vmem>>) target(%dma_start3A_275 : memref<10000x128xf32, #tpu.memory_space<vmem_shared>>) offsets(%arg10 : memref<128xi32, #tpu.memory_space<vmem>>) semaphore(%arg26 : memref<!tpu.dma_semaphore, #tpu.memory_space<semaphore_mem>>) {add = true}
        %add3A_276 = arith.constant 2 : i32
        %add3A_277 = arith.addi %add3A_244, %add3A_276 : i32
        %lt3A_278 = arith.cmpi slt, %add3A_277, %select_n3A : i32
        %convert_element_type3A_279 = arith.extui %lt3A_278 : i1 to i32
        %cond3A_280 = arith.constant 0 : i32
        %cond3A_281 = arith.cmpi ne, %convert_element_type3A_279, %cond3A_280 : i32
        scf.if %cond3A_281 {
          %ge3A = arith.constant 1 : i32
          %ge3A_282 = arith.cmpi sge, %add3A_244, %ge3A : i32
          %convert_element_type3A_283 = arith.extui %ge3A_282 : i1 to i32
          %cond3A_284 = arith.constant 0 : i32
          %cond3A_285 = arith.cmpi ne, %convert_element_type3A_283, %cond3A_284 : i32
          scf.if %cond3A_285 {
            %dma_wait3A_372 = arith.constant 0 : i32
            %dma_wait3A_373 = arith.constant 0 : i32
            %dma_wait3A_374 = tpu.memref_slice %arg15[%dma_wait3A_372, %dma_wait3A_373] : memref<10000x128xf32, #tpu.memory_space<vmem_shared>> -> memref<128x128xf32, #tpu.memory_space<vmem_shared>>
            %dma_wait3A_375 = arith.constant 0 : i32
            %dma_wait3A_376 = arith.constant 0 : i32
            %dma_wait3A_377 = tpu.memref_slice %arg15[%dma_wait3A_375, %dma_wait3A_376] : memref<10000x128xf32, #tpu.memory_space<vmem_shared>> -> memref<128x128xf32, #tpu.memory_space<vmem_shared>>
            tpu.wait_dma2 semaphore(%arg25 : memref<!tpu.dma_semaphore, #tpu.memory_space<semaphore_mem>>) src(%arg12 : memref<128x128xf32, #tpu.memory_space<vmem>>) dst(%dma_wait3A_377 : memref<128x128xf32, #tpu.memory_space<vmem_shared>>)
          } else {
          }
          %dma_wait3A_286 = arith.constant 0 : i32
          %dma_wait3A_287 = tpu.memref_slice %arg2[%dma_wait3A_286] : memref<160000xi32, #tpu.memory_space<hbm>> -> memref<128xi32, #tpu.memory_space<hbm>>
          %dma_wait3A_288 = arith.constant 0 : i32
          %dma_wait3A_289 = tpu.memref_slice %arg2[%dma_wait3A_288] : memref<160000xi32, #tpu.memory_space<hbm>> -> memref<128xi32, #tpu.memory_space<hbm>>
          tpu.wait_dma2 semaphore(%arg16 : memref<!tpu.dma_semaphore, #tpu.memory_space<semaphore_mem>>) src(%dma_wait3A_289 : memref<128xi32, #tpu.memory_space<hbm>>) dst(%arg6 : memref<128xi32, #tpu.memory_space<vmem>>)
          %get3A_290 = arith.constant 0 : index
          %get3A_291 = tpu.vector_load %arg6[%get3A_290] {strides = array<i32>} : memref<128xi32, #tpu.memory_space<vmem>>, vector<16xi32>,
          %get3A_292 = vector.shape_cast %get3A_291 : vector<16xi32> to vector<16xi32>
          %add3A_293 = vector.broadcast %mul3A_5 : i32 to vector<16xi32>
          %add3A_294 = arith.addi %get3A_292, %add3A_293 : vector<16xi32>
          %swap3A_295 = arith.constant 0 : index
          %swap3A_296 = tpu.vector_load %arg6[%swap3A_295] {strides = array<i32>} : memref<128xi32, #tpu.memory_space<vmem>>, vector<16xi32>,
          %swap3A_297 = vector.shape_cast %swap3A_296 : vector<16xi32> to vector<16xi32>
          %swap3A_298 = vector.shape_cast %add3A_294 : vector<16xi32> to vector<16xi32>
          tpu.vector_store %arg6[%swap3A_295], %swap3A_298 {strides = array<i32>} : memref<128xi32, #tpu.memory_space<vmem>>, vector<16xi32>,
          %get3A_299 = arith.constant 16 : index
          %get3A_300 = tpu.vector_load %arg6[%get3A_299] {strides = array<i32>} : memref<128xi32, #tpu.memory_space<vmem>>, vector<16xi32>,
          %get3A_301 = vector.shape_cast %get3A_300 : vector<16xi32> to vector<16xi32>
          %add3A_302 = vector.broadcast %mul3A_5 : i32 to vector<16xi32>
          %add3A_303 = arith.addi %get3A_301, %add3A_302 : vector<16xi32>
          %swap3A_304 = arith.constant 16 : index
          %swap3A_305 = tpu.vector_load %arg6[%swap3A_304] {strides = array<i32>} : memref<128xi32, #tpu.memory_space<vmem>>, vector<16xi32>,
          %swap3A_306 = vector.shape_cast %swap3A_305 : vector<16xi32> to vector<16xi32>
          %swap3A_307 = vector.shape_cast %add3A_303 : vector<16xi32> to vector<16xi32>
          tpu.vector_store %arg6[%swap3A_304], %swap3A_307 {strides = array<i32>} : memref<128xi32, #tpu.memory_space<vmem>>, vector<16xi32>,
          %get3A_308 = arith.constant 32 : index
          %get3A_309 = tpu.vector_load %arg6[%get3A_308] {strides = array<i32>} : memref<128xi32, #tpu.memory_space<vmem>>, vector<16xi32>,
          %get3A_310 = vector.shape_cast %get3A_309 : vector<16xi32> to vector<16xi32>
          %add3A_311 = vector.broadcast %mul3A_5 : i32 to vector<16xi32>
          %add3A_312 = arith.addi %get3A_310, %add3A_311 : vector<16xi32>
          %swap3A_313 = arith.constant 32 : index
          %swap3A_314 = tpu.vector_load %arg6[%swap3A_313] {strides = array<i32>} : memref<128xi32, #tpu.memory_space<vmem>>, vector<16xi32>,
          %swap3A_315 = vector.shape_cast %swap3A_314 : vector<16xi32> to vector<16xi32>
          %swap3A_316 = vector.shape_cast %add3A_312 : vector<16xi32> to vector<16xi32>
          tpu.vector_store %arg6[%swap3A_313], %swap3A_316 {strides = array<i32>} : memref<128xi32, #tpu.memory_space<vmem>>, vector<16xi32>,
          %get3A_317 = arith.constant 48 : index
          %get3A_318 = tpu.vector_load %arg6[%get3A_317] {strides = array<i32>} : memref<128xi32, #tpu.memory_space<vmem>>, vector<16xi32>,
          %get3A_319 = vector.shape_cast %get3A_318 : vector<16xi32> to vector<16xi32>
          %add3A_320 = vector.broadcast %mul3A_5 : i32 to vector<16xi32>
          %add3A_321 = arith.addi %get3A_319, %add3A_320 : vector<16xi32>
          %swap3A_322 = arith.constant 48 : index
          %swap3A_323 = tpu.vector_load %arg6[%swap3A_322] {strides = array<i32>} : memref<128xi32, #tpu.memory_space<vmem>>, vector<16xi32>,
          %swap3A_324 = vector.shape_cast %swap3A_323 : vector<16xi32> to vector<16xi32>
          %swap3A_325 = vector.shape_cast %add3A_321 : vector<16xi32> to vector<16xi32>
          tpu.vector_store %arg6[%swap3A_322], %swap3A_325 {strides = array<i32>} : memref<128xi32, #tpu.memory_space<vmem>>, vector<16xi32>,
          %get3A_326 = arith.constant 64 : index
          %get3A_327 = tpu.vector_load %arg6[%get3A_326] {strides = array<i32>} : memref<128xi32, #tpu.memory_space<vmem>>, vector<16xi32>,
          %get3A_328 = vector.shape_cast %get3A_327 : vector<16xi32> to vector<16xi32>
          %add3A_329 = vector.broadcast %mul3A_5 : i32 to vector<16xi32>
          %add3A_330 = arith.addi %get3A_328, %add3A_329 : vector<16xi32>
          %swap3A_331 = arith.constant 64 : index
          %swap3A_332 = tpu.vector_load %arg6[%swap3A_331] {strides = array<i32>} : memref<128xi32, #tpu.memory_space<vmem>>, vector<16xi32>,
          %swap3A_333 = vector.shape_cast %swap3A_332 : vector<16xi32> to vector<16xi32>
          %swap3A_334 = vector.shape_cast %add3A_330 : vector<16xi32> to vector<16xi32>
          tpu.vector_store %arg6[%swap3A_331], %swap3A_334 {strides = array<i32>} : memref<128xi32, #tpu.memory_space<vmem>>, vector<16xi32>,
          %get3A_335 = arith.constant 80 : index
          %get3A_336 = tpu.vector_load %arg6[%get3A_335] {strides = array<i32>} : memref<128xi32, #tpu.memory_space<vmem>>, vector<16xi32>,
          %get3A_337 = vector.shape_cast %get3A_336 : vector<16xi32> to vector<16xi32>
          %add3A_338 = vector.broadcast %mul3A_5 : i32 to vector<16xi32>
          %add3A_339 = arith.addi %get3A_337, %add3A_338 : vector<16xi32>
          %swap3A_340 = arith.constant 80 : index
          %swap3A_341 = tpu.vector_load %arg6[%swap3A_340] {strides = array<i32>} : memref<128xi32, #tpu.memory_space<vmem>>, vector<16xi32>,
          %swap3A_342 = vector.shape_cast %swap3A_341 : vector<16xi32> to vector<16xi32>
          %swap3A_343 = vector.shape_cast %add3A_339 : vector<16xi32> to vector<16xi32>
          tpu.vector_store %arg6[%swap3A_340], %swap3A_343 {strides = array<i32>} : memref<128xi32, #tpu.memory_space<vmem>>, vector<16xi32>,
          %get3A_344 = arith.constant 96 : index
          %get3A_345 = tpu.vector_load %arg6[%get3A_344] {strides = array<i32>} : memref<128xi32, #tpu.memory_space<vmem>>, vector<16xi32>,
          %get3A_346 = vector.shape_cast %get3A_345 : vector<16xi32> to vector<16xi32>
          %add3A_347 = vector.broadcast %mul3A_5 : i32 to vector<16xi32>
          %add3A_348 = arith.addi %get3A_346, %add3A_347 : vector<16xi32>
          %swap3A_349 = arith.constant 96 : index
          %swap3A_350 = tpu.vector_load %arg6[%swap3A_349] {strides = array<i32>} : memref<128xi32, #tpu.memory_space<vmem>>, vector<16xi32>,
          %swap3A_351 = vector.shape_cast %swap3A_350 : vector<16xi32> to vector<16xi32>
          %swap3A_352 = vector.shape_cast %add3A_348 : vector<16xi32> to vector<16xi32>
          tpu.vector_store %arg6[%swap3A_349], %swap3A_352 {strides = array<i32>} : memref<128xi32, #tpu.memory_space<vmem>>, vector<16xi32>,
          %get3A_353 = arith.constant 112 : index
          %get3A_354 = tpu.vector_load %arg6[%get3A_353] {strides = array<i32>} : memref<128xi32, #tpu.memory_space<vmem>>, vector<16xi32>,
          %get3A_355 = vector.shape_cast %get3A_354 : vector<16xi32> to vector<16xi32>
          %add3A_356 = vector.broadcast %mul3A_5 : i32 to vector<16xi32>
          %add3A_357 = arith.addi %get3A_355, %add3A_356 : vector<16xi32>
          %swap3A_358 = arith.constant 112 : index
          %swap3A_359 = tpu.vector_load %arg6[%swap3A_358] {strides = array<i32>} : memref<128xi32, #tpu.memory_space<vmem>>, vector<16xi32>,
          %swap3A_360 = vector.shape_cast %swap3A_359 : vector<16xi32> to vector<16xi32>
          %swap3A_361 = vector.shape_cast %add3A_357 : vector<16xi32> to vector<16xi32>
          tpu.vector_store %arg6[%swap3A_358], %swap3A_361 {strides = array<i32>} : memref<128xi32, #tpu.memory_space<vmem>>, vector<16xi32>,
          %dma_start3A_362 = arith.constant 0 : i32
          %dma_start3A_363 = arith.constant 0 : i32
          %dma_start3A_364 = tpu.memref_slice %arg4[%dma_start3A_362, %dma_start3A_363] : memref<20000x128xf32, #tpu.memory_space<hbm>> -> memref<20000x128xf32, #tpu.memory_space<hbm>>
          tpu.enqueue_indirect_dma source(%dma_start3A_364 : memref<20000x128xf32, #tpu.memory_space<hbm>>) target(%arg12 : memref<128x128xf32, #tpu.memory_space<vmem>>) offsets(%arg6 : memref<128xi32, #tpu.memory_space<vmem>>) semaphore(%arg22 : memref<!tpu.dma_semaphore, #tpu.memory_space<semaphore_mem>>)
          %add3A_365 = arith.constant 2 : i32
          %add3A_366 = arith.addi %add3A_244, %add3A_365 : i32
          %mul3A_367 = arith.constant 128 : i32
          %mul3A_368 = arith.muli %add3A_366, %mul3A_367 : i32
          %add3A_369 = arith.addi %mul3A_2, %mul3A_368 : i32
          %dma_start3A_370 = tpu.memref_slice %arg3[%add3A_369] : memref<160000xi32, #tpu.memory_space<hbm>> -> memref<128xi32, #tpu.memory_space<hbm>>
          %dma_start3A_371 = tpu.memref_slice %arg3[%add3A_369] : memref<160000xi32, #tpu.memory_space<hbm>> -> memref<128xi32, #tpu.memory_space<hbm>>
          tpu.enqueue_dma source(%dma_start3A_371 : memref<128xi32, #tpu.memory_space<hbm>>) target(%arg9 : memref<128xi32, #tpu.memory_space<vmem>>) target_semaphore(%arg19 : memref<!tpu.dma_semaphore, #tpu.memory_space<semaphore_mem>>)
        } else {
        }
      } else {
      }
      %mul3A_249 = arith.constant 3 : i32
      %mul3A_250 = arith.muli %mul3A_249, %while3A_232 : i32
      %add3A_251 = arith.constant 2 : i32
      %add3A_252 = arith.addi %mul3A_250, %add3A_251 : i32
      %lt3A_253 = arith.cmpi slt, %add3A_252, %select_n3A : i32
      %convert_element_type3A_254 = arith.extui %lt3A_253 : i1 to i32
      %cond3A_255 = arith.constant 0 : i32
      %cond3A_256 = arith.cmpi ne, %convert_element_type3A_254, %cond3A_255 : i32
      scf.if %cond3A_256 {
        %dma_wait3A_257 = arith.constant 0 : i32
        %dma_wait3A_258 = arith.constant 0 : i32
        %dma_wait3A_259 = tpu.memref_slice %arg4[%dma_wait3A_257, %dma_wait3A_258] : memref<20000x128xf32, #tpu.memory_space<hbm>> -> memref<128x128xf32, #tpu.memory_space<hbm>>
        %dma_wait3A_260 = arith.constant 0 : i32
        %dma_wait3A_261 = arith.constant 0 : i32
        %dma_wait3A_262 = tpu.memref_slice %arg4[%dma_wait3A_260, %dma_wait3A_261] : memref<20000x128xf32, #tpu.memory_space<hbm>> -> memref<128x128xf32, #tpu.memory_space<hbm>>
        tpu.wait_dma2 semaphore(%arg24 : memref<!tpu.dma_semaphore, #tpu.memory_space<semaphore_mem>>) src(%dma_wait3A_262 : memref<128x128xf32, #tpu.memory_space<hbm>>) dst(%arg14 : memref<128x128xf32, #tpu.memory_space<vmem>>)
        %add3A_263 = arith.constant 3 : i32
        %add3A_264 = arith.addi %add3A_252, %add3A_263 : i32
        %lt3A_265 = arith.cmpi slt, %add3A_264, %select_n3A : i32
        %convert_element_type3A_266 = arith.extui %lt3A_265 : i1 to i32
        %cond3A_267 = arith.constant 0 : i32
        %cond3A_268 = arith.cmpi ne, %convert_element_type3A_266, %cond3A_267 : i32
        scf.if %cond3A_268 {
          %add3A_282 = arith.constant 3 : i32
          %add3A_283 = arith.addi %add3A_252, %add3A_282 : i32
          %mul3A_284 = arith.constant 128 : i32
          %mul3A_285 = arith.muli %add3A_283, %mul3A_284 : i32
          %add3A_286 = arith.addi %mul3A_2, %mul3A_285 : i32
          %dma_start3A_287 = tpu.memref_slice %arg2[%add3A_286] : memref<160000xi32, #tpu.memory_space<hbm>> -> memref<128xi32, #tpu.memory_space<hbm>>
          %dma_start3A_288 = tpu.memref_slice %arg2[%add3A_286] : memref<160000xi32, #tpu.memory_space<hbm>> -> memref<128xi32, #tpu.memory_space<hbm>>
          tpu.enqueue_dma source(%dma_start3A_288 : memref<128xi32, #tpu.memory_space<hbm>>) target(%arg8 : memref<128xi32, #tpu.memory_space<vmem>>) target_semaphore(%arg18 : memref<!tpu.dma_semaphore, #tpu.memory_space<semaphore_mem>>)
        } else {
        }
        %dma_wait3A_269 = arith.constant 0 : i32
        %dma_wait3A_270 = tpu.memref_slice %arg3[%dma_wait3A_269] : memref<160000xi32, #tpu.memory_space<hbm>> -> memref<128xi32, #tpu.memory_space<hbm>>
        %dma_wait3A_271 = arith.constant 0 : i32
        %dma_wait3A_272 = tpu.memref_slice %arg3[%dma_wait3A_271] : memref<160000xi32, #tpu.memory_space<hbm>> -> memref<128xi32, #tpu.memory_space<hbm>>
        tpu.wait_dma2 semaphore(%arg21 : memref<!tpu.dma_semaphore, #tpu.memory_space<semaphore_mem>>) src(%dma_wait3A_272 : memref<128xi32, #tpu.memory_space<hbm>>) dst(%arg11 : memref<128xi32, #tpu.memory_space<vmem>>)
        %dma_start3A_273 = arith.constant 0 : i32
        %dma_start3A_274 = arith.constant 0 : i32
        %dma_start3A_275 = tpu.memref_slice %arg15[%dma_start3A_273, %dma_start3A_274] : memref<10000x128xf32, #tpu.memory_space<vmem_shared>> -> memref<10000x128xf32, #tpu.memory_space<vmem_shared>>
        tpu.enqueue_indirect_dma source(%arg14 : memref<128x128xf32, #tpu.memory_space<vmem>>) target(%dma_start3A_275 : memref<10000x128xf32, #tpu.memory_space<vmem_shared>>) offsets(%arg11 : memref<128xi32, #tpu.memory_space<vmem>>) semaphore(%arg27 : memref<!tpu.dma_semaphore, #tpu.memory_space<semaphore_mem>>) {add = true}
        %add3A_276 = arith.constant 2 : i32
        %add3A_277 = arith.addi %add3A_252, %add3A_276 : i32
        %lt3A_278 = arith.cmpi slt, %add3A_277, %select_n3A : i32
        %convert_element_type3A_279 = arith.extui %lt3A_278 : i1 to i32
        %cond3A_280 = arith.constant 0 : i32
        %cond3A_281 = arith.cmpi ne, %convert_element_type3A_279, %cond3A_280 : i32
        scf.if %cond3A_281 {
          %ge3A = arith.constant 1 : i32
          %ge3A_282 = arith.cmpi sge, %add3A_252, %ge3A : i32
          %convert_element_type3A_283 = arith.extui %ge3A_282 : i1 to i32
          %cond3A_284 = arith.constant 0 : i32
          %cond3A_285 = arith.cmpi ne, %convert_element_type3A_283, %cond3A_284 : i32
          scf.if %cond3A_285 {
            %dma_wait3A_372 = arith.constant 0 : i32
            %dma_wait3A_373 = arith.constant 0 : i32
            %dma_wait3A_374 = tpu.memref_slice %arg15[%dma_wait3A_372, %dma_wait3A_373] : memref<10000x128xf32, #tpu.memory_space<vmem_shared>> -> memref<128x128xf32, #tpu.memory_space<vmem_shared>>
            %dma_wait3A_375 = arith.constant 0 : i32
            %dma_wait3A_376 = arith.constant 0 : i32
            %dma_wait3A_377 = tpu.memref_slice %arg15[%dma_wait3A_375, %dma_wait3A_376] : memref<10000x128xf32, #tpu.memory_space<vmem_shared>> -> memref<128x128xf32, #tpu.memory_space<vmem_shared>>
            tpu.wait_dma2 semaphore(%arg26 : memref<!tpu.dma_semaphore, #tpu.memory_space<semaphore_mem>>) src(%arg13 : memref<128x128xf32, #tpu.memory_space<vmem>>) dst(%dma_wait3A_377 : memref<128x128xf32, #tpu.memory_space<vmem_shared>>)
          } else {
          }
          %dma_wait3A_286 = arith.constant 0 : i32
          %dma_wait3A_287 = tpu.memref_slice %arg2[%dma_wait3A_286] : memref<160000xi32, #tpu.memory_space<hbm>> -> memref<128xi32, #tpu.memory_space<hbm>>
          %dma_wait3A_288 = arith.constant 0 : i32
          %dma_wait3A_289 = tpu.memref_slice %arg2[%dma_wait3A_288] : memref<160000xi32, #tpu.memory_space<hbm>> -> memref<128xi32, #tpu.memory_space<hbm>>
          tpu.wait_dma2 semaphore(%arg17 : memref<!tpu.dma_semaphore, #tpu.memory_space<semaphore_mem>>) src(%dma_wait3A_289 : memref<128xi32, #tpu.memory_space<hbm>>) dst(%arg7 : memref<128xi32, #tpu.memory_space<vmem>>)
          %get3A_290 = arith.constant 0 : index
          %get3A_291 = tpu.vector_load %arg7[%get3A_290] {strides = array<i32>} : memref<128xi32, #tpu.memory_space<vmem>>, vector<16xi32>,
          %get3A_292 = vector.shape_cast %get3A_291 : vector<16xi32> to vector<16xi32>
          %add3A_293 = vector.broadcast %mul3A_5 : i32 to vector<16xi32>
          %add3A_294 = arith.addi %get3A_292, %add3A_293 : vector<16xi32>
          %swap3A_295 = arith.constant 0 : index
          %swap3A_296 = tpu.vector_load %arg7[%swap3A_295] {strides = array<i32>} : memref<128xi32, #tpu.memory_space<vmem>>, vector<16xi32>,
          %swap3A_297 = vector.shape_cast %swap3A_296 : vector<16xi32> to vector<16xi32>
          %swap3A_298 = vector.shape_cast %add3A_294 : vector<16xi32> to vector<16xi32>
          tpu.vector_store %arg7[%swap3A_295], %swap3A_298 {strides = array<i32>} : memref<128xi32, #tpu.memory_space<vmem>>, vector<16xi32>,
          %get3A_299 = arith.constant 16 : index
          %get3A_300 = tpu.vector_load %arg7[%get3A_299] {strides = array<i32>} : memref<128xi32, #tpu.memory_space<vmem>>, vector<16xi32>,
          %get3A_301 = vector.shape_cast %get3A_300 : vector<16xi32> to vector<16xi32>
          %add3A_302 = vector.broadcast %mul3A_5 : i32 to vector<16xi32>
          %add3A_303 = arith.addi %get3A_301, %add3A_302 : vector<16xi32>
          %swap3A_304 = arith.constant 16 : index
          %swap3A_305 = tpu.vector_load %arg7[%swap3A_304] {strides = array<i32>} : memref<128xi32, #tpu.memory_space<vmem>>, vector<16xi32>,
          %swap3A_306 = vector.shape_cast %swap3A_305 : vector<16xi32> to vector<16xi32>
          %swap3A_307 = vector.shape_cast %add3A_303 : vector<16xi32> to vector<16xi32>
          tpu.vector_store %arg7[%swap3A_304], %swap3A_307 {strides = array<i32>} : memref<128xi32, #tpu.memory_space<vmem>>, vector<16xi32>,
          %get3A_308 = arith.constant 32 : index
          %get3A_309 = tpu.vector_load %arg7[%get3A_308] {strides = array<i32>} : memref<128xi32, #tpu.memory_space<vmem>>, vector<16xi32>,
          %get3A_310 = vector.shape_cast %get3A_309 : vector<16xi32> to vector<16xi32>
          %add3A_311 = vector.broadcast %mul3A_5 : i32 to vector<16xi32>
          %add3A_312 = arith.addi %get3A_310, %add3A_311 : vector<16xi32>
          %swap3A_313 = arith.constant 32 : index
          %swap3A_314 = tpu.vector_load %arg7[%swap3A_313] {strides = array<i32>} : memref<128xi32, #tpu.memory_space<vmem>>, vector<16xi32>,
          %swap3A_315 = vector.shape_cast %swap3A_314 : vector<16xi32> to vector<16xi32>
          %swap3A_316 = vector.shape_cast %add3A_312 : vector<16xi32> to vector<16xi32>
          tpu.vector_store %arg7[%swap3A_313], %swap3A_316 {strides = array<i32>} : memref<128xi32, #tpu.memory_space<vmem>>, vector<16xi32>,
          %get3A_317 = arith.constant 48 : index
          %get3A_318 = tpu.vector_load %arg7[%get3A_317] {strides = array<i32>} : memref<128xi32, #tpu.memory_space<vmem>>, vector<16xi32>,
          %get3A_319 = vector.shape_cast %get3A_318 : vector<16xi32> to vector<16xi32>
          %add3A_320 = vector.broadcast %mul3A_5 : i32 to vector<16xi32>
          %add3A_321 = arith.addi %get3A_319, %add3A_320 : vector<16xi32>
          %swap3A_322 = arith.constant 48 : index
          %swap3A_323 = tpu.vector_load %arg7[%swap3A_322] {strides = array<i32>} : memref<128xi32, #tpu.memory_space<vmem>>, vector<16xi32>,
          %swap3A_324 = vector.shape_cast %swap3A_323 : vector<16xi32> to vector<16xi32>
          %swap3A_325 = vector.shape_cast %add3A_321 : vector<16xi32> to vector<16xi32>
          tpu.vector_store %arg7[%swap3A_322], %swap3A_325 {strides = array<i32>} : memref<128xi32, #tpu.memory_space<vmem>>, vector<16xi32>,
          %get3A_326 = arith.constant 64 : index
          %get3A_327 = tpu.vector_load %arg7[%get3A_326] {strides = array<i32>} : memref<128xi32, #tpu.memory_space<vmem>>, vector<16xi32>,
          %get3A_328 = vector.shape_cast %get3A_327 : vector<16xi32> to vector<16xi32>
          %add3A_329 = vector.broadcast %mul3A_5 : i32 to vector<16xi32>
          %add3A_330 = arith.addi %get3A_328, %add3A_329 : vector<16xi32>
          %swap3A_331 = arith.constant 64 : index
          %swap3A_332 = tpu.vector_load %arg7[%swap3A_331] {strides = array<i32>} : memref<128xi32, #tpu.memory_space<vmem>>, vector<16xi32>,
          %swap3A_333 = vector.shape_cast %swap3A_332 : vector<16xi32> to vector<16xi32>
          %swap3A_334 = vector.shape_cast %add3A_330 : vector<16xi32> to vector<16xi32>
          tpu.vector_store %arg7[%swap3A_331], %swap3A_334 {strides = array<i32>} : memref<128xi32, #tpu.memory_space<vmem>>, vector<16xi32>,
          %get3A_335 = arith.constant 80 : index
          %get3A_336 = tpu.vector_load %arg7[%get3A_335] {strides = array<i32>} : memref<128xi32, #tpu.memory_space<vmem>>, vector<16xi32>,
          %get3A_337 = vector.shape_cast %get3A_336 : vector<16xi32> to vector<16xi32>
          %add3A_338 = vector.broadcast %mul3A_5 : i32 to vector<16xi32>
          %add3A_339 = arith.addi %get3A_337, %add3A_338 : vector<16xi32>
          %swap3A_340 = arith.constant 80 : index
          %swap3A_341 = tpu.vector_load %arg7[%swap3A_340] {strides = array<i32>} : memref<128xi32, #tpu.memory_space<vmem>>, vector<16xi32>,
          %swap3A_342 = vector.shape_cast %swap3A_341 : vector<16xi32> to vector<16xi32>
          %swap3A_343 = vector.shape_cast %add3A_339 : vector<16xi32> to vector<16xi32>
          tpu.vector_store %arg7[%swap3A_340], %swap3A_343 {strides = array<i32>} : memref<128xi32, #tpu.memory_space<vmem>>, vector<16xi32>,
          %get3A_344 = arith.constant 96 : index
          %get3A_345 = tpu.vector_load %arg7[%get3A_344] {strides = array<i32>} : memref<128xi32, #tpu.memory_space<vmem>>, vector<16xi32>,
          %get3A_346 = vector.shape_cast %get3A_345 : vector<16xi32> to vector<16xi32>
          %add3A_347 = vector.broadcast %mul3A_5 : i32 to vector<16xi32>
          %add3A_348 = arith.addi %get3A_346, %add3A_347 : vector<16xi32>
          %swap3A_349 = arith.constant 96 : index
          %swap3A_350 = tpu.vector_load %arg7[%swap3A_349] {strides = array<i32>} : memref<128xi32, #tpu.memory_space<vmem>>, vector<16xi32>,
          %swap3A_351 = vector.shape_cast %swap3A_350 : vector<16xi32> to vector<16xi32>
          %swap3A_352 = vector.shape_cast %add3A_348 : vector<16xi32> to vector<16xi32>
          tpu.vector_store %arg7[%swap3A_349], %swap3A_352 {strides = array<i32>} : memref<128xi32, #tpu.memory_space<vmem>>, vector<16xi32>,
          %get3A_353 = arith.constant 112 : index
          %get3A_354 = tpu.vector_load %arg7[%get3A_353] {strides = array<i32>} : memref<128xi32, #tpu.memory_space<vmem>>, vector<16xi32>,
          %get3A_355 = vector.shape_cast %get3A_354 : vector<16xi32> to vector<16xi32>
          %add3A_356 = vector.broadcast %mul3A_5 : i32 to vector<16xi32>
          %add3A_357 = arith.addi %get3A_355, %add3A_356 : vector<16xi32>
          %swap3A_358 = arith.constant 112 : index
          %swap3A_359 = tpu.vector_load %arg7[%swap3A_358] {strides = array<i32>} : memref<128xi32, #tpu.memory_space<vmem>>, vector<16xi32>,
          %swap3A_360 = vector.shape_cast %swap3A_359 : vector<16xi32> to vector<16xi32>
          %swap3A_361 = vector.shape_cast %add3A_357 : vector<16xi32> to vector<16xi32>
          tpu.vector_store %arg7[%swap3A_358], %swap3A_361 {strides = array<i32>} : memref<128xi32, #tpu.memory_space<vmem>>, vector<16xi32>,
          %dma_start3A_362 = arith.constant 0 : i32
          %dma_start3A_363 = arith.constant 0 : i32
          %dma_start3A_364 = tpu.memref_slice %arg4[%dma_start3A_362, %dma_start3A_363] : memref<20000x128xf32, #tpu.memory_space<hbm>> -> memref<20000x128xf32, #tpu.memory_space<hbm>>
          tpu.enqueue_indirect_dma source(%dma_start3A_364 : memref<20000x128xf32, #tpu.memory_space<hbm>>) target(%arg13 : memref<128x128xf32, #tpu.memory_space<vmem>>) offsets(%arg7 : memref<128xi32, #tpu.memory_space<vmem>>) semaphore(%arg23 : memref<!tpu.dma_semaphore, #tpu.memory_space<semaphore_mem>>)
          %add3A_365 = arith.constant 2 : i32
          %add3A_366 = arith.addi %add3A_252, %add3A_365 : i32
          %mul3A_367 = arith.constant 128 : i32
          %mul3A_368 = arith.muli %add3A_366, %mul3A_367 : i32
          %add3A_369 = arith.addi %mul3A_2, %mul3A_368 : i32
          %dma_start3A_370 = tpu.memref_slice %arg3[%add3A_369] : memref<160000xi32, #tpu.memory_space<hbm>> -> memref<128xi32, #tpu.memory_space<hbm>>
          %dma_start3A_371 = tpu.memref_slice %arg3[%add3A_369] : memref<160000xi32, #tpu.memory_space<hbm>> -> memref<128xi32, #tpu.memory_space<hbm>>
          tpu.enqueue_dma source(%dma_start3A_371 : memref<128xi32, #tpu.memory_space<hbm>>) target(%arg10 : memref<128xi32, #tpu.memory_space<vmem>>) target_semaphore(%arg20 : memref<!tpu.dma_semaphore, #tpu.memory_space<semaphore_mem>>)
        } else {
        }
      } else {
      }
    }
    %dma_wait3A = arith.constant 0 : i32
    %dma_wait3A_203 = arith.constant 0 : i32
    %dma_wait3A_204 = tpu.memref_slice %arg15[%dma_wait3A, %dma_wait3A_203] : memref<10000x128xf32, #tpu.memory_space<vmem_shared>> -> memref<128x128xf32, #tpu.memory_space<vmem_shared>>
    %dma_wait3A_205 = arith.constant 0 : i32
    %dma_wait3A_206 = arith.constant 0 : i32
    %dma_wait3A_207 = tpu.memref_slice %arg15[%dma_wait3A_205, %dma_wait3A_206] : memref<10000x128xf32, #tpu.memory_space<vmem_shared>> -> memref<128x128xf32, #tpu.memory_space<vmem_shared>>
    tpu.wait_dma2 semaphore(%arg27 : memref<!tpu.dma_semaphore, #tpu.memory_space<semaphore_mem>>) src(%arg14 : memref<128x128xf32, #tpu.memory_space<vmem>>) dst(%dma_wait3A_207 : memref<128x128xf32, #tpu.memory_space<vmem_shared>>)
    %dma_wait3A_208 = arith.constant 0 : i32
    %dma_wait3A_209 = arith.constant 0 : i32
    %dma_wait3A_210 = tpu.memref_slice %arg15[%dma_wait3A_208, %dma_wait3A_209] : memref<10000x128xf32, #tpu.memory_space<vmem_shared>> -> memref<128x128xf32, #tpu.memory_space<vmem_shared>>
    %dma_wait3A_211 = arith.constant 0 : i32
    %dma_wait3A_212 = arith.constant 0 : i32
    %dma_wait3A_213 = tpu.memref_slice %arg15[%dma_wait3A_211, %dma_wait3A_212] : memref<10000x128xf32, #tpu.memory_space<vmem_shared>> -> memref<128x128xf32, #tpu.memory_space<vmem_shared>>
    tpu.wait_dma2 semaphore(%arg25 : memref<!tpu.dma_semaphore, #tpu.memory_space<semaphore_mem>>) src(%arg12 : memref<128x128xf32, #tpu.memory_space<vmem>>) dst(%dma_wait3A_213 : memref<128x128xf32, #tpu.memory_space<vmem_shared>>)
    %dma_wait3A_214 = arith.constant 0 : i32
    %dma_wait3A_215 = arith.constant 0 : i32
    %dma_wait3A_216 = tpu.memref_slice %arg15[%dma_wait3A_214, %dma_wait3A_215] : memref<10000x128xf32, #tpu.memory_space<vmem_shared>> -> memref<128x128xf32, #tpu.memory_space<vmem_shared>>
    %dma_wait3A_217 = arith.constant 0 : i32
    %dma_wait3A_218 = arith.constant 0 : i32
    %dma_wait3A_219 = tpu.memref_slice %arg15[%dma_wait3A_217, %dma_wait3A_218] : memref<10000x128xf32, #tpu.memory_space<vmem_shared>> -> memref<128x128xf32, #tpu.memory_space<vmem_shared>>
    tpu.wait_dma2 semaphore(%arg26 : memref<!tpu.dma_semaphore, #tpu.memory_space<semaphore_mem>>) src(%arg13 : memref<128x128xf32, #tpu.memory_space<vmem>>) dst(%dma_wait3A_219 : memref<128x128xf32, #tpu.memory_space<vmem_shared>>)
    %barrier3A_220 = arith.constant 0 : index
    tpu.barrier barrier_id(%barrier3A_220)
    %lt3A_221 = arith.constant 15 : i32
    %lt3A_222 = arith.cmpi slt, %arg1, %lt3A_221 : i32
    %convert_element_type3A_223 = arith.extui %lt3A_222 : i1 to i32
    %cond3A_224 = arith.constant 0 : i32
    %cond3A_225 = arith.cmpi ne, %convert_element_type3A_223, %cond3A_224 : i32
    scf.if %cond3A_225 {
      %mul3A_232 = arith.constant 640 : i32
      %mul3A_233 = arith.muli %arg1, %mul3A_232 : i32
      %mul3A_234 = arith.constant 640 : i32
      %mul3A_235 = arith.muli %arg1, %mul3A_234 : i32
      %add3A_236 = arith.addi %mul3A_5, %mul3A_235 : i32
      "tpu.region"() ({
        %run_scoped3A = tpu.sem_alloc : memref<!tpu.dma_semaphore, #tpu.memory_space<semaphore_mem>>
        %dma_start3A_237 = arith.constant 0 : i32
        %dma_start3A_238 = tpu.memref_slice %arg5[%add3A_236, %dma_start3A_237] : memref<20000x128xf32, #tpu.memory_space<hbm>> -> memref<640x128xf32, #tpu.memory_space<hbm>>
        %dma_start3A_239 = arith.constant 0 : i32
        %dma_start3A_240 = tpu.memref_slice %arg15[%mul3A_233, %dma_start3A_239] : memref<10000x128xf32, #tpu.memory_space<vmem_shared>> -> memref<640x128xf32, #tpu.memory_space<vmem_shared>>
        tpu.enqueue_dma source(%dma_start3A_240 : memref<640x128xf32, #tpu.memory_space<vmem_shared>>) target(%dma_start3A_238 : memref<640x128xf32, #tpu.memory_space<hbm>>) target_semaphore(%run_scoped3A : memref<!tpu.dma_semaphore, #tpu.memory_space<semaphore_mem>>)
        %dma_wait3A_241 = arith.constant 0 : i32
        %dma_wait3A_242 = tpu.memref_slice %arg5[%add3A_236, %dma_wait3A_241] : memref<20000x128xf32, #tpu.memory_space<hbm>> -> memref<640x128xf32, #tpu.memory_space<hbm>>
        %dma_wait3A_243 = arith.constant 0 : i32
        %dma_wait3A_244 = tpu.memref_slice %arg15[%mul3A_233, %dma_wait3A_243] : memref<10000x128xf32, #tpu.memory_space<vmem_shared>> -> memref<640x128xf32, #tpu.memory_space<vmem_shared>>
        tpu.wait_dma2 semaphore(%run_scoped3A : memref<!tpu.dma_semaphore, #tpu.memory_space<semaphore_mem>>) src(%dma_wait3A_244 : memref<640x128xf32, #tpu.memory_space<vmem_shared>>) dst(%dma_wait3A_242 : memref<640x128xf32, #tpu.memory_space<hbm>>)
        tpu.yield
      }) : () -> ()
    } else {
    }
    %eq3A_226 = arith.constant 15 : i32
    %eq3A_227 = arith.cmpi eq, %arg1, %eq3A_226 : i32
    %convert_element_type3A_228 = arith.extui %eq3A_227 : i1 to i32
    %cond3A_229 = arith.constant 0 : i32
    %cond3A_230 = arith.cmpi ne, %convert_element_type3A_228, %cond3A_229 : i32
    scf.if %cond3A_230 {
      %add3A_232 = arith.constant 9600 : i32
      %add3A_233 = arith.addi %mul3A_5, %add3A_232 : i32
      "tpu.region"() ({
        %run_scoped3A = tpu.sem_alloc : memref<!tpu.dma_semaphore, #tpu.memory_space<semaphore_mem>>
        %dma_start3A_234 = arith.constant 0 : i32
        %dma_start3A_235 = tpu.memref_slice %arg5[%add3A_233, %dma_start3A_234] : memref<20000x128xf32, #tpu.memory_space<hbm>> -> memref<400x128xf32, #tpu.memory_space<hbm>>
        %dma_start3A_236 = arith.constant 9600 : i32
        %dma_start3A_237 = arith.constant 0 : i32
        %dma_start3A_238 = tpu.memref_slice %arg15[%dma_start3A_236, %dma_start3A_237] : memref<10000x128xf32, #tpu.memory_space<vmem_shared>> -> memref<400x128xf32, #tpu.memory_space<vmem_shared>>
        tpu.enqueue_dma source(%dma_start3A_238 : memref<400x128xf32, #tpu.memory_space<vmem_shared>>) target(%dma_start3A_235 : memref<400x128xf32, #tpu.memory_space<hbm>>) target_semaphore(%run_scoped3A : memref<!tpu.dma_semaphore, #tpu.memory_space<semaphore_mem>>)
        %dma_wait3A_239 = arith.constant 0 : i32
        %dma_wait3A_240 = tpu.memref_slice %arg5[%add3A_233, %dma_wait3A_239] : memref<20000x128xf32, #tpu.memory_space<hbm>> -> memref<400x128xf32, #tpu.memory_space<hbm>>
        %dma_wait3A_241 = arith.constant 9600 : i32
        %dma_wait3A_242 = arith.constant 0 : i32
        %dma_wait3A_243 = tpu.memref_slice %arg15[%dma_wait3A_241, %dma_wait3A_242] : memref<10000x128xf32, #tpu.memory_space<vmem_shared>> -> memref<400x128xf32, #tpu.memory_space<vmem_shared>>
        tpu.wait_dma2 semaphore(%run_scoped3A : memref<!tpu.dma_semaphore, #tpu.memory_space<semaphore_mem>>) src(%dma_wait3A_243 : memref<400x128xf32, #tpu.memory_space<vmem_shared>>) dst(%dma_wait3A_240 : memref<400x128xf32, #tpu.memory_space<hbm>>)
        tpu.yield
      }) : () -> ()
    } else {
    }
    %barrier3A_231 = arith.constant 0 : index
    tpu.barrier barrier_id(%barrier3A_231)
    return
  }
}

#map = affine_map<(d0, d1) -> (0)>
#map1 = affine_map<(d0, d1) -> (0, 0)>
module attributes {stable_mosaic.version = 14 : i64} {
  func.func @_agg(%arg0: i32, %arg1: i32, %arg2: memref<160000xi32, #tpu.memory_space<hbm>>, %arg3: memref<160000xi32, #tpu.memory_space<hbm>>, %arg4: memref<40000x128xf32, #tpu.memory_space<hbm>>, %arg5: memref<40000x128xf32, #tpu.memory_space<hbm>>, %arg6: memref<128xi32, #tpu.memory_space<vmem>>, %arg7: memref<128xi32, #tpu.memory_space<vmem>>, %arg8: memref<128xi32, #tpu.memory_space<vmem>>, %arg9: memref<128xi32, #tpu.memory_space<vmem>>, %arg10: memref<128xi32, #tpu.memory_space<vmem>>, %arg11: memref<128xi32, #tpu.memory_space<vmem>>, %arg12: memref<128x128xf32, #tpu.memory_space<vmem>>, %arg13: memref<128x128xf32, #tpu.memory_space<vmem>>, %arg14: memref<128x128xf32, #tpu.memory_space<vmem>>, %arg15: memref<10000x128xf32, #tpu.memory_space<vmem_shared>>, %arg16: memref<!tpu.dma_semaphore, #tpu.memory_space<semaphore_mem>>, %arg17: memref<!tpu.dma_semaphore, #tpu.memory_space<semaphore_mem>>, %arg18: memref<!tpu.dma_semaphore, #tpu.memory_space<semaphore_mem>>, %arg19: memref<!tpu.dma_semaphore, #tpu.memory_space<semaphore_mem>>, %arg20: memref<!tpu.dma_semaphore, #tpu.memory_space<semaphore_mem>>, %arg21: memref<!tpu.dma_semaphore, #tpu.memory_space<semaphore_mem>>, %arg22: memref<!tpu.dma_semaphore, #tpu.memory_space<semaphore_mem>>, %arg23: memref<!tpu.dma_semaphore, #tpu.memory_space<semaphore_mem>>, %arg24: memref<!tpu.dma_semaphore, #tpu.memory_space<semaphore_mem>>, %arg25: memref<!tpu.dma_semaphore, #tpu.memory_space<semaphore_mem>>, %arg26: memref<!tpu.dma_semaphore, #tpu.memory_space<semaphore_mem>>, %arg27: memref<!tpu.dma_semaphore, #tpu.memory_space<semaphore_mem>>) attributes {dimension_semantics = [#tpu.dimension_semantics<core_parallel>, #tpu.dimension_semantics<subcore_parallel>], iteration_bounds = array<i64: 2, 16>, scalar_prefetch = 0 : i64, scratch_operands = 22 : i64, tpu.core_type = #tpu.core_type<sc_vector_subcore>, window_params = [{transform_indices = #map}, {transform_indices = #map}, {transform_indices = #map1}, {transform_indices = #map1}]} {
    %eq3A = arith.constant 15 : i32
    %eq3A_0 = arith.cmpi eq, %arg1, %eq3A : i32
    %jit3A = arith.constant 50 : i32
    %jit3A_1 = arith.constant 80 : i32
    %select_n3A = arith.select %eq3A_0, %jit3A, %jit3A_1 : i32
    %mul3A = arith.constant 10240 : i32
    %mul3A_2 = arith.muli %arg1, %mul3A : i32
    %add3A = arith.constant 0 : i32
    %add3A_3 = arith.addi %arg0, %add3A : i32
    %mul3A_4 = arith.constant 10000 : i32
    %mul3A_5 = arith.muli %add3A_3, %mul3A_4 : i32
    %lt3A = arith.constant 15 : i32
    %lt3A_6 = arith.cmpi slt, %arg1, %lt3A : i32
    %convert_element_type3A = arith.extui %lt3A_6 : i1 to i32
    %cond3A = arith.constant 0 : i32
    %cond3A_7 = arith.cmpi ne, %convert_element_type3A, %cond3A : i32
    scf.if %cond3A_7 {
      %mul3A_477 = arith.constant 640 : i32
      %mul3A_478 = arith.muli %arg1, %mul3A_477 : i32
      %add3A_479 = arith.addi %mul3A_5, %mul3A_478 : i32
      %mul3A_480 = arith.constant 640 : i32
      %mul3A_481 = arith.muli %arg1, %mul3A_480 : i32
      "tpu.region"() ({
        %run_scoped3A = tpu.sem_alloc : memref<!tpu.dma_semaphore, #tpu.memory_space<semaphore_mem>>
        %dma_start3A_482 = arith.constant 0 : i32
        %dma_start3A_483 = tpu.memref_slice %arg15[%mul3A_481, %dma_start3A_482] : memref<10000x128xf32, #tpu.memory_space<vmem_shared>> -> memref<640x128xf32, #tpu.memory_space<vmem_shared>>
        %dma_start3A_484 = arith.constant 0 : i32
        %dma_start3A_485 = tpu.memref_slice %arg4[%add3A_479, %dma_start3A_484] : memref<40000x128xf32, #tpu.memory_space<hbm>> -> memref<640x128xf32, #tpu.memory_space<hbm>>
        tpu.enqueue_dma source(%dma_start3A_485 : memref<640x128xf32, #tpu.memory_space<hbm>>) target(%dma_start3A_483 : memref<640x128xf32, #tpu.memory_space<vmem_shared>>) target_semaphore(%run_scoped3A : memref<!tpu.dma_semaphore, #tpu.memory_space<semaphore_mem>>)
        %dma_wait3A_486 = arith.constant 0 : i32
        %dma_wait3A_487 = tpu.memref_slice %arg15[%mul3A_481, %dma_wait3A_486] : memref<10000x128xf32, #tpu.memory_space<vmem_shared>> -> memref<640x128xf32, #tpu.memory_space<vmem_shared>>
        %dma_wait3A_488 = arith.constant 0 : i32
        %dma_wait3A_489 = tpu.memref_slice %arg4[%add3A_479, %dma_wait3A_488] : memref<40000x128xf32, #tpu.memory_space<hbm>> -> memref<640x128xf32, #tpu.memory_space<hbm>>
        tpu.wait_dma2 semaphore(%run_scoped3A : memref<!tpu.dma_semaphore, #tpu.memory_space<semaphore_mem>>) src(%dma_wait3A_489 : memref<640x128xf32, #tpu.memory_space<hbm>>) dst(%dma_wait3A_487 : memref<640x128xf32, #tpu.memory_space<vmem_shared>>)
        tpu.yield
      }) : () -> ()
    } else {
    }
    %eq3A_8 = arith.constant 15 : i32
    %eq3A_9 = arith.cmpi eq, %arg1, %eq3A_8 : i32
    %convert_element_type3A_10 = arith.extui %eq3A_9 : i1 to i32
    %cond3A_11 = arith.constant 0 : i32
    %cond3A_12 = arith.cmpi ne, %convert_element_type3A_10, %cond3A_11 : i32
    scf.if %cond3A_12 {
      %add3A_477 = arith.constant 9600 : i32
      %add3A_478 = arith.addi %mul3A_5, %add3A_477 : i32
      "tpu.region"() ({
        %run_scoped3A = tpu.sem_alloc : memref<!tpu.dma_semaphore, #tpu.memory_space<semaphore_mem>>
        %dma_start3A_479 = arith.constant 9600 : i32
        %dma_start3A_480 = arith.constant 0 : i32
        %dma_start3A_481 = tpu.memref_slice %arg15[%dma_start3A_479, %dma_start3A_480] : memref<10000x128xf32, #tpu.memory_space<vmem_shared>> -> memref<400x128xf32, #tpu.memory_space<vmem_shared>>
        %dma_start3A_482 = arith.constant 0 : i32
        %dma_start3A_483 = tpu.memref_slice %arg4[%add3A_478, %dma_start3A_482] : memref<40000x128xf32, #tpu.memory_space<hbm>> -> memref<400x128xf32, #tpu.memory_space<hbm>>
        tpu.enqueue_dma source(%dma_start3A_483 : memref<400x128xf32, #tpu.memory_space<hbm>>) target(%dma_start3A_481 : memref<400x128xf32, #tpu.memory_space<vmem_shared>>) target_semaphore(%run_scoped3A : memref<!tpu.dma_semaphore, #tpu.memory_space<semaphore_mem>>)
        %dma_wait3A_484 = arith.constant 9600 : i32
        %dma_wait3A_485 = arith.constant 0 : i32
        %dma_wait3A_486 = tpu.memref_slice %arg15[%dma_wait3A_484, %dma_wait3A_485] : memref<10000x128xf32, #tpu.memory_space<vmem_shared>> -> memref<400x128xf32, #tpu.memory_space<vmem_shared>>
        %dma_wait3A_487 = arith.constant 0 : i32
        %dma_wait3A_488 = tpu.memref_slice %arg4[%add3A_478, %dma_wait3A_487] : memref<40000x128xf32, #tpu.memory_space<hbm>> -> memref<400x128xf32, #tpu.memory_space<hbm>>
        tpu.wait_dma2 semaphore(%run_scoped3A : memref<!tpu.dma_semaphore, #tpu.memory_space<semaphore_mem>>) src(%dma_wait3A_488 : memref<400x128xf32, #tpu.memory_space<hbm>>) dst(%dma_wait3A_486 : memref<400x128xf32, #tpu.memory_space<vmem_shared>>)
        tpu.yield
      }) : () -> ()
    } else {
    }
    "tpu.region"() ({
      %run_scoped3A = tpu.sem_alloc : memref<!tpu.dma_semaphore, #tpu.memory_space<semaphore_mem>>
      %dma_start3A_477 = tpu.memref_slice %arg2[%mul3A_2] : memref<160000xi32, #tpu.memory_space<hbm>> -> memref<128xi32, #tpu.memory_space<hbm>>
      %dma_start3A_478 = tpu.memref_slice %arg2[%mul3A_2] : memref<160000xi32, #tpu.memory_space<hbm>> -> memref<128xi32, #tpu.memory_space<hbm>>
      tpu.enqueue_dma source(%dma_start3A_478 : memref<128xi32, #tpu.memory_space<hbm>>) target(%arg6 : memref<128xi32, #tpu.memory_space<vmem>>) target_semaphore(%run_scoped3A : memref<!tpu.dma_semaphore, #tpu.memory_space<semaphore_mem>>)
      %dma_wait3A_479 = tpu.memref_slice %arg2[%mul3A_2] : memref<160000xi32, #tpu.memory_space<hbm>> -> memref<128xi32, #tpu.memory_space<hbm>>
      %dma_wait3A_480 = tpu.memref_slice %arg2[%mul3A_2] : memref<160000xi32, #tpu.memory_space<hbm>> -> memref<128xi32, #tpu.memory_space<hbm>>
      tpu.wait_dma2 semaphore(%run_scoped3A : memref<!tpu.dma_semaphore, #tpu.memory_space<semaphore_mem>>) src(%dma_wait3A_480 : memref<128xi32, #tpu.memory_space<hbm>>) dst(%arg6 : memref<128xi32, #tpu.memory_space<vmem>>)
      tpu.yield
    }) : () -> ()
    %get3A = arith.constant 0 : index
    %get3A_13 = tpu.vector_load %arg6[%get3A] {strides = array<i32>} : memref<128xi32, #tpu.memory_space<vmem>>, vector<16xi32>,
    %get3A_14 = vector.shape_cast %get3A_13 : vector<16xi32> to vector<16xi32>
    %add3A_15 = vector.broadcast %mul3A_5 : i32 to vector<16xi32>
    %add3A_16 = arith.addi %get3A_14, %add3A_15 : vector<16xi32>
    %swap3A = arith.constant 0 : index
    %swap3A_17 = tpu.vector_load %arg6[%swap3A] {strides = array<i32>} : memref<128xi32, #tpu.memory_space<vmem>>, vector<16xi32>,
    %swap3A_18 = vector.shape_cast %swap3A_17 : vector<16xi32> to vector<16xi32>
    %swap3A_19 = vector.shape_cast %add3A_16 : vector<16xi32> to vector<16xi32>
    tpu.vector_store %arg6[%swap3A], %swap3A_19 {strides = array<i32>} : memref<128xi32, #tpu.memory_space<vmem>>, vector<16xi32>,
    %get3A_20 = arith.constant 16 : index
    %get3A_21 = tpu.vector_load %arg6[%get3A_20] {strides = array<i32>} : memref<128xi32, #tpu.memory_space<vmem>>, vector<16xi32>,
    %get3A_22 = vector.shape_cast %get3A_21 : vector<16xi32> to vector<16xi32>
    %add3A_23 = vector.broadcast %mul3A_5 : i32 to vector<16xi32>
    %add3A_24 = arith.addi %get3A_22, %add3A_23 : vector<16xi32>
    %swap3A_25 = arith.constant 16 : index
    %swap3A_26 = tpu.vector_load %arg6[%swap3A_25] {strides = array<i32>} : memref<128xi32, #tpu.memory_space<vmem>>, vector<16xi32>,
    %swap3A_27 = vector.shape_cast %swap3A_26 : vector<16xi32> to vector<16xi32>
    %swap3A_28 = vector.shape_cast %add3A_24 : vector<16xi32> to vector<16xi32>
    tpu.vector_store %arg6[%swap3A_25], %swap3A_28 {strides = array<i32>} : memref<128xi32, #tpu.memory_space<vmem>>, vector<16xi32>,
    %get3A_29 = arith.constant 32 : index
    %get3A_30 = tpu.vector_load %arg6[%get3A_29] {strides = array<i32>} : memref<128xi32, #tpu.memory_space<vmem>>, vector<16xi32>,
    %get3A_31 = vector.shape_cast %get3A_30 : vector<16xi32> to vector<16xi32>
    %add3A_32 = vector.broadcast %mul3A_5 : i32 to vector<16xi32>
    %add3A_33 = arith.addi %get3A_31, %add3A_32 : vector<16xi32>
    %swap3A_34 = arith.constant 32 : index
    %swap3A_35 = tpu.vector_load %arg6[%swap3A_34] {strides = array<i32>} : memref<128xi32, #tpu.memory_space<vmem>>, vector<16xi32>,
    %swap3A_36 = vector.shape_cast %swap3A_35 : vector<16xi32> to vector<16xi32>
    %swap3A_37 = vector.shape_cast %add3A_33 : vector<16xi32> to vector<16xi32>
    tpu.vector_store %arg6[%swap3A_34], %swap3A_37 {strides = array<i32>} : memref<128xi32, #tpu.memory_space<vmem>>, vector<16xi32>,
    %get3A_38 = arith.constant 48 : index
    %get3A_39 = tpu.vector_load %arg6[%get3A_38] {strides = array<i32>} : memref<128xi32, #tpu.memory_space<vmem>>, vector<16xi32>,
    %get3A_40 = vector.shape_cast %get3A_39 : vector<16xi32> to vector<16xi32>
    %add3A_41 = vector.broadcast %mul3A_5 : i32 to vector<16xi32>
    %add3A_42 = arith.addi %get3A_40, %add3A_41 : vector<16xi32>
    %swap3A_43 = arith.constant 48 : index
    %swap3A_44 = tpu.vector_load %arg6[%swap3A_43] {strides = array<i32>} : memref<128xi32, #tpu.memory_space<vmem>>, vector<16xi32>,
    %swap3A_45 = vector.shape_cast %swap3A_44 : vector<16xi32> to vector<16xi32>
    %swap3A_46 = vector.shape_cast %add3A_42 : vector<16xi32> to vector<16xi32>
    tpu.vector_store %arg6[%swap3A_43], %swap3A_46 {strides = array<i32>} : memref<128xi32, #tpu.memory_space<vmem>>, vector<16xi32>,
    %get3A_47 = arith.constant 64 : index
    %get3A_48 = tpu.vector_load %arg6[%get3A_47] {strides = array<i32>} : memref<128xi32, #tpu.memory_space<vmem>>, vector<16xi32>,
    %get3A_49 = vector.shape_cast %get3A_48 : vector<16xi32> to vector<16xi32>
    %add3A_50 = vector.broadcast %mul3A_5 : i32 to vector<16xi32>
    %add3A_51 = arith.addi %get3A_49, %add3A_50 : vector<16xi32>
    %swap3A_52 = arith.constant 64 : index
    %swap3A_53 = tpu.vector_load %arg6[%swap3A_52] {strides = array<i32>} : memref<128xi32, #tpu.memory_space<vmem>>, vector<16xi32>,
    %swap3A_54 = vector.shape_cast %swap3A_53 : vector<16xi32> to vector<16xi32>
    %swap3A_55 = vector.shape_cast %add3A_51 : vector<16xi32> to vector<16xi32>
    tpu.vector_store %arg6[%swap3A_52], %swap3A_55 {strides = array<i32>} : memref<128xi32, #tpu.memory_space<vmem>>, vector<16xi32>,
    %get3A_56 = arith.constant 80 : index
    %get3A_57 = tpu.vector_load %arg6[%get3A_56] {strides = array<i32>} : memref<128xi32, #tpu.memory_space<vmem>>, vector<16xi32>,
    %get3A_58 = vector.shape_cast %get3A_57 : vector<16xi32> to vector<16xi32>
    %add3A_59 = vector.broadcast %mul3A_5 : i32 to vector<16xi32>
    %add3A_60 = arith.addi %get3A_58, %add3A_59 : vector<16xi32>
    %swap3A_61 = arith.constant 80 : index
    %swap3A_62 = tpu.vector_load %arg6[%swap3A_61] {strides = array<i32>} : memref<128xi32, #tpu.memory_space<vmem>>, vector<16xi32>,
    %swap3A_63 = vector.shape_cast %swap3A_62 : vector<16xi32> to vector<16xi32>
    %swap3A_64 = vector.shape_cast %add3A_60 : vector<16xi32> to vector<16xi32>
    tpu.vector_store %arg6[%swap3A_61], %swap3A_64 {strides = array<i32>} : memref<128xi32, #tpu.memory_space<vmem>>, vector<16xi32>,
    %get3A_65 = arith.constant 96 : index
    %get3A_66 = tpu.vector_load %arg6[%get3A_65] {strides = array<i32>} : memref<128xi32, #tpu.memory_space<vmem>>, vector<16xi32>,
    %get3A_67 = vector.shape_cast %get3A_66 : vector<16xi32> to vector<16xi32>
    %add3A_68 = vector.broadcast %mul3A_5 : i32 to vector<16xi32>
    %add3A_69 = arith.addi %get3A_67, %add3A_68 : vector<16xi32>
    %swap3A_70 = arith.constant 96 : index
    %swap3A_71 = tpu.vector_load %arg6[%swap3A_70] {strides = array<i32>} : memref<128xi32, #tpu.memory_space<vmem>>, vector<16xi32>,
    %swap3A_72 = vector.shape_cast %swap3A_71 : vector<16xi32> to vector<16xi32>
    %swap3A_73 = vector.shape_cast %add3A_69 : vector<16xi32> to vector<16xi32>
    tpu.vector_store %arg6[%swap3A_70], %swap3A_73 {strides = array<i32>} : memref<128xi32, #tpu.memory_space<vmem>>, vector<16xi32>,
    %get3A_74 = arith.constant 112 : index
    %get3A_75 = tpu.vector_load %arg6[%get3A_74] {strides = array<i32>} : memref<128xi32, #tpu.memory_space<vmem>>, vector<16xi32>,
    %get3A_76 = vector.shape_cast %get3A_75 : vector<16xi32> to vector<16xi32>
    %add3A_77 = vector.broadcast %mul3A_5 : i32 to vector<16xi32>
    %add3A_78 = arith.addi %get3A_76, %add3A_77 : vector<16xi32>
    %swap3A_79 = arith.constant 112 : index
    %swap3A_80 = tpu.vector_load %arg6[%swap3A_79] {strides = array<i32>} : memref<128xi32, #tpu.memory_space<vmem>>, vector<16xi32>,
    %swap3A_81 = vector.shape_cast %swap3A_80 : vector<16xi32> to vector<16xi32>
    %swap3A_82 = vector.shape_cast %add3A_78 : vector<16xi32> to vector<16xi32>
    tpu.vector_store %arg6[%swap3A_79], %swap3A_82 {strides = array<i32>} : memref<128xi32, #tpu.memory_space<vmem>>, vector<16xi32>,
    %dma_start3A = arith.constant 0 : i32
    %dma_start3A_83 = arith.constant 0 : i32
    %dma_start3A_84 = tpu.memref_slice %arg4[%dma_start3A, %dma_start3A_83] : memref<40000x128xf32, #tpu.memory_space<hbm>> -> memref<40000x128xf32, #tpu.memory_space<hbm>>
    tpu.enqueue_indirect_dma source(%dma_start3A_84 : memref<40000x128xf32, #tpu.memory_space<hbm>>) target(%arg12 : memref<128x128xf32, #tpu.memory_space<vmem>>) offsets(%arg6 : memref<128xi32, #tpu.memory_space<vmem>>) semaphore(%arg22 : memref<!tpu.dma_semaphore, #tpu.memory_space<semaphore_mem>>)
    %add3A_85 = arith.constant 128 : i32
    %add3A_86 = arith.addi %mul3A_2, %add3A_85 : i32
    "tpu.region"() ({
      %run_scoped3A = tpu.sem_alloc : memref<!tpu.dma_semaphore, #tpu.memory_space<semaphore_mem>>
      %dma_start3A_477 = tpu.memref_slice %arg2[%add3A_86] : memref<160000xi32, #tpu.memory_space<hbm>> -> memref<128xi32, #tpu.memory_space<hbm>>
      %dma_start3A_478 = tpu.memref_slice %arg2[%add3A_86] : memref<160000xi32, #tpu.memory_space<hbm>> -> memref<128xi32, #tpu.memory_space<hbm>>
      tpu.enqueue_dma source(%dma_start3A_478 : memref<128xi32, #tpu.memory_space<hbm>>) target(%arg7 : memref<128xi32, #tpu.memory_space<vmem>>) target_semaphore(%run_scoped3A : memref<!tpu.dma_semaphore, #tpu.memory_space<semaphore_mem>>)
      %dma_wait3A_479 = tpu.memref_slice %arg2[%add3A_86] : memref<160000xi32, #tpu.memory_space<hbm>> -> memref<128xi32, #tpu.memory_space<hbm>>
      %dma_wait3A_480 = tpu.memref_slice %arg2[%add3A_86] : memref<160000xi32, #tpu.memory_space<hbm>> -> memref<128xi32, #tpu.memory_space<hbm>>
      tpu.wait_dma2 semaphore(%run_scoped3A : memref<!tpu.dma_semaphore, #tpu.memory_space<semaphore_mem>>) src(%dma_wait3A_480 : memref<128xi32, #tpu.memory_space<hbm>>) dst(%arg7 : memref<128xi32, #tpu.memory_space<vmem>>)
      tpu.yield
    }) : () -> ()
    %get3A_87 = arith.constant 0 : index
    %get3A_88 = tpu.vector_load %arg7[%get3A_87] {strides = array<i32>} : memref<128xi32, #tpu.memory_space<vmem>>, vector<16xi32>,
    %get3A_89 = vector.shape_cast %get3A_88 : vector<16xi32> to vector<16xi32>
    %add3A_90 = vector.broadcast %mul3A_5 : i32 to vector<16xi32>
    %add3A_91 = arith.addi %get3A_89, %add3A_90 : vector<16xi32>
    %swap3A_92 = arith.constant 0 : index
    %swap3A_93 = tpu.vector_load %arg7[%swap3A_92] {strides = array<i32>} : memref<128xi32, #tpu.memory_space<vmem>>, vector<16xi32>,
    %swap3A_94 = vector.shape_cast %swap3A_93 : vector<16xi32> to vector<16xi32>
    %swap3A_95 = vector.shape_cast %add3A_91 : vector<16xi32> to vector<16xi32>
    tpu.vector_store %arg7[%swap3A_92], %swap3A_95 {strides = array<i32>} : memref<128xi32, #tpu.memory_space<vmem>>, vector<16xi32>,
    %get3A_96 = arith.constant 16 : index
    %get3A_97 = tpu.vector_load %arg7[%get3A_96] {strides = array<i32>} : memref<128xi32, #tpu.memory_space<vmem>>, vector<16xi32>,
    %get3A_98 = vector.shape_cast %get3A_97 : vector<16xi32> to vector<16xi32>
    %add3A_99 = vector.broadcast %mul3A_5 : i32 to vector<16xi32>
    %add3A_100 = arith.addi %get3A_98, %add3A_99 : vector<16xi32>
    %swap3A_101 = arith.constant 16 : index
    %swap3A_102 = tpu.vector_load %arg7[%swap3A_101] {strides = array<i32>} : memref<128xi32, #tpu.memory_space<vmem>>, vector<16xi32>,
    %swap3A_103 = vector.shape_cast %swap3A_102 : vector<16xi32> to vector<16xi32>
    %swap3A_104 = vector.shape_cast %add3A_100 : vector<16xi32> to vector<16xi32>
    tpu.vector_store %arg7[%swap3A_101], %swap3A_104 {strides = array<i32>} : memref<128xi32, #tpu.memory_space<vmem>>, vector<16xi32>,
    %get3A_105 = arith.constant 32 : index
    %get3A_106 = tpu.vector_load %arg7[%get3A_105] {strides = array<i32>} : memref<128xi32, #tpu.memory_space<vmem>>, vector<16xi32>,
    %get3A_107 = vector.shape_cast %get3A_106 : vector<16xi32> to vector<16xi32>
    %add3A_108 = vector.broadcast %mul3A_5 : i32 to vector<16xi32>
    %add3A_109 = arith.addi %get3A_107, %add3A_108 : vector<16xi32>
    %swap3A_110 = arith.constant 32 : index
    %swap3A_111 = tpu.vector_load %arg7[%swap3A_110] {strides = array<i32>} : memref<128xi32, #tpu.memory_space<vmem>>, vector<16xi32>,
    %swap3A_112 = vector.shape_cast %swap3A_111 : vector<16xi32> to vector<16xi32>
    %swap3A_113 = vector.shape_cast %add3A_109 : vector<16xi32> to vector<16xi32>
    tpu.vector_store %arg7[%swap3A_110], %swap3A_113 {strides = array<i32>} : memref<128xi32, #tpu.memory_space<vmem>>, vector<16xi32>,
    %get3A_114 = arith.constant 48 : index
    %get3A_115 = tpu.vector_load %arg7[%get3A_114] {strides = array<i32>} : memref<128xi32, #tpu.memory_space<vmem>>, vector<16xi32>,
    %get3A_116 = vector.shape_cast %get3A_115 : vector<16xi32> to vector<16xi32>
    %add3A_117 = vector.broadcast %mul3A_5 : i32 to vector<16xi32>
    %add3A_118 = arith.addi %get3A_116, %add3A_117 : vector<16xi32>
    %swap3A_119 = arith.constant 48 : index
    %swap3A_120 = tpu.vector_load %arg7[%swap3A_119] {strides = array<i32>} : memref<128xi32, #tpu.memory_space<vmem>>, vector<16xi32>,
    %swap3A_121 = vector.shape_cast %swap3A_120 : vector<16xi32> to vector<16xi32>
    %swap3A_122 = vector.shape_cast %add3A_118 : vector<16xi32> to vector<16xi32>
    tpu.vector_store %arg7[%swap3A_119], %swap3A_122 {strides = array<i32>} : memref<128xi32, #tpu.memory_space<vmem>>, vector<16xi32>,
    %get3A_123 = arith.constant 64 : index
    %get3A_124 = tpu.vector_load %arg7[%get3A_123] {strides = array<i32>} : memref<128xi32, #tpu.memory_space<vmem>>, vector<16xi32>,
    %get3A_125 = vector.shape_cast %get3A_124 : vector<16xi32> to vector<16xi32>
    %add3A_126 = vector.broadcast %mul3A_5 : i32 to vector<16xi32>
    %add3A_127 = arith.addi %get3A_125, %add3A_126 : vector<16xi32>
    %swap3A_128 = arith.constant 64 : index
    %swap3A_129 = tpu.vector_load %arg7[%swap3A_128] {strides = array<i32>} : memref<128xi32, #tpu.memory_space<vmem>>, vector<16xi32>,
    %swap3A_130 = vector.shape_cast %swap3A_129 : vector<16xi32> to vector<16xi32>
    %swap3A_131 = vector.shape_cast %add3A_127 : vector<16xi32> to vector<16xi32>
    tpu.vector_store %arg7[%swap3A_128], %swap3A_131 {strides = array<i32>} : memref<128xi32, #tpu.memory_space<vmem>>, vector<16xi32>,
    %get3A_132 = arith.constant 80 : index
    %get3A_133 = tpu.vector_load %arg7[%get3A_132] {strides = array<i32>} : memref<128xi32, #tpu.memory_space<vmem>>, vector<16xi32>,
    %get3A_134 = vector.shape_cast %get3A_133 : vector<16xi32> to vector<16xi32>
    %add3A_135 = vector.broadcast %mul3A_5 : i32 to vector<16xi32>
    %add3A_136 = arith.addi %get3A_134, %add3A_135 : vector<16xi32>
    %swap3A_137 = arith.constant 80 : index
    %swap3A_138 = tpu.vector_load %arg7[%swap3A_137] {strides = array<i32>} : memref<128xi32, #tpu.memory_space<vmem>>, vector<16xi32>,
    %swap3A_139 = vector.shape_cast %swap3A_138 : vector<16xi32> to vector<16xi32>
    %swap3A_140 = vector.shape_cast %add3A_136 : vector<16xi32> to vector<16xi32>
    tpu.vector_store %arg7[%swap3A_137], %swap3A_140 {strides = array<i32>} : memref<128xi32, #tpu.memory_space<vmem>>, vector<16xi32>,
    %get3A_141 = arith.constant 96 : index
    %get3A_142 = tpu.vector_load %arg7[%get3A_141] {strides = array<i32>} : memref<128xi32, #tpu.memory_space<vmem>>, vector<16xi32>,
    %get3A_143 = vector.shape_cast %get3A_142 : vector<16xi32> to vector<16xi32>
    %add3A_144 = vector.broadcast %mul3A_5 : i32 to vector<16xi32>
    %add3A_145 = arith.addi %get3A_143, %add3A_144 : vector<16xi32>
    %swap3A_146 = arith.constant 96 : index
    %swap3A_147 = tpu.vector_load %arg7[%swap3A_146] {strides = array<i32>} : memref<128xi32, #tpu.memory_space<vmem>>, vector<16xi32>,
    %swap3A_148 = vector.shape_cast %swap3A_147 : vector<16xi32> to vector<16xi32>
    %swap3A_149 = vector.shape_cast %add3A_145 : vector<16xi32> to vector<16xi32>
    tpu.vector_store %arg7[%swap3A_146], %swap3A_149 {strides = array<i32>} : memref<128xi32, #tpu.memory_space<vmem>>, vector<16xi32>,
    %get3A_150 = arith.constant 112 : index
    %get3A_151 = tpu.vector_load %arg7[%get3A_150] {strides = array<i32>} : memref<128xi32, #tpu.memory_space<vmem>>, vector<16xi32>,
    %get3A_152 = vector.shape_cast %get3A_151 : vector<16xi32> to vector<16xi32>
    %add3A_153 = vector.broadcast %mul3A_5 : i32 to vector<16xi32>
    %add3A_154 = arith.addi %get3A_152, %add3A_153 : vector<16xi32>
    %swap3A_155 = arith.constant 112 : index
    %swap3A_156 = tpu.vector_load %arg7[%swap3A_155] {strides = array<i32>} : memref<128xi32, #tpu.memory_space<vmem>>, vector<16xi32>,
    %swap3A_157 = vector.shape_cast %swap3A_156 : vector<16xi32> to vector<16xi32>
    %swap3A_158 = vector.shape_cast %add3A_154 : vector<16xi32> to vector<16xi32>
    tpu.vector_store %arg7[%swap3A_155], %swap3A_158 {strides = array<i32>} : memref<128xi32, #tpu.memory_space<vmem>>, vector<16xi32>,
    %dma_start3A_159 = arith.constant 0 : i32
    %dma_start3A_160 = arith.constant 0 : i32
    %dma_start3A_161 = tpu.memref_slice %arg4[%dma_start3A_159, %dma_start3A_160] : memref<40000x128xf32, #tpu.memory_space<hbm>> -> memref<40000x128xf32, #tpu.memory_space<hbm>>
    tpu.enqueue_indirect_dma source(%dma_start3A_161 : memref<40000x128xf32, #tpu.memory_space<hbm>>) target(%arg13 : memref<128x128xf32, #tpu.memory_space<vmem>>) offsets(%arg7 : memref<128xi32, #tpu.memory_space<vmem>>) semaphore(%arg23 : memref<!tpu.dma_semaphore, #tpu.memory_space<semaphore_mem>>)
    %add3A_162 = arith.constant 256 : i32
    %add3A_163 = arith.addi %mul3A_2, %add3A_162 : i32
    %dma_start3A_164 = tpu.memref_slice %arg2[%add3A_163] : memref<160000xi32, #tpu.memory_space<hbm>> -> memref<128xi32, #tpu.memory_space<hbm>>
    %dma_start3A_165 = tpu.memref_slice %arg2[%add3A_163] : memref<160000xi32, #tpu.memory_space<hbm>> -> memref<128xi32, #tpu.memory_space<hbm>>
    tpu.enqueue_dma source(%dma_start3A_165 : memref<128xi32, #tpu.memory_space<hbm>>) target(%arg8 : memref<128xi32, #tpu.memory_space<vmem>>) target_semaphore(%arg18 : memref<!tpu.dma_semaphore, #tpu.memory_space<semaphore_mem>>)
    %add3A_166 = arith.constant 0 : i32
    %add3A_167 = arith.addi %mul3A_2, %add3A_166 : i32
    %dma_start3A_168 = tpu.memref_slice %arg3[%add3A_167] : memref<160000xi32, #tpu.memory_space<hbm>> -> memref<128xi32, #tpu.memory_space<hbm>>
    %dma_start3A_169 = tpu.memref_slice %arg3[%add3A_167] : memref<160000xi32, #tpu.memory_space<hbm>> -> memref<128xi32, #tpu.memory_space<hbm>>
    tpu.enqueue_dma source(%dma_start3A_169 : memref<128xi32, #tpu.memory_space<hbm>>) target(%arg9 : memref<128xi32, #tpu.memory_space<vmem>>) target_semaphore(%arg19 : memref<!tpu.dma_semaphore, #tpu.memory_space<semaphore_mem>>)
    %add3A_170 = arith.constant 128 : i32
    %add3A_171 = arith.addi %mul3A_2, %add3A_170 : i32
    %dma_start3A_172 = tpu.memref_slice %arg3[%add3A_171] : memref<160000xi32, #tpu.memory_space<hbm>> -> memref<128xi32, #tpu.memory_space<hbm>>
    %dma_start3A_173 = tpu.memref_slice %arg3[%add3A_171] : memref<160000xi32, #tpu.memory_space<hbm>> -> memref<128xi32, #tpu.memory_space<hbm>>
    tpu.enqueue_dma source(%dma_start3A_173 : memref<128xi32, #tpu.memory_space<hbm>>) target(%arg10 : memref<128xi32, #tpu.memory_space<vmem>>) target_semaphore(%arg20 : memref<!tpu.dma_semaphore, #tpu.memory_space<semaphore_mem>>)
    %barrier3A = arith.constant 0 : index
    tpu.barrier barrier_id(%barrier3A)
    %add3A_174 = arith.constant 2 : i32
    %add3A_175 = arith.addi %select_n3A, %add3A_174 : i32
    %jit3A_176 = arith.constant 3 : i32
    %div3A = arith.divsi %add3A_175, %jit3A_176 : i32
    %sign3A = arith.constant 0 : i32
    %sign3A_177 = arith.cmpi sgt, %add3A_175, %sign3A : i32
    %sign3A_178 = arith.extui %sign3A_177 : i1 to i32
    %sign3A_179 = arith.constant 0 : i32
    %sign3A_180 = arith.cmpi slt, %add3A_175, %sign3A_179 : i32
    %sign3A_181 = arith.extui %sign3A_180 : i1 to i32
    %sign3A_182 = arith.subi %sign3A_178, %sign3A_181 : i32
    %sign3A_183 = arith.constant 0 : i32
    %sign3A_184 = arith.cmpi sgt, %jit3A_176, %sign3A_183 : i32
    %sign3A_185 = arith.extui %sign3A_184 : i1 to i32
    %sign3A_186 = arith.constant 0 : i32
    %sign3A_187 = arith.cmpi slt, %jit3A_176, %sign3A_186 : i32
    %sign3A_188 = arith.extui %sign3A_187 : i1 to i32
    %sign3A_189 = arith.subi %sign3A_185, %sign3A_188 : i32
    %ne3A = arith.cmpi ne, %sign3A_182, %sign3A_189 : i32
    %rem3A = arith.remsi %add3A_175, %jit3A_176 : i32
    %ne3A_190 = arith.constant 0 : i32
    %ne3A_191 = arith.cmpi ne, %rem3A, %ne3A_190 : i32
    %and3A = arith.andi %ne3A, %ne3A_191 : i1
    %sub3A = arith.constant 1 : i32
    %sub3A_192 = arith.subi %div3A, %sub3A : i32
    %select_n3A_193 = arith.select %and3A, %sub3A_192, %div3A : i32
    %while3A = arith.constant 0 : i32
    %while3A_194 = arith.constant 0 : i32
    %while3A_195 = arith.subi %select_n3A_193, %while3A_194 : i32
    %while3A_196 = arith.addi %while3A_194, %while3A_195 : i32
    %while3A_197 = arith.constant 1 : i32
    %while3A_198 = arith.divsi %while3A_195, %while3A_197 : i32
    %while3A_199 = arith.muli %while3A_198, %while3A_197 : i32
    %while3A_200 = arith.addi %while3A_194, %while3A_199 : i32
    %while3A_201 = arith.constant 1 : i32
    scf.for %while3A_477 = %while3A_194 to %while3A_200 step %while3A_201  : i32 {
      %mul3A_478 = arith.constant 3 : i32
      %mul3A_479 = arith.muli %mul3A_478, %while3A_477 : i32
      %add3A_480 = arith.constant 0 : i32
      %add3A_481 = arith.addi %mul3A_479, %add3A_480 : i32
      %lt3A_482 = arith.cmpi slt, %add3A_481, %select_n3A : i32
      %convert_element_type3A_483 = arith.extui %lt3A_482 : i1 to i32
      %cond3A_484 = arith.constant 0 : i32
      %cond3A_485 = arith.cmpi ne, %convert_element_type3A_483, %cond3A_484 : i32
      scf.if %cond3A_485 {
        %dma_wait3A_502 = arith.constant 0 : i32
        %dma_wait3A_503 = arith.constant 0 : i32
        %dma_wait3A_504 = tpu.memref_slice %arg4[%dma_wait3A_502, %dma_wait3A_503] : memref<40000x128xf32, #tpu.memory_space<hbm>> -> memref<128x128xf32, #tpu.memory_space<hbm>>
        %dma_wait3A_505 = arith.constant 0 : i32
        %dma_wait3A_506 = arith.constant 0 : i32
        %dma_wait3A_507 = tpu.memref_slice %arg4[%dma_wait3A_505, %dma_wait3A_506] : memref<40000x128xf32, #tpu.memory_space<hbm>> -> memref<128x128xf32, #tpu.memory_space<hbm>>
        tpu.wait_dma2 semaphore(%arg22 : memref<!tpu.dma_semaphore, #tpu.memory_space<semaphore_mem>>) src(%dma_wait3A_507 : memref<128x128xf32, #tpu.memory_space<hbm>>) dst(%arg12 : memref<128x128xf32, #tpu.memory_space<vmem>>)
        %add3A_508 = arith.constant 3 : i32
        %add3A_509 = arith.addi %add3A_481, %add3A_508 : i32
        %lt3A_510 = arith.cmpi slt, %add3A_509, %select_n3A : i32
        %convert_element_type3A_511 = arith.extui %lt3A_510 : i1 to i32
        %cond3A_512 = arith.constant 0 : i32
        %cond3A_513 = arith.cmpi ne, %convert_element_type3A_511, %cond3A_512 : i32
        scf.if %cond3A_513 {
          %add3A_527 = arith.constant 3 : i32
          %add3A_528 = arith.addi %add3A_481, %add3A_527 : i32
          %mul3A_529 = arith.constant 128 : i32
          %mul3A_530 = arith.muli %add3A_528, %mul3A_529 : i32
          %add3A_531 = arith.addi %mul3A_2, %mul3A_530 : i32
          %dma_start3A_532 = tpu.memref_slice %arg2[%add3A_531] : memref<160000xi32, #tpu.memory_space<hbm>> -> memref<128xi32, #tpu.memory_space<hbm>>
          %dma_start3A_533 = tpu.memref_slice %arg2[%add3A_531] : memref<160000xi32, #tpu.memory_space<hbm>> -> memref<128xi32, #tpu.memory_space<hbm>>
          tpu.enqueue_dma source(%dma_start3A_533 : memref<128xi32, #tpu.memory_space<hbm>>) target(%arg6 : memref<128xi32, #tpu.memory_space<vmem>>) target_semaphore(%arg16 : memref<!tpu.dma_semaphore, #tpu.memory_space<semaphore_mem>>)
        } else {
        }
        %dma_wait3A_514 = arith.constant 0 : i32
        %dma_wait3A_515 = tpu.memref_slice %arg3[%dma_wait3A_514] : memref<160000xi32, #tpu.memory_space<hbm>> -> memref<128xi32, #tpu.memory_space<hbm>>
        %dma_wait3A_516 = arith.constant 0 : i32
        %dma_wait3A_517 = tpu.memref_slice %arg3[%dma_wait3A_516] : memref<160000xi32, #tpu.memory_space<hbm>> -> memref<128xi32, #tpu.memory_space<hbm>>
        tpu.wait_dma2 semaphore(%arg19 : memref<!tpu.dma_semaphore, #tpu.memory_space<semaphore_mem>>) src(%dma_wait3A_517 : memref<128xi32, #tpu.memory_space<hbm>>) dst(%arg9 : memref<128xi32, #tpu.memory_space<vmem>>)
        %dma_start3A_518 = arith.constant 0 : i32
        %dma_start3A_519 = arith.constant 0 : i32
        %dma_start3A_520 = tpu.memref_slice %arg15[%dma_start3A_518, %dma_start3A_519] : memref<10000x128xf32, #tpu.memory_space<vmem_shared>> -> memref<10000x128xf32, #tpu.memory_space<vmem_shared>>
        tpu.enqueue_indirect_dma source(%arg12 : memref<128x128xf32, #tpu.memory_space<vmem>>) target(%dma_start3A_520 : memref<10000x128xf32, #tpu.memory_space<vmem_shared>>) offsets(%arg9 : memref<128xi32, #tpu.memory_space<vmem>>) semaphore(%arg25 : memref<!tpu.dma_semaphore, #tpu.memory_space<semaphore_mem>>) {add = true}
        %add3A_521 = arith.constant 2 : i32
        %add3A_522 = arith.addi %add3A_481, %add3A_521 : i32
        %lt3A_523 = arith.cmpi slt, %add3A_522, %select_n3A : i32
        %convert_element_type3A_524 = arith.extui %lt3A_523 : i1 to i32
        %cond3A_525 = arith.constant 0 : i32
        %cond3A_526 = arith.cmpi ne, %convert_element_type3A_524, %cond3A_525 : i32
        scf.if %cond3A_526 {
          %ge3A = arith.constant 1 : i32
          %ge3A_527 = arith.cmpi sge, %add3A_481, %ge3A : i32
          %convert_element_type3A_528 = arith.extui %ge3A_527 : i1 to i32
          %cond3A_529 = arith.constant 0 : i32
          %cond3A_530 = arith.cmpi ne, %convert_element_type3A_528, %cond3A_529 : i32
          scf.if %cond3A_530 {
            %dma_wait3A_617 = arith.constant 0 : i32
            %dma_wait3A_618 = arith.constant 0 : i32
            %dma_wait3A_619 = tpu.memref_slice %arg15[%dma_wait3A_617, %dma_wait3A_618] : memref<10000x128xf32, #tpu.memory_space<vmem_shared>> -> memref<128x128xf32, #tpu.memory_space<vmem_shared>>
            %dma_wait3A_620 = arith.constant 0 : i32
            %dma_wait3A_621 = arith.constant 0 : i32
            %dma_wait3A_622 = tpu.memref_slice %arg15[%dma_wait3A_620, %dma_wait3A_621] : memref<10000x128xf32, #tpu.memory_space<vmem_shared>> -> memref<128x128xf32, #tpu.memory_space<vmem_shared>>
            tpu.wait_dma2 semaphore(%arg27 : memref<!tpu.dma_semaphore, #tpu.memory_space<semaphore_mem>>) src(%arg14 : memref<128x128xf32, #tpu.memory_space<vmem>>) dst(%dma_wait3A_622 : memref<128x128xf32, #tpu.memory_space<vmem_shared>>)
          } else {
          }
          %dma_wait3A_531 = arith.constant 0 : i32
          %dma_wait3A_532 = tpu.memref_slice %arg2[%dma_wait3A_531] : memref<160000xi32, #tpu.memory_space<hbm>> -> memref<128xi32, #tpu.memory_space<hbm>>
          %dma_wait3A_533 = arith.constant 0 : i32
          %dma_wait3A_534 = tpu.memref_slice %arg2[%dma_wait3A_533] : memref<160000xi32, #tpu.memory_space<hbm>> -> memref<128xi32, #tpu.memory_space<hbm>>
          tpu.wait_dma2 semaphore(%arg18 : memref<!tpu.dma_semaphore, #tpu.memory_space<semaphore_mem>>) src(%dma_wait3A_534 : memref<128xi32, #tpu.memory_space<hbm>>) dst(%arg8 : memref<128xi32, #tpu.memory_space<vmem>>)
          %get3A_535 = arith.constant 0 : index
          %get3A_536 = tpu.vector_load %arg8[%get3A_535] {strides = array<i32>} : memref<128xi32, #tpu.memory_space<vmem>>, vector<16xi32>,
          %get3A_537 = vector.shape_cast %get3A_536 : vector<16xi32> to vector<16xi32>
          %add3A_538 = vector.broadcast %mul3A_5 : i32 to vector<16xi32>
          %add3A_539 = arith.addi %get3A_537, %add3A_538 : vector<16xi32>
          %swap3A_540 = arith.constant 0 : index
          %swap3A_541 = tpu.vector_load %arg8[%swap3A_540] {strides = array<i32>} : memref<128xi32, #tpu.memory_space<vmem>>, vector<16xi32>,
          %swap3A_542 = vector.shape_cast %swap3A_541 : vector<16xi32> to vector<16xi32>
          %swap3A_543 = vector.shape_cast %add3A_539 : vector<16xi32> to vector<16xi32>
          tpu.vector_store %arg8[%swap3A_540], %swap3A_543 {strides = array<i32>} : memref<128xi32, #tpu.memory_space<vmem>>, vector<16xi32>,
          %get3A_544 = arith.constant 16 : index
          %get3A_545 = tpu.vector_load %arg8[%get3A_544] {strides = array<i32>} : memref<128xi32, #tpu.memory_space<vmem>>, vector<16xi32>,
          %get3A_546 = vector.shape_cast %get3A_545 : vector<16xi32> to vector<16xi32>
          %add3A_547 = vector.broadcast %mul3A_5 : i32 to vector<16xi32>
          %add3A_548 = arith.addi %get3A_546, %add3A_547 : vector<16xi32>
          %swap3A_549 = arith.constant 16 : index
          %swap3A_550 = tpu.vector_load %arg8[%swap3A_549] {strides = array<i32>} : memref<128xi32, #tpu.memory_space<vmem>>, vector<16xi32>,
          %swap3A_551 = vector.shape_cast %swap3A_550 : vector<16xi32> to vector<16xi32>
          %swap3A_552 = vector.shape_cast %add3A_548 : vector<16xi32> to vector<16xi32>
          tpu.vector_store %arg8[%swap3A_549], %swap3A_552 {strides = array<i32>} : memref<128xi32, #tpu.memory_space<vmem>>, vector<16xi32>,
          %get3A_553 = arith.constant 32 : index
          %get3A_554 = tpu.vector_load %arg8[%get3A_553] {strides = array<i32>} : memref<128xi32, #tpu.memory_space<vmem>>, vector<16xi32>,
          %get3A_555 = vector.shape_cast %get3A_554 : vector<16xi32> to vector<16xi32>
          %add3A_556 = vector.broadcast %mul3A_5 : i32 to vector<16xi32>
          %add3A_557 = arith.addi %get3A_555, %add3A_556 : vector<16xi32>
          %swap3A_558 = arith.constant 32 : index
          %swap3A_559 = tpu.vector_load %arg8[%swap3A_558] {strides = array<i32>} : memref<128xi32, #tpu.memory_space<vmem>>, vector<16xi32>,
          %swap3A_560 = vector.shape_cast %swap3A_559 : vector<16xi32> to vector<16xi32>
          %swap3A_561 = vector.shape_cast %add3A_557 : vector<16xi32> to vector<16xi32>
          tpu.vector_store %arg8[%swap3A_558], %swap3A_561 {strides = array<i32>} : memref<128xi32, #tpu.memory_space<vmem>>, vector<16xi32>,
          %get3A_562 = arith.constant 48 : index
          %get3A_563 = tpu.vector_load %arg8[%get3A_562] {strides = array<i32>} : memref<128xi32, #tpu.memory_space<vmem>>, vector<16xi32>,
          %get3A_564 = vector.shape_cast %get3A_563 : vector<16xi32> to vector<16xi32>
          %add3A_565 = vector.broadcast %mul3A_5 : i32 to vector<16xi32>
          %add3A_566 = arith.addi %get3A_564, %add3A_565 : vector<16xi32>
          %swap3A_567 = arith.constant 48 : index
          %swap3A_568 = tpu.vector_load %arg8[%swap3A_567] {strides = array<i32>} : memref<128xi32, #tpu.memory_space<vmem>>, vector<16xi32>,
          %swap3A_569 = vector.shape_cast %swap3A_568 : vector<16xi32> to vector<16xi32>
          %swap3A_570 = vector.shape_cast %add3A_566 : vector<16xi32> to vector<16xi32>
          tpu.vector_store %arg8[%swap3A_567], %swap3A_570 {strides = array<i32>} : memref<128xi32, #tpu.memory_space<vmem>>, vector<16xi32>,
          %get3A_571 = arith.constant 64 : index
          %get3A_572 = tpu.vector_load %arg8[%get3A_571] {strides = array<i32>} : memref<128xi32, #tpu.memory_space<vmem>>, vector<16xi32>,
          %get3A_573 = vector.shape_cast %get3A_572 : vector<16xi32> to vector<16xi32>
          %add3A_574 = vector.broadcast %mul3A_5 : i32 to vector<16xi32>
          %add3A_575 = arith.addi %get3A_573, %add3A_574 : vector<16xi32>
          %swap3A_576 = arith.constant 64 : index
          %swap3A_577 = tpu.vector_load %arg8[%swap3A_576] {strides = array<i32>} : memref<128xi32, #tpu.memory_space<vmem>>, vector<16xi32>,
          %swap3A_578 = vector.shape_cast %swap3A_577 : vector<16xi32> to vector<16xi32>
          %swap3A_579 = vector.shape_cast %add3A_575 : vector<16xi32> to vector<16xi32>
          tpu.vector_store %arg8[%swap3A_576], %swap3A_579 {strides = array<i32>} : memref<128xi32, #tpu.memory_space<vmem>>, vector<16xi32>,
          %get3A_580 = arith.constant 80 : index
          %get3A_581 = tpu.vector_load %arg8[%get3A_580] {strides = array<i32>} : memref<128xi32, #tpu.memory_space<vmem>>, vector<16xi32>,
          %get3A_582 = vector.shape_cast %get3A_581 : vector<16xi32> to vector<16xi32>
          %add3A_583 = vector.broadcast %mul3A_5 : i32 to vector<16xi32>
          %add3A_584 = arith.addi %get3A_582, %add3A_583 : vector<16xi32>
          %swap3A_585 = arith.constant 80 : index
          %swap3A_586 = tpu.vector_load %arg8[%swap3A_585] {strides = array<i32>} : memref<128xi32, #tpu.memory_space<vmem>>, vector<16xi32>,
          %swap3A_587 = vector.shape_cast %swap3A_586 : vector<16xi32> to vector<16xi32>
          %swap3A_588 = vector.shape_cast %add3A_584 : vector<16xi32> to vector<16xi32>
          tpu.vector_store %arg8[%swap3A_585], %swap3A_588 {strides = array<i32>} : memref<128xi32, #tpu.memory_space<vmem>>, vector<16xi32>,
          %get3A_589 = arith.constant 96 : index
          %get3A_590 = tpu.vector_load %arg8[%get3A_589] {strides = array<i32>} : memref<128xi32, #tpu.memory_space<vmem>>, vector<16xi32>,
          %get3A_591 = vector.shape_cast %get3A_590 : vector<16xi32> to vector<16xi32>
          %add3A_592 = vector.broadcast %mul3A_5 : i32 to vector<16xi32>
          %add3A_593 = arith.addi %get3A_591, %add3A_592 : vector<16xi32>
          %swap3A_594 = arith.constant 96 : index
          %swap3A_595 = tpu.vector_load %arg8[%swap3A_594] {strides = array<i32>} : memref<128xi32, #tpu.memory_space<vmem>>, vector<16xi32>,
          %swap3A_596 = vector.shape_cast %swap3A_595 : vector<16xi32> to vector<16xi32>
          %swap3A_597 = vector.shape_cast %add3A_593 : vector<16xi32> to vector<16xi32>
          tpu.vector_store %arg8[%swap3A_594], %swap3A_597 {strides = array<i32>} : memref<128xi32, #tpu.memory_space<vmem>>, vector<16xi32>,
          %get3A_598 = arith.constant 112 : index
          %get3A_599 = tpu.vector_load %arg8[%get3A_598] {strides = array<i32>} : memref<128xi32, #tpu.memory_space<vmem>>, vector<16xi32>,
          %get3A_600 = vector.shape_cast %get3A_599 : vector<16xi32> to vector<16xi32>
          %add3A_601 = vector.broadcast %mul3A_5 : i32 to vector<16xi32>
          %add3A_602 = arith.addi %get3A_600, %add3A_601 : vector<16xi32>
          %swap3A_603 = arith.constant 112 : index
          %swap3A_604 = tpu.vector_load %arg8[%swap3A_603] {strides = array<i32>} : memref<128xi32, #tpu.memory_space<vmem>>, vector<16xi32>,
          %swap3A_605 = vector.shape_cast %swap3A_604 : vector<16xi32> to vector<16xi32>
          %swap3A_606 = vector.shape_cast %add3A_602 : vector<16xi32> to vector<16xi32>
          tpu.vector_store %arg8[%swap3A_603], %swap3A_606 {strides = array<i32>} : memref<128xi32, #tpu.memory_space<vmem>>, vector<16xi32>,
          %dma_start3A_607 = arith.constant 0 : i32
          %dma_start3A_608 = arith.constant 0 : i32
          %dma_start3A_609 = tpu.memref_slice %arg4[%dma_start3A_607, %dma_start3A_608] : memref<40000x128xf32, #tpu.memory_space<hbm>> -> memref<40000x128xf32, #tpu.memory_space<hbm>>
          tpu.enqueue_indirect_dma source(%dma_start3A_609 : memref<40000x128xf32, #tpu.memory_space<hbm>>) target(%arg14 : memref<128x128xf32, #tpu.memory_space<vmem>>) offsets(%arg8 : memref<128xi32, #tpu.memory_space<vmem>>) semaphore(%arg24 : memref<!tpu.dma_semaphore, #tpu.memory_space<semaphore_mem>>)
          %add3A_610 = arith.constant 2 : i32
          %add3A_611 = arith.addi %add3A_481, %add3A_610 : i32
          %mul3A_612 = arith.constant 128 : i32
          %mul3A_613 = arith.muli %add3A_611, %mul3A_612 : i32
          %add3A_614 = arith.addi %mul3A_2, %mul3A_613 : i32
          %dma_start3A_615 = tpu.memref_slice %arg3[%add3A_614] : memref<160000xi32, #tpu.memory_space<hbm>> -> memref<128xi32, #tpu.memory_space<hbm>>
          %dma_start3A_616 = tpu.memref_slice %arg3[%add3A_614] : memref<160000xi32, #tpu.memory_space<hbm>> -> memref<128xi32, #tpu.memory_space<hbm>>
          tpu.enqueue_dma source(%dma_start3A_616 : memref<128xi32, #tpu.memory_space<hbm>>) target(%arg11 : memref<128xi32, #tpu.memory_space<vmem>>) target_semaphore(%arg21 : memref<!tpu.dma_semaphore, #tpu.memory_space<semaphore_mem>>)
        } else {
        }
      } else {
      }
      %mul3A_486 = arith.constant 3 : i32
      %mul3A_487 = arith.muli %mul3A_486, %while3A_477 : i32
      %add3A_488 = arith.constant 1 : i32
      %add3A_489 = arith.addi %mul3A_487, %add3A_488 : i32
      %lt3A_490 = arith.cmpi slt, %add3A_489, %select_n3A : i32
      %convert_element_type3A_491 = arith.extui %lt3A_490 : i1 to i32
      %cond3A_492 = arith.constant 0 : i32
      %cond3A_493 = arith.cmpi ne, %convert_element_type3A_491, %cond3A_492 : i32
      scf.if %cond3A_493 {
        %dma_wait3A_502 = arith.constant 0 : i32
        %dma_wait3A_503 = arith.constant 0 : i32
        %dma_wait3A_504 = tpu.memref_slice %arg4[%dma_wait3A_502, %dma_wait3A_503] : memref<40000x128xf32, #tpu.memory_space<hbm>> -> memref<128x128xf32, #tpu.memory_space<hbm>>
        %dma_wait3A_505 = arith.constant 0 : i32
        %dma_wait3A_506 = arith.constant 0 : i32
        %dma_wait3A_507 = tpu.memref_slice %arg4[%dma_wait3A_505, %dma_wait3A_506] : memref<40000x128xf32, #tpu.memory_space<hbm>> -> memref<128x128xf32, #tpu.memory_space<hbm>>
        tpu.wait_dma2 semaphore(%arg23 : memref<!tpu.dma_semaphore, #tpu.memory_space<semaphore_mem>>) src(%dma_wait3A_507 : memref<128x128xf32, #tpu.memory_space<hbm>>) dst(%arg13 : memref<128x128xf32, #tpu.memory_space<vmem>>)
        %add3A_508 = arith.constant 3 : i32
        %add3A_509 = arith.addi %add3A_489, %add3A_508 : i32
        %lt3A_510 = arith.cmpi slt, %add3A_509, %select_n3A : i32
        %convert_element_type3A_511 = arith.extui %lt3A_510 : i1 to i32
        %cond3A_512 = arith.constant 0 : i32
        %cond3A_513 = arith.cmpi ne, %convert_element_type3A_511, %cond3A_512 : i32
        scf.if %cond3A_513 {
          %add3A_527 = arith.constant 3 : i32
          %add3A_528 = arith.addi %add3A_489, %add3A_527 : i32
          %mul3A_529 = arith.constant 128 : i32
          %mul3A_530 = arith.muli %add3A_528, %mul3A_529 : i32
          %add3A_531 = arith.addi %mul3A_2, %mul3A_530 : i32
          %dma_start3A_532 = tpu.memref_slice %arg2[%add3A_531] : memref<160000xi32, #tpu.memory_space<hbm>> -> memref<128xi32, #tpu.memory_space<hbm>>
          %dma_start3A_533 = tpu.memref_slice %arg2[%add3A_531] : memref<160000xi32, #tpu.memory_space<hbm>> -> memref<128xi32, #tpu.memory_space<hbm>>
          tpu.enqueue_dma source(%dma_start3A_533 : memref<128xi32, #tpu.memory_space<hbm>>) target(%arg7 : memref<128xi32, #tpu.memory_space<vmem>>) target_semaphore(%arg17 : memref<!tpu.dma_semaphore, #tpu.memory_space<semaphore_mem>>)
        } else {
        }
        %dma_wait3A_514 = arith.constant 0 : i32
        %dma_wait3A_515 = tpu.memref_slice %arg3[%dma_wait3A_514] : memref<160000xi32, #tpu.memory_space<hbm>> -> memref<128xi32, #tpu.memory_space<hbm>>
        %dma_wait3A_516 = arith.constant 0 : i32
        %dma_wait3A_517 = tpu.memref_slice %arg3[%dma_wait3A_516] : memref<160000xi32, #tpu.memory_space<hbm>> -> memref<128xi32, #tpu.memory_space<hbm>>
        tpu.wait_dma2 semaphore(%arg20 : memref<!tpu.dma_semaphore, #tpu.memory_space<semaphore_mem>>) src(%dma_wait3A_517 : memref<128xi32, #tpu.memory_space<hbm>>) dst(%arg10 : memref<128xi32, #tpu.memory_space<vmem>>)
        %dma_start3A_518 = arith.constant 0 : i32
        %dma_start3A_519 = arith.constant 0 : i32
        %dma_start3A_520 = tpu.memref_slice %arg15[%dma_start3A_518, %dma_start3A_519] : memref<10000x128xf32, #tpu.memory_space<vmem_shared>> -> memref<10000x128xf32, #tpu.memory_space<vmem_shared>>
        tpu.enqueue_indirect_dma source(%arg13 : memref<128x128xf32, #tpu.memory_space<vmem>>) target(%dma_start3A_520 : memref<10000x128xf32, #tpu.memory_space<vmem_shared>>) offsets(%arg10 : memref<128xi32, #tpu.memory_space<vmem>>) semaphore(%arg26 : memref<!tpu.dma_semaphore, #tpu.memory_space<semaphore_mem>>) {add = true}
        %add3A_521 = arith.constant 2 : i32
        %add3A_522 = arith.addi %add3A_489, %add3A_521 : i32
        %lt3A_523 = arith.cmpi slt, %add3A_522, %select_n3A : i32
        %convert_element_type3A_524 = arith.extui %lt3A_523 : i1 to i32
        %cond3A_525 = arith.constant 0 : i32
        %cond3A_526 = arith.cmpi ne, %convert_element_type3A_524, %cond3A_525 : i32
        scf.if %cond3A_526 {
          %ge3A = arith.constant 1 : i32
          %ge3A_527 = arith.cmpi sge, %add3A_489, %ge3A : i32
          %convert_element_type3A_528 = arith.extui %ge3A_527 : i1 to i32
          %cond3A_529 = arith.constant 0 : i32
          %cond3A_530 = arith.cmpi ne, %convert_element_type3A_528, %cond3A_529 : i32
          scf.if %cond3A_530 {
            %dma_wait3A_617 = arith.constant 0 : i32
            %dma_wait3A_618 = arith.constant 0 : i32
            %dma_wait3A_619 = tpu.memref_slice %arg15[%dma_wait3A_617, %dma_wait3A_618] : memref<10000x128xf32, #tpu.memory_space<vmem_shared>> -> memref<128x128xf32, #tpu.memory_space<vmem_shared>>
            %dma_wait3A_620 = arith.constant 0 : i32
            %dma_wait3A_621 = arith.constant 0 : i32
            %dma_wait3A_622 = tpu.memref_slice %arg15[%dma_wait3A_620, %dma_wait3A_621] : memref<10000x128xf32, #tpu.memory_space<vmem_shared>> -> memref<128x128xf32, #tpu.memory_space<vmem_shared>>
            tpu.wait_dma2 semaphore(%arg25 : memref<!tpu.dma_semaphore, #tpu.memory_space<semaphore_mem>>) src(%arg12 : memref<128x128xf32, #tpu.memory_space<vmem>>) dst(%dma_wait3A_622 : memref<128x128xf32, #tpu.memory_space<vmem_shared>>)
          } else {
          }
          %dma_wait3A_531 = arith.constant 0 : i32
          %dma_wait3A_532 = tpu.memref_slice %arg2[%dma_wait3A_531] : memref<160000xi32, #tpu.memory_space<hbm>> -> memref<128xi32, #tpu.memory_space<hbm>>
          %dma_wait3A_533 = arith.constant 0 : i32
          %dma_wait3A_534 = tpu.memref_slice %arg2[%dma_wait3A_533] : memref<160000xi32, #tpu.memory_space<hbm>> -> memref<128xi32, #tpu.memory_space<hbm>>
          tpu.wait_dma2 semaphore(%arg16 : memref<!tpu.dma_semaphore, #tpu.memory_space<semaphore_mem>>) src(%dma_wait3A_534 : memref<128xi32, #tpu.memory_space<hbm>>) dst(%arg6 : memref<128xi32, #tpu.memory_space<vmem>>)
          %get3A_535 = arith.constant 0 : index
          %get3A_536 = tpu.vector_load %arg6[%get3A_535] {strides = array<i32>} : memref<128xi32, #tpu.memory_space<vmem>>, vector<16xi32>,
          %get3A_537 = vector.shape_cast %get3A_536 : vector<16xi32> to vector<16xi32>
          %add3A_538 = vector.broadcast %mul3A_5 : i32 to vector<16xi32>
          %add3A_539 = arith.addi %get3A_537, %add3A_538 : vector<16xi32>
          %swap3A_540 = arith.constant 0 : index
          %swap3A_541 = tpu.vector_load %arg6[%swap3A_540] {strides = array<i32>} : memref<128xi32, #tpu.memory_space<vmem>>, vector<16xi32>,
          %swap3A_542 = vector.shape_cast %swap3A_541 : vector<16xi32> to vector<16xi32>
          %swap3A_543 = vector.shape_cast %add3A_539 : vector<16xi32> to vector<16xi32>
          tpu.vector_store %arg6[%swap3A_540], %swap3A_543 {strides = array<i32>} : memref<128xi32, #tpu.memory_space<vmem>>, vector<16xi32>,
          %get3A_544 = arith.constant 16 : index
          %get3A_545 = tpu.vector_load %arg6[%get3A_544] {strides = array<i32>} : memref<128xi32, #tpu.memory_space<vmem>>, vector<16xi32>,
          %get3A_546 = vector.shape_cast %get3A_545 : vector<16xi32> to vector<16xi32>
          %add3A_547 = vector.broadcast %mul3A_5 : i32 to vector<16xi32>
          %add3A_548 = arith.addi %get3A_546, %add3A_547 : vector<16xi32>
          %swap3A_549 = arith.constant 16 : index
          %swap3A_550 = tpu.vector_load %arg6[%swap3A_549] {strides = array<i32>} : memref<128xi32, #tpu.memory_space<vmem>>, vector<16xi32>,
          %swap3A_551 = vector.shape_cast %swap3A_550 : vector<16xi32> to vector<16xi32>
          %swap3A_552 = vector.shape_cast %add3A_548 : vector<16xi32> to vector<16xi32>
          tpu.vector_store %arg6[%swap3A_549], %swap3A_552 {strides = array<i32>} : memref<128xi32, #tpu.memory_space<vmem>>, vector<16xi32>,
          %get3A_553 = arith.constant 32 : index
          %get3A_554 = tpu.vector_load %arg6[%get3A_553] {strides = array<i32>} : memref<128xi32, #tpu.memory_space<vmem>>, vector<16xi32>,
          %get3A_555 = vector.shape_cast %get3A_554 : vector<16xi32> to vector<16xi32>
          %add3A_556 = vector.broadcast %mul3A_5 : i32 to vector<16xi32>
          %add3A_557 = arith.addi %get3A_555, %add3A_556 : vector<16xi32>
          %swap3A_558 = arith.constant 32 : index
          %swap3A_559 = tpu.vector_load %arg6[%swap3A_558] {strides = array<i32>} : memref<128xi32, #tpu.memory_space<vmem>>, vector<16xi32>,
          %swap3A_560 = vector.shape_cast %swap3A_559 : vector<16xi32> to vector<16xi32>
          %swap3A_561 = vector.shape_cast %add3A_557 : vector<16xi32> to vector<16xi32>
          tpu.vector_store %arg6[%swap3A_558], %swap3A_561 {strides = array<i32>} : memref<128xi32, #tpu.memory_space<vmem>>, vector<16xi32>,
          %get3A_562 = arith.constant 48 : index
          %get3A_563 = tpu.vector_load %arg6[%get3A_562] {strides = array<i32>} : memref<128xi32, #tpu.memory_space<vmem>>, vector<16xi32>,
          %get3A_564 = vector.shape_cast %get3A_563 : vector<16xi32> to vector<16xi32>
          %add3A_565 = vector.broadcast %mul3A_5 : i32 to vector<16xi32>
          %add3A_566 = arith.addi %get3A_564, %add3A_565 : vector<16xi32>
          %swap3A_567 = arith.constant 48 : index
          %swap3A_568 = tpu.vector_load %arg6[%swap3A_567] {strides = array<i32>} : memref<128xi32, #tpu.memory_space<vmem>>, vector<16xi32>,
          %swap3A_569 = vector.shape_cast %swap3A_568 : vector<16xi32> to vector<16xi32>
          %swap3A_570 = vector.shape_cast %add3A_566 : vector<16xi32> to vector<16xi32>
          tpu.vector_store %arg6[%swap3A_567], %swap3A_570 {strides = array<i32>} : memref<128xi32, #tpu.memory_space<vmem>>, vector<16xi32>,
          %get3A_571 = arith.constant 64 : index
          %get3A_572 = tpu.vector_load %arg6[%get3A_571] {strides = array<i32>} : memref<128xi32, #tpu.memory_space<vmem>>, vector<16xi32>,
          %get3A_573 = vector.shape_cast %get3A_572 : vector<16xi32> to vector<16xi32>
          %add3A_574 = vector.broadcast %mul3A_5 : i32 to vector<16xi32>
          %add3A_575 = arith.addi %get3A_573, %add3A_574 : vector<16xi32>
          %swap3A_576 = arith.constant 64 : index
          %swap3A_577 = tpu.vector_load %arg6[%swap3A_576] {strides = array<i32>} : memref<128xi32, #tpu.memory_space<vmem>>, vector<16xi32>,
          %swap3A_578 = vector.shape_cast %swap3A_577 : vector<16xi32> to vector<16xi32>
          %swap3A_579 = vector.shape_cast %add3A_575 : vector<16xi32> to vector<16xi32>
          tpu.vector_store %arg6[%swap3A_576], %swap3A_579 {strides = array<i32>} : memref<128xi32, #tpu.memory_space<vmem>>, vector<16xi32>,
          %get3A_580 = arith.constant 80 : index
          %get3A_581 = tpu.vector_load %arg6[%get3A_580] {strides = array<i32>} : memref<128xi32, #tpu.memory_space<vmem>>, vector<16xi32>,
          %get3A_582 = vector.shape_cast %get3A_581 : vector<16xi32> to vector<16xi32>
          %add3A_583 = vector.broadcast %mul3A_5 : i32 to vector<16xi32>
          %add3A_584 = arith.addi %get3A_582, %add3A_583 : vector<16xi32>
          %swap3A_585 = arith.constant 80 : index
          %swap3A_586 = tpu.vector_load %arg6[%swap3A_585] {strides = array<i32>} : memref<128xi32, #tpu.memory_space<vmem>>, vector<16xi32>,
          %swap3A_587 = vector.shape_cast %swap3A_586 : vector<16xi32> to vector<16xi32>
          %swap3A_588 = vector.shape_cast %add3A_584 : vector<16xi32> to vector<16xi32>
          tpu.vector_store %arg6[%swap3A_585], %swap3A_588 {strides = array<i32>} : memref<128xi32, #tpu.memory_space<vmem>>, vector<16xi32>,
          %get3A_589 = arith.constant 96 : index
          %get3A_590 = tpu.vector_load %arg6[%get3A_589] {strides = array<i32>} : memref<128xi32, #tpu.memory_space<vmem>>, vector<16xi32>,
          %get3A_591 = vector.shape_cast %get3A_590 : vector<16xi32> to vector<16xi32>
          %add3A_592 = vector.broadcast %mul3A_5 : i32 to vector<16xi32>
          %add3A_593 = arith.addi %get3A_591, %add3A_592 : vector<16xi32>
          %swap3A_594 = arith.constant 96 : index
          %swap3A_595 = tpu.vector_load %arg6[%swap3A_594] {strides = array<i32>} : memref<128xi32, #tpu.memory_space<vmem>>, vector<16xi32>,
          %swap3A_596 = vector.shape_cast %swap3A_595 : vector<16xi32> to vector<16xi32>
          %swap3A_597 = vector.shape_cast %add3A_593 : vector<16xi32> to vector<16xi32>
          tpu.vector_store %arg6[%swap3A_594], %swap3A_597 {strides = array<i32>} : memref<128xi32, #tpu.memory_space<vmem>>, vector<16xi32>,
          %get3A_598 = arith.constant 112 : index
          %get3A_599 = tpu.vector_load %arg6[%get3A_598] {strides = array<i32>} : memref<128xi32, #tpu.memory_space<vmem>>, vector<16xi32>,
          %get3A_600 = vector.shape_cast %get3A_599 : vector<16xi32> to vector<16xi32>
          %add3A_601 = vector.broadcast %mul3A_5 : i32 to vector<16xi32>
          %add3A_602 = arith.addi %get3A_600, %add3A_601 : vector<16xi32>
          %swap3A_603 = arith.constant 112 : index
          %swap3A_604 = tpu.vector_load %arg6[%swap3A_603] {strides = array<i32>} : memref<128xi32, #tpu.memory_space<vmem>>, vector<16xi32>,
          %swap3A_605 = vector.shape_cast %swap3A_604 : vector<16xi32> to vector<16xi32>
          %swap3A_606 = vector.shape_cast %add3A_602 : vector<16xi32> to vector<16xi32>
          tpu.vector_store %arg6[%swap3A_603], %swap3A_606 {strides = array<i32>} : memref<128xi32, #tpu.memory_space<vmem>>, vector<16xi32>,
          %dma_start3A_607 = arith.constant 0 : i32
          %dma_start3A_608 = arith.constant 0 : i32
          %dma_start3A_609 = tpu.memref_slice %arg4[%dma_start3A_607, %dma_start3A_608] : memref<40000x128xf32, #tpu.memory_space<hbm>> -> memref<40000x128xf32, #tpu.memory_space<hbm>>
          tpu.enqueue_indirect_dma source(%dma_start3A_609 : memref<40000x128xf32, #tpu.memory_space<hbm>>) target(%arg12 : memref<128x128xf32, #tpu.memory_space<vmem>>) offsets(%arg6 : memref<128xi32, #tpu.memory_space<vmem>>) semaphore(%arg22 : memref<!tpu.dma_semaphore, #tpu.memory_space<semaphore_mem>>)
          %add3A_610 = arith.constant 2 : i32
          %add3A_611 = arith.addi %add3A_489, %add3A_610 : i32
          %mul3A_612 = arith.constant 128 : i32
          %mul3A_613 = arith.muli %add3A_611, %mul3A_612 : i32
          %add3A_614 = arith.addi %mul3A_2, %mul3A_613 : i32
          %dma_start3A_615 = tpu.memref_slice %arg3[%add3A_614] : memref<160000xi32, #tpu.memory_space<hbm>> -> memref<128xi32, #tpu.memory_space<hbm>>
          %dma_start3A_616 = tpu.memref_slice %arg3[%add3A_614] : memref<160000xi32, #tpu.memory_space<hbm>> -> memref<128xi32, #tpu.memory_space<hbm>>
          tpu.enqueue_dma source(%dma_start3A_616 : memref<128xi32, #tpu.memory_space<hbm>>) target(%arg9 : memref<128xi32, #tpu.memory_space<vmem>>) target_semaphore(%arg19 : memref<!tpu.dma_semaphore, #tpu.memory_space<semaphore_mem>>)
        } else {
        }
      } else {
      }
      %mul3A_494 = arith.constant 3 : i32
      %mul3A_495 = arith.muli %mul3A_494, %while3A_477 : i32
      %add3A_496 = arith.constant 2 : i32
      %add3A_497 = arith.addi %mul3A_495, %add3A_496 : i32
      %lt3A_498 = arith.cmpi slt, %add3A_497, %select_n3A : i32
      %convert_element_type3A_499 = arith.extui %lt3A_498 : i1 to i32
      %cond3A_500 = arith.constant 0 : i32
      %cond3A_501 = arith.cmpi ne, %convert_element_type3A_499, %cond3A_500 : i32
      scf.if %cond3A_501 {
        %dma_wait3A_502 = arith.constant 0 : i32
        %dma_wait3A_503 = arith.constant 0 : i32
        %dma_wait3A_504 = tpu.memref_slice %arg4[%dma_wait3A_502, %dma_wait3A_503] : memref<40000x128xf32, #tpu.memory_space<hbm>> -> memref<128x128xf32, #tpu.memory_space<hbm>>
        %dma_wait3A_505 = arith.constant 0 : i32
        %dma_wait3A_506 = arith.constant 0 : i32
        %dma_wait3A_507 = tpu.memref_slice %arg4[%dma_wait3A_505, %dma_wait3A_506] : memref<40000x128xf32, #tpu.memory_space<hbm>> -> memref<128x128xf32, #tpu.memory_space<hbm>>
        tpu.wait_dma2 semaphore(%arg24 : memref<!tpu.dma_semaphore, #tpu.memory_space<semaphore_mem>>) src(%dma_wait3A_507 : memref<128x128xf32, #tpu.memory_space<hbm>>) dst(%arg14 : memref<128x128xf32, #tpu.memory_space<vmem>>)
        %add3A_508 = arith.constant 3 : i32
        %add3A_509 = arith.addi %add3A_497, %add3A_508 : i32
        %lt3A_510 = arith.cmpi slt, %add3A_509, %select_n3A : i32
        %convert_element_type3A_511 = arith.extui %lt3A_510 : i1 to i32
        %cond3A_512 = arith.constant 0 : i32
        %cond3A_513 = arith.cmpi ne, %convert_element_type3A_511, %cond3A_512 : i32
        scf.if %cond3A_513 {
          %add3A_527 = arith.constant 3 : i32
          %add3A_528 = arith.addi %add3A_497, %add3A_527 : i32
          %mul3A_529 = arith.constant 128 : i32
          %mul3A_530 = arith.muli %add3A_528, %mul3A_529 : i32
          %add3A_531 = arith.addi %mul3A_2, %mul3A_530 : i32
          %dma_start3A_532 = tpu.memref_slice %arg2[%add3A_531] : memref<160000xi32, #tpu.memory_space<hbm>> -> memref<128xi32, #tpu.memory_space<hbm>>
          %dma_start3A_533 = tpu.memref_slice %arg2[%add3A_531] : memref<160000xi32, #tpu.memory_space<hbm>> -> memref<128xi32, #tpu.memory_space<hbm>>
          tpu.enqueue_dma source(%dma_start3A_533 : memref<128xi32, #tpu.memory_space<hbm>>) target(%arg8 : memref<128xi32, #tpu.memory_space<vmem>>) target_semaphore(%arg18 : memref<!tpu.dma_semaphore, #tpu.memory_space<semaphore_mem>>)
        } else {
        }
        %dma_wait3A_514 = arith.constant 0 : i32
        %dma_wait3A_515 = tpu.memref_slice %arg3[%dma_wait3A_514] : memref<160000xi32, #tpu.memory_space<hbm>> -> memref<128xi32, #tpu.memory_space<hbm>>
        %dma_wait3A_516 = arith.constant 0 : i32
        %dma_wait3A_517 = tpu.memref_slice %arg3[%dma_wait3A_516] : memref<160000xi32, #tpu.memory_space<hbm>> -> memref<128xi32, #tpu.memory_space<hbm>>
        tpu.wait_dma2 semaphore(%arg21 : memref<!tpu.dma_semaphore, #tpu.memory_space<semaphore_mem>>) src(%dma_wait3A_517 : memref<128xi32, #tpu.memory_space<hbm>>) dst(%arg11 : memref<128xi32, #tpu.memory_space<vmem>>)
        %dma_start3A_518 = arith.constant 0 : i32
        %dma_start3A_519 = arith.constant 0 : i32
        %dma_start3A_520 = tpu.memref_slice %arg15[%dma_start3A_518, %dma_start3A_519] : memref<10000x128xf32, #tpu.memory_space<vmem_shared>> -> memref<10000x128xf32, #tpu.memory_space<vmem_shared>>
        tpu.enqueue_indirect_dma source(%arg14 : memref<128x128xf32, #tpu.memory_space<vmem>>) target(%dma_start3A_520 : memref<10000x128xf32, #tpu.memory_space<vmem_shared>>) offsets(%arg11 : memref<128xi32, #tpu.memory_space<vmem>>) semaphore(%arg27 : memref<!tpu.dma_semaphore, #tpu.memory_space<semaphore_mem>>) {add = true}
        %add3A_521 = arith.constant 2 : i32
        %add3A_522 = arith.addi %add3A_497, %add3A_521 : i32
        %lt3A_523 = arith.cmpi slt, %add3A_522, %select_n3A : i32
        %convert_element_type3A_524 = arith.extui %lt3A_523 : i1 to i32
        %cond3A_525 = arith.constant 0 : i32
        %cond3A_526 = arith.cmpi ne, %convert_element_type3A_524, %cond3A_525 : i32
        scf.if %cond3A_526 {
          %ge3A = arith.constant 1 : i32
          %ge3A_527 = arith.cmpi sge, %add3A_497, %ge3A : i32
          %convert_element_type3A_528 = arith.extui %ge3A_527 : i1 to i32
          %cond3A_529 = arith.constant 0 : i32
          %cond3A_530 = arith.cmpi ne, %convert_element_type3A_528, %cond3A_529 : i32
          scf.if %cond3A_530 {
            %dma_wait3A_617 = arith.constant 0 : i32
            %dma_wait3A_618 = arith.constant 0 : i32
            %dma_wait3A_619 = tpu.memref_slice %arg15[%dma_wait3A_617, %dma_wait3A_618] : memref<10000x128xf32, #tpu.memory_space<vmem_shared>> -> memref<128x128xf32, #tpu.memory_space<vmem_shared>>
            %dma_wait3A_620 = arith.constant 0 : i32
            %dma_wait3A_621 = arith.constant 0 : i32
            %dma_wait3A_622 = tpu.memref_slice %arg15[%dma_wait3A_620, %dma_wait3A_621] : memref<10000x128xf32, #tpu.memory_space<vmem_shared>> -> memref<128x128xf32, #tpu.memory_space<vmem_shared>>
            tpu.wait_dma2 semaphore(%arg26 : memref<!tpu.dma_semaphore, #tpu.memory_space<semaphore_mem>>) src(%arg13 : memref<128x128xf32, #tpu.memory_space<vmem>>) dst(%dma_wait3A_622 : memref<128x128xf32, #tpu.memory_space<vmem_shared>>)
          } else {
          }
          %dma_wait3A_531 = arith.constant 0 : i32
          %dma_wait3A_532 = tpu.memref_slice %arg2[%dma_wait3A_531] : memref<160000xi32, #tpu.memory_space<hbm>> -> memref<128xi32, #tpu.memory_space<hbm>>
          %dma_wait3A_533 = arith.constant 0 : i32
          %dma_wait3A_534 = tpu.memref_slice %arg2[%dma_wait3A_533] : memref<160000xi32, #tpu.memory_space<hbm>> -> memref<128xi32, #tpu.memory_space<hbm>>
          tpu.wait_dma2 semaphore(%arg17 : memref<!tpu.dma_semaphore, #tpu.memory_space<semaphore_mem>>) src(%dma_wait3A_534 : memref<128xi32, #tpu.memory_space<hbm>>) dst(%arg7 : memref<128xi32, #tpu.memory_space<vmem>>)
          %get3A_535 = arith.constant 0 : index
          %get3A_536 = tpu.vector_load %arg7[%get3A_535] {strides = array<i32>} : memref<128xi32, #tpu.memory_space<vmem>>, vector<16xi32>,
          %get3A_537 = vector.shape_cast %get3A_536 : vector<16xi32> to vector<16xi32>
          %add3A_538 = vector.broadcast %mul3A_5 : i32 to vector<16xi32>
          %add3A_539 = arith.addi %get3A_537, %add3A_538 : vector<16xi32>
          %swap3A_540 = arith.constant 0 : index
          %swap3A_541 = tpu.vector_load %arg7[%swap3A_540] {strides = array<i32>} : memref<128xi32, #tpu.memory_space<vmem>>, vector<16xi32>,
          %swap3A_542 = vector.shape_cast %swap3A_541 : vector<16xi32> to vector<16xi32>
          %swap3A_543 = vector.shape_cast %add3A_539 : vector<16xi32> to vector<16xi32>
          tpu.vector_store %arg7[%swap3A_540], %swap3A_543 {strides = array<i32>} : memref<128xi32, #tpu.memory_space<vmem>>, vector<16xi32>,
          %get3A_544 = arith.constant 16 : index
          %get3A_545 = tpu.vector_load %arg7[%get3A_544] {strides = array<i32>} : memref<128xi32, #tpu.memory_space<vmem>>, vector<16xi32>,
          %get3A_546 = vector.shape_cast %get3A_545 : vector<16xi32> to vector<16xi32>
          %add3A_547 = vector.broadcast %mul3A_5 : i32 to vector<16xi32>
          %add3A_548 = arith.addi %get3A_546, %add3A_547 : vector<16xi32>
          %swap3A_549 = arith.constant 16 : index
          %swap3A_550 = tpu.vector_load %arg7[%swap3A_549] {strides = array<i32>} : memref<128xi32, #tpu.memory_space<vmem>>, vector<16xi32>,
          %swap3A_551 = vector.shape_cast %swap3A_550 : vector<16xi32> to vector<16xi32>
          %swap3A_552 = vector.shape_cast %add3A_548 : vector<16xi32> to vector<16xi32>
          tpu.vector_store %arg7[%swap3A_549], %swap3A_552 {strides = array<i32>} : memref<128xi32, #tpu.memory_space<vmem>>, vector<16xi32>,
          %get3A_553 = arith.constant 32 : index
          %get3A_554 = tpu.vector_load %arg7[%get3A_553] {strides = array<i32>} : memref<128xi32, #tpu.memory_space<vmem>>, vector<16xi32>,
          %get3A_555 = vector.shape_cast %get3A_554 : vector<16xi32> to vector<16xi32>
          %add3A_556 = vector.broadcast %mul3A_5 : i32 to vector<16xi32>
          %add3A_557 = arith.addi %get3A_555, %add3A_556 : vector<16xi32>
          %swap3A_558 = arith.constant 32 : index
          %swap3A_559 = tpu.vector_load %arg7[%swap3A_558] {strides = array<i32>} : memref<128xi32, #tpu.memory_space<vmem>>, vector<16xi32>,
          %swap3A_560 = vector.shape_cast %swap3A_559 : vector<16xi32> to vector<16xi32>
          %swap3A_561 = vector.shape_cast %add3A_557 : vector<16xi32> to vector<16xi32>
          tpu.vector_store %arg7[%swap3A_558], %swap3A_561 {strides = array<i32>} : memref<128xi32, #tpu.memory_space<vmem>>, vector<16xi32>,
          %get3A_562 = arith.constant 48 : index
          %get3A_563 = tpu.vector_load %arg7[%get3A_562] {strides = array<i32>} : memref<128xi32, #tpu.memory_space<vmem>>, vector<16xi32>,
          %get3A_564 = vector.shape_cast %get3A_563 : vector<16xi32> to vector<16xi32>
          %add3A_565 = vector.broadcast %mul3A_5 : i32 to vector<16xi32>
          %add3A_566 = arith.addi %get3A_564, %add3A_565 : vector<16xi32>
          %swap3A_567 = arith.constant 48 : index
          %swap3A_568 = tpu.vector_load %arg7[%swap3A_567] {strides = array<i32>} : memref<128xi32, #tpu.memory_space<vmem>>, vector<16xi32>,
          %swap3A_569 = vector.shape_cast %swap3A_568 : vector<16xi32> to vector<16xi32>
          %swap3A_570 = vector.shape_cast %add3A_566 : vector<16xi32> to vector<16xi32>
          tpu.vector_store %arg7[%swap3A_567], %swap3A_570 {strides = array<i32>} : memref<128xi32, #tpu.memory_space<vmem>>, vector<16xi32>,
          %get3A_571 = arith.constant 64 : index
          %get3A_572 = tpu.vector_load %arg7[%get3A_571] {strides = array<i32>} : memref<128xi32, #tpu.memory_space<vmem>>, vector<16xi32>,
          %get3A_573 = vector.shape_cast %get3A_572 : vector<16xi32> to vector<16xi32>
          %add3A_574 = vector.broadcast %mul3A_5 : i32 to vector<16xi32>
          %add3A_575 = arith.addi %get3A_573, %add3A_574 : vector<16xi32>
          %swap3A_576 = arith.constant 64 : index
          %swap3A_577 = tpu.vector_load %arg7[%swap3A_576] {strides = array<i32>} : memref<128xi32, #tpu.memory_space<vmem>>, vector<16xi32>,
          %swap3A_578 = vector.shape_cast %swap3A_577 : vector<16xi32> to vector<16xi32>
          %swap3A_579 = vector.shape_cast %add3A_575 : vector<16xi32> to vector<16xi32>
          tpu.vector_store %arg7[%swap3A_576], %swap3A_579 {strides = array<i32>} : memref<128xi32, #tpu.memory_space<vmem>>, vector<16xi32>,
          %get3A_580 = arith.constant 80 : index
          %get3A_581 = tpu.vector_load %arg7[%get3A_580] {strides = array<i32>} : memref<128xi32, #tpu.memory_space<vmem>>, vector<16xi32>,
          %get3A_582 = vector.shape_cast %get3A_581 : vector<16xi32> to vector<16xi32>
          %add3A_583 = vector.broadcast %mul3A_5 : i32 to vector<16xi32>
          %add3A_584 = arith.addi %get3A_582, %add3A_583 : vector<16xi32>
          %swap3A_585 = arith.constant 80 : index
          %swap3A_586 = tpu.vector_load %arg7[%swap3A_585] {strides = array<i32>} : memref<128xi32, #tpu.memory_space<vmem>>, vector<16xi32>,
          %swap3A_587 = vector.shape_cast %swap3A_586 : vector<16xi32> to vector<16xi32>
          %swap3A_588 = vector.shape_cast %add3A_584 : vector<16xi32> to vector<16xi32>
          tpu.vector_store %arg7[%swap3A_585], %swap3A_588 {strides = array<i32>} : memref<128xi32, #tpu.memory_space<vmem>>, vector<16xi32>,
          %get3A_589 = arith.constant 96 : index
          %get3A_590 = tpu.vector_load %arg7[%get3A_589] {strides = array<i32>} : memref<128xi32, #tpu.memory_space<vmem>>, vector<16xi32>,
          %get3A_591 = vector.shape_cast %get3A_590 : vector<16xi32> to vector<16xi32>
          %add3A_592 = vector.broadcast %mul3A_5 : i32 to vector<16xi32>
          %add3A_593 = arith.addi %get3A_591, %add3A_592 : vector<16xi32>
          %swap3A_594 = arith.constant 96 : index
          %swap3A_595 = tpu.vector_load %arg7[%swap3A_594] {strides = array<i32>} : memref<128xi32, #tpu.memory_space<vmem>>, vector<16xi32>,
          %swap3A_596 = vector.shape_cast %swap3A_595 : vector<16xi32> to vector<16xi32>
          %swap3A_597 = vector.shape_cast %add3A_593 : vector<16xi32> to vector<16xi32>
          tpu.vector_store %arg7[%swap3A_594], %swap3A_597 {strides = array<i32>} : memref<128xi32, #tpu.memory_space<vmem>>, vector<16xi32>,
          %get3A_598 = arith.constant 112 : index
          %get3A_599 = tpu.vector_load %arg7[%get3A_598] {strides = array<i32>} : memref<128xi32, #tpu.memory_space<vmem>>, vector<16xi32>,
          %get3A_600 = vector.shape_cast %get3A_599 : vector<16xi32> to vector<16xi32>
          %add3A_601 = vector.broadcast %mul3A_5 : i32 to vector<16xi32>
          %add3A_602 = arith.addi %get3A_600, %add3A_601 : vector<16xi32>
          %swap3A_603 = arith.constant 112 : index
          %swap3A_604 = tpu.vector_load %arg7[%swap3A_603] {strides = array<i32>} : memref<128xi32, #tpu.memory_space<vmem>>, vector<16xi32>,
          %swap3A_605 = vector.shape_cast %swap3A_604 : vector<16xi32> to vector<16xi32>
          %swap3A_606 = vector.shape_cast %add3A_602 : vector<16xi32> to vector<16xi32>
          tpu.vector_store %arg7[%swap3A_603], %swap3A_606 {strides = array<i32>} : memref<128xi32, #tpu.memory_space<vmem>>, vector<16xi32>,
          %dma_start3A_607 = arith.constant 0 : i32
          %dma_start3A_608 = arith.constant 0 : i32
          %dma_start3A_609 = tpu.memref_slice %arg4[%dma_start3A_607, %dma_start3A_608] : memref<40000x128xf32, #tpu.memory_space<hbm>> -> memref<40000x128xf32, #tpu.memory_space<hbm>>
          tpu.enqueue_indirect_dma source(%dma_start3A_609 : memref<40000x128xf32, #tpu.memory_space<hbm>>) target(%arg13 : memref<128x128xf32, #tpu.memory_space<vmem>>) offsets(%arg7 : memref<128xi32, #tpu.memory_space<vmem>>) semaphore(%arg23 : memref<!tpu.dma_semaphore, #tpu.memory_space<semaphore_mem>>)
          %add3A_610 = arith.constant 2 : i32
          %add3A_611 = arith.addi %add3A_497, %add3A_610 : i32
          %mul3A_612 = arith.constant 128 : i32
          %mul3A_613 = arith.muli %add3A_611, %mul3A_612 : i32
          %add3A_614 = arith.addi %mul3A_2, %mul3A_613 : i32
          %dma_start3A_615 = tpu.memref_slice %arg3[%add3A_614] : memref<160000xi32, #tpu.memory_space<hbm>> -> memref<128xi32, #tpu.memory_space<hbm>>
          %dma_start3A_616 = tpu.memref_slice %arg3[%add3A_614] : memref<160000xi32, #tpu.memory_space<hbm>> -> memref<128xi32, #tpu.memory_space<hbm>>
          tpu.enqueue_dma source(%dma_start3A_616 : memref<128xi32, #tpu.memory_space<hbm>>) target(%arg10 : memref<128xi32, #tpu.memory_space<vmem>>) target_semaphore(%arg20 : memref<!tpu.dma_semaphore, #tpu.memory_space<semaphore_mem>>)
        } else {
        }
      } else {
      }
    }
    %while3A_202 = arith.constant 1 : i32
    scf.for %while3A_477 = %while3A_200 to %while3A_196 step %while3A_202  : i32 {
      %mul3A_478 = arith.constant 3 : i32
      %mul3A_479 = arith.muli %mul3A_478, %while3A_477 : i32
      %add3A_480 = arith.constant 0 : i32
      %add3A_481 = arith.addi %mul3A_479, %add3A_480 : i32
      %lt3A_482 = arith.cmpi slt, %add3A_481, %select_n3A : i32
      %convert_element_type3A_483 = arith.extui %lt3A_482 : i1 to i32
      %cond3A_484 = arith.constant 0 : i32
      %cond3A_485 = arith.cmpi ne, %convert_element_type3A_483, %cond3A_484 : i32
      scf.if %cond3A_485 {
        %dma_wait3A_502 = arith.constant 0 : i32
        %dma_wait3A_503 = arith.constant 0 : i32
        %dma_wait3A_504 = tpu.memref_slice %arg4[%dma_wait3A_502, %dma_wait3A_503] : memref<40000x128xf32, #tpu.memory_space<hbm>> -> memref<128x128xf32, #tpu.memory_space<hbm>>
        %dma_wait3A_505 = arith.constant 0 : i32
        %dma_wait3A_506 = arith.constant 0 : i32
        %dma_wait3A_507 = tpu.memref_slice %arg4[%dma_wait3A_505, %dma_wait3A_506] : memref<40000x128xf32, #tpu.memory_space<hbm>> -> memref<128x128xf32, #tpu.memory_space<hbm>>
        tpu.wait_dma2 semaphore(%arg22 : memref<!tpu.dma_semaphore, #tpu.memory_space<semaphore_mem>>) src(%dma_wait3A_507 : memref<128x128xf32, #tpu.memory_space<hbm>>) dst(%arg12 : memref<128x128xf32, #tpu.memory_space<vmem>>)
        %add3A_508 = arith.constant 3 : i32
        %add3A_509 = arith.addi %add3A_481, %add3A_508 : i32
        %lt3A_510 = arith.cmpi slt, %add3A_509, %select_n3A : i32
        %convert_element_type3A_511 = arith.extui %lt3A_510 : i1 to i32
        %cond3A_512 = arith.constant 0 : i32
        %cond3A_513 = arith.cmpi ne, %convert_element_type3A_511, %cond3A_512 : i32
        scf.if %cond3A_513 {
          %add3A_527 = arith.constant 3 : i32
          %add3A_528 = arith.addi %add3A_481, %add3A_527 : i32
          %mul3A_529 = arith.constant 128 : i32
          %mul3A_530 = arith.muli %add3A_528, %mul3A_529 : i32
          %add3A_531 = arith.addi %mul3A_2, %mul3A_530 : i32
          %dma_start3A_532 = tpu.memref_slice %arg2[%add3A_531] : memref<160000xi32, #tpu.memory_space<hbm>> -> memref<128xi32, #tpu.memory_space<hbm>>
          %dma_start3A_533 = tpu.memref_slice %arg2[%add3A_531] : memref<160000xi32, #tpu.memory_space<hbm>> -> memref<128xi32, #tpu.memory_space<hbm>>
          tpu.enqueue_dma source(%dma_start3A_533 : memref<128xi32, #tpu.memory_space<hbm>>) target(%arg6 : memref<128xi32, #tpu.memory_space<vmem>>) target_semaphore(%arg16 : memref<!tpu.dma_semaphore, #tpu.memory_space<semaphore_mem>>)
        } else {
        }
        %dma_wait3A_514 = arith.constant 0 : i32
        %dma_wait3A_515 = tpu.memref_slice %arg3[%dma_wait3A_514] : memref<160000xi32, #tpu.memory_space<hbm>> -> memref<128xi32, #tpu.memory_space<hbm>>
        %dma_wait3A_516 = arith.constant 0 : i32
        %dma_wait3A_517 = tpu.memref_slice %arg3[%dma_wait3A_516] : memref<160000xi32, #tpu.memory_space<hbm>> -> memref<128xi32, #tpu.memory_space<hbm>>
        tpu.wait_dma2 semaphore(%arg19 : memref<!tpu.dma_semaphore, #tpu.memory_space<semaphore_mem>>) src(%dma_wait3A_517 : memref<128xi32, #tpu.memory_space<hbm>>) dst(%arg9 : memref<128xi32, #tpu.memory_space<vmem>>)
        %dma_start3A_518 = arith.constant 0 : i32
        %dma_start3A_519 = arith.constant 0 : i32
        %dma_start3A_520 = tpu.memref_slice %arg15[%dma_start3A_518, %dma_start3A_519] : memref<10000x128xf32, #tpu.memory_space<vmem_shared>> -> memref<10000x128xf32, #tpu.memory_space<vmem_shared>>
        tpu.enqueue_indirect_dma source(%arg12 : memref<128x128xf32, #tpu.memory_space<vmem>>) target(%dma_start3A_520 : memref<10000x128xf32, #tpu.memory_space<vmem_shared>>) offsets(%arg9 : memref<128xi32, #tpu.memory_space<vmem>>) semaphore(%arg25 : memref<!tpu.dma_semaphore, #tpu.memory_space<semaphore_mem>>) {add = true}
        %add3A_521 = arith.constant 2 : i32
        %add3A_522 = arith.addi %add3A_481, %add3A_521 : i32
        %lt3A_523 = arith.cmpi slt, %add3A_522, %select_n3A : i32
        %convert_element_type3A_524 = arith.extui %lt3A_523 : i1 to i32
        %cond3A_525 = arith.constant 0 : i32
        %cond3A_526 = arith.cmpi ne, %convert_element_type3A_524, %cond3A_525 : i32
        scf.if %cond3A_526 {
          %ge3A = arith.constant 1 : i32
          %ge3A_527 = arith.cmpi sge, %add3A_481, %ge3A : i32
          %convert_element_type3A_528 = arith.extui %ge3A_527 : i1 to i32
          %cond3A_529 = arith.constant 0 : i32
          %cond3A_530 = arith.cmpi ne, %convert_element_type3A_528, %cond3A_529 : i32
          scf.if %cond3A_530 {
            %dma_wait3A_617 = arith.constant 0 : i32
            %dma_wait3A_618 = arith.constant 0 : i32
            %dma_wait3A_619 = tpu.memref_slice %arg15[%dma_wait3A_617, %dma_wait3A_618] : memref<10000x128xf32, #tpu.memory_space<vmem_shared>> -> memref<128x128xf32, #tpu.memory_space<vmem_shared>>
            %dma_wait3A_620 = arith.constant 0 : i32
            %dma_wait3A_621 = arith.constant 0 : i32
            %dma_wait3A_622 = tpu.memref_slice %arg15[%dma_wait3A_620, %dma_wait3A_621] : memref<10000x128xf32, #tpu.memory_space<vmem_shared>> -> memref<128x128xf32, #tpu.memory_space<vmem_shared>>
            tpu.wait_dma2 semaphore(%arg27 : memref<!tpu.dma_semaphore, #tpu.memory_space<semaphore_mem>>) src(%arg14 : memref<128x128xf32, #tpu.memory_space<vmem>>) dst(%dma_wait3A_622 : memref<128x128xf32, #tpu.memory_space<vmem_shared>>)
          } else {
          }
          %dma_wait3A_531 = arith.constant 0 : i32
          %dma_wait3A_532 = tpu.memref_slice %arg2[%dma_wait3A_531] : memref<160000xi32, #tpu.memory_space<hbm>> -> memref<128xi32, #tpu.memory_space<hbm>>
          %dma_wait3A_533 = arith.constant 0 : i32
          %dma_wait3A_534 = tpu.memref_slice %arg2[%dma_wait3A_533] : memref<160000xi32, #tpu.memory_space<hbm>> -> memref<128xi32, #tpu.memory_space<hbm>>
          tpu.wait_dma2 semaphore(%arg18 : memref<!tpu.dma_semaphore, #tpu.memory_space<semaphore_mem>>) src(%dma_wait3A_534 : memref<128xi32, #tpu.memory_space<hbm>>) dst(%arg8 : memref<128xi32, #tpu.memory_space<vmem>>)
          %get3A_535 = arith.constant 0 : index
          %get3A_536 = tpu.vector_load %arg8[%get3A_535] {strides = array<i32>} : memref<128xi32, #tpu.memory_space<vmem>>, vector<16xi32>,
          %get3A_537 = vector.shape_cast %get3A_536 : vector<16xi32> to vector<16xi32>
          %add3A_538 = vector.broadcast %mul3A_5 : i32 to vector<16xi32>
          %add3A_539 = arith.addi %get3A_537, %add3A_538 : vector<16xi32>
          %swap3A_540 = arith.constant 0 : index
          %swap3A_541 = tpu.vector_load %arg8[%swap3A_540] {strides = array<i32>} : memref<128xi32, #tpu.memory_space<vmem>>, vector<16xi32>,
          %swap3A_542 = vector.shape_cast %swap3A_541 : vector<16xi32> to vector<16xi32>
          %swap3A_543 = vector.shape_cast %add3A_539 : vector<16xi32> to vector<16xi32>
          tpu.vector_store %arg8[%swap3A_540], %swap3A_543 {strides = array<i32>} : memref<128xi32, #tpu.memory_space<vmem>>, vector<16xi32>,
          %get3A_544 = arith.constant 16 : index
          %get3A_545 = tpu.vector_load %arg8[%get3A_544] {strides = array<i32>} : memref<128xi32, #tpu.memory_space<vmem>>, vector<16xi32>,
          %get3A_546 = vector.shape_cast %get3A_545 : vector<16xi32> to vector<16xi32>
          %add3A_547 = vector.broadcast %mul3A_5 : i32 to vector<16xi32>
          %add3A_548 = arith.addi %get3A_546, %add3A_547 : vector<16xi32>
          %swap3A_549 = arith.constant 16 : index
          %swap3A_550 = tpu.vector_load %arg8[%swap3A_549] {strides = array<i32>} : memref<128xi32, #tpu.memory_space<vmem>>, vector<16xi32>,
          %swap3A_551 = vector.shape_cast %swap3A_550 : vector<16xi32> to vector<16xi32>
          %swap3A_552 = vector.shape_cast %add3A_548 : vector<16xi32> to vector<16xi32>
          tpu.vector_store %arg8[%swap3A_549], %swap3A_552 {strides = array<i32>} : memref<128xi32, #tpu.memory_space<vmem>>, vector<16xi32>,
          %get3A_553 = arith.constant 32 : index
          %get3A_554 = tpu.vector_load %arg8[%get3A_553] {strides = array<i32>} : memref<128xi32, #tpu.memory_space<vmem>>, vector<16xi32>,
          %get3A_555 = vector.shape_cast %get3A_554 : vector<16xi32> to vector<16xi32>
          %add3A_556 = vector.broadcast %mul3A_5 : i32 to vector<16xi32>
          %add3A_557 = arith.addi %get3A_555, %add3A_556 : vector<16xi32>
          %swap3A_558 = arith.constant 32 : index
          %swap3A_559 = tpu.vector_load %arg8[%swap3A_558] {strides = array<i32>} : memref<128xi32, #tpu.memory_space<vmem>>, vector<16xi32>,
          %swap3A_560 = vector.shape_cast %swap3A_559 : vector<16xi32> to vector<16xi32>
          %swap3A_561 = vector.shape_cast %add3A_557 : vector<16xi32> to vector<16xi32>
          tpu.vector_store %arg8[%swap3A_558], %swap3A_561 {strides = array<i32>} : memref<128xi32, #tpu.memory_space<vmem>>, vector<16xi32>,
          %get3A_562 = arith.constant 48 : index
          %get3A_563 = tpu.vector_load %arg8[%get3A_562] {strides = array<i32>} : memref<128xi32, #tpu.memory_space<vmem>>, vector<16xi32>,
          %get3A_564 = vector.shape_cast %get3A_563 : vector<16xi32> to vector<16xi32>
          %add3A_565 = vector.broadcast %mul3A_5 : i32 to vector<16xi32>
          %add3A_566 = arith.addi %get3A_564, %add3A_565 : vector<16xi32>
          %swap3A_567 = arith.constant 48 : index
          %swap3A_568 = tpu.vector_load %arg8[%swap3A_567] {strides = array<i32>} : memref<128xi32, #tpu.memory_space<vmem>>, vector<16xi32>,
          %swap3A_569 = vector.shape_cast %swap3A_568 : vector<16xi32> to vector<16xi32>
          %swap3A_570 = vector.shape_cast %add3A_566 : vector<16xi32> to vector<16xi32>
          tpu.vector_store %arg8[%swap3A_567], %swap3A_570 {strides = array<i32>} : memref<128xi32, #tpu.memory_space<vmem>>, vector<16xi32>,
          %get3A_571 = arith.constant 64 : index
          %get3A_572 = tpu.vector_load %arg8[%get3A_571] {strides = array<i32>} : memref<128xi32, #tpu.memory_space<vmem>>, vector<16xi32>,
          %get3A_573 = vector.shape_cast %get3A_572 : vector<16xi32> to vector<16xi32>
          %add3A_574 = vector.broadcast %mul3A_5 : i32 to vector<16xi32>
          %add3A_575 = arith.addi %get3A_573, %add3A_574 : vector<16xi32>
          %swap3A_576 = arith.constant 64 : index
          %swap3A_577 = tpu.vector_load %arg8[%swap3A_576] {strides = array<i32>} : memref<128xi32, #tpu.memory_space<vmem>>, vector<16xi32>,
          %swap3A_578 = vector.shape_cast %swap3A_577 : vector<16xi32> to vector<16xi32>
          %swap3A_579 = vector.shape_cast %add3A_575 : vector<16xi32> to vector<16xi32>
          tpu.vector_store %arg8[%swap3A_576], %swap3A_579 {strides = array<i32>} : memref<128xi32, #tpu.memory_space<vmem>>, vector<16xi32>,
          %get3A_580 = arith.constant 80 : index
          %get3A_581 = tpu.vector_load %arg8[%get3A_580] {strides = array<i32>} : memref<128xi32, #tpu.memory_space<vmem>>, vector<16xi32>,
          %get3A_582 = vector.shape_cast %get3A_581 : vector<16xi32> to vector<16xi32>
          %add3A_583 = vector.broadcast %mul3A_5 : i32 to vector<16xi32>
          %add3A_584 = arith.addi %get3A_582, %add3A_583 : vector<16xi32>
          %swap3A_585 = arith.constant 80 : index
          %swap3A_586 = tpu.vector_load %arg8[%swap3A_585] {strides = array<i32>} : memref<128xi32, #tpu.memory_space<vmem>>, vector<16xi32>,
          %swap3A_587 = vector.shape_cast %swap3A_586 : vector<16xi32> to vector<16xi32>
          %swap3A_588 = vector.shape_cast %add3A_584 : vector<16xi32> to vector<16xi32>
          tpu.vector_store %arg8[%swap3A_585], %swap3A_588 {strides = array<i32>} : memref<128xi32, #tpu.memory_space<vmem>>, vector<16xi32>,
          %get3A_589 = arith.constant 96 : index
          %get3A_590 = tpu.vector_load %arg8[%get3A_589] {strides = array<i32>} : memref<128xi32, #tpu.memory_space<vmem>>, vector<16xi32>,
          %get3A_591 = vector.shape_cast %get3A_590 : vector<16xi32> to vector<16xi32>
          %add3A_592 = vector.broadcast %mul3A_5 : i32 to vector<16xi32>
          %add3A_593 = arith.addi %get3A_591, %add3A_592 : vector<16xi32>
          %swap3A_594 = arith.constant 96 : index
          %swap3A_595 = tpu.vector_load %arg8[%swap3A_594] {strides = array<i32>} : memref<128xi32, #tpu.memory_space<vmem>>, vector<16xi32>,
          %swap3A_596 = vector.shape_cast %swap3A_595 : vector<16xi32> to vector<16xi32>
          %swap3A_597 = vector.shape_cast %add3A_593 : vector<16xi32> to vector<16xi32>
          tpu.vector_store %arg8[%swap3A_594], %swap3A_597 {strides = array<i32>} : memref<128xi32, #tpu.memory_space<vmem>>, vector<16xi32>,
          %get3A_598 = arith.constant 112 : index
          %get3A_599 = tpu.vector_load %arg8[%get3A_598] {strides = array<i32>} : memref<128xi32, #tpu.memory_space<vmem>>, vector<16xi32>,
          %get3A_600 = vector.shape_cast %get3A_599 : vector<16xi32> to vector<16xi32>
          %add3A_601 = vector.broadcast %mul3A_5 : i32 to vector<16xi32>
          %add3A_602 = arith.addi %get3A_600, %add3A_601 : vector<16xi32>
          %swap3A_603 = arith.constant 112 : index
          %swap3A_604 = tpu.vector_load %arg8[%swap3A_603] {strides = array<i32>} : memref<128xi32, #tpu.memory_space<vmem>>, vector<16xi32>,
          %swap3A_605 = vector.shape_cast %swap3A_604 : vector<16xi32> to vector<16xi32>
          %swap3A_606 = vector.shape_cast %add3A_602 : vector<16xi32> to vector<16xi32>
          tpu.vector_store %arg8[%swap3A_603], %swap3A_606 {strides = array<i32>} : memref<128xi32, #tpu.memory_space<vmem>>, vector<16xi32>,
          %dma_start3A_607 = arith.constant 0 : i32
          %dma_start3A_608 = arith.constant 0 : i32
          %dma_start3A_609 = tpu.memref_slice %arg4[%dma_start3A_607, %dma_start3A_608] : memref<40000x128xf32, #tpu.memory_space<hbm>> -> memref<40000x128xf32, #tpu.memory_space<hbm>>
          tpu.enqueue_indirect_dma source(%dma_start3A_609 : memref<40000x128xf32, #tpu.memory_space<hbm>>) target(%arg14 : memref<128x128xf32, #tpu.memory_space<vmem>>) offsets(%arg8 : memref<128xi32, #tpu.memory_space<vmem>>) semaphore(%arg24 : memref<!tpu.dma_semaphore, #tpu.memory_space<semaphore_mem>>)
          %add3A_610 = arith.constant 2 : i32
          %add3A_611 = arith.addi %add3A_481, %add3A_610 : i32
          %mul3A_612 = arith.constant 128 : i32
          %mul3A_613 = arith.muli %add3A_611, %mul3A_612 : i32
          %add3A_614 = arith.addi %mul3A_2, %mul3A_613 : i32
          %dma_start3A_615 = tpu.memref_slice %arg3[%add3A_614] : memref<160000xi32, #tpu.memory_space<hbm>> -> memref<128xi32, #tpu.memory_space<hbm>>
          %dma_start3A_616 = tpu.memref_slice %arg3[%add3A_614] : memref<160000xi32, #tpu.memory_space<hbm>> -> memref<128xi32, #tpu.memory_space<hbm>>
          tpu.enqueue_dma source(%dma_start3A_616 : memref<128xi32, #tpu.memory_space<hbm>>) target(%arg11 : memref<128xi32, #tpu.memory_space<vmem>>) target_semaphore(%arg21 : memref<!tpu.dma_semaphore, #tpu.memory_space<semaphore_mem>>)
        } else {
        }
      } else {
      }
      %mul3A_486 = arith.constant 3 : i32
      %mul3A_487 = arith.muli %mul3A_486, %while3A_477 : i32
      %add3A_488 = arith.constant 1 : i32
      %add3A_489 = arith.addi %mul3A_487, %add3A_488 : i32
      %lt3A_490 = arith.cmpi slt, %add3A_489, %select_n3A : i32
      %convert_element_type3A_491 = arith.extui %lt3A_490 : i1 to i32
      %cond3A_492 = arith.constant 0 : i32
      %cond3A_493 = arith.cmpi ne, %convert_element_type3A_491, %cond3A_492 : i32
      scf.if %cond3A_493 {
        %dma_wait3A_502 = arith.constant 0 : i32
        %dma_wait3A_503 = arith.constant 0 : i32
        %dma_wait3A_504 = tpu.memref_slice %arg4[%dma_wait3A_502, %dma_wait3A_503] : memref<40000x128xf32, #tpu.memory_space<hbm>> -> memref<128x128xf32, #tpu.memory_space<hbm>>
        %dma_wait3A_505 = arith.constant 0 : i32
        %dma_wait3A_506 = arith.constant 0 : i32
        %dma_wait3A_507 = tpu.memref_slice %arg4[%dma_wait3A_505, %dma_wait3A_506] : memref<40000x128xf32, #tpu.memory_space<hbm>> -> memref<128x128xf32, #tpu.memory_space<hbm>>
        tpu.wait_dma2 semaphore(%arg23 : memref<!tpu.dma_semaphore, #tpu.memory_space<semaphore_mem>>) src(%dma_wait3A_507 : memref<128x128xf32, #tpu.memory_space<hbm>>) dst(%arg13 : memref<128x128xf32, #tpu.memory_space<vmem>>)
        %add3A_508 = arith.constant 3 : i32
        %add3A_509 = arith.addi %add3A_489, %add3A_508 : i32
        %lt3A_510 = arith.cmpi slt, %add3A_509, %select_n3A : i32
        %convert_element_type3A_511 = arith.extui %lt3A_510 : i1 to i32
        %cond3A_512 = arith.constant 0 : i32
        %cond3A_513 = arith.cmpi ne, %convert_element_type3A_511, %cond3A_512 : i32
        scf.if %cond3A_513 {
          %add3A_527 = arith.constant 3 : i32
          %add3A_528 = arith.addi %add3A_489, %add3A_527 : i32
          %mul3A_529 = arith.constant 128 : i32
          %mul3A_530 = arith.muli %add3A_528, %mul3A_529 : i32
          %add3A_531 = arith.addi %mul3A_2, %mul3A_530 : i32
          %dma_start3A_532 = tpu.memref_slice %arg2[%add3A_531] : memref<160000xi32, #tpu.memory_space<hbm>> -> memref<128xi32, #tpu.memory_space<hbm>>
          %dma_start3A_533 = tpu.memref_slice %arg2[%add3A_531] : memref<160000xi32, #tpu.memory_space<hbm>> -> memref<128xi32, #tpu.memory_space<hbm>>
          tpu.enqueue_dma source(%dma_start3A_533 : memref<128xi32, #tpu.memory_space<hbm>>) target(%arg7 : memref<128xi32, #tpu.memory_space<vmem>>) target_semaphore(%arg17 : memref<!tpu.dma_semaphore, #tpu.memory_space<semaphore_mem>>)
        } else {
        }
        %dma_wait3A_514 = arith.constant 0 : i32
        %dma_wait3A_515 = tpu.memref_slice %arg3[%dma_wait3A_514] : memref<160000xi32, #tpu.memory_space<hbm>> -> memref<128xi32, #tpu.memory_space<hbm>>
        %dma_wait3A_516 = arith.constant 0 : i32
        %dma_wait3A_517 = tpu.memref_slice %arg3[%dma_wait3A_516] : memref<160000xi32, #tpu.memory_space<hbm>> -> memref<128xi32, #tpu.memory_space<hbm>>
        tpu.wait_dma2 semaphore(%arg20 : memref<!tpu.dma_semaphore, #tpu.memory_space<semaphore_mem>>) src(%dma_wait3A_517 : memref<128xi32, #tpu.memory_space<hbm>>) dst(%arg10 : memref<128xi32, #tpu.memory_space<vmem>>)
        %dma_start3A_518 = arith.constant 0 : i32
        %dma_start3A_519 = arith.constant 0 : i32
        %dma_start3A_520 = tpu.memref_slice %arg15[%dma_start3A_518, %dma_start3A_519] : memref<10000x128xf32, #tpu.memory_space<vmem_shared>> -> memref<10000x128xf32, #tpu.memory_space<vmem_shared>>
        tpu.enqueue_indirect_dma source(%arg13 : memref<128x128xf32, #tpu.memory_space<vmem>>) target(%dma_start3A_520 : memref<10000x128xf32, #tpu.memory_space<vmem_shared>>) offsets(%arg10 : memref<128xi32, #tpu.memory_space<vmem>>) semaphore(%arg26 : memref<!tpu.dma_semaphore, #tpu.memory_space<semaphore_mem>>) {add = true}
        %add3A_521 = arith.constant 2 : i32
        %add3A_522 = arith.addi %add3A_489, %add3A_521 : i32
        %lt3A_523 = arith.cmpi slt, %add3A_522, %select_n3A : i32
        %convert_element_type3A_524 = arith.extui %lt3A_523 : i1 to i32
        %cond3A_525 = arith.constant 0 : i32
        %cond3A_526 = arith.cmpi ne, %convert_element_type3A_524, %cond3A_525 : i32
        scf.if %cond3A_526 {
          %ge3A = arith.constant 1 : i32
          %ge3A_527 = arith.cmpi sge, %add3A_489, %ge3A : i32
          %convert_element_type3A_528 = arith.extui %ge3A_527 : i1 to i32
          %cond3A_529 = arith.constant 0 : i32
          %cond3A_530 = arith.cmpi ne, %convert_element_type3A_528, %cond3A_529 : i32
          scf.if %cond3A_530 {
            %dma_wait3A_617 = arith.constant 0 : i32
            %dma_wait3A_618 = arith.constant 0 : i32
            %dma_wait3A_619 = tpu.memref_slice %arg15[%dma_wait3A_617, %dma_wait3A_618] : memref<10000x128xf32, #tpu.memory_space<vmem_shared>> -> memref<128x128xf32, #tpu.memory_space<vmem_shared>>
            %dma_wait3A_620 = arith.constant 0 : i32
            %dma_wait3A_621 = arith.constant 0 : i32
            %dma_wait3A_622 = tpu.memref_slice %arg15[%dma_wait3A_620, %dma_wait3A_621] : memref<10000x128xf32, #tpu.memory_space<vmem_shared>> -> memref<128x128xf32, #tpu.memory_space<vmem_shared>>
            tpu.wait_dma2 semaphore(%arg25 : memref<!tpu.dma_semaphore, #tpu.memory_space<semaphore_mem>>) src(%arg12 : memref<128x128xf32, #tpu.memory_space<vmem>>) dst(%dma_wait3A_622 : memref<128x128xf32, #tpu.memory_space<vmem_shared>>)
          } else {
          }
          %dma_wait3A_531 = arith.constant 0 : i32
          %dma_wait3A_532 = tpu.memref_slice %arg2[%dma_wait3A_531] : memref<160000xi32, #tpu.memory_space<hbm>> -> memref<128xi32, #tpu.memory_space<hbm>>
          %dma_wait3A_533 = arith.constant 0 : i32
          %dma_wait3A_534 = tpu.memref_slice %arg2[%dma_wait3A_533] : memref<160000xi32, #tpu.memory_space<hbm>> -> memref<128xi32, #tpu.memory_space<hbm>>
          tpu.wait_dma2 semaphore(%arg16 : memref<!tpu.dma_semaphore, #tpu.memory_space<semaphore_mem>>) src(%dma_wait3A_534 : memref<128xi32, #tpu.memory_space<hbm>>) dst(%arg6 : memref<128xi32, #tpu.memory_space<vmem>>)
          %get3A_535 = arith.constant 0 : index
          %get3A_536 = tpu.vector_load %arg6[%get3A_535] {strides = array<i32>} : memref<128xi32, #tpu.memory_space<vmem>>, vector<16xi32>,
          %get3A_537 = vector.shape_cast %get3A_536 : vector<16xi32> to vector<16xi32>
          %add3A_538 = vector.broadcast %mul3A_5 : i32 to vector<16xi32>
          %add3A_539 = arith.addi %get3A_537, %add3A_538 : vector<16xi32>
          %swap3A_540 = arith.constant 0 : index
          %swap3A_541 = tpu.vector_load %arg6[%swap3A_540] {strides = array<i32>} : memref<128xi32, #tpu.memory_space<vmem>>, vector<16xi32>,
          %swap3A_542 = vector.shape_cast %swap3A_541 : vector<16xi32> to vector<16xi32>
          %swap3A_543 = vector.shape_cast %add3A_539 : vector<16xi32> to vector<16xi32>
          tpu.vector_store %arg6[%swap3A_540], %swap3A_543 {strides = array<i32>} : memref<128xi32, #tpu.memory_space<vmem>>, vector<16xi32>,
          %get3A_544 = arith.constant 16 : index
          %get3A_545 = tpu.vector_load %arg6[%get3A_544] {strides = array<i32>} : memref<128xi32, #tpu.memory_space<vmem>>, vector<16xi32>,
          %get3A_546 = vector.shape_cast %get3A_545 : vector<16xi32> to vector<16xi32>
          %add3A_547 = vector.broadcast %mul3A_5 : i32 to vector<16xi32>
          %add3A_548 = arith.addi %get3A_546, %add3A_547 : vector<16xi32>
          %swap3A_549 = arith.constant 16 : index
          %swap3A_550 = tpu.vector_load %arg6[%swap3A_549] {strides = array<i32>} : memref<128xi32, #tpu.memory_space<vmem>>, vector<16xi32>,
          %swap3A_551 = vector.shape_cast %swap3A_550 : vector<16xi32> to vector<16xi32>
          %swap3A_552 = vector.shape_cast %add3A_548 : vector<16xi32> to vector<16xi32>
          tpu.vector_store %arg6[%swap3A_549], %swap3A_552 {strides = array<i32>} : memref<128xi32, #tpu.memory_space<vmem>>, vector<16xi32>,
          %get3A_553 = arith.constant 32 : index
          %get3A_554 = tpu.vector_load %arg6[%get3A_553] {strides = array<i32>} : memref<128xi32, #tpu.memory_space<vmem>>, vector<16xi32>,
          %get3A_555 = vector.shape_cast %get3A_554 : vector<16xi32> to vector<16xi32>
          %add3A_556 = vector.broadcast %mul3A_5 : i32 to vector<16xi32>
          %add3A_557 = arith.addi %get3A_555, %add3A_556 : vector<16xi32>
          %swap3A_558 = arith.constant 32 : index
          %swap3A_559 = tpu.vector_load %arg6[%swap3A_558] {strides = array<i32>} : memref<128xi32, #tpu.memory_space<vmem>>, vector<16xi32>,
          %swap3A_560 = vector.shape_cast %swap3A_559 : vector<16xi32> to vector<16xi32>
          %swap3A_561 = vector.shape_cast %add3A_557 : vector<16xi32> to vector<16xi32>
          tpu.vector_store %arg6[%swap3A_558], %swap3A_561 {strides = array<i32>} : memref<128xi32, #tpu.memory_space<vmem>>, vector<16xi32>,
          %get3A_562 = arith.constant 48 : index
          %get3A_563 = tpu.vector_load %arg6[%get3A_562] {strides = array<i32>} : memref<128xi32, #tpu.memory_space<vmem>>, vector<16xi32>,
          %get3A_564 = vector.shape_cast %get3A_563 : vector<16xi32> to vector<16xi32>
          %add3A_565 = vector.broadcast %mul3A_5 : i32 to vector<16xi32>
          %add3A_566 = arith.addi %get3A_564, %add3A_565 : vector<16xi32>
          %swap3A_567 = arith.constant 48 : index
          %swap3A_568 = tpu.vector_load %arg6[%swap3A_567] {strides = array<i32>} : memref<128xi32, #tpu.memory_space<vmem>>, vector<16xi32>,
          %swap3A_569 = vector.shape_cast %swap3A_568 : vector<16xi32> to vector<16xi32>
          %swap3A_570 = vector.shape_cast %add3A_566 : vector<16xi32> to vector<16xi32>
          tpu.vector_store %arg6[%swap3A_567], %swap3A_570 {strides = array<i32>} : memref<128xi32, #tpu.memory_space<vmem>>, vector<16xi32>,
          %get3A_571 = arith.constant 64 : index
          %get3A_572 = tpu.vector_load %arg6[%get3A_571] {strides = array<i32>} : memref<128xi32, #tpu.memory_space<vmem>>, vector<16xi32>,
          %get3A_573 = vector.shape_cast %get3A_572 : vector<16xi32> to vector<16xi32>
          %add3A_574 = vector.broadcast %mul3A_5 : i32 to vector<16xi32>
          %add3A_575 = arith.addi %get3A_573, %add3A_574 : vector<16xi32>
          %swap3A_576 = arith.constant 64 : index
          %swap3A_577 = tpu.vector_load %arg6[%swap3A_576] {strides = array<i32>} : memref<128xi32, #tpu.memory_space<vmem>>, vector<16xi32>,
          %swap3A_578 = vector.shape_cast %swap3A_577 : vector<16xi32> to vector<16xi32>
          %swap3A_579 = vector.shape_cast %add3A_575 : vector<16xi32> to vector<16xi32>
          tpu.vector_store %arg6[%swap3A_576], %swap3A_579 {strides = array<i32>} : memref<128xi32, #tpu.memory_space<vmem>>, vector<16xi32>,
          %get3A_580 = arith.constant 80 : index
          %get3A_581 = tpu.vector_load %arg6[%get3A_580] {strides = array<i32>} : memref<128xi32, #tpu.memory_space<vmem>>, vector<16xi32>,
          %get3A_582 = vector.shape_cast %get3A_581 : vector<16xi32> to vector<16xi32>
          %add3A_583 = vector.broadcast %mul3A_5 : i32 to vector<16xi32>
          %add3A_584 = arith.addi %get3A_582, %add3A_583 : vector<16xi32>
          %swap3A_585 = arith.constant 80 : index
          %swap3A_586 = tpu.vector_load %arg6[%swap3A_585] {strides = array<i32>} : memref<128xi32, #tpu.memory_space<vmem>>, vector<16xi32>,
          %swap3A_587 = vector.shape_cast %swap3A_586 : vector<16xi32> to vector<16xi32>
          %swap3A_588 = vector.shape_cast %add3A_584 : vector<16xi32> to vector<16xi32>
          tpu.vector_store %arg6[%swap3A_585], %swap3A_588 {strides = array<i32>} : memref<128xi32, #tpu.memory_space<vmem>>, vector<16xi32>,
          %get3A_589 = arith.constant 96 : index
          %get3A_590 = tpu.vector_load %arg6[%get3A_589] {strides = array<i32>} : memref<128xi32, #tpu.memory_space<vmem>>, vector<16xi32>,
          %get3A_591 = vector.shape_cast %get3A_590 : vector<16xi32> to vector<16xi32>
          %add3A_592 = vector.broadcast %mul3A_5 : i32 to vector<16xi32>
          %add3A_593 = arith.addi %get3A_591, %add3A_592 : vector<16xi32>
          %swap3A_594 = arith.constant 96 : index
          %swap3A_595 = tpu.vector_load %arg6[%swap3A_594] {strides = array<i32>} : memref<128xi32, #tpu.memory_space<vmem>>, vector<16xi32>,
          %swap3A_596 = vector.shape_cast %swap3A_595 : vector<16xi32> to vector<16xi32>
          %swap3A_597 = vector.shape_cast %add3A_593 : vector<16xi32> to vector<16xi32>
          tpu.vector_store %arg6[%swap3A_594], %swap3A_597 {strides = array<i32>} : memref<128xi32, #tpu.memory_space<vmem>>, vector<16xi32>,
          %get3A_598 = arith.constant 112 : index
          %get3A_599 = tpu.vector_load %arg6[%get3A_598] {strides = array<i32>} : memref<128xi32, #tpu.memory_space<vmem>>, vector<16xi32>,
          %get3A_600 = vector.shape_cast %get3A_599 : vector<16xi32> to vector<16xi32>
          %add3A_601 = vector.broadcast %mul3A_5 : i32 to vector<16xi32>
          %add3A_602 = arith.addi %get3A_600, %add3A_601 : vector<16xi32>
          %swap3A_603 = arith.constant 112 : index
          %swap3A_604 = tpu.vector_load %arg6[%swap3A_603] {strides = array<i32>} : memref<128xi32, #tpu.memory_space<vmem>>, vector<16xi32>,
          %swap3A_605 = vector.shape_cast %swap3A_604 : vector<16xi32> to vector<16xi32>
          %swap3A_606 = vector.shape_cast %add3A_602 : vector<16xi32> to vector<16xi32>
          tpu.vector_store %arg6[%swap3A_603], %swap3A_606 {strides = array<i32>} : memref<128xi32, #tpu.memory_space<vmem>>, vector<16xi32>,
          %dma_start3A_607 = arith.constant 0 : i32
          %dma_start3A_608 = arith.constant 0 : i32
          %dma_start3A_609 = tpu.memref_slice %arg4[%dma_start3A_607, %dma_start3A_608] : memref<40000x128xf32, #tpu.memory_space<hbm>> -> memref<40000x128xf32, #tpu.memory_space<hbm>>
          tpu.enqueue_indirect_dma source(%dma_start3A_609 : memref<40000x128xf32, #tpu.memory_space<hbm>>) target(%arg12 : memref<128x128xf32, #tpu.memory_space<vmem>>) offsets(%arg6 : memref<128xi32, #tpu.memory_space<vmem>>) semaphore(%arg22 : memref<!tpu.dma_semaphore, #tpu.memory_space<semaphore_mem>>)
          %add3A_610 = arith.constant 2 : i32
          %add3A_611 = arith.addi %add3A_489, %add3A_610 : i32
          %mul3A_612 = arith.constant 128 : i32
          %mul3A_613 = arith.muli %add3A_611, %mul3A_612 : i32
          %add3A_614 = arith.addi %mul3A_2, %mul3A_613 : i32
          %dma_start3A_615 = tpu.memref_slice %arg3[%add3A_614] : memref<160000xi32, #tpu.memory_space<hbm>> -> memref<128xi32, #tpu.memory_space<hbm>>
          %dma_start3A_616 = tpu.memref_slice %arg3[%add3A_614] : memref<160000xi32, #tpu.memory_space<hbm>> -> memref<128xi32, #tpu.memory_space<hbm>>
          tpu.enqueue_dma source(%dma_start3A_616 : memref<128xi32, #tpu.memory_space<hbm>>) target(%arg9 : memref<128xi32, #tpu.memory_space<vmem>>) target_semaphore(%arg19 : memref<!tpu.dma_semaphore, #tpu.memory_space<semaphore_mem>>)
        } else {
        }
      } else {
      }
      %mul3A_494 = arith.constant 3 : i32
      %mul3A_495 = arith.muli %mul3A_494, %while3A_477 : i32
      %add3A_496 = arith.constant 2 : i32
      %add3A_497 = arith.addi %mul3A_495, %add3A_496 : i32
      %lt3A_498 = arith.cmpi slt, %add3A_497, %select_n3A : i32
      %convert_element_type3A_499 = arith.extui %lt3A_498 : i1 to i32
      %cond3A_500 = arith.constant 0 : i32
      %cond3A_501 = arith.cmpi ne, %convert_element_type3A_499, %cond3A_500 : i32
      scf.if %cond3A_501 {
        %dma_wait3A_502 = arith.constant 0 : i32
        %dma_wait3A_503 = arith.constant 0 : i32
        %dma_wait3A_504 = tpu.memref_slice %arg4[%dma_wait3A_502, %dma_wait3A_503] : memref<40000x128xf32, #tpu.memory_space<hbm>> -> memref<128x128xf32, #tpu.memory_space<hbm>>
        %dma_wait3A_505 = arith.constant 0 : i32
        %dma_wait3A_506 = arith.constant 0 : i32
        %dma_wait3A_507 = tpu.memref_slice %arg4[%dma_wait3A_505, %dma_wait3A_506] : memref<40000x128xf32, #tpu.memory_space<hbm>> -> memref<128x128xf32, #tpu.memory_space<hbm>>
        tpu.wait_dma2 semaphore(%arg24 : memref<!tpu.dma_semaphore, #tpu.memory_space<semaphore_mem>>) src(%dma_wait3A_507 : memref<128x128xf32, #tpu.memory_space<hbm>>) dst(%arg14 : memref<128x128xf32, #tpu.memory_space<vmem>>)
        %add3A_508 = arith.constant 3 : i32
        %add3A_509 = arith.addi %add3A_497, %add3A_508 : i32
        %lt3A_510 = arith.cmpi slt, %add3A_509, %select_n3A : i32
        %convert_element_type3A_511 = arith.extui %lt3A_510 : i1 to i32
        %cond3A_512 = arith.constant 0 : i32
        %cond3A_513 = arith.cmpi ne, %convert_element_type3A_511, %cond3A_512 : i32
        scf.if %cond3A_513 {
          %add3A_527 = arith.constant 3 : i32
          %add3A_528 = arith.addi %add3A_497, %add3A_527 : i32
          %mul3A_529 = arith.constant 128 : i32
          %mul3A_530 = arith.muli %add3A_528, %mul3A_529 : i32
          %add3A_531 = arith.addi %mul3A_2, %mul3A_530 : i32
          %dma_start3A_532 = tpu.memref_slice %arg2[%add3A_531] : memref<160000xi32, #tpu.memory_space<hbm>> -> memref<128xi32, #tpu.memory_space<hbm>>
          %dma_start3A_533 = tpu.memref_slice %arg2[%add3A_531] : memref<160000xi32, #tpu.memory_space<hbm>> -> memref<128xi32, #tpu.memory_space<hbm>>
          tpu.enqueue_dma source(%dma_start3A_533 : memref<128xi32, #tpu.memory_space<hbm>>) target(%arg8 : memref<128xi32, #tpu.memory_space<vmem>>) target_semaphore(%arg18 : memref<!tpu.dma_semaphore, #tpu.memory_space<semaphore_mem>>)
        } else {
        }
        %dma_wait3A_514 = arith.constant 0 : i32
        %dma_wait3A_515 = tpu.memref_slice %arg3[%dma_wait3A_514] : memref<160000xi32, #tpu.memory_space<hbm>> -> memref<128xi32, #tpu.memory_space<hbm>>
        %dma_wait3A_516 = arith.constant 0 : i32
        %dma_wait3A_517 = tpu.memref_slice %arg3[%dma_wait3A_516] : memref<160000xi32, #tpu.memory_space<hbm>> -> memref<128xi32, #tpu.memory_space<hbm>>
        tpu.wait_dma2 semaphore(%arg21 : memref<!tpu.dma_semaphore, #tpu.memory_space<semaphore_mem>>) src(%dma_wait3A_517 : memref<128xi32, #tpu.memory_space<hbm>>) dst(%arg11 : memref<128xi32, #tpu.memory_space<vmem>>)
        %dma_start3A_518 = arith.constant 0 : i32
        %dma_start3A_519 = arith.constant 0 : i32
        %dma_start3A_520 = tpu.memref_slice %arg15[%dma_start3A_518, %dma_start3A_519] : memref<10000x128xf32, #tpu.memory_space<vmem_shared>> -> memref<10000x128xf32, #tpu.memory_space<vmem_shared>>
        tpu.enqueue_indirect_dma source(%arg14 : memref<128x128xf32, #tpu.memory_space<vmem>>) target(%dma_start3A_520 : memref<10000x128xf32, #tpu.memory_space<vmem_shared>>) offsets(%arg11 : memref<128xi32, #tpu.memory_space<vmem>>) semaphore(%arg27 : memref<!tpu.dma_semaphore, #tpu.memory_space<semaphore_mem>>) {add = true}
        %add3A_521 = arith.constant 2 : i32
        %add3A_522 = arith.addi %add3A_497, %add3A_521 : i32
        %lt3A_523 = arith.cmpi slt, %add3A_522, %select_n3A : i32
        %convert_element_type3A_524 = arith.extui %lt3A_523 : i1 to i32
        %cond3A_525 = arith.constant 0 : i32
        %cond3A_526 = arith.cmpi ne, %convert_element_type3A_524, %cond3A_525 : i32
        scf.if %cond3A_526 {
          %ge3A = arith.constant 1 : i32
          %ge3A_527 = arith.cmpi sge, %add3A_497, %ge3A : i32
          %convert_element_type3A_528 = arith.extui %ge3A_527 : i1 to i32
          %cond3A_529 = arith.constant 0 : i32
          %cond3A_530 = arith.cmpi ne, %convert_element_type3A_528, %cond3A_529 : i32
          scf.if %cond3A_530 {
            %dma_wait3A_617 = arith.constant 0 : i32
            %dma_wait3A_618 = arith.constant 0 : i32
            %dma_wait3A_619 = tpu.memref_slice %arg15[%dma_wait3A_617, %dma_wait3A_618] : memref<10000x128xf32, #tpu.memory_space<vmem_shared>> -> memref<128x128xf32, #tpu.memory_space<vmem_shared>>
            %dma_wait3A_620 = arith.constant 0 : i32
            %dma_wait3A_621 = arith.constant 0 : i32
            %dma_wait3A_622 = tpu.memref_slice %arg15[%dma_wait3A_620, %dma_wait3A_621] : memref<10000x128xf32, #tpu.memory_space<vmem_shared>> -> memref<128x128xf32, #tpu.memory_space<vmem_shared>>
            tpu.wait_dma2 semaphore(%arg26 : memref<!tpu.dma_semaphore, #tpu.memory_space<semaphore_mem>>) src(%arg13 : memref<128x128xf32, #tpu.memory_space<vmem>>) dst(%dma_wait3A_622 : memref<128x128xf32, #tpu.memory_space<vmem_shared>>)
          } else {
          }
          %dma_wait3A_531 = arith.constant 0 : i32
          %dma_wait3A_532 = tpu.memref_slice %arg2[%dma_wait3A_531] : memref<160000xi32, #tpu.memory_space<hbm>> -> memref<128xi32, #tpu.memory_space<hbm>>
          %dma_wait3A_533 = arith.constant 0 : i32
          %dma_wait3A_534 = tpu.memref_slice %arg2[%dma_wait3A_533] : memref<160000xi32, #tpu.memory_space<hbm>> -> memref<128xi32, #tpu.memory_space<hbm>>
          tpu.wait_dma2 semaphore(%arg17 : memref<!tpu.dma_semaphore, #tpu.memory_space<semaphore_mem>>) src(%dma_wait3A_534 : memref<128xi32, #tpu.memory_space<hbm>>) dst(%arg7 : memref<128xi32, #tpu.memory_space<vmem>>)
          %get3A_535 = arith.constant 0 : index
          %get3A_536 = tpu.vector_load %arg7[%get3A_535] {strides = array<i32>} : memref<128xi32, #tpu.memory_space<vmem>>, vector<16xi32>,
          %get3A_537 = vector.shape_cast %get3A_536 : vector<16xi32> to vector<16xi32>
          %add3A_538 = vector.broadcast %mul3A_5 : i32 to vector<16xi32>
          %add3A_539 = arith.addi %get3A_537, %add3A_538 : vector<16xi32>
          %swap3A_540 = arith.constant 0 : index
          %swap3A_541 = tpu.vector_load %arg7[%swap3A_540] {strides = array<i32>} : memref<128xi32, #tpu.memory_space<vmem>>, vector<16xi32>,
          %swap3A_542 = vector.shape_cast %swap3A_541 : vector<16xi32> to vector<16xi32>
          %swap3A_543 = vector.shape_cast %add3A_539 : vector<16xi32> to vector<16xi32>
          tpu.vector_store %arg7[%swap3A_540], %swap3A_543 {strides = array<i32>} : memref<128xi32, #tpu.memory_space<vmem>>, vector<16xi32>,
          %get3A_544 = arith.constant 16 : index
          %get3A_545 = tpu.vector_load %arg7[%get3A_544] {strides = array<i32>} : memref<128xi32, #tpu.memory_space<vmem>>, vector<16xi32>,
          %get3A_546 = vector.shape_cast %get3A_545 : vector<16xi32> to vector<16xi32>
          %add3A_547 = vector.broadcast %mul3A_5 : i32 to vector<16xi32>
          %add3A_548 = arith.addi %get3A_546, %add3A_547 : vector<16xi32>
          %swap3A_549 = arith.constant 16 : index
          %swap3A_550 = tpu.vector_load %arg7[%swap3A_549] {strides = array<i32>} : memref<128xi32, #tpu.memory_space<vmem>>, vector<16xi32>,
          %swap3A_551 = vector.shape_cast %swap3A_550 : vector<16xi32> to vector<16xi32>
          %swap3A_552 = vector.shape_cast %add3A_548 : vector<16xi32> to vector<16xi32>
          tpu.vector_store %arg7[%swap3A_549], %swap3A_552 {strides = array<i32>} : memref<128xi32, #tpu.memory_space<vmem>>, vector<16xi32>,
          %get3A_553 = arith.constant 32 : index
          %get3A_554 = tpu.vector_load %arg7[%get3A_553] {strides = array<i32>} : memref<128xi32, #tpu.memory_space<vmem>>, vector<16xi32>,
          %get3A_555 = vector.shape_cast %get3A_554 : vector<16xi32> to vector<16xi32>
          %add3A_556 = vector.broadcast %mul3A_5 : i32 to vector<16xi32>
          %add3A_557 = arith.addi %get3A_555, %add3A_556 : vector<16xi32>
          %swap3A_558 = arith.constant 32 : index
          %swap3A_559 = tpu.vector_load %arg7[%swap3A_558] {strides = array<i32>} : memref<128xi32, #tpu.memory_space<vmem>>, vector<16xi32>,
          %swap3A_560 = vector.shape_cast %swap3A_559 : vector<16xi32> to vector<16xi32>
          %swap3A_561 = vector.shape_cast %add3A_557 : vector<16xi32> to vector<16xi32>
          tpu.vector_store %arg7[%swap3A_558], %swap3A_561 {strides = array<i32>} : memref<128xi32, #tpu.memory_space<vmem>>, vector<16xi32>,
          %get3A_562 = arith.constant 48 : index
          %get3A_563 = tpu.vector_load %arg7[%get3A_562] {strides = array<i32>} : memref<128xi32, #tpu.memory_space<vmem>>, vector<16xi32>,
          %get3A_564 = vector.shape_cast %get3A_563 : vector<16xi32> to vector<16xi32>
          %add3A_565 = vector.broadcast %mul3A_5 : i32 to vector<16xi32>
          %add3A_566 = arith.addi %get3A_564, %add3A_565 : vector<16xi32>
          %swap3A_567 = arith.constant 48 : index
          %swap3A_568 = tpu.vector_load %arg7[%swap3A_567] {strides = array<i32>} : memref<128xi32, #tpu.memory_space<vmem>>, vector<16xi32>,
          %swap3A_569 = vector.shape_cast %swap3A_568 : vector<16xi32> to vector<16xi32>
          %swap3A_570 = vector.shape_cast %add3A_566 : vector<16xi32> to vector<16xi32>
          tpu.vector_store %arg7[%swap3A_567], %swap3A_570 {strides = array<i32>} : memref<128xi32, #tpu.memory_space<vmem>>, vector<16xi32>,
          %get3A_571 = arith.constant 64 : index
          %get3A_572 = tpu.vector_load %arg7[%get3A_571] {strides = array<i32>} : memref<128xi32, #tpu.memory_space<vmem>>, vector<16xi32>,
          %get3A_573 = vector.shape_cast %get3A_572 : vector<16xi32> to vector<16xi32>
          %add3A_574 = vector.broadcast %mul3A_5 : i32 to vector<16xi32>
          %add3A_575 = arith.addi %get3A_573, %add3A_574 : vector<16xi32>
          %swap3A_576 = arith.constant 64 : index
          %swap3A_577 = tpu.vector_load %arg7[%swap3A_576] {strides = array<i32>} : memref<128xi32, #tpu.memory_space<vmem>>, vector<16xi32>,
          %swap3A_578 = vector.shape_cast %swap3A_577 : vector<16xi32> to vector<16xi32>
          %swap3A_579 = vector.shape_cast %add3A_575 : vector<16xi32> to vector<16xi32>
          tpu.vector_store %arg7[%swap3A_576], %swap3A_579 {strides = array<i32>} : memref<128xi32, #tpu.memory_space<vmem>>, vector<16xi32>,
          %get3A_580 = arith.constant 80 : index
          %get3A_581 = tpu.vector_load %arg7[%get3A_580] {strides = array<i32>} : memref<128xi32, #tpu.memory_space<vmem>>, vector<16xi32>,
          %get3A_582 = vector.shape_cast %get3A_581 : vector<16xi32> to vector<16xi32>
          %add3A_583 = vector.broadcast %mul3A_5 : i32 to vector<16xi32>
          %add3A_584 = arith.addi %get3A_582, %add3A_583 : vector<16xi32>
          %swap3A_585 = arith.constant 80 : index
          %swap3A_586 = tpu.vector_load %arg7[%swap3A_585] {strides = array<i32>} : memref<128xi32, #tpu.memory_space<vmem>>, vector<16xi32>,
          %swap3A_587 = vector.shape_cast %swap3A_586 : vector<16xi32> to vector<16xi32>
          %swap3A_588 = vector.shape_cast %add3A_584 : vector<16xi32> to vector<16xi32>
          tpu.vector_store %arg7[%swap3A_585], %swap3A_588 {strides = array<i32>} : memref<128xi32, #tpu.memory_space<vmem>>, vector<16xi32>,
          %get3A_589 = arith.constant 96 : index
          %get3A_590 = tpu.vector_load %arg7[%get3A_589] {strides = array<i32>} : memref<128xi32, #tpu.memory_space<vmem>>, vector<16xi32>,
          %get3A_591 = vector.shape_cast %get3A_590 : vector<16xi32> to vector<16xi32>
          %add3A_592 = vector.broadcast %mul3A_5 : i32 to vector<16xi32>
          %add3A_593 = arith.addi %get3A_591, %add3A_592 : vector<16xi32>
          %swap3A_594 = arith.constant 96 : index
          %swap3A_595 = tpu.vector_load %arg7[%swap3A_594] {strides = array<i32>} : memref<128xi32, #tpu.memory_space<vmem>>, vector<16xi32>,
          %swap3A_596 = vector.shape_cast %swap3A_595 : vector<16xi32> to vector<16xi32>
          %swap3A_597 = vector.shape_cast %add3A_593 : vector<16xi32> to vector<16xi32>
          tpu.vector_store %arg7[%swap3A_594], %swap3A_597 {strides = array<i32>} : memref<128xi32, #tpu.memory_space<vmem>>, vector<16xi32>,
          %get3A_598 = arith.constant 112 : index
          %get3A_599 = tpu.vector_load %arg7[%get3A_598] {strides = array<i32>} : memref<128xi32, #tpu.memory_space<vmem>>, vector<16xi32>,
          %get3A_600 = vector.shape_cast %get3A_599 : vector<16xi32> to vector<16xi32>
          %add3A_601 = vector.broadcast %mul3A_5 : i32 to vector<16xi32>
          %add3A_602 = arith.addi %get3A_600, %add3A_601 : vector<16xi32>
          %swap3A_603 = arith.constant 112 : index
          %swap3A_604 = tpu.vector_load %arg7[%swap3A_603] {strides = array<i32>} : memref<128xi32, #tpu.memory_space<vmem>>, vector<16xi32>,
          %swap3A_605 = vector.shape_cast %swap3A_604 : vector<16xi32> to vector<16xi32>
          %swap3A_606 = vector.shape_cast %add3A_602 : vector<16xi32> to vector<16xi32>
          tpu.vector_store %arg7[%swap3A_603], %swap3A_606 {strides = array<i32>} : memref<128xi32, #tpu.memory_space<vmem>>, vector<16xi32>,
          %dma_start3A_607 = arith.constant 0 : i32
          %dma_start3A_608 = arith.constant 0 : i32
          %dma_start3A_609 = tpu.memref_slice %arg4[%dma_start3A_607, %dma_start3A_608] : memref<40000x128xf32, #tpu.memory_space<hbm>> -> memref<40000x128xf32, #tpu.memory_space<hbm>>
          tpu.enqueue_indirect_dma source(%dma_start3A_609 : memref<40000x128xf32, #tpu.memory_space<hbm>>) target(%arg13 : memref<128x128xf32, #tpu.memory_space<vmem>>) offsets(%arg7 : memref<128xi32, #tpu.memory_space<vmem>>) semaphore(%arg23 : memref<!tpu.dma_semaphore, #tpu.memory_space<semaphore_mem>>)
          %add3A_610 = arith.constant 2 : i32
          %add3A_611 = arith.addi %add3A_497, %add3A_610 : i32
          %mul3A_612 = arith.constant 128 : i32
          %mul3A_613 = arith.muli %add3A_611, %mul3A_612 : i32
          %add3A_614 = arith.addi %mul3A_2, %mul3A_613 : i32
          %dma_start3A_615 = tpu.memref_slice %arg3[%add3A_614] : memref<160000xi32, #tpu.memory_space<hbm>> -> memref<128xi32, #tpu.memory_space<hbm>>
          %dma_start3A_616 = tpu.memref_slice %arg3[%add3A_614] : memref<160000xi32, #tpu.memory_space<hbm>> -> memref<128xi32, #tpu.memory_space<hbm>>
          tpu.enqueue_dma source(%dma_start3A_616 : memref<128xi32, #tpu.memory_space<hbm>>) target(%arg10 : memref<128xi32, #tpu.memory_space<vmem>>) target_semaphore(%arg20 : memref<!tpu.dma_semaphore, #tpu.memory_space<semaphore_mem>>)
        } else {
        }
      } else {
      }
    }
    %dma_wait3A = arith.constant 0 : i32
    %dma_wait3A_203 = arith.constant 0 : i32
    %dma_wait3A_204 = tpu.memref_slice %arg15[%dma_wait3A, %dma_wait3A_203] : memref<10000x128xf32, #tpu.memory_space<vmem_shared>> -> memref<128x128xf32, #tpu.memory_space<vmem_shared>>
    %dma_wait3A_205 = arith.constant 0 : i32
    %dma_wait3A_206 = arith.constant 0 : i32
    %dma_wait3A_207 = tpu.memref_slice %arg15[%dma_wait3A_205, %dma_wait3A_206] : memref<10000x128xf32, #tpu.memory_space<vmem_shared>> -> memref<128x128xf32, #tpu.memory_space<vmem_shared>>
    tpu.wait_dma2 semaphore(%arg27 : memref<!tpu.dma_semaphore, #tpu.memory_space<semaphore_mem>>) src(%arg14 : memref<128x128xf32, #tpu.memory_space<vmem>>) dst(%dma_wait3A_207 : memref<128x128xf32, #tpu.memory_space<vmem_shared>>)
    %dma_wait3A_208 = arith.constant 0 : i32
    %dma_wait3A_209 = arith.constant 0 : i32
    %dma_wait3A_210 = tpu.memref_slice %arg15[%dma_wait3A_208, %dma_wait3A_209] : memref<10000x128xf32, #tpu.memory_space<vmem_shared>> -> memref<128x128xf32, #tpu.memory_space<vmem_shared>>
    %dma_wait3A_211 = arith.constant 0 : i32
    %dma_wait3A_212 = arith.constant 0 : i32
    %dma_wait3A_213 = tpu.memref_slice %arg15[%dma_wait3A_211, %dma_wait3A_212] : memref<10000x128xf32, #tpu.memory_space<vmem_shared>> -> memref<128x128xf32, #tpu.memory_space<vmem_shared>>
    tpu.wait_dma2 semaphore(%arg25 : memref<!tpu.dma_semaphore, #tpu.memory_space<semaphore_mem>>) src(%arg12 : memref<128x128xf32, #tpu.memory_space<vmem>>) dst(%dma_wait3A_213 : memref<128x128xf32, #tpu.memory_space<vmem_shared>>)
    %dma_wait3A_214 = arith.constant 0 : i32
    %dma_wait3A_215 = arith.constant 0 : i32
    %dma_wait3A_216 = tpu.memref_slice %arg15[%dma_wait3A_214, %dma_wait3A_215] : memref<10000x128xf32, #tpu.memory_space<vmem_shared>> -> memref<128x128xf32, #tpu.memory_space<vmem_shared>>
    %dma_wait3A_217 = arith.constant 0 : i32
    %dma_wait3A_218 = arith.constant 0 : i32
    %dma_wait3A_219 = tpu.memref_slice %arg15[%dma_wait3A_217, %dma_wait3A_218] : memref<10000x128xf32, #tpu.memory_space<vmem_shared>> -> memref<128x128xf32, #tpu.memory_space<vmem_shared>>
    tpu.wait_dma2 semaphore(%arg26 : memref<!tpu.dma_semaphore, #tpu.memory_space<semaphore_mem>>) src(%arg13 : memref<128x128xf32, #tpu.memory_space<vmem>>) dst(%dma_wait3A_219 : memref<128x128xf32, #tpu.memory_space<vmem_shared>>)
    %barrier3A_220 = arith.constant 0 : index
    tpu.barrier barrier_id(%barrier3A_220)
    %lt3A_221 = arith.constant 15 : i32
    %lt3A_222 = arith.cmpi slt, %arg1, %lt3A_221 : i32
    %convert_element_type3A_223 = arith.extui %lt3A_222 : i1 to i32
    %cond3A_224 = arith.constant 0 : i32
    %cond3A_225 = arith.cmpi ne, %convert_element_type3A_223, %cond3A_224 : i32
    scf.if %cond3A_225 {
      %mul3A_477 = arith.constant 640 : i32
      %mul3A_478 = arith.muli %arg1, %mul3A_477 : i32
      %mul3A_479 = arith.constant 640 : i32
      %mul3A_480 = arith.muli %arg1, %mul3A_479 : i32
      %add3A_481 = arith.addi %mul3A_5, %mul3A_480 : i32
      "tpu.region"() ({
        %run_scoped3A = tpu.sem_alloc : memref<!tpu.dma_semaphore, #tpu.memory_space<semaphore_mem>>
        %dma_start3A_482 = arith.constant 0 : i32
        %dma_start3A_483 = tpu.memref_slice %arg5[%add3A_481, %dma_start3A_482] : memref<40000x128xf32, #tpu.memory_space<hbm>> -> memref<640x128xf32, #tpu.memory_space<hbm>>
        %dma_start3A_484 = arith.constant 0 : i32
        %dma_start3A_485 = tpu.memref_slice %arg15[%mul3A_478, %dma_start3A_484] : memref<10000x128xf32, #tpu.memory_space<vmem_shared>> -> memref<640x128xf32, #tpu.memory_space<vmem_shared>>
        tpu.enqueue_dma source(%dma_start3A_485 : memref<640x128xf32, #tpu.memory_space<vmem_shared>>) target(%dma_start3A_483 : memref<640x128xf32, #tpu.memory_space<hbm>>) target_semaphore(%run_scoped3A : memref<!tpu.dma_semaphore, #tpu.memory_space<semaphore_mem>>)
        %dma_wait3A_486 = arith.constant 0 : i32
        %dma_wait3A_487 = tpu.memref_slice %arg5[%add3A_481, %dma_wait3A_486] : memref<40000x128xf32, #tpu.memory_space<hbm>> -> memref<640x128xf32, #tpu.memory_space<hbm>>
        %dma_wait3A_488 = arith.constant 0 : i32
        %dma_wait3A_489 = tpu.memref_slice %arg15[%mul3A_478, %dma_wait3A_488] : memref<10000x128xf32, #tpu.memory_space<vmem_shared>> -> memref<640x128xf32, #tpu.memory_space<vmem_shared>>
        tpu.wait_dma2 semaphore(%run_scoped3A : memref<!tpu.dma_semaphore, #tpu.memory_space<semaphore_mem>>) src(%dma_wait3A_489 : memref<640x128xf32, #tpu.memory_space<vmem_shared>>) dst(%dma_wait3A_487 : memref<640x128xf32, #tpu.memory_space<hbm>>)
        tpu.yield
      }) : () -> ()
    } else {
    }
    %eq3A_226 = arith.constant 15 : i32
    %eq3A_227 = arith.cmpi eq, %arg1, %eq3A_226 : i32
    %convert_element_type3A_228 = arith.extui %eq3A_227 : i1 to i32
    %cond3A_229 = arith.constant 0 : i32
    %cond3A_230 = arith.cmpi ne, %convert_element_type3A_228, %cond3A_229 : i32
    scf.if %cond3A_230 {
      %add3A_477 = arith.constant 9600 : i32
      %add3A_478 = arith.addi %mul3A_5, %add3A_477 : i32
      "tpu.region"() ({
        %run_scoped3A = tpu.sem_alloc : memref<!tpu.dma_semaphore, #tpu.memory_space<semaphore_mem>>
        %dma_start3A_479 = arith.constant 0 : i32
        %dma_start3A_480 = tpu.memref_slice %arg5[%add3A_478, %dma_start3A_479] : memref<40000x128xf32, #tpu.memory_space<hbm>> -> memref<400x128xf32, #tpu.memory_space<hbm>>
        %dma_start3A_481 = arith.constant 9600 : i32
        %dma_start3A_482 = arith.constant 0 : i32
        %dma_start3A_483 = tpu.memref_slice %arg15[%dma_start3A_481, %dma_start3A_482] : memref<10000x128xf32, #tpu.memory_space<vmem_shared>> -> memref<400x128xf32, #tpu.memory_space<vmem_shared>>
        tpu.enqueue_dma source(%dma_start3A_483 : memref<400x128xf32, #tpu.memory_space<vmem_shared>>) target(%dma_start3A_480 : memref<400x128xf32, #tpu.memory_space<hbm>>) target_semaphore(%run_scoped3A : memref<!tpu.dma_semaphore, #tpu.memory_space<semaphore_mem>>)
        %dma_wait3A_484 = arith.constant 0 : i32
        %dma_wait3A_485 = tpu.memref_slice %arg5[%add3A_478, %dma_wait3A_484] : memref<40000x128xf32, #tpu.memory_space<hbm>> -> memref<400x128xf32, #tpu.memory_space<hbm>>
        %dma_wait3A_486 = arith.constant 9600 : i32
        %dma_wait3A_487 = arith.constant 0 : i32
        %dma_wait3A_488 = tpu.memref_slice %arg15[%dma_wait3A_486, %dma_wait3A_487] : memref<10000x128xf32, #tpu.memory_space<vmem_shared>> -> memref<400x128xf32, #tpu.memory_space<vmem_shared>>
        tpu.wait_dma2 semaphore(%run_scoped3A : memref<!tpu.dma_semaphore, #tpu.memory_space<semaphore_mem>>) src(%dma_wait3A_488 : memref<400x128xf32, #tpu.memory_space<vmem_shared>>) dst(%dma_wait3A_485 : memref<400x128xf32, #tpu.memory_space<hbm>>)
        tpu.yield
      }) : () -> ()
    } else {
    }
    %barrier3A_231 = arith.constant 0 : index
    tpu.barrier barrier_id(%barrier3A_231)
    %add3A_232 = arith.constant 2 : i32
    %add3A_233 = arith.addi %arg0, %add3A_232 : i32
    %mul3A_234 = arith.constant 10000 : i32
    %mul3A_235 = arith.muli %add3A_233, %mul3A_234 : i32
    %lt3A_236 = arith.constant 15 : i32
    %lt3A_237 = arith.cmpi slt, %arg1, %lt3A_236 : i32
    %convert_element_type3A_238 = arith.extui %lt3A_237 : i1 to i32
    %cond3A_239 = arith.constant 0 : i32
    %cond3A_240 = arith.cmpi ne, %convert_element_type3A_238, %cond3A_239 : i32
    scf.if %cond3A_240 {
      %mul3A_477 = arith.constant 640 : i32
      %mul3A_478 = arith.muli %arg1, %mul3A_477 : i32
      %add3A_479 = arith.addi %mul3A_235, %mul3A_478 : i32
      %mul3A_480 = arith.constant 640 : i32
      %mul3A_481 = arith.muli %arg1, %mul3A_480 : i32
      "tpu.region"() ({
        %run_scoped3A = tpu.sem_alloc : memref<!tpu.dma_semaphore, #tpu.memory_space<semaphore_mem>>
        %dma_start3A_482 = arith.constant 0 : i32
        %dma_start3A_483 = tpu.memref_slice %arg15[%mul3A_481, %dma_start3A_482] : memref<10000x128xf32, #tpu.memory_space<vmem_shared>> -> memref<640x128xf32, #tpu.memory_space<vmem_shared>>
        %dma_start3A_484 = arith.constant 0 : i32
        %dma_start3A_485 = tpu.memref_slice %arg4[%add3A_479, %dma_start3A_484] : memref<40000x128xf32, #tpu.memory_space<hbm>> -> memref<640x128xf32, #tpu.memory_space<hbm>>
        tpu.enqueue_dma source(%dma_start3A_485 : memref<640x128xf32, #tpu.memory_space<hbm>>) target(%dma_start3A_483 : memref<640x128xf32, #tpu.memory_space<vmem_shared>>) target_semaphore(%run_scoped3A : memref<!tpu.dma_semaphore, #tpu.memory_space<semaphore_mem>>)
        %dma_wait3A_486 = arith.constant 0 : i32
        %dma_wait3A_487 = tpu.memref_slice %arg15[%mul3A_481, %dma_wait3A_486] : memref<10000x128xf32, #tpu.memory_space<vmem_shared>> -> memref<640x128xf32, #tpu.memory_space<vmem_shared>>
        %dma_wait3A_488 = arith.constant 0 : i32
        %dma_wait3A_489 = tpu.memref_slice %arg4[%add3A_479, %dma_wait3A_488] : memref<40000x128xf32, #tpu.memory_space<hbm>> -> memref<640x128xf32, #tpu.memory_space<hbm>>
        tpu.wait_dma2 semaphore(%run_scoped3A : memref<!tpu.dma_semaphore, #tpu.memory_space<semaphore_mem>>) src(%dma_wait3A_489 : memref<640x128xf32, #tpu.memory_space<hbm>>) dst(%dma_wait3A_487 : memref<640x128xf32, #tpu.memory_space<vmem_shared>>)
        tpu.yield
      }) : () -> ()
    } else {
    }
    %eq3A_241 = arith.constant 15 : i32
    %eq3A_242 = arith.cmpi eq, %arg1, %eq3A_241 : i32
    %convert_element_type3A_243 = arith.extui %eq3A_242 : i1 to i32
    %cond3A_244 = arith.constant 0 : i32
    %cond3A_245 = arith.cmpi ne, %convert_element_type3A_243, %cond3A_244 : i32
    scf.if %cond3A_245 {
      %add3A_477 = arith.constant 9600 : i32
      %add3A_478 = arith.addi %mul3A_235, %add3A_477 : i32
      "tpu.region"() ({
        %run_scoped3A = tpu.sem_alloc : memref<!tpu.dma_semaphore, #tpu.memory_space<semaphore_mem>>
        %dma_start3A_479 = arith.constant 9600 : i32
        %dma_start3A_480 = arith.constant 0 : i32
        %dma_start3A_481 = tpu.memref_slice %arg15[%dma_start3A_479, %dma_start3A_480] : memref<10000x128xf32, #tpu.memory_space<vmem_shared>> -> memref<400x128xf32, #tpu.memory_space<vmem_shared>>
        %dma_start3A_482 = arith.constant 0 : i32
        %dma_start3A_483 = tpu.memref_slice %arg4[%add3A_478, %dma_start3A_482] : memref<40000x128xf32, #tpu.memory_space<hbm>> -> memref<400x128xf32, #tpu.memory_space<hbm>>
        tpu.enqueue_dma source(%dma_start3A_483 : memref<400x128xf32, #tpu.memory_space<hbm>>) target(%dma_start3A_481 : memref<400x128xf32, #tpu.memory_space<vmem_shared>>) target_semaphore(%run_scoped3A : memref<!tpu.dma_semaphore, #tpu.memory_space<semaphore_mem>>)
        %dma_wait3A_484 = arith.constant 9600 : i32
        %dma_wait3A_485 = arith.constant 0 : i32
        %dma_wait3A_486 = tpu.memref_slice %arg15[%dma_wait3A_484, %dma_wait3A_485] : memref<10000x128xf32, #tpu.memory_space<vmem_shared>> -> memref<400x128xf32, #tpu.memory_space<vmem_shared>>
        %dma_wait3A_487 = arith.constant 0 : i32
        %dma_wait3A_488 = tpu.memref_slice %arg4[%add3A_478, %dma_wait3A_487] : memref<40000x128xf32, #tpu.memory_space<hbm>> -> memref<400x128xf32, #tpu.memory_space<hbm>>
        tpu.wait_dma2 semaphore(%run_scoped3A : memref<!tpu.dma_semaphore, #tpu.memory_space<semaphore_mem>>) src(%dma_wait3A_488 : memref<400x128xf32, #tpu.memory_space<hbm>>) dst(%dma_wait3A_486 : memref<400x128xf32, #tpu.memory_space<vmem_shared>>)
        tpu.yield
      }) : () -> ()
    } else {
    }
    "tpu.region"() ({
      %run_scoped3A = tpu.sem_alloc : memref<!tpu.dma_semaphore, #tpu.memory_space<semaphore_mem>>
      %dma_start3A_477 = tpu.memref_slice %arg2[%mul3A_2] : memref<160000xi32, #tpu.memory_space<hbm>> -> memref<128xi32, #tpu.memory_space<hbm>>
      %dma_start3A_478 = tpu.memref_slice %arg2[%mul3A_2] : memref<160000xi32, #tpu.memory_space<hbm>> -> memref<128xi32, #tpu.memory_space<hbm>>
      tpu.enqueue_dma source(%dma_start3A_478 : memref<128xi32, #tpu.memory_space<hbm>>) target(%arg6 : memref<128xi32, #tpu.memory_space<vmem>>) target_semaphore(%run_scoped3A : memref<!tpu.dma_semaphore, #tpu.memory_space<semaphore_mem>>)
      %dma_wait3A_479 = tpu.memref_slice %arg2[%mul3A_2] : memref<160000xi32, #tpu.memory_space<hbm>> -> memref<128xi32, #tpu.memory_space<hbm>>
      %dma_wait3A_480 = tpu.memref_slice %arg2[%mul3A_2] : memref<160000xi32, #tpu.memory_space<hbm>> -> memref<128xi32, #tpu.memory_space<hbm>>
      tpu.wait_dma2 semaphore(%run_scoped3A : memref<!tpu.dma_semaphore, #tpu.memory_space<semaphore_mem>>) src(%dma_wait3A_480 : memref<128xi32, #tpu.memory_space<hbm>>) dst(%arg6 : memref<128xi32, #tpu.memory_space<vmem>>)
      tpu.yield
    }) : () -> ()
    %get3A_246 = arith.constant 0 : index
    %get3A_247 = tpu.vector_load %arg6[%get3A_246] {strides = array<i32>} : memref<128xi32, #tpu.memory_space<vmem>>, vector<16xi32>,
    %get3A_248 = vector.shape_cast %get3A_247 : vector<16xi32> to vector<16xi32>
    %add3A_249 = vector.broadcast %mul3A_235 : i32 to vector<16xi32>
    %add3A_250 = arith.addi %get3A_248, %add3A_249 : vector<16xi32>
    %swap3A_251 = arith.constant 0 : index
    %swap3A_252 = tpu.vector_load %arg6[%swap3A_251] {strides = array<i32>} : memref<128xi32, #tpu.memory_space<vmem>>, vector<16xi32>,
    %swap3A_253 = vector.shape_cast %swap3A_252 : vector<16xi32> to vector<16xi32>
    %swap3A_254 = vector.shape_cast %add3A_250 : vector<16xi32> to vector<16xi32>
    tpu.vector_store %arg6[%swap3A_251], %swap3A_254 {strides = array<i32>} : memref<128xi32, #tpu.memory_space<vmem>>, vector<16xi32>,
    %get3A_255 = arith.constant 16 : index
    %get3A_256 = tpu.vector_load %arg6[%get3A_255] {strides = array<i32>} : memref<128xi32, #tpu.memory_space<vmem>>, vector<16xi32>,
    %get3A_257 = vector.shape_cast %get3A_256 : vector<16xi32> to vector<16xi32>
    %add3A_258 = vector.broadcast %mul3A_235 : i32 to vector<16xi32>
    %add3A_259 = arith.addi %get3A_257, %add3A_258 : vector<16xi32>
    %swap3A_260 = arith.constant 16 : index
    %swap3A_261 = tpu.vector_load %arg6[%swap3A_260] {strides = array<i32>} : memref<128xi32, #tpu.memory_space<vmem>>, vector<16xi32>,
    %swap3A_262 = vector.shape_cast %swap3A_261 : vector<16xi32> to vector<16xi32>
    %swap3A_263 = vector.shape_cast %add3A_259 : vector<16xi32> to vector<16xi32>
    tpu.vector_store %arg6[%swap3A_260], %swap3A_263 {strides = array<i32>} : memref<128xi32, #tpu.memory_space<vmem>>, vector<16xi32>,
    %get3A_264 = arith.constant 32 : index
    %get3A_265 = tpu.vector_load %arg6[%get3A_264] {strides = array<i32>} : memref<128xi32, #tpu.memory_space<vmem>>, vector<16xi32>,
    %get3A_266 = vector.shape_cast %get3A_265 : vector<16xi32> to vector<16xi32>
    %add3A_267 = vector.broadcast %mul3A_235 : i32 to vector<16xi32>
    %add3A_268 = arith.addi %get3A_266, %add3A_267 : vector<16xi32>
    %swap3A_269 = arith.constant 32 : index
    %swap3A_270 = tpu.vector_load %arg6[%swap3A_269] {strides = array<i32>} : memref<128xi32, #tpu.memory_space<vmem>>, vector<16xi32>,
    %swap3A_271 = vector.shape_cast %swap3A_270 : vector<16xi32> to vector<16xi32>
    %swap3A_272 = vector.shape_cast %add3A_268 : vector<16xi32> to vector<16xi32>
    tpu.vector_store %arg6[%swap3A_269], %swap3A_272 {strides = array<i32>} : memref<128xi32, #tpu.memory_space<vmem>>, vector<16xi32>,
    %get3A_273 = arith.constant 48 : index
    %get3A_274 = tpu.vector_load %arg6[%get3A_273] {strides = array<i32>} : memref<128xi32, #tpu.memory_space<vmem>>, vector<16xi32>,
    %get3A_275 = vector.shape_cast %get3A_274 : vector<16xi32> to vector<16xi32>
    %add3A_276 = vector.broadcast %mul3A_235 : i32 to vector<16xi32>
    %add3A_277 = arith.addi %get3A_275, %add3A_276 : vector<16xi32>
    %swap3A_278 = arith.constant 48 : index
    %swap3A_279 = tpu.vector_load %arg6[%swap3A_278] {strides = array<i32>} : memref<128xi32, #tpu.memory_space<vmem>>, vector<16xi32>,
    %swap3A_280 = vector.shape_cast %swap3A_279 : vector<16xi32> to vector<16xi32>
    %swap3A_281 = vector.shape_cast %add3A_277 : vector<16xi32> to vector<16xi32>
    tpu.vector_store %arg6[%swap3A_278], %swap3A_281 {strides = array<i32>} : memref<128xi32, #tpu.memory_space<vmem>>, vector<16xi32>,
    %get3A_282 = arith.constant 64 : index
    %get3A_283 = tpu.vector_load %arg6[%get3A_282] {strides = array<i32>} : memref<128xi32, #tpu.memory_space<vmem>>, vector<16xi32>,
    %get3A_284 = vector.shape_cast %get3A_283 : vector<16xi32> to vector<16xi32>
    %add3A_285 = vector.broadcast %mul3A_235 : i32 to vector<16xi32>
    %add3A_286 = arith.addi %get3A_284, %add3A_285 : vector<16xi32>
    %swap3A_287 = arith.constant 64 : index
    %swap3A_288 = tpu.vector_load %arg6[%swap3A_287] {strides = array<i32>} : memref<128xi32, #tpu.memory_space<vmem>>, vector<16xi32>,
    %swap3A_289 = vector.shape_cast %swap3A_288 : vector<16xi32> to vector<16xi32>
    %swap3A_290 = vector.shape_cast %add3A_286 : vector<16xi32> to vector<16xi32>
    tpu.vector_store %arg6[%swap3A_287], %swap3A_290 {strides = array<i32>} : memref<128xi32, #tpu.memory_space<vmem>>, vector<16xi32>,
    %get3A_291 = arith.constant 80 : index
    %get3A_292 = tpu.vector_load %arg6[%get3A_291] {strides = array<i32>} : memref<128xi32, #tpu.memory_space<vmem>>, vector<16xi32>,
    %get3A_293 = vector.shape_cast %get3A_292 : vector<16xi32> to vector<16xi32>
    %add3A_294 = vector.broadcast %mul3A_235 : i32 to vector<16xi32>
    %add3A_295 = arith.addi %get3A_293, %add3A_294 : vector<16xi32>
    %swap3A_296 = arith.constant 80 : index
    %swap3A_297 = tpu.vector_load %arg6[%swap3A_296] {strides = array<i32>} : memref<128xi32, #tpu.memory_space<vmem>>, vector<16xi32>,
    %swap3A_298 = vector.shape_cast %swap3A_297 : vector<16xi32> to vector<16xi32>
    %swap3A_299 = vector.shape_cast %add3A_295 : vector<16xi32> to vector<16xi32>
    tpu.vector_store %arg6[%swap3A_296], %swap3A_299 {strides = array<i32>} : memref<128xi32, #tpu.memory_space<vmem>>, vector<16xi32>,
    %get3A_300 = arith.constant 96 : index
    %get3A_301 = tpu.vector_load %arg6[%get3A_300] {strides = array<i32>} : memref<128xi32, #tpu.memory_space<vmem>>, vector<16xi32>,
    %get3A_302 = vector.shape_cast %get3A_301 : vector<16xi32> to vector<16xi32>
    %add3A_303 = vector.broadcast %mul3A_235 : i32 to vector<16xi32>
    %add3A_304 = arith.addi %get3A_302, %add3A_303 : vector<16xi32>
    %swap3A_305 = arith.constant 96 : index
    %swap3A_306 = tpu.vector_load %arg6[%swap3A_305] {strides = array<i32>} : memref<128xi32, #tpu.memory_space<vmem>>, vector<16xi32>,
    %swap3A_307 = vector.shape_cast %swap3A_306 : vector<16xi32> to vector<16xi32>
    %swap3A_308 = vector.shape_cast %add3A_304 : vector<16xi32> to vector<16xi32>
    tpu.vector_store %arg6[%swap3A_305], %swap3A_308 {strides = array<i32>} : memref<128xi32, #tpu.memory_space<vmem>>, vector<16xi32>,
    %get3A_309 = arith.constant 112 : index
    %get3A_310 = tpu.vector_load %arg6[%get3A_309] {strides = array<i32>} : memref<128xi32, #tpu.memory_space<vmem>>, vector<16xi32>,
    %get3A_311 = vector.shape_cast %get3A_310 : vector<16xi32> to vector<16xi32>
    %add3A_312 = vector.broadcast %mul3A_235 : i32 to vector<16xi32>
    %add3A_313 = arith.addi %get3A_311, %add3A_312 : vector<16xi32>
    %swap3A_314 = arith.constant 112 : index
    %swap3A_315 = tpu.vector_load %arg6[%swap3A_314] {strides = array<i32>} : memref<128xi32, #tpu.memory_space<vmem>>, vector<16xi32>,
    %swap3A_316 = vector.shape_cast %swap3A_315 : vector<16xi32> to vector<16xi32>
    %swap3A_317 = vector.shape_cast %add3A_313 : vector<16xi32> to vector<16xi32>
    tpu.vector_store %arg6[%swap3A_314], %swap3A_317 {strides = array<i32>} : memref<128xi32, #tpu.memory_space<vmem>>, vector<16xi32>,
    %dma_start3A_318 = arith.constant 0 : i32
    %dma_start3A_319 = arith.constant 0 : i32
    %dma_start3A_320 = tpu.memref_slice %arg4[%dma_start3A_318, %dma_start3A_319] : memref<40000x128xf32, #tpu.memory_space<hbm>> -> memref<40000x128xf32, #tpu.memory_space<hbm>>
    tpu.enqueue_indirect_dma source(%dma_start3A_320 : memref<40000x128xf32, #tpu.memory_space<hbm>>) target(%arg12 : memref<128x128xf32, #tpu.memory_space<vmem>>) offsets(%arg6 : memref<128xi32, #tpu.memory_space<vmem>>) semaphore(%arg22 : memref<!tpu.dma_semaphore, #tpu.memory_space<semaphore_mem>>)
    %add3A_321 = arith.constant 128 : i32
    %add3A_322 = arith.addi %mul3A_2, %add3A_321 : i32
    "tpu.region"() ({
      %run_scoped3A = tpu.sem_alloc : memref<!tpu.dma_semaphore, #tpu.memory_space<semaphore_mem>>
      %dma_start3A_477 = tpu.memref_slice %arg2[%add3A_322] : memref<160000xi32, #tpu.memory_space<hbm>> -> memref<128xi32, #tpu.memory_space<hbm>>
      %dma_start3A_478 = tpu.memref_slice %arg2[%add3A_322] : memref<160000xi32, #tpu.memory_space<hbm>> -> memref<128xi32, #tpu.memory_space<hbm>>
      tpu.enqueue_dma source(%dma_start3A_478 : memref<128xi32, #tpu.memory_space<hbm>>) target(%arg7 : memref<128xi32, #tpu.memory_space<vmem>>) target_semaphore(%run_scoped3A : memref<!tpu.dma_semaphore, #tpu.memory_space<semaphore_mem>>)
      %dma_wait3A_479 = tpu.memref_slice %arg2[%add3A_322] : memref<160000xi32, #tpu.memory_space<hbm>> -> memref<128xi32, #tpu.memory_space<hbm>>
      %dma_wait3A_480 = tpu.memref_slice %arg2[%add3A_322] : memref<160000xi32, #tpu.memory_space<hbm>> -> memref<128xi32, #tpu.memory_space<hbm>>
      tpu.wait_dma2 semaphore(%run_scoped3A : memref<!tpu.dma_semaphore, #tpu.memory_space<semaphore_mem>>) src(%dma_wait3A_480 : memref<128xi32, #tpu.memory_space<hbm>>) dst(%arg7 : memref<128xi32, #tpu.memory_space<vmem>>)
      tpu.yield
    }) : () -> ()
    %get3A_323 = arith.constant 0 : index
    %get3A_324 = tpu.vector_load %arg7[%get3A_323] {strides = array<i32>} : memref<128xi32, #tpu.memory_space<vmem>>, vector<16xi32>,
    %get3A_325 = vector.shape_cast %get3A_324 : vector<16xi32> to vector<16xi32>
    %add3A_326 = vector.broadcast %mul3A_235 : i32 to vector<16xi32>
    %add3A_327 = arith.addi %get3A_325, %add3A_326 : vector<16xi32>
    %swap3A_328 = arith.constant 0 : index
    %swap3A_329 = tpu.vector_load %arg7[%swap3A_328] {strides = array<i32>} : memref<128xi32, #tpu.memory_space<vmem>>, vector<16xi32>,
    %swap3A_330 = vector.shape_cast %swap3A_329 : vector<16xi32> to vector<16xi32>
    %swap3A_331 = vector.shape_cast %add3A_327 : vector<16xi32> to vector<16xi32>
    tpu.vector_store %arg7[%swap3A_328], %swap3A_331 {strides = array<i32>} : memref<128xi32, #tpu.memory_space<vmem>>, vector<16xi32>,
    %get3A_332 = arith.constant 16 : index
    %get3A_333 = tpu.vector_load %arg7[%get3A_332] {strides = array<i32>} : memref<128xi32, #tpu.memory_space<vmem>>, vector<16xi32>,
    %get3A_334 = vector.shape_cast %get3A_333 : vector<16xi32> to vector<16xi32>
    %add3A_335 = vector.broadcast %mul3A_235 : i32 to vector<16xi32>
    %add3A_336 = arith.addi %get3A_334, %add3A_335 : vector<16xi32>
    %swap3A_337 = arith.constant 16 : index
    %swap3A_338 = tpu.vector_load %arg7[%swap3A_337] {strides = array<i32>} : memref<128xi32, #tpu.memory_space<vmem>>, vector<16xi32>,
    %swap3A_339 = vector.shape_cast %swap3A_338 : vector<16xi32> to vector<16xi32>
    %swap3A_340 = vector.shape_cast %add3A_336 : vector<16xi32> to vector<16xi32>
    tpu.vector_store %arg7[%swap3A_337], %swap3A_340 {strides = array<i32>} : memref<128xi32, #tpu.memory_space<vmem>>, vector<16xi32>,
    %get3A_341 = arith.constant 32 : index
    %get3A_342 = tpu.vector_load %arg7[%get3A_341] {strides = array<i32>} : memref<128xi32, #tpu.memory_space<vmem>>, vector<16xi32>,
    %get3A_343 = vector.shape_cast %get3A_342 : vector<16xi32> to vector<16xi32>
    %add3A_344 = vector.broadcast %mul3A_235 : i32 to vector<16xi32>
    %add3A_345 = arith.addi %get3A_343, %add3A_344 : vector<16xi32>
    %swap3A_346 = arith.constant 32 : index
    %swap3A_347 = tpu.vector_load %arg7[%swap3A_346] {strides = array<i32>} : memref<128xi32, #tpu.memory_space<vmem>>, vector<16xi32>,
    %swap3A_348 = vector.shape_cast %swap3A_347 : vector<16xi32> to vector<16xi32>
    %swap3A_349 = vector.shape_cast %add3A_345 : vector<16xi32> to vector<16xi32>
    tpu.vector_store %arg7[%swap3A_346], %swap3A_349 {strides = array<i32>} : memref<128xi32, #tpu.memory_space<vmem>>, vector<16xi32>,
    %get3A_350 = arith.constant 48 : index
    %get3A_351 = tpu.vector_load %arg7[%get3A_350] {strides = array<i32>} : memref<128xi32, #tpu.memory_space<vmem>>, vector<16xi32>,
    %get3A_352 = vector.shape_cast %get3A_351 : vector<16xi32> to vector<16xi32>
    %add3A_353 = vector.broadcast %mul3A_235 : i32 to vector<16xi32>
    %add3A_354 = arith.addi %get3A_352, %add3A_353 : vector<16xi32>
    %swap3A_355 = arith.constant 48 : index
    %swap3A_356 = tpu.vector_load %arg7[%swap3A_355] {strides = array<i32>} : memref<128xi32, #tpu.memory_space<vmem>>, vector<16xi32>,
    %swap3A_357 = vector.shape_cast %swap3A_356 : vector<16xi32> to vector<16xi32>
    %swap3A_358 = vector.shape_cast %add3A_354 : vector<16xi32> to vector<16xi32>
    tpu.vector_store %arg7[%swap3A_355], %swap3A_358 {strides = array<i32>} : memref<128xi32, #tpu.memory_space<vmem>>, vector<16xi32>,
    %get3A_359 = arith.constant 64 : index
    %get3A_360 = tpu.vector_load %arg7[%get3A_359] {strides = array<i32>} : memref<128xi32, #tpu.memory_space<vmem>>, vector<16xi32>,
    %get3A_361 = vector.shape_cast %get3A_360 : vector<16xi32> to vector<16xi32>
    %add3A_362 = vector.broadcast %mul3A_235 : i32 to vector<16xi32>
    %add3A_363 = arith.addi %get3A_361, %add3A_362 : vector<16xi32>
    %swap3A_364 = arith.constant 64 : index
    %swap3A_365 = tpu.vector_load %arg7[%swap3A_364] {strides = array<i32>} : memref<128xi32, #tpu.memory_space<vmem>>, vector<16xi32>,
    %swap3A_366 = vector.shape_cast %swap3A_365 : vector<16xi32> to vector<16xi32>
    %swap3A_367 = vector.shape_cast %add3A_363 : vector<16xi32> to vector<16xi32>
    tpu.vector_store %arg7[%swap3A_364], %swap3A_367 {strides = array<i32>} : memref<128xi32, #tpu.memory_space<vmem>>, vector<16xi32>,
    %get3A_368 = arith.constant 80 : index
    %get3A_369 = tpu.vector_load %arg7[%get3A_368] {strides = array<i32>} : memref<128xi32, #tpu.memory_space<vmem>>, vector<16xi32>,
    %get3A_370 = vector.shape_cast %get3A_369 : vector<16xi32> to vector<16xi32>
    %add3A_371 = vector.broadcast %mul3A_235 : i32 to vector<16xi32>
    %add3A_372 = arith.addi %get3A_370, %add3A_371 : vector<16xi32>
    %swap3A_373 = arith.constant 80 : index
    %swap3A_374 = tpu.vector_load %arg7[%swap3A_373] {strides = array<i32>} : memref<128xi32, #tpu.memory_space<vmem>>, vector<16xi32>,
    %swap3A_375 = vector.shape_cast %swap3A_374 : vector<16xi32> to vector<16xi32>
    %swap3A_376 = vector.shape_cast %add3A_372 : vector<16xi32> to vector<16xi32>
    tpu.vector_store %arg7[%swap3A_373], %swap3A_376 {strides = array<i32>} : memref<128xi32, #tpu.memory_space<vmem>>, vector<16xi32>,
    %get3A_377 = arith.constant 96 : index
    %get3A_378 = tpu.vector_load %arg7[%get3A_377] {strides = array<i32>} : memref<128xi32, #tpu.memory_space<vmem>>, vector<16xi32>,
    %get3A_379 = vector.shape_cast %get3A_378 : vector<16xi32> to vector<16xi32>
    %add3A_380 = vector.broadcast %mul3A_235 : i32 to vector<16xi32>
    %add3A_381 = arith.addi %get3A_379, %add3A_380 : vector<16xi32>
    %swap3A_382 = arith.constant 96 : index
    %swap3A_383 = tpu.vector_load %arg7[%swap3A_382] {strides = array<i32>} : memref<128xi32, #tpu.memory_space<vmem>>, vector<16xi32>,
    %swap3A_384 = vector.shape_cast %swap3A_383 : vector<16xi32> to vector<16xi32>
    %swap3A_385 = vector.shape_cast %add3A_381 : vector<16xi32> to vector<16xi32>
    tpu.vector_store %arg7[%swap3A_382], %swap3A_385 {strides = array<i32>} : memref<128xi32, #tpu.memory_space<vmem>>, vector<16xi32>,
    %get3A_386 = arith.constant 112 : index
    %get3A_387 = tpu.vector_load %arg7[%get3A_386] {strides = array<i32>} : memref<128xi32, #tpu.memory_space<vmem>>, vector<16xi32>,
    %get3A_388 = vector.shape_cast %get3A_387 : vector<16xi32> to vector<16xi32>
    %add3A_389 = vector.broadcast %mul3A_235 : i32 to vector<16xi32>
    %add3A_390 = arith.addi %get3A_388, %add3A_389 : vector<16xi32>
    %swap3A_391 = arith.constant 112 : index
    %swap3A_392 = tpu.vector_load %arg7[%swap3A_391] {strides = array<i32>} : memref<128xi32, #tpu.memory_space<vmem>>, vector<16xi32>,
    %swap3A_393 = vector.shape_cast %swap3A_392 : vector<16xi32> to vector<16xi32>
    %swap3A_394 = vector.shape_cast %add3A_390 : vector<16xi32> to vector<16xi32>
    tpu.vector_store %arg7[%swap3A_391], %swap3A_394 {strides = array<i32>} : memref<128xi32, #tpu.memory_space<vmem>>, vector<16xi32>,
    %dma_start3A_395 = arith.constant 0 : i32
    %dma_start3A_396 = arith.constant 0 : i32
    %dma_start3A_397 = tpu.memref_slice %arg4[%dma_start3A_395, %dma_start3A_396] : memref<40000x128xf32, #tpu.memory_space<hbm>> -> memref<40000x128xf32, #tpu.memory_space<hbm>>
    tpu.enqueue_indirect_dma source(%dma_start3A_397 : memref<40000x128xf32, #tpu.memory_space<hbm>>) target(%arg13 : memref<128x128xf32, #tpu.memory_space<vmem>>) offsets(%arg7 : memref<128xi32, #tpu.memory_space<vmem>>) semaphore(%arg23 : memref<!tpu.dma_semaphore, #tpu.memory_space<semaphore_mem>>)
    %add3A_398 = arith.constant 256 : i32
    %add3A_399 = arith.addi %mul3A_2, %add3A_398 : i32
    %dma_start3A_400 = tpu.memref_slice %arg2[%add3A_399] : memref<160000xi32, #tpu.memory_space<hbm>> -> memref<128xi32, #tpu.memory_space<hbm>>
    %dma_start3A_401 = tpu.memref_slice %arg2[%add3A_399] : memref<160000xi32, #tpu.memory_space<hbm>> -> memref<128xi32, #tpu.memory_space<hbm>>
    tpu.enqueue_dma source(%dma_start3A_401 : memref<128xi32, #tpu.memory_space<hbm>>) target(%arg8 : memref<128xi32, #tpu.memory_space<vmem>>) target_semaphore(%arg18 : memref<!tpu.dma_semaphore, #tpu.memory_space<semaphore_mem>>)
    %add3A_402 = arith.constant 0 : i32
    %add3A_403 = arith.addi %mul3A_2, %add3A_402 : i32
    %dma_start3A_404 = tpu.memref_slice %arg3[%add3A_403] : memref<160000xi32, #tpu.memory_space<hbm>> -> memref<128xi32, #tpu.memory_space<hbm>>
    %dma_start3A_405 = tpu.memref_slice %arg3[%add3A_403] : memref<160000xi32, #tpu.memory_space<hbm>> -> memref<128xi32, #tpu.memory_space<hbm>>
    tpu.enqueue_dma source(%dma_start3A_405 : memref<128xi32, #tpu.memory_space<hbm>>) target(%arg9 : memref<128xi32, #tpu.memory_space<vmem>>) target_semaphore(%arg19 : memref<!tpu.dma_semaphore, #tpu.memory_space<semaphore_mem>>)
    %add3A_406 = arith.constant 128 : i32
    %add3A_407 = arith.addi %mul3A_2, %add3A_406 : i32
    %dma_start3A_408 = tpu.memref_slice %arg3[%add3A_407] : memref<160000xi32, #tpu.memory_space<hbm>> -> memref<128xi32, #tpu.memory_space<hbm>>
    %dma_start3A_409 = tpu.memref_slice %arg3[%add3A_407] : memref<160000xi32, #tpu.memory_space<hbm>> -> memref<128xi32, #tpu.memory_space<hbm>>
    tpu.enqueue_dma source(%dma_start3A_409 : memref<128xi32, #tpu.memory_space<hbm>>) target(%arg10 : memref<128xi32, #tpu.memory_space<vmem>>) target_semaphore(%arg20 : memref<!tpu.dma_semaphore, #tpu.memory_space<semaphore_mem>>)
    %barrier3A_410 = arith.constant 0 : index
    tpu.barrier barrier_id(%barrier3A_410)
    %add3A_411 = arith.constant 2 : i32
    %add3A_412 = arith.addi %select_n3A, %add3A_411 : i32
    %jit3A_413 = arith.constant 3 : i32
    %div3A_414 = arith.divsi %add3A_412, %jit3A_413 : i32
    %sign3A_415 = arith.constant 0 : i32
    %sign3A_416 = arith.cmpi sgt, %add3A_412, %sign3A_415 : i32
    %sign3A_417 = arith.extui %sign3A_416 : i1 to i32
    %sign3A_418 = arith.constant 0 : i32
    %sign3A_419 = arith.cmpi slt, %add3A_412, %sign3A_418 : i32
    %sign3A_420 = arith.extui %sign3A_419 : i1 to i32
    %sign3A_421 = arith.subi %sign3A_417, %sign3A_420 : i32
    %sign3A_422 = arith.constant 0 : i32
    %sign3A_423 = arith.cmpi sgt, %jit3A_413, %sign3A_422 : i32
    %sign3A_424 = arith.extui %sign3A_423 : i1 to i32
    %sign3A_425 = arith.constant 0 : i32
    %sign3A_426 = arith.cmpi slt, %jit3A_413, %sign3A_425 : i32
    %sign3A_427 = arith.extui %sign3A_426 : i1 to i32
    %sign3A_428 = arith.subi %sign3A_424, %sign3A_427 : i32
    %ne3A_429 = arith.cmpi ne, %sign3A_421, %sign3A_428 : i32
    %rem3A_430 = arith.remsi %add3A_412, %jit3A_413 : i32
    %ne3A_431 = arith.constant 0 : i32
    %ne3A_432 = arith.cmpi ne, %rem3A_430, %ne3A_431 : i32
    %and3A_433 = arith.andi %ne3A_429, %ne3A_432 : i1
    %sub3A_434 = arith.constant 1 : i32
    %sub3A_435 = arith.subi %div3A_414, %sub3A_434 : i32
    %select_n3A_436 = arith.select %and3A_433, %sub3A_435, %div3A_414 : i32
    %while3A_437 = arith.constant 0 : i32
    %while3A_438 = arith.constant 0 : i32
    %while3A_439 = arith.subi %select_n3A_436, %while3A_438 : i32
    %while3A_440 = arith.addi %while3A_438, %while3A_439 : i32
    %while3A_441 = arith.constant 1 : i32
    %while3A_442 = arith.divsi %while3A_439, %while3A_441 : i32
    %while3A_443 = arith.muli %while3A_442, %while3A_441 : i32
    %while3A_444 = arith.addi %while3A_438, %while3A_443 : i32
    %while3A_445 = arith.constant 1 : i32
    scf.for %while3A_477 = %while3A_438 to %while3A_444 step %while3A_445  : i32 {
      %mul3A_478 = arith.constant 3 : i32
      %mul3A_479 = arith.muli %mul3A_478, %while3A_477 : i32
      %add3A_480 = arith.constant 0 : i32
      %add3A_481 = arith.addi %mul3A_479, %add3A_480 : i32
      %lt3A_482 = arith.cmpi slt, %add3A_481, %select_n3A : i32
      %convert_element_type3A_483 = arith.extui %lt3A_482 : i1 to i32
      %cond3A_484 = arith.constant 0 : i32
      %cond3A_485 = arith.cmpi ne, %convert_element_type3A_483, %cond3A_484 : i32
      scf.if %cond3A_485 {
        %dma_wait3A_502 = arith.constant 0 : i32
        %dma_wait3A_503 = arith.constant 0 : i32
        %dma_wait3A_504 = tpu.memref_slice %arg4[%dma_wait3A_502, %dma_wait3A_503] : memref<40000x128xf32, #tpu.memory_space<hbm>> -> memref<128x128xf32, #tpu.memory_space<hbm>>
        %dma_wait3A_505 = arith.constant 0 : i32
        %dma_wait3A_506 = arith.constant 0 : i32
        %dma_wait3A_507 = tpu.memref_slice %arg4[%dma_wait3A_505, %dma_wait3A_506] : memref<40000x128xf32, #tpu.memory_space<hbm>> -> memref<128x128xf32, #tpu.memory_space<hbm>>
        tpu.wait_dma2 semaphore(%arg22 : memref<!tpu.dma_semaphore, #tpu.memory_space<semaphore_mem>>) src(%dma_wait3A_507 : memref<128x128xf32, #tpu.memory_space<hbm>>) dst(%arg12 : memref<128x128xf32, #tpu.memory_space<vmem>>)
        %add3A_508 = arith.constant 3 : i32
        %add3A_509 = arith.addi %add3A_481, %add3A_508 : i32
        %lt3A_510 = arith.cmpi slt, %add3A_509, %select_n3A : i32
        %convert_element_type3A_511 = arith.extui %lt3A_510 : i1 to i32
        %cond3A_512 = arith.constant 0 : i32
        %cond3A_513 = arith.cmpi ne, %convert_element_type3A_511, %cond3A_512 : i32
        scf.if %cond3A_513 {
          %add3A_527 = arith.constant 3 : i32
          %add3A_528 = arith.addi %add3A_481, %add3A_527 : i32
          %mul3A_529 = arith.constant 128 : i32
          %mul3A_530 = arith.muli %add3A_528, %mul3A_529 : i32
          %add3A_531 = arith.addi %mul3A_2, %mul3A_530 : i32
          %dma_start3A_532 = tpu.memref_slice %arg2[%add3A_531] : memref<160000xi32, #tpu.memory_space<hbm>> -> memref<128xi32, #tpu.memory_space<hbm>>
          %dma_start3A_533 = tpu.memref_slice %arg2[%add3A_531] : memref<160000xi32, #tpu.memory_space<hbm>> -> memref<128xi32, #tpu.memory_space<hbm>>
          tpu.enqueue_dma source(%dma_start3A_533 : memref<128xi32, #tpu.memory_space<hbm>>) target(%arg6 : memref<128xi32, #tpu.memory_space<vmem>>) target_semaphore(%arg16 : memref<!tpu.dma_semaphore, #tpu.memory_space<semaphore_mem>>)
        } else {
        }
        %dma_wait3A_514 = arith.constant 0 : i32
        %dma_wait3A_515 = tpu.memref_slice %arg3[%dma_wait3A_514] : memref<160000xi32, #tpu.memory_space<hbm>> -> memref<128xi32, #tpu.memory_space<hbm>>
        %dma_wait3A_516 = arith.constant 0 : i32
        %dma_wait3A_517 = tpu.memref_slice %arg3[%dma_wait3A_516] : memref<160000xi32, #tpu.memory_space<hbm>> -> memref<128xi32, #tpu.memory_space<hbm>>
        tpu.wait_dma2 semaphore(%arg19 : memref<!tpu.dma_semaphore, #tpu.memory_space<semaphore_mem>>) src(%dma_wait3A_517 : memref<128xi32, #tpu.memory_space<hbm>>) dst(%arg9 : memref<128xi32, #tpu.memory_space<vmem>>)
        %dma_start3A_518 = arith.constant 0 : i32
        %dma_start3A_519 = arith.constant 0 : i32
        %dma_start3A_520 = tpu.memref_slice %arg15[%dma_start3A_518, %dma_start3A_519] : memref<10000x128xf32, #tpu.memory_space<vmem_shared>> -> memref<10000x128xf32, #tpu.memory_space<vmem_shared>>
        tpu.enqueue_indirect_dma source(%arg12 : memref<128x128xf32, #tpu.memory_space<vmem>>) target(%dma_start3A_520 : memref<10000x128xf32, #tpu.memory_space<vmem_shared>>) offsets(%arg9 : memref<128xi32, #tpu.memory_space<vmem>>) semaphore(%arg25 : memref<!tpu.dma_semaphore, #tpu.memory_space<semaphore_mem>>) {add = true}
        %add3A_521 = arith.constant 2 : i32
        %add3A_522 = arith.addi %add3A_481, %add3A_521 : i32
        %lt3A_523 = arith.cmpi slt, %add3A_522, %select_n3A : i32
        %convert_element_type3A_524 = arith.extui %lt3A_523 : i1 to i32
        %cond3A_525 = arith.constant 0 : i32
        %cond3A_526 = arith.cmpi ne, %convert_element_type3A_524, %cond3A_525 : i32
        scf.if %cond3A_526 {
          %ge3A = arith.constant 1 : i32
          %ge3A_527 = arith.cmpi sge, %add3A_481, %ge3A : i32
          %convert_element_type3A_528 = arith.extui %ge3A_527 : i1 to i32
          %cond3A_529 = arith.constant 0 : i32
          %cond3A_530 = arith.cmpi ne, %convert_element_type3A_528, %cond3A_529 : i32
          scf.if %cond3A_530 {
            %dma_wait3A_617 = arith.constant 0 : i32
            %dma_wait3A_618 = arith.constant 0 : i32
            %dma_wait3A_619 = tpu.memref_slice %arg15[%dma_wait3A_617, %dma_wait3A_618] : memref<10000x128xf32, #tpu.memory_space<vmem_shared>> -> memref<128x128xf32, #tpu.memory_space<vmem_shared>>
            %dma_wait3A_620 = arith.constant 0 : i32
            %dma_wait3A_621 = arith.constant 0 : i32
            %dma_wait3A_622 = tpu.memref_slice %arg15[%dma_wait3A_620, %dma_wait3A_621] : memref<10000x128xf32, #tpu.memory_space<vmem_shared>> -> memref<128x128xf32, #tpu.memory_space<vmem_shared>>
            tpu.wait_dma2 semaphore(%arg27 : memref<!tpu.dma_semaphore, #tpu.memory_space<semaphore_mem>>) src(%arg14 : memref<128x128xf32, #tpu.memory_space<vmem>>) dst(%dma_wait3A_622 : memref<128x128xf32, #tpu.memory_space<vmem_shared>>)
          } else {
          }
          %dma_wait3A_531 = arith.constant 0 : i32
          %dma_wait3A_532 = tpu.memref_slice %arg2[%dma_wait3A_531] : memref<160000xi32, #tpu.memory_space<hbm>> -> memref<128xi32, #tpu.memory_space<hbm>>
          %dma_wait3A_533 = arith.constant 0 : i32
          %dma_wait3A_534 = tpu.memref_slice %arg2[%dma_wait3A_533] : memref<160000xi32, #tpu.memory_space<hbm>> -> memref<128xi32, #tpu.memory_space<hbm>>
          tpu.wait_dma2 semaphore(%arg18 : memref<!tpu.dma_semaphore, #tpu.memory_space<semaphore_mem>>) src(%dma_wait3A_534 : memref<128xi32, #tpu.memory_space<hbm>>) dst(%arg8 : memref<128xi32, #tpu.memory_space<vmem>>)
          %get3A_535 = arith.constant 0 : index
          %get3A_536 = tpu.vector_load %arg8[%get3A_535] {strides = array<i32>} : memref<128xi32, #tpu.memory_space<vmem>>, vector<16xi32>,
          %get3A_537 = vector.shape_cast %get3A_536 : vector<16xi32> to vector<16xi32>
          %add3A_538 = vector.broadcast %mul3A_235 : i32 to vector<16xi32>
          %add3A_539 = arith.addi %get3A_537, %add3A_538 : vector<16xi32>
          %swap3A_540 = arith.constant 0 : index
          %swap3A_541 = tpu.vector_load %arg8[%swap3A_540] {strides = array<i32>} : memref<128xi32, #tpu.memory_space<vmem>>, vector<16xi32>,
          %swap3A_542 = vector.shape_cast %swap3A_541 : vector<16xi32> to vector<16xi32>
          %swap3A_543 = vector.shape_cast %add3A_539 : vector<16xi32> to vector<16xi32>
          tpu.vector_store %arg8[%swap3A_540], %swap3A_543 {strides = array<i32>} : memref<128xi32, #tpu.memory_space<vmem>>, vector<16xi32>,
          %get3A_544 = arith.constant 16 : index
          %get3A_545 = tpu.vector_load %arg8[%get3A_544] {strides = array<i32>} : memref<128xi32, #tpu.memory_space<vmem>>, vector<16xi32>,
          %get3A_546 = vector.shape_cast %get3A_545 : vector<16xi32> to vector<16xi32>
          %add3A_547 = vector.broadcast %mul3A_235 : i32 to vector<16xi32>
          %add3A_548 = arith.addi %get3A_546, %add3A_547 : vector<16xi32>
          %swap3A_549 = arith.constant 16 : index
          %swap3A_550 = tpu.vector_load %arg8[%swap3A_549] {strides = array<i32>} : memref<128xi32, #tpu.memory_space<vmem>>, vector<16xi32>,
          %swap3A_551 = vector.shape_cast %swap3A_550 : vector<16xi32> to vector<16xi32>
          %swap3A_552 = vector.shape_cast %add3A_548 : vector<16xi32> to vector<16xi32>
          tpu.vector_store %arg8[%swap3A_549], %swap3A_552 {strides = array<i32>} : memref<128xi32, #tpu.memory_space<vmem>>, vector<16xi32>,
          %get3A_553 = arith.constant 32 : index
          %get3A_554 = tpu.vector_load %arg8[%get3A_553] {strides = array<i32>} : memref<128xi32, #tpu.memory_space<vmem>>, vector<16xi32>,
          %get3A_555 = vector.shape_cast %get3A_554 : vector<16xi32> to vector<16xi32>
          %add3A_556 = vector.broadcast %mul3A_235 : i32 to vector<16xi32>
          %add3A_557 = arith.addi %get3A_555, %add3A_556 : vector<16xi32>
          %swap3A_558 = arith.constant 32 : index
          %swap3A_559 = tpu.vector_load %arg8[%swap3A_558] {strides = array<i32>} : memref<128xi32, #tpu.memory_space<vmem>>, vector<16xi32>,
          %swap3A_560 = vector.shape_cast %swap3A_559 : vector<16xi32> to vector<16xi32>
          %swap3A_561 = vector.shape_cast %add3A_557 : vector<16xi32> to vector<16xi32>
          tpu.vector_store %arg8[%swap3A_558], %swap3A_561 {strides = array<i32>} : memref<128xi32, #tpu.memory_space<vmem>>, vector<16xi32>,
          %get3A_562 = arith.constant 48 : index
          %get3A_563 = tpu.vector_load %arg8[%get3A_562] {strides = array<i32>} : memref<128xi32, #tpu.memory_space<vmem>>, vector<16xi32>,
          %get3A_564 = vector.shape_cast %get3A_563 : vector<16xi32> to vector<16xi32>
          %add3A_565 = vector.broadcast %mul3A_235 : i32 to vector<16xi32>
          %add3A_566 = arith.addi %get3A_564, %add3A_565 : vector<16xi32>
          %swap3A_567 = arith.constant 48 : index
          %swap3A_568 = tpu.vector_load %arg8[%swap3A_567] {strides = array<i32>} : memref<128xi32, #tpu.memory_space<vmem>>, vector<16xi32>,
          %swap3A_569 = vector.shape_cast %swap3A_568 : vector<16xi32> to vector<16xi32>
          %swap3A_570 = vector.shape_cast %add3A_566 : vector<16xi32> to vector<16xi32>
          tpu.vector_store %arg8[%swap3A_567], %swap3A_570 {strides = array<i32>} : memref<128xi32, #tpu.memory_space<vmem>>, vector<16xi32>,
          %get3A_571 = arith.constant 64 : index
          %get3A_572 = tpu.vector_load %arg8[%get3A_571] {strides = array<i32>} : memref<128xi32, #tpu.memory_space<vmem>>, vector<16xi32>,
          %get3A_573 = vector.shape_cast %get3A_572 : vector<16xi32> to vector<16xi32>
          %add3A_574 = vector.broadcast %mul3A_235 : i32 to vector<16xi32>
          %add3A_575 = arith.addi %get3A_573, %add3A_574 : vector<16xi32>
          %swap3A_576 = arith.constant 64 : index
          %swap3A_577 = tpu.vector_load %arg8[%swap3A_576] {strides = array<i32>} : memref<128xi32, #tpu.memory_space<vmem>>, vector<16xi32>,
          %swap3A_578 = vector.shape_cast %swap3A_577 : vector<16xi32> to vector<16xi32>
          %swap3A_579 = vector.shape_cast %add3A_575 : vector<16xi32> to vector<16xi32>
          tpu.vector_store %arg8[%swap3A_576], %swap3A_579 {strides = array<i32>} : memref<128xi32, #tpu.memory_space<vmem>>, vector<16xi32>,
          %get3A_580 = arith.constant 80 : index
          %get3A_581 = tpu.vector_load %arg8[%get3A_580] {strides = array<i32>} : memref<128xi32, #tpu.memory_space<vmem>>, vector<16xi32>,
          %get3A_582 = vector.shape_cast %get3A_581 : vector<16xi32> to vector<16xi32>
          %add3A_583 = vector.broadcast %mul3A_235 : i32 to vector<16xi32>
          %add3A_584 = arith.addi %get3A_582, %add3A_583 : vector<16xi32>
          %swap3A_585 = arith.constant 80 : index
          %swap3A_586 = tpu.vector_load %arg8[%swap3A_585] {strides = array<i32>} : memref<128xi32, #tpu.memory_space<vmem>>, vector<16xi32>,
          %swap3A_587 = vector.shape_cast %swap3A_586 : vector<16xi32> to vector<16xi32>
          %swap3A_588 = vector.shape_cast %add3A_584 : vector<16xi32> to vector<16xi32>
          tpu.vector_store %arg8[%swap3A_585], %swap3A_588 {strides = array<i32>} : memref<128xi32, #tpu.memory_space<vmem>>, vector<16xi32>,
          %get3A_589 = arith.constant 96 : index
          %get3A_590 = tpu.vector_load %arg8[%get3A_589] {strides = array<i32>} : memref<128xi32, #tpu.memory_space<vmem>>, vector<16xi32>,
          %get3A_591 = vector.shape_cast %get3A_590 : vector<16xi32> to vector<16xi32>
          %add3A_592 = vector.broadcast %mul3A_235 : i32 to vector<16xi32>
          %add3A_593 = arith.addi %get3A_591, %add3A_592 : vector<16xi32>
          %swap3A_594 = arith.constant 96 : index
          %swap3A_595 = tpu.vector_load %arg8[%swap3A_594] {strides = array<i32>} : memref<128xi32, #tpu.memory_space<vmem>>, vector<16xi32>,
          %swap3A_596 = vector.shape_cast %swap3A_595 : vector<16xi32> to vector<16xi32>
          %swap3A_597 = vector.shape_cast %add3A_593 : vector<16xi32> to vector<16xi32>
          tpu.vector_store %arg8[%swap3A_594], %swap3A_597 {strides = array<i32>} : memref<128xi32, #tpu.memory_space<vmem>>, vector<16xi32>,
          %get3A_598 = arith.constant 112 : index
          %get3A_599 = tpu.vector_load %arg8[%get3A_598] {strides = array<i32>} : memref<128xi32, #tpu.memory_space<vmem>>, vector<16xi32>,
          %get3A_600 = vector.shape_cast %get3A_599 : vector<16xi32> to vector<16xi32>
          %add3A_601 = vector.broadcast %mul3A_235 : i32 to vector<16xi32>
          %add3A_602 = arith.addi %get3A_600, %add3A_601 : vector<16xi32>
          %swap3A_603 = arith.constant 112 : index
          %swap3A_604 = tpu.vector_load %arg8[%swap3A_603] {strides = array<i32>} : memref<128xi32, #tpu.memory_space<vmem>>, vector<16xi32>,
          %swap3A_605 = vector.shape_cast %swap3A_604 : vector<16xi32> to vector<16xi32>
          %swap3A_606 = vector.shape_cast %add3A_602 : vector<16xi32> to vector<16xi32>
          tpu.vector_store %arg8[%swap3A_603], %swap3A_606 {strides = array<i32>} : memref<128xi32, #tpu.memory_space<vmem>>, vector<16xi32>,
          %dma_start3A_607 = arith.constant 0 : i32
          %dma_start3A_608 = arith.constant 0 : i32
          %dma_start3A_609 = tpu.memref_slice %arg4[%dma_start3A_607, %dma_start3A_608] : memref<40000x128xf32, #tpu.memory_space<hbm>> -> memref<40000x128xf32, #tpu.memory_space<hbm>>
          tpu.enqueue_indirect_dma source(%dma_start3A_609 : memref<40000x128xf32, #tpu.memory_space<hbm>>) target(%arg14 : memref<128x128xf32, #tpu.memory_space<vmem>>) offsets(%arg8 : memref<128xi32, #tpu.memory_space<vmem>>) semaphore(%arg24 : memref<!tpu.dma_semaphore, #tpu.memory_space<semaphore_mem>>)
          %add3A_610 = arith.constant 2 : i32
          %add3A_611 = arith.addi %add3A_481, %add3A_610 : i32
          %mul3A_612 = arith.constant 128 : i32
          %mul3A_613 = arith.muli %add3A_611, %mul3A_612 : i32
          %add3A_614 = arith.addi %mul3A_2, %mul3A_613 : i32
          %dma_start3A_615 = tpu.memref_slice %arg3[%add3A_614] : memref<160000xi32, #tpu.memory_space<hbm>> -> memref<128xi32, #tpu.memory_space<hbm>>
          %dma_start3A_616 = tpu.memref_slice %arg3[%add3A_614] : memref<160000xi32, #tpu.memory_space<hbm>> -> memref<128xi32, #tpu.memory_space<hbm>>
          tpu.enqueue_dma source(%dma_start3A_616 : memref<128xi32, #tpu.memory_space<hbm>>) target(%arg11 : memref<128xi32, #tpu.memory_space<vmem>>) target_semaphore(%arg21 : memref<!tpu.dma_semaphore, #tpu.memory_space<semaphore_mem>>)
        } else {
        }
      } else {
      }
      %mul3A_486 = arith.constant 3 : i32
      %mul3A_487 = arith.muli %mul3A_486, %while3A_477 : i32
      %add3A_488 = arith.constant 1 : i32
      %add3A_489 = arith.addi %mul3A_487, %add3A_488 : i32
      %lt3A_490 = arith.cmpi slt, %add3A_489, %select_n3A : i32
      %convert_element_type3A_491 = arith.extui %lt3A_490 : i1 to i32
      %cond3A_492 = arith.constant 0 : i32
      %cond3A_493 = arith.cmpi ne, %convert_element_type3A_491, %cond3A_492 : i32
      scf.if %cond3A_493 {
        %dma_wait3A_502 = arith.constant 0 : i32
        %dma_wait3A_503 = arith.constant 0 : i32
        %dma_wait3A_504 = tpu.memref_slice %arg4[%dma_wait3A_502, %dma_wait3A_503] : memref<40000x128xf32, #tpu.memory_space<hbm>> -> memref<128x128xf32, #tpu.memory_space<hbm>>
        %dma_wait3A_505 = arith.constant 0 : i32
        %dma_wait3A_506 = arith.constant 0 : i32
        %dma_wait3A_507 = tpu.memref_slice %arg4[%dma_wait3A_505, %dma_wait3A_506] : memref<40000x128xf32, #tpu.memory_space<hbm>> -> memref<128x128xf32, #tpu.memory_space<hbm>>
        tpu.wait_dma2 semaphore(%arg23 : memref<!tpu.dma_semaphore, #tpu.memory_space<semaphore_mem>>) src(%dma_wait3A_507 : memref<128x128xf32, #tpu.memory_space<hbm>>) dst(%arg13 : memref<128x128xf32, #tpu.memory_space<vmem>>)
        %add3A_508 = arith.constant 3 : i32
        %add3A_509 = arith.addi %add3A_489, %add3A_508 : i32
        %lt3A_510 = arith.cmpi slt, %add3A_509, %select_n3A : i32
        %convert_element_type3A_511 = arith.extui %lt3A_510 : i1 to i32
        %cond3A_512 = arith.constant 0 : i32
        %cond3A_513 = arith.cmpi ne, %convert_element_type3A_511, %cond3A_512 : i32
        scf.if %cond3A_513 {
          %add3A_527 = arith.constant 3 : i32
          %add3A_528 = arith.addi %add3A_489, %add3A_527 : i32
          %mul3A_529 = arith.constant 128 : i32
          %mul3A_530 = arith.muli %add3A_528, %mul3A_529 : i32
          %add3A_531 = arith.addi %mul3A_2, %mul3A_530 : i32
          %dma_start3A_532 = tpu.memref_slice %arg2[%add3A_531] : memref<160000xi32, #tpu.memory_space<hbm>> -> memref<128xi32, #tpu.memory_space<hbm>>
          %dma_start3A_533 = tpu.memref_slice %arg2[%add3A_531] : memref<160000xi32, #tpu.memory_space<hbm>> -> memref<128xi32, #tpu.memory_space<hbm>>
          tpu.enqueue_dma source(%dma_start3A_533 : memref<128xi32, #tpu.memory_space<hbm>>) target(%arg7 : memref<128xi32, #tpu.memory_space<vmem>>) target_semaphore(%arg17 : memref<!tpu.dma_semaphore, #tpu.memory_space<semaphore_mem>>)
        } else {
        }
        %dma_wait3A_514 = arith.constant 0 : i32
        %dma_wait3A_515 = tpu.memref_slice %arg3[%dma_wait3A_514] : memref<160000xi32, #tpu.memory_space<hbm>> -> memref<128xi32, #tpu.memory_space<hbm>>
        %dma_wait3A_516 = arith.constant 0 : i32
        %dma_wait3A_517 = tpu.memref_slice %arg3[%dma_wait3A_516] : memref<160000xi32, #tpu.memory_space<hbm>> -> memref<128xi32, #tpu.memory_space<hbm>>
        tpu.wait_dma2 semaphore(%arg20 : memref<!tpu.dma_semaphore, #tpu.memory_space<semaphore_mem>>) src(%dma_wait3A_517 : memref<128xi32, #tpu.memory_space<hbm>>) dst(%arg10 : memref<128xi32, #tpu.memory_space<vmem>>)
        %dma_start3A_518 = arith.constant 0 : i32
        %dma_start3A_519 = arith.constant 0 : i32
        %dma_start3A_520 = tpu.memref_slice %arg15[%dma_start3A_518, %dma_start3A_519] : memref<10000x128xf32, #tpu.memory_space<vmem_shared>> -> memref<10000x128xf32, #tpu.memory_space<vmem_shared>>
        tpu.enqueue_indirect_dma source(%arg13 : memref<128x128xf32, #tpu.memory_space<vmem>>) target(%dma_start3A_520 : memref<10000x128xf32, #tpu.memory_space<vmem_shared>>) offsets(%arg10 : memref<128xi32, #tpu.memory_space<vmem>>) semaphore(%arg26 : memref<!tpu.dma_semaphore, #tpu.memory_space<semaphore_mem>>) {add = true}
        %add3A_521 = arith.constant 2 : i32
        %add3A_522 = arith.addi %add3A_489, %add3A_521 : i32
        %lt3A_523 = arith.cmpi slt, %add3A_522, %select_n3A : i32
        %convert_element_type3A_524 = arith.extui %lt3A_523 : i1 to i32
        %cond3A_525 = arith.constant 0 : i32
        %cond3A_526 = arith.cmpi ne, %convert_element_type3A_524, %cond3A_525 : i32
        scf.if %cond3A_526 {
          %ge3A = arith.constant 1 : i32
          %ge3A_527 = arith.cmpi sge, %add3A_489, %ge3A : i32
          %convert_element_type3A_528 = arith.extui %ge3A_527 : i1 to i32
          %cond3A_529 = arith.constant 0 : i32
          %cond3A_530 = arith.cmpi ne, %convert_element_type3A_528, %cond3A_529 : i32
          scf.if %cond3A_530 {
            %dma_wait3A_617 = arith.constant 0 : i32
            %dma_wait3A_618 = arith.constant 0 : i32
            %dma_wait3A_619 = tpu.memref_slice %arg15[%dma_wait3A_617, %dma_wait3A_618] : memref<10000x128xf32, #tpu.memory_space<vmem_shared>> -> memref<128x128xf32, #tpu.memory_space<vmem_shared>>
            %dma_wait3A_620 = arith.constant 0 : i32
            %dma_wait3A_621 = arith.constant 0 : i32
            %dma_wait3A_622 = tpu.memref_slice %arg15[%dma_wait3A_620, %dma_wait3A_621] : memref<10000x128xf32, #tpu.memory_space<vmem_shared>> -> memref<128x128xf32, #tpu.memory_space<vmem_shared>>
            tpu.wait_dma2 semaphore(%arg25 : memref<!tpu.dma_semaphore, #tpu.memory_space<semaphore_mem>>) src(%arg12 : memref<128x128xf32, #tpu.memory_space<vmem>>) dst(%dma_wait3A_622 : memref<128x128xf32, #tpu.memory_space<vmem_shared>>)
          } else {
          }
          %dma_wait3A_531 = arith.constant 0 : i32
          %dma_wait3A_532 = tpu.memref_slice %arg2[%dma_wait3A_531] : memref<160000xi32, #tpu.memory_space<hbm>> -> memref<128xi32, #tpu.memory_space<hbm>>
          %dma_wait3A_533 = arith.constant 0 : i32
          %dma_wait3A_534 = tpu.memref_slice %arg2[%dma_wait3A_533] : memref<160000xi32, #tpu.memory_space<hbm>> -> memref<128xi32, #tpu.memory_space<hbm>>
          tpu.wait_dma2 semaphore(%arg16 : memref<!tpu.dma_semaphore, #tpu.memory_space<semaphore_mem>>) src(%dma_wait3A_534 : memref<128xi32, #tpu.memory_space<hbm>>) dst(%arg6 : memref<128xi32, #tpu.memory_space<vmem>>)
          %get3A_535 = arith.constant 0 : index
          %get3A_536 = tpu.vector_load %arg6[%get3A_535] {strides = array<i32>} : memref<128xi32, #tpu.memory_space<vmem>>, vector<16xi32>,
          %get3A_537 = vector.shape_cast %get3A_536 : vector<16xi32> to vector<16xi32>
          %add3A_538 = vector.broadcast %mul3A_235 : i32 to vector<16xi32>
          %add3A_539 = arith.addi %get3A_537, %add3A_538 : vector<16xi32>
          %swap3A_540 = arith.constant 0 : index
          %swap3A_541 = tpu.vector_load %arg6[%swap3A_540] {strides = array<i32>} : memref<128xi32, #tpu.memory_space<vmem>>, vector<16xi32>,
          %swap3A_542 = vector.shape_cast %swap3A_541 : vector<16xi32> to vector<16xi32>
          %swap3A_543 = vector.shape_cast %add3A_539 : vector<16xi32> to vector<16xi32>
          tpu.vector_store %arg6[%swap3A_540], %swap3A_543 {strides = array<i32>} : memref<128xi32, #tpu.memory_space<vmem>>, vector<16xi32>,
          %get3A_544 = arith.constant 16 : index
          %get3A_545 = tpu.vector_load %arg6[%get3A_544] {strides = array<i32>} : memref<128xi32, #tpu.memory_space<vmem>>, vector<16xi32>,
          %get3A_546 = vector.shape_cast %get3A_545 : vector<16xi32> to vector<16xi32>
          %add3A_547 = vector.broadcast %mul3A_235 : i32 to vector<16xi32>
          %add3A_548 = arith.addi %get3A_546, %add3A_547 : vector<16xi32>
          %swap3A_549 = arith.constant 16 : index
          %swap3A_550 = tpu.vector_load %arg6[%swap3A_549] {strides = array<i32>} : memref<128xi32, #tpu.memory_space<vmem>>, vector<16xi32>,
          %swap3A_551 = vector.shape_cast %swap3A_550 : vector<16xi32> to vector<16xi32>
          %swap3A_552 = vector.shape_cast %add3A_548 : vector<16xi32> to vector<16xi32>
          tpu.vector_store %arg6[%swap3A_549], %swap3A_552 {strides = array<i32>} : memref<128xi32, #tpu.memory_space<vmem>>, vector<16xi32>,
          %get3A_553 = arith.constant 32 : index
          %get3A_554 = tpu.vector_load %arg6[%get3A_553] {strides = array<i32>} : memref<128xi32, #tpu.memory_space<vmem>>, vector<16xi32>,
          %get3A_555 = vector.shape_cast %get3A_554 : vector<16xi32> to vector<16xi32>
          %add3A_556 = vector.broadcast %mul3A_235 : i32 to vector<16xi32>
          %add3A_557 = arith.addi %get3A_555, %add3A_556 : vector<16xi32>
          %swap3A_558 = arith.constant 32 : index
          %swap3A_559 = tpu.vector_load %arg6[%swap3A_558] {strides = array<i32>} : memref<128xi32, #tpu.memory_space<vmem>>, vector<16xi32>,
          %swap3A_560 = vector.shape_cast %swap3A_559 : vector<16xi32> to vector<16xi32>
          %swap3A_561 = vector.shape_cast %add3A_557 : vector<16xi32> to vector<16xi32>
          tpu.vector_store %arg6[%swap3A_558], %swap3A_561 {strides = array<i32>} : memref<128xi32, #tpu.memory_space<vmem>>, vector<16xi32>,
          %get3A_562 = arith.constant 48 : index
          %get3A_563 = tpu.vector_load %arg6[%get3A_562] {strides = array<i32>} : memref<128xi32, #tpu.memory_space<vmem>>, vector<16xi32>,
          %get3A_564 = vector.shape_cast %get3A_563 : vector<16xi32> to vector<16xi32>
          %add3A_565 = vector.broadcast %mul3A_235 : i32 to vector<16xi32>
          %add3A_566 = arith.addi %get3A_564, %add3A_565 : vector<16xi32>
          %swap3A_567 = arith.constant 48 : index
          %swap3A_568 = tpu.vector_load %arg6[%swap3A_567] {strides = array<i32>} : memref<128xi32, #tpu.memory_space<vmem>>, vector<16xi32>,
          %swap3A_569 = vector.shape_cast %swap3A_568 : vector<16xi32> to vector<16xi32>
          %swap3A_570 = vector.shape_cast %add3A_566 : vector<16xi32> to vector<16xi32>
          tpu.vector_store %arg6[%swap3A_567], %swap3A_570 {strides = array<i32>} : memref<128xi32, #tpu.memory_space<vmem>>, vector<16xi32>,
          %get3A_571 = arith.constant 64 : index
          %get3A_572 = tpu.vector_load %arg6[%get3A_571] {strides = array<i32>} : memref<128xi32, #tpu.memory_space<vmem>>, vector<16xi32>,
          %get3A_573 = vector.shape_cast %get3A_572 : vector<16xi32> to vector<16xi32>
          %add3A_574 = vector.broadcast %mul3A_235 : i32 to vector<16xi32>
          %add3A_575 = arith.addi %get3A_573, %add3A_574 : vector<16xi32>
          %swap3A_576 = arith.constant 64 : index
          %swap3A_577 = tpu.vector_load %arg6[%swap3A_576] {strides = array<i32>} : memref<128xi32, #tpu.memory_space<vmem>>, vector<16xi32>,
          %swap3A_578 = vector.shape_cast %swap3A_577 : vector<16xi32> to vector<16xi32>
          %swap3A_579 = vector.shape_cast %add3A_575 : vector<16xi32> to vector<16xi32>
          tpu.vector_store %arg6[%swap3A_576], %swap3A_579 {strides = array<i32>} : memref<128xi32, #tpu.memory_space<vmem>>, vector<16xi32>,
          %get3A_580 = arith.constant 80 : index
          %get3A_581 = tpu.vector_load %arg6[%get3A_580] {strides = array<i32>} : memref<128xi32, #tpu.memory_space<vmem>>, vector<16xi32>,
          %get3A_582 = vector.shape_cast %get3A_581 : vector<16xi32> to vector<16xi32>
          %add3A_583 = vector.broadcast %mul3A_235 : i32 to vector<16xi32>
          %add3A_584 = arith.addi %get3A_582, %add3A_583 : vector<16xi32>
          %swap3A_585 = arith.constant 80 : index
          %swap3A_586 = tpu.vector_load %arg6[%swap3A_585] {strides = array<i32>} : memref<128xi32, #tpu.memory_space<vmem>>, vector<16xi32>,
          %swap3A_587 = vector.shape_cast %swap3A_586 : vector<16xi32> to vector<16xi32>
          %swap3A_588 = vector.shape_cast %add3A_584 : vector<16xi32> to vector<16xi32>
          tpu.vector_store %arg6[%swap3A_585], %swap3A_588 {strides = array<i32>} : memref<128xi32, #tpu.memory_space<vmem>>, vector<16xi32>,
          %get3A_589 = arith.constant 96 : index
          %get3A_590 = tpu.vector_load %arg6[%get3A_589] {strides = array<i32>} : memref<128xi32, #tpu.memory_space<vmem>>, vector<16xi32>,
          %get3A_591 = vector.shape_cast %get3A_590 : vector<16xi32> to vector<16xi32>
          %add3A_592 = vector.broadcast %mul3A_235 : i32 to vector<16xi32>
          %add3A_593 = arith.addi %get3A_591, %add3A_592 : vector<16xi32>
          %swap3A_594 = arith.constant 96 : index
          %swap3A_595 = tpu.vector_load %arg6[%swap3A_594] {strides = array<i32>} : memref<128xi32, #tpu.memory_space<vmem>>, vector<16xi32>,
          %swap3A_596 = vector.shape_cast %swap3A_595 : vector<16xi32> to vector<16xi32>
          %swap3A_597 = vector.shape_cast %add3A_593 : vector<16xi32> to vector<16xi32>
          tpu.vector_store %arg6[%swap3A_594], %swap3A_597 {strides = array<i32>} : memref<128xi32, #tpu.memory_space<vmem>>, vector<16xi32>,
          %get3A_598 = arith.constant 112 : index
          %get3A_599 = tpu.vector_load %arg6[%get3A_598] {strides = array<i32>} : memref<128xi32, #tpu.memory_space<vmem>>, vector<16xi32>,
          %get3A_600 = vector.shape_cast %get3A_599 : vector<16xi32> to vector<16xi32>
          %add3A_601 = vector.broadcast %mul3A_235 : i32 to vector<16xi32>
          %add3A_602 = arith.addi %get3A_600, %add3A_601 : vector<16xi32>
          %swap3A_603 = arith.constant 112 : index
          %swap3A_604 = tpu.vector_load %arg6[%swap3A_603] {strides = array<i32>} : memref<128xi32, #tpu.memory_space<vmem>>, vector<16xi32>,
          %swap3A_605 = vector.shape_cast %swap3A_604 : vector<16xi32> to vector<16xi32>
          %swap3A_606 = vector.shape_cast %add3A_602 : vector<16xi32> to vector<16xi32>
          tpu.vector_store %arg6[%swap3A_603], %swap3A_606 {strides = array<i32>} : memref<128xi32, #tpu.memory_space<vmem>>, vector<16xi32>,
          %dma_start3A_607 = arith.constant 0 : i32
          %dma_start3A_608 = arith.constant 0 : i32
          %dma_start3A_609 = tpu.memref_slice %arg4[%dma_start3A_607, %dma_start3A_608] : memref<40000x128xf32, #tpu.memory_space<hbm>> -> memref<40000x128xf32, #tpu.memory_space<hbm>>
          tpu.enqueue_indirect_dma source(%dma_start3A_609 : memref<40000x128xf32, #tpu.memory_space<hbm>>) target(%arg12 : memref<128x128xf32, #tpu.memory_space<vmem>>) offsets(%arg6 : memref<128xi32, #tpu.memory_space<vmem>>) semaphore(%arg22 : memref<!tpu.dma_semaphore, #tpu.memory_space<semaphore_mem>>)
          %add3A_610 = arith.constant 2 : i32
          %add3A_611 = arith.addi %add3A_489, %add3A_610 : i32
          %mul3A_612 = arith.constant 128 : i32
          %mul3A_613 = arith.muli %add3A_611, %mul3A_612 : i32
          %add3A_614 = arith.addi %mul3A_2, %mul3A_613 : i32
          %dma_start3A_615 = tpu.memref_slice %arg3[%add3A_614] : memref<160000xi32, #tpu.memory_space<hbm>> -> memref<128xi32, #tpu.memory_space<hbm>>
          %dma_start3A_616 = tpu.memref_slice %arg3[%add3A_614] : memref<160000xi32, #tpu.memory_space<hbm>> -> memref<128xi32, #tpu.memory_space<hbm>>
          tpu.enqueue_dma source(%dma_start3A_616 : memref<128xi32, #tpu.memory_space<hbm>>) target(%arg9 : memref<128xi32, #tpu.memory_space<vmem>>) target_semaphore(%arg19 : memref<!tpu.dma_semaphore, #tpu.memory_space<semaphore_mem>>)
        } else {
        }
      } else {
      }
      %mul3A_494 = arith.constant 3 : i32
      %mul3A_495 = arith.muli %mul3A_494, %while3A_477 : i32
      %add3A_496 = arith.constant 2 : i32
      %add3A_497 = arith.addi %mul3A_495, %add3A_496 : i32
      %lt3A_498 = arith.cmpi slt, %add3A_497, %select_n3A : i32
      %convert_element_type3A_499 = arith.extui %lt3A_498 : i1 to i32
      %cond3A_500 = arith.constant 0 : i32
      %cond3A_501 = arith.cmpi ne, %convert_element_type3A_499, %cond3A_500 : i32
      scf.if %cond3A_501 {
        %dma_wait3A_502 = arith.constant 0 : i32
        %dma_wait3A_503 = arith.constant 0 : i32
        %dma_wait3A_504 = tpu.memref_slice %arg4[%dma_wait3A_502, %dma_wait3A_503] : memref<40000x128xf32, #tpu.memory_space<hbm>> -> memref<128x128xf32, #tpu.memory_space<hbm>>
        %dma_wait3A_505 = arith.constant 0 : i32
        %dma_wait3A_506 = arith.constant 0 : i32
        %dma_wait3A_507 = tpu.memref_slice %arg4[%dma_wait3A_505, %dma_wait3A_506] : memref<40000x128xf32, #tpu.memory_space<hbm>> -> memref<128x128xf32, #tpu.memory_space<hbm>>
        tpu.wait_dma2 semaphore(%arg24 : memref<!tpu.dma_semaphore, #tpu.memory_space<semaphore_mem>>) src(%dma_wait3A_507 : memref<128x128xf32, #tpu.memory_space<hbm>>) dst(%arg14 : memref<128x128xf32, #tpu.memory_space<vmem>>)
        %add3A_508 = arith.constant 3 : i32
        %add3A_509 = arith.addi %add3A_497, %add3A_508 : i32
        %lt3A_510 = arith.cmpi slt, %add3A_509, %select_n3A : i32
        %convert_element_type3A_511 = arith.extui %lt3A_510 : i1 to i32
        %cond3A_512 = arith.constant 0 : i32
        %cond3A_513 = arith.cmpi ne, %convert_element_type3A_511, %cond3A_512 : i32
        scf.if %cond3A_513 {
          %add3A_527 = arith.constant 3 : i32
          %add3A_528 = arith.addi %add3A_497, %add3A_527 : i32
          %mul3A_529 = arith.constant 128 : i32
          %mul3A_530 = arith.muli %add3A_528, %mul3A_529 : i32
          %add3A_531 = arith.addi %mul3A_2, %mul3A_530 : i32
          %dma_start3A_532 = tpu.memref_slice %arg2[%add3A_531] : memref<160000xi32, #tpu.memory_space<hbm>> -> memref<128xi32, #tpu.memory_space<hbm>>
          %dma_start3A_533 = tpu.memref_slice %arg2[%add3A_531] : memref<160000xi32, #tpu.memory_space<hbm>> -> memref<128xi32, #tpu.memory_space<hbm>>
          tpu.enqueue_dma source(%dma_start3A_533 : memref<128xi32, #tpu.memory_space<hbm>>) target(%arg8 : memref<128xi32, #tpu.memory_space<vmem>>) target_semaphore(%arg18 : memref<!tpu.dma_semaphore, #tpu.memory_space<semaphore_mem>>)
        } else {
        }
        %dma_wait3A_514 = arith.constant 0 : i32
        %dma_wait3A_515 = tpu.memref_slice %arg3[%dma_wait3A_514] : memref<160000xi32, #tpu.memory_space<hbm>> -> memref<128xi32, #tpu.memory_space<hbm>>
        %dma_wait3A_516 = arith.constant 0 : i32
        %dma_wait3A_517 = tpu.memref_slice %arg3[%dma_wait3A_516] : memref<160000xi32, #tpu.memory_space<hbm>> -> memref<128xi32, #tpu.memory_space<hbm>>
        tpu.wait_dma2 semaphore(%arg21 : memref<!tpu.dma_semaphore, #tpu.memory_space<semaphore_mem>>) src(%dma_wait3A_517 : memref<128xi32, #tpu.memory_space<hbm>>) dst(%arg11 : memref<128xi32, #tpu.memory_space<vmem>>)
        %dma_start3A_518 = arith.constant 0 : i32
        %dma_start3A_519 = arith.constant 0 : i32
        %dma_start3A_520 = tpu.memref_slice %arg15[%dma_start3A_518, %dma_start3A_519] : memref<10000x128xf32, #tpu.memory_space<vmem_shared>> -> memref<10000x128xf32, #tpu.memory_space<vmem_shared>>
        tpu.enqueue_indirect_dma source(%arg14 : memref<128x128xf32, #tpu.memory_space<vmem>>) target(%dma_start3A_520 : memref<10000x128xf32, #tpu.memory_space<vmem_shared>>) offsets(%arg11 : memref<128xi32, #tpu.memory_space<vmem>>) semaphore(%arg27 : memref<!tpu.dma_semaphore, #tpu.memory_space<semaphore_mem>>) {add = true}
        %add3A_521 = arith.constant 2 : i32
        %add3A_522 = arith.addi %add3A_497, %add3A_521 : i32
        %lt3A_523 = arith.cmpi slt, %add3A_522, %select_n3A : i32
        %convert_element_type3A_524 = arith.extui %lt3A_523 : i1 to i32
        %cond3A_525 = arith.constant 0 : i32
        %cond3A_526 = arith.cmpi ne, %convert_element_type3A_524, %cond3A_525 : i32
        scf.if %cond3A_526 {
          %ge3A = arith.constant 1 : i32
          %ge3A_527 = arith.cmpi sge, %add3A_497, %ge3A : i32
          %convert_element_type3A_528 = arith.extui %ge3A_527 : i1 to i32
          %cond3A_529 = arith.constant 0 : i32
          %cond3A_530 = arith.cmpi ne, %convert_element_type3A_528, %cond3A_529 : i32
          scf.if %cond3A_530 {
            %dma_wait3A_617 = arith.constant 0 : i32
            %dma_wait3A_618 = arith.constant 0 : i32
            %dma_wait3A_619 = tpu.memref_slice %arg15[%dma_wait3A_617, %dma_wait3A_618] : memref<10000x128xf32, #tpu.memory_space<vmem_shared>> -> memref<128x128xf32, #tpu.memory_space<vmem_shared>>
            %dma_wait3A_620 = arith.constant 0 : i32
            %dma_wait3A_621 = arith.constant 0 : i32
            %dma_wait3A_622 = tpu.memref_slice %arg15[%dma_wait3A_620, %dma_wait3A_621] : memref<10000x128xf32, #tpu.memory_space<vmem_shared>> -> memref<128x128xf32, #tpu.memory_space<vmem_shared>>
            tpu.wait_dma2 semaphore(%arg26 : memref<!tpu.dma_semaphore, #tpu.memory_space<semaphore_mem>>) src(%arg13 : memref<128x128xf32, #tpu.memory_space<vmem>>) dst(%dma_wait3A_622 : memref<128x128xf32, #tpu.memory_space<vmem_shared>>)
          } else {
          }
          %dma_wait3A_531 = arith.constant 0 : i32
          %dma_wait3A_532 = tpu.memref_slice %arg2[%dma_wait3A_531] : memref<160000xi32, #tpu.memory_space<hbm>> -> memref<128xi32, #tpu.memory_space<hbm>>
          %dma_wait3A_533 = arith.constant 0 : i32
          %dma_wait3A_534 = tpu.memref_slice %arg2[%dma_wait3A_533] : memref<160000xi32, #tpu.memory_space<hbm>> -> memref<128xi32, #tpu.memory_space<hbm>>
          tpu.wait_dma2 semaphore(%arg17 : memref<!tpu.dma_semaphore, #tpu.memory_space<semaphore_mem>>) src(%dma_wait3A_534 : memref<128xi32, #tpu.memory_space<hbm>>) dst(%arg7 : memref<128xi32, #tpu.memory_space<vmem>>)
          %get3A_535 = arith.constant 0 : index
          %get3A_536 = tpu.vector_load %arg7[%get3A_535] {strides = array<i32>} : memref<128xi32, #tpu.memory_space<vmem>>, vector<16xi32>,
          %get3A_537 = vector.shape_cast %get3A_536 : vector<16xi32> to vector<16xi32>
          %add3A_538 = vector.broadcast %mul3A_235 : i32 to vector<16xi32>
          %add3A_539 = arith.addi %get3A_537, %add3A_538 : vector<16xi32>
          %swap3A_540 = arith.constant 0 : index
          %swap3A_541 = tpu.vector_load %arg7[%swap3A_540] {strides = array<i32>} : memref<128xi32, #tpu.memory_space<vmem>>, vector<16xi32>,
          %swap3A_542 = vector.shape_cast %swap3A_541 : vector<16xi32> to vector<16xi32>
          %swap3A_543 = vector.shape_cast %add3A_539 : vector<16xi32> to vector<16xi32>
          tpu.vector_store %arg7[%swap3A_540], %swap3A_543 {strides = array<i32>} : memref<128xi32, #tpu.memory_space<vmem>>, vector<16xi32>,
          %get3A_544 = arith.constant 16 : index
          %get3A_545 = tpu.vector_load %arg7[%get3A_544] {strides = array<i32>} : memref<128xi32, #tpu.memory_space<vmem>>, vector<16xi32>,
          %get3A_546 = vector.shape_cast %get3A_545 : vector<16xi32> to vector<16xi32>
          %add3A_547 = vector.broadcast %mul3A_235 : i32 to vector<16xi32>
          %add3A_548 = arith.addi %get3A_546, %add3A_547 : vector<16xi32>
          %swap3A_549 = arith.constant 16 : index
          %swap3A_550 = tpu.vector_load %arg7[%swap3A_549] {strides = array<i32>} : memref<128xi32, #tpu.memory_space<vmem>>, vector<16xi32>,
          %swap3A_551 = vector.shape_cast %swap3A_550 : vector<16xi32> to vector<16xi32>
          %swap3A_552 = vector.shape_cast %add3A_548 : vector<16xi32> to vector<16xi32>
          tpu.vector_store %arg7[%swap3A_549], %swap3A_552 {strides = array<i32>} : memref<128xi32, #tpu.memory_space<vmem>>, vector<16xi32>,
          %get3A_553 = arith.constant 32 : index
          %get3A_554 = tpu.vector_load %arg7[%get3A_553] {strides = array<i32>} : memref<128xi32, #tpu.memory_space<vmem>>, vector<16xi32>,
          %get3A_555 = vector.shape_cast %get3A_554 : vector<16xi32> to vector<16xi32>
          %add3A_556 = vector.broadcast %mul3A_235 : i32 to vector<16xi32>
          %add3A_557 = arith.addi %get3A_555, %add3A_556 : vector<16xi32>
          %swap3A_558 = arith.constant 32 : index
          %swap3A_559 = tpu.vector_load %arg7[%swap3A_558] {strides = array<i32>} : memref<128xi32, #tpu.memory_space<vmem>>, vector<16xi32>,
          %swap3A_560 = vector.shape_cast %swap3A_559 : vector<16xi32> to vector<16xi32>
          %swap3A_561 = vector.shape_cast %add3A_557 : vector<16xi32> to vector<16xi32>
          tpu.vector_store %arg7[%swap3A_558], %swap3A_561 {strides = array<i32>} : memref<128xi32, #tpu.memory_space<vmem>>, vector<16xi32>,
          %get3A_562 = arith.constant 48 : index
          %get3A_563 = tpu.vector_load %arg7[%get3A_562] {strides = array<i32>} : memref<128xi32, #tpu.memory_space<vmem>>, vector<16xi32>,
          %get3A_564 = vector.shape_cast %get3A_563 : vector<16xi32> to vector<16xi32>
          %add3A_565 = vector.broadcast %mul3A_235 : i32 to vector<16xi32>
          %add3A_566 = arith.addi %get3A_564, %add3A_565 : vector<16xi32>
          %swap3A_567 = arith.constant 48 : index
          %swap3A_568 = tpu.vector_load %arg7[%swap3A_567] {strides = array<i32>} : memref<128xi32, #tpu.memory_space<vmem>>, vector<16xi32>,
          %swap3A_569 = vector.shape_cast %swap3A_568 : vector<16xi32> to vector<16xi32>
          %swap3A_570 = vector.shape_cast %add3A_566 : vector<16xi32> to vector<16xi32>
          tpu.vector_store %arg7[%swap3A_567], %swap3A_570 {strides = array<i32>} : memref<128xi32, #tpu.memory_space<vmem>>, vector<16xi32>,
          %get3A_571 = arith.constant 64 : index
          %get3A_572 = tpu.vector_load %arg7[%get3A_571] {strides = array<i32>} : memref<128xi32, #tpu.memory_space<vmem>>, vector<16xi32>,
          %get3A_573 = vector.shape_cast %get3A_572 : vector<16xi32> to vector<16xi32>
          %add3A_574 = vector.broadcast %mul3A_235 : i32 to vector<16xi32>
          %add3A_575 = arith.addi %get3A_573, %add3A_574 : vector<16xi32>
          %swap3A_576 = arith.constant 64 : index
          %swap3A_577 = tpu.vector_load %arg7[%swap3A_576] {strides = array<i32>} : memref<128xi32, #tpu.memory_space<vmem>>, vector<16xi32>,
          %swap3A_578 = vector.shape_cast %swap3A_577 : vector<16xi32> to vector<16xi32>
          %swap3A_579 = vector.shape_cast %add3A_575 : vector<16xi32> to vector<16xi32>
          tpu.vector_store %arg7[%swap3A_576], %swap3A_579 {strides = array<i32>} : memref<128xi32, #tpu.memory_space<vmem>>, vector<16xi32>,
          %get3A_580 = arith.constant 80 : index
          %get3A_581 = tpu.vector_load %arg7[%get3A_580] {strides = array<i32>} : memref<128xi32, #tpu.memory_space<vmem>>, vector<16xi32>,
          %get3A_582 = vector.shape_cast %get3A_581 : vector<16xi32> to vector<16xi32>
          %add3A_583 = vector.broadcast %mul3A_235 : i32 to vector<16xi32>
          %add3A_584 = arith.addi %get3A_582, %add3A_583 : vector<16xi32>
          %swap3A_585 = arith.constant 80 : index
          %swap3A_586 = tpu.vector_load %arg7[%swap3A_585] {strides = array<i32>} : memref<128xi32, #tpu.memory_space<vmem>>, vector<16xi32>,
          %swap3A_587 = vector.shape_cast %swap3A_586 : vector<16xi32> to vector<16xi32>
          %swap3A_588 = vector.shape_cast %add3A_584 : vector<16xi32> to vector<16xi32>
          tpu.vector_store %arg7[%swap3A_585], %swap3A_588 {strides = array<i32>} : memref<128xi32, #tpu.memory_space<vmem>>, vector<16xi32>,
          %get3A_589 = arith.constant 96 : index
          %get3A_590 = tpu.vector_load %arg7[%get3A_589] {strides = array<i32>} : memref<128xi32, #tpu.memory_space<vmem>>, vector<16xi32>,
          %get3A_591 = vector.shape_cast %get3A_590 : vector<16xi32> to vector<16xi32>
          %add3A_592 = vector.broadcast %mul3A_235 : i32 to vector<16xi32>
          %add3A_593 = arith.addi %get3A_591, %add3A_592 : vector<16xi32>
          %swap3A_594 = arith.constant 96 : index
          %swap3A_595 = tpu.vector_load %arg7[%swap3A_594] {strides = array<i32>} : memref<128xi32, #tpu.memory_space<vmem>>, vector<16xi32>,
          %swap3A_596 = vector.shape_cast %swap3A_595 : vector<16xi32> to vector<16xi32>
          %swap3A_597 = vector.shape_cast %add3A_593 : vector<16xi32> to vector<16xi32>
          tpu.vector_store %arg7[%swap3A_594], %swap3A_597 {strides = array<i32>} : memref<128xi32, #tpu.memory_space<vmem>>, vector<16xi32>,
          %get3A_598 = arith.constant 112 : index
          %get3A_599 = tpu.vector_load %arg7[%get3A_598] {strides = array<i32>} : memref<128xi32, #tpu.memory_space<vmem>>, vector<16xi32>,
          %get3A_600 = vector.shape_cast %get3A_599 : vector<16xi32> to vector<16xi32>
          %add3A_601 = vector.broadcast %mul3A_235 : i32 to vector<16xi32>
          %add3A_602 = arith.addi %get3A_600, %add3A_601 : vector<16xi32>
          %swap3A_603 = arith.constant 112 : index
          %swap3A_604 = tpu.vector_load %arg7[%swap3A_603] {strides = array<i32>} : memref<128xi32, #tpu.memory_space<vmem>>, vector<16xi32>,
          %swap3A_605 = vector.shape_cast %swap3A_604 : vector<16xi32> to vector<16xi32>
          %swap3A_606 = vector.shape_cast %add3A_602 : vector<16xi32> to vector<16xi32>
          tpu.vector_store %arg7[%swap3A_603], %swap3A_606 {strides = array<i32>} : memref<128xi32, #tpu.memory_space<vmem>>, vector<16xi32>,
          %dma_start3A_607 = arith.constant 0 : i32
          %dma_start3A_608 = arith.constant 0 : i32
          %dma_start3A_609 = tpu.memref_slice %arg4[%dma_start3A_607, %dma_start3A_608] : memref<40000x128xf32, #tpu.memory_space<hbm>> -> memref<40000x128xf32, #tpu.memory_space<hbm>>
          tpu.enqueue_indirect_dma source(%dma_start3A_609 : memref<40000x128xf32, #tpu.memory_space<hbm>>) target(%arg13 : memref<128x128xf32, #tpu.memory_space<vmem>>) offsets(%arg7 : memref<128xi32, #tpu.memory_space<vmem>>) semaphore(%arg23 : memref<!tpu.dma_semaphore, #tpu.memory_space<semaphore_mem>>)
          %add3A_610 = arith.constant 2 : i32
          %add3A_611 = arith.addi %add3A_497, %add3A_610 : i32
          %mul3A_612 = arith.constant 128 : i32
          %mul3A_613 = arith.muli %add3A_611, %mul3A_612 : i32
          %add3A_614 = arith.addi %mul3A_2, %mul3A_613 : i32
          %dma_start3A_615 = tpu.memref_slice %arg3[%add3A_614] : memref<160000xi32, #tpu.memory_space<hbm>> -> memref<128xi32, #tpu.memory_space<hbm>>
          %dma_start3A_616 = tpu.memref_slice %arg3[%add3A_614] : memref<160000xi32, #tpu.memory_space<hbm>> -> memref<128xi32, #tpu.memory_space<hbm>>
          tpu.enqueue_dma source(%dma_start3A_616 : memref<128xi32, #tpu.memory_space<hbm>>) target(%arg10 : memref<128xi32, #tpu.memory_space<vmem>>) target_semaphore(%arg20 : memref<!tpu.dma_semaphore, #tpu.memory_space<semaphore_mem>>)
        } else {
        }
      } else {
      }
    }
    %while3A_446 = arith.constant 1 : i32
    scf.for %while3A_477 = %while3A_444 to %while3A_440 step %while3A_446  : i32 {
      %mul3A_478 = arith.constant 3 : i32
      %mul3A_479 = arith.muli %mul3A_478, %while3A_477 : i32
      %add3A_480 = arith.constant 0 : i32
      %add3A_481 = arith.addi %mul3A_479, %add3A_480 : i32
      %lt3A_482 = arith.cmpi slt, %add3A_481, %select_n3A : i32
      %convert_element_type3A_483 = arith.extui %lt3A_482 : i1 to i32
      %cond3A_484 = arith.constant 0 : i32
      %cond3A_485 = arith.cmpi ne, %convert_element_type3A_483, %cond3A_484 : i32
      scf.if %cond3A_485 {
        %dma_wait3A_502 = arith.constant 0 : i32
        %dma_wait3A_503 = arith.constant 0 : i32
        %dma_wait3A_504 = tpu.memref_slice %arg4[%dma_wait3A_502, %dma_wait3A_503] : memref<40000x128xf32, #tpu.memory_space<hbm>> -> memref<128x128xf32, #tpu.memory_space<hbm>>
        %dma_wait3A_505 = arith.constant 0 : i32
        %dma_wait3A_506 = arith.constant 0 : i32
        %dma_wait3A_507 = tpu.memref_slice %arg4[%dma_wait3A_505, %dma_wait3A_506] : memref<40000x128xf32, #tpu.memory_space<hbm>> -> memref<128x128xf32, #tpu.memory_space<hbm>>
        tpu.wait_dma2 semaphore(%arg22 : memref<!tpu.dma_semaphore, #tpu.memory_space<semaphore_mem>>) src(%dma_wait3A_507 : memref<128x128xf32, #tpu.memory_space<hbm>>) dst(%arg12 : memref<128x128xf32, #tpu.memory_space<vmem>>)
        %add3A_508 = arith.constant 3 : i32
        %add3A_509 = arith.addi %add3A_481, %add3A_508 : i32
        %lt3A_510 = arith.cmpi slt, %add3A_509, %select_n3A : i32
        %convert_element_type3A_511 = arith.extui %lt3A_510 : i1 to i32
        %cond3A_512 = arith.constant 0 : i32
        %cond3A_513 = arith.cmpi ne, %convert_element_type3A_511, %cond3A_512 : i32
        scf.if %cond3A_513 {
          %add3A_527 = arith.constant 3 : i32
          %add3A_528 = arith.addi %add3A_481, %add3A_527 : i32
          %mul3A_529 = arith.constant 128 : i32
          %mul3A_530 = arith.muli %add3A_528, %mul3A_529 : i32
          %add3A_531 = arith.addi %mul3A_2, %mul3A_530 : i32
          %dma_start3A_532 = tpu.memref_slice %arg2[%add3A_531] : memref<160000xi32, #tpu.memory_space<hbm>> -> memref<128xi32, #tpu.memory_space<hbm>>
          %dma_start3A_533 = tpu.memref_slice %arg2[%add3A_531] : memref<160000xi32, #tpu.memory_space<hbm>> -> memref<128xi32, #tpu.memory_space<hbm>>
          tpu.enqueue_dma source(%dma_start3A_533 : memref<128xi32, #tpu.memory_space<hbm>>) target(%arg6 : memref<128xi32, #tpu.memory_space<vmem>>) target_semaphore(%arg16 : memref<!tpu.dma_semaphore, #tpu.memory_space<semaphore_mem>>)
        } else {
        }
        %dma_wait3A_514 = arith.constant 0 : i32
        %dma_wait3A_515 = tpu.memref_slice %arg3[%dma_wait3A_514] : memref<160000xi32, #tpu.memory_space<hbm>> -> memref<128xi32, #tpu.memory_space<hbm>>
        %dma_wait3A_516 = arith.constant 0 : i32
        %dma_wait3A_517 = tpu.memref_slice %arg3[%dma_wait3A_516] : memref<160000xi32, #tpu.memory_space<hbm>> -> memref<128xi32, #tpu.memory_space<hbm>>
        tpu.wait_dma2 semaphore(%arg19 : memref<!tpu.dma_semaphore, #tpu.memory_space<semaphore_mem>>) src(%dma_wait3A_517 : memref<128xi32, #tpu.memory_space<hbm>>) dst(%arg9 : memref<128xi32, #tpu.memory_space<vmem>>)
        %dma_start3A_518 = arith.constant 0 : i32
        %dma_start3A_519 = arith.constant 0 : i32
        %dma_start3A_520 = tpu.memref_slice %arg15[%dma_start3A_518, %dma_start3A_519] : memref<10000x128xf32, #tpu.memory_space<vmem_shared>> -> memref<10000x128xf32, #tpu.memory_space<vmem_shared>>
        tpu.enqueue_indirect_dma source(%arg12 : memref<128x128xf32, #tpu.memory_space<vmem>>) target(%dma_start3A_520 : memref<10000x128xf32, #tpu.memory_space<vmem_shared>>) offsets(%arg9 : memref<128xi32, #tpu.memory_space<vmem>>) semaphore(%arg25 : memref<!tpu.dma_semaphore, #tpu.memory_space<semaphore_mem>>) {add = true}
        %add3A_521 = arith.constant 2 : i32
        %add3A_522 = arith.addi %add3A_481, %add3A_521 : i32
        %lt3A_523 = arith.cmpi slt, %add3A_522, %select_n3A : i32
        %convert_element_type3A_524 = arith.extui %lt3A_523 : i1 to i32
        %cond3A_525 = arith.constant 0 : i32
        %cond3A_526 = arith.cmpi ne, %convert_element_type3A_524, %cond3A_525 : i32
        scf.if %cond3A_526 {
          %ge3A = arith.constant 1 : i32
          %ge3A_527 = arith.cmpi sge, %add3A_481, %ge3A : i32
          %convert_element_type3A_528 = arith.extui %ge3A_527 : i1 to i32
          %cond3A_529 = arith.constant 0 : i32
          %cond3A_530 = arith.cmpi ne, %convert_element_type3A_528, %cond3A_529 : i32
          scf.if %cond3A_530 {
            %dma_wait3A_617 = arith.constant 0 : i32
            %dma_wait3A_618 = arith.constant 0 : i32
            %dma_wait3A_619 = tpu.memref_slice %arg15[%dma_wait3A_617, %dma_wait3A_618] : memref<10000x128xf32, #tpu.memory_space<vmem_shared>> -> memref<128x128xf32, #tpu.memory_space<vmem_shared>>
            %dma_wait3A_620 = arith.constant 0 : i32
            %dma_wait3A_621 = arith.constant 0 : i32
            %dma_wait3A_622 = tpu.memref_slice %arg15[%dma_wait3A_620, %dma_wait3A_621] : memref<10000x128xf32, #tpu.memory_space<vmem_shared>> -> memref<128x128xf32, #tpu.memory_space<vmem_shared>>
            tpu.wait_dma2 semaphore(%arg27 : memref<!tpu.dma_semaphore, #tpu.memory_space<semaphore_mem>>) src(%arg14 : memref<128x128xf32, #tpu.memory_space<vmem>>) dst(%dma_wait3A_622 : memref<128x128xf32, #tpu.memory_space<vmem_shared>>)
          } else {
          }
          %dma_wait3A_531 = arith.constant 0 : i32
          %dma_wait3A_532 = tpu.memref_slice %arg2[%dma_wait3A_531] : memref<160000xi32, #tpu.memory_space<hbm>> -> memref<128xi32, #tpu.memory_space<hbm>>
          %dma_wait3A_533 = arith.constant 0 : i32
          %dma_wait3A_534 = tpu.memref_slice %arg2[%dma_wait3A_533] : memref<160000xi32, #tpu.memory_space<hbm>> -> memref<128xi32, #tpu.memory_space<hbm>>
          tpu.wait_dma2 semaphore(%arg18 : memref<!tpu.dma_semaphore, #tpu.memory_space<semaphore_mem>>) src(%dma_wait3A_534 : memref<128xi32, #tpu.memory_space<hbm>>) dst(%arg8 : memref<128xi32, #tpu.memory_space<vmem>>)
          %get3A_535 = arith.constant 0 : index
          %get3A_536 = tpu.vector_load %arg8[%get3A_535] {strides = array<i32>} : memref<128xi32, #tpu.memory_space<vmem>>, vector<16xi32>,
          %get3A_537 = vector.shape_cast %get3A_536 : vector<16xi32> to vector<16xi32>
          %add3A_538 = vector.broadcast %mul3A_235 : i32 to vector<16xi32>
          %add3A_539 = arith.addi %get3A_537, %add3A_538 : vector<16xi32>
          %swap3A_540 = arith.constant 0 : index
          %swap3A_541 = tpu.vector_load %arg8[%swap3A_540] {strides = array<i32>} : memref<128xi32, #tpu.memory_space<vmem>>, vector<16xi32>,
          %swap3A_542 = vector.shape_cast %swap3A_541 : vector<16xi32> to vector<16xi32>
          %swap3A_543 = vector.shape_cast %add3A_539 : vector<16xi32> to vector<16xi32>
          tpu.vector_store %arg8[%swap3A_540], %swap3A_543 {strides = array<i32>} : memref<128xi32, #tpu.memory_space<vmem>>, vector<16xi32>,
          %get3A_544 = arith.constant 16 : index
          %get3A_545 = tpu.vector_load %arg8[%get3A_544] {strides = array<i32>} : memref<128xi32, #tpu.memory_space<vmem>>, vector<16xi32>,
          %get3A_546 = vector.shape_cast %get3A_545 : vector<16xi32> to vector<16xi32>
          %add3A_547 = vector.broadcast %mul3A_235 : i32 to vector<16xi32>
          %add3A_548 = arith.addi %get3A_546, %add3A_547 : vector<16xi32>
          %swap3A_549 = arith.constant 16 : index
          %swap3A_550 = tpu.vector_load %arg8[%swap3A_549] {strides = array<i32>} : memref<128xi32, #tpu.memory_space<vmem>>, vector<16xi32>,
          %swap3A_551 = vector.shape_cast %swap3A_550 : vector<16xi32> to vector<16xi32>
          %swap3A_552 = vector.shape_cast %add3A_548 : vector<16xi32> to vector<16xi32>
          tpu.vector_store %arg8[%swap3A_549], %swap3A_552 {strides = array<i32>} : memref<128xi32, #tpu.memory_space<vmem>>, vector<16xi32>,
          %get3A_553 = arith.constant 32 : index
          %get3A_554 = tpu.vector_load %arg8[%get3A_553] {strides = array<i32>} : memref<128xi32, #tpu.memory_space<vmem>>, vector<16xi32>,
          %get3A_555 = vector.shape_cast %get3A_554 : vector<16xi32> to vector<16xi32>
          %add3A_556 = vector.broadcast %mul3A_235 : i32 to vector<16xi32>
          %add3A_557 = arith.addi %get3A_555, %add3A_556 : vector<16xi32>
          %swap3A_558 = arith.constant 32 : index
          %swap3A_559 = tpu.vector_load %arg8[%swap3A_558] {strides = array<i32>} : memref<128xi32, #tpu.memory_space<vmem>>, vector<16xi32>,
          %swap3A_560 = vector.shape_cast %swap3A_559 : vector<16xi32> to vector<16xi32>
          %swap3A_561 = vector.shape_cast %add3A_557 : vector<16xi32> to vector<16xi32>
          tpu.vector_store %arg8[%swap3A_558], %swap3A_561 {strides = array<i32>} : memref<128xi32, #tpu.memory_space<vmem>>, vector<16xi32>,
          %get3A_562 = arith.constant 48 : index
          %get3A_563 = tpu.vector_load %arg8[%get3A_562] {strides = array<i32>} : memref<128xi32, #tpu.memory_space<vmem>>, vector<16xi32>,
          %get3A_564 = vector.shape_cast %get3A_563 : vector<16xi32> to vector<16xi32>
          %add3A_565 = vector.broadcast %mul3A_235 : i32 to vector<16xi32>
          %add3A_566 = arith.addi %get3A_564, %add3A_565 : vector<16xi32>
          %swap3A_567 = arith.constant 48 : index
          %swap3A_568 = tpu.vector_load %arg8[%swap3A_567] {strides = array<i32>} : memref<128xi32, #tpu.memory_space<vmem>>, vector<16xi32>,
          %swap3A_569 = vector.shape_cast %swap3A_568 : vector<16xi32> to vector<16xi32>
          %swap3A_570 = vector.shape_cast %add3A_566 : vector<16xi32> to vector<16xi32>
          tpu.vector_store %arg8[%swap3A_567], %swap3A_570 {strides = array<i32>} : memref<128xi32, #tpu.memory_space<vmem>>, vector<16xi32>,
          %get3A_571 = arith.constant 64 : index
          %get3A_572 = tpu.vector_load %arg8[%get3A_571] {strides = array<i32>} : memref<128xi32, #tpu.memory_space<vmem>>, vector<16xi32>,
          %get3A_573 = vector.shape_cast %get3A_572 : vector<16xi32> to vector<16xi32>
          %add3A_574 = vector.broadcast %mul3A_235 : i32 to vector<16xi32>
          %add3A_575 = arith.addi %get3A_573, %add3A_574 : vector<16xi32>
          %swap3A_576 = arith.constant 64 : index
          %swap3A_577 = tpu.vector_load %arg8[%swap3A_576] {strides = array<i32>} : memref<128xi32, #tpu.memory_space<vmem>>, vector<16xi32>,
          %swap3A_578 = vector.shape_cast %swap3A_577 : vector<16xi32> to vector<16xi32>
          %swap3A_579 = vector.shape_cast %add3A_575 : vector<16xi32> to vector<16xi32>
          tpu.vector_store %arg8[%swap3A_576], %swap3A_579 {strides = array<i32>} : memref<128xi32, #tpu.memory_space<vmem>>, vector<16xi32>,
          %get3A_580 = arith.constant 80 : index
          %get3A_581 = tpu.vector_load %arg8[%get3A_580] {strides = array<i32>} : memref<128xi32, #tpu.memory_space<vmem>>, vector<16xi32>,
          %get3A_582 = vector.shape_cast %get3A_581 : vector<16xi32> to vector<16xi32>
          %add3A_583 = vector.broadcast %mul3A_235 : i32 to vector<16xi32>
          %add3A_584 = arith.addi %get3A_582, %add3A_583 : vector<16xi32>
          %swap3A_585 = arith.constant 80 : index
          %swap3A_586 = tpu.vector_load %arg8[%swap3A_585] {strides = array<i32>} : memref<128xi32, #tpu.memory_space<vmem>>, vector<16xi32>,
          %swap3A_587 = vector.shape_cast %swap3A_586 : vector<16xi32> to vector<16xi32>
          %swap3A_588 = vector.shape_cast %add3A_584 : vector<16xi32> to vector<16xi32>
          tpu.vector_store %arg8[%swap3A_585], %swap3A_588 {strides = array<i32>} : memref<128xi32, #tpu.memory_space<vmem>>, vector<16xi32>,
          %get3A_589 = arith.constant 96 : index
          %get3A_590 = tpu.vector_load %arg8[%get3A_589] {strides = array<i32>} : memref<128xi32, #tpu.memory_space<vmem>>, vector<16xi32>,
          %get3A_591 = vector.shape_cast %get3A_590 : vector<16xi32> to vector<16xi32>
          %add3A_592 = vector.broadcast %mul3A_235 : i32 to vector<16xi32>
          %add3A_593 = arith.addi %get3A_591, %add3A_592 : vector<16xi32>
          %swap3A_594 = arith.constant 96 : index
          %swap3A_595 = tpu.vector_load %arg8[%swap3A_594] {strides = array<i32>} : memref<128xi32, #tpu.memory_space<vmem>>, vector<16xi32>,
          %swap3A_596 = vector.shape_cast %swap3A_595 : vector<16xi32> to vector<16xi32>
          %swap3A_597 = vector.shape_cast %add3A_593 : vector<16xi32> to vector<16xi32>
          tpu.vector_store %arg8[%swap3A_594], %swap3A_597 {strides = array<i32>} : memref<128xi32, #tpu.memory_space<vmem>>, vector<16xi32>,
          %get3A_598 = arith.constant 112 : index
          %get3A_599 = tpu.vector_load %arg8[%get3A_598] {strides = array<i32>} : memref<128xi32, #tpu.memory_space<vmem>>, vector<16xi32>,
          %get3A_600 = vector.shape_cast %get3A_599 : vector<16xi32> to vector<16xi32>
          %add3A_601 = vector.broadcast %mul3A_235 : i32 to vector<16xi32>
          %add3A_602 = arith.addi %get3A_600, %add3A_601 : vector<16xi32>
          %swap3A_603 = arith.constant 112 : index
          %swap3A_604 = tpu.vector_load %arg8[%swap3A_603] {strides = array<i32>} : memref<128xi32, #tpu.memory_space<vmem>>, vector<16xi32>,
          %swap3A_605 = vector.shape_cast %swap3A_604 : vector<16xi32> to vector<16xi32>
          %swap3A_606 = vector.shape_cast %add3A_602 : vector<16xi32> to vector<16xi32>
          tpu.vector_store %arg8[%swap3A_603], %swap3A_606 {strides = array<i32>} : memref<128xi32, #tpu.memory_space<vmem>>, vector<16xi32>,
          %dma_start3A_607 = arith.constant 0 : i32
          %dma_start3A_608 = arith.constant 0 : i32
          %dma_start3A_609 = tpu.memref_slice %arg4[%dma_start3A_607, %dma_start3A_608] : memref<40000x128xf32, #tpu.memory_space<hbm>> -> memref<40000x128xf32, #tpu.memory_space<hbm>>
          tpu.enqueue_indirect_dma source(%dma_start3A_609 : memref<40000x128xf32, #tpu.memory_space<hbm>>) target(%arg14 : memref<128x128xf32, #tpu.memory_space<vmem>>) offsets(%arg8 : memref<128xi32, #tpu.memory_space<vmem>>) semaphore(%arg24 : memref<!tpu.dma_semaphore, #tpu.memory_space<semaphore_mem>>)
          %add3A_610 = arith.constant 2 : i32
          %add3A_611 = arith.addi %add3A_481, %add3A_610 : i32
          %mul3A_612 = arith.constant 128 : i32
          %mul3A_613 = arith.muli %add3A_611, %mul3A_612 : i32
          %add3A_614 = arith.addi %mul3A_2, %mul3A_613 : i32
          %dma_start3A_615 = tpu.memref_slice %arg3[%add3A_614] : memref<160000xi32, #tpu.memory_space<hbm>> -> memref<128xi32, #tpu.memory_space<hbm>>
          %dma_start3A_616 = tpu.memref_slice %arg3[%add3A_614] : memref<160000xi32, #tpu.memory_space<hbm>> -> memref<128xi32, #tpu.memory_space<hbm>>
          tpu.enqueue_dma source(%dma_start3A_616 : memref<128xi32, #tpu.memory_space<hbm>>) target(%arg11 : memref<128xi32, #tpu.memory_space<vmem>>) target_semaphore(%arg21 : memref<!tpu.dma_semaphore, #tpu.memory_space<semaphore_mem>>)
        } else {
        }
      } else {
      }
      %mul3A_486 = arith.constant 3 : i32
      %mul3A_487 = arith.muli %mul3A_486, %while3A_477 : i32
      %add3A_488 = arith.constant 1 : i32
      %add3A_489 = arith.addi %mul3A_487, %add3A_488 : i32
      %lt3A_490 = arith.cmpi slt, %add3A_489, %select_n3A : i32
      %convert_element_type3A_491 = arith.extui %lt3A_490 : i1 to i32
      %cond3A_492 = arith.constant 0 : i32
      %cond3A_493 = arith.cmpi ne, %convert_element_type3A_491, %cond3A_492 : i32
      scf.if %cond3A_493 {
        %dma_wait3A_502 = arith.constant 0 : i32
        %dma_wait3A_503 = arith.constant 0 : i32
        %dma_wait3A_504 = tpu.memref_slice %arg4[%dma_wait3A_502, %dma_wait3A_503] : memref<40000x128xf32, #tpu.memory_space<hbm>> -> memref<128x128xf32, #tpu.memory_space<hbm>>
        %dma_wait3A_505 = arith.constant 0 : i32
        %dma_wait3A_506 = arith.constant 0 : i32
        %dma_wait3A_507 = tpu.memref_slice %arg4[%dma_wait3A_505, %dma_wait3A_506] : memref<40000x128xf32, #tpu.memory_space<hbm>> -> memref<128x128xf32, #tpu.memory_space<hbm>>
        tpu.wait_dma2 semaphore(%arg23 : memref<!tpu.dma_semaphore, #tpu.memory_space<semaphore_mem>>) src(%dma_wait3A_507 : memref<128x128xf32, #tpu.memory_space<hbm>>) dst(%arg13 : memref<128x128xf32, #tpu.memory_space<vmem>>)
        %add3A_508 = arith.constant 3 : i32
        %add3A_509 = arith.addi %add3A_489, %add3A_508 : i32
        %lt3A_510 = arith.cmpi slt, %add3A_509, %select_n3A : i32
        %convert_element_type3A_511 = arith.extui %lt3A_510 : i1 to i32
        %cond3A_512 = arith.constant 0 : i32
        %cond3A_513 = arith.cmpi ne, %convert_element_type3A_511, %cond3A_512 : i32
        scf.if %cond3A_513 {
          %add3A_527 = arith.constant 3 : i32
          %add3A_528 = arith.addi %add3A_489, %add3A_527 : i32
          %mul3A_529 = arith.constant 128 : i32
          %mul3A_530 = arith.muli %add3A_528, %mul3A_529 : i32
          %add3A_531 = arith.addi %mul3A_2, %mul3A_530 : i32
          %dma_start3A_532 = tpu.memref_slice %arg2[%add3A_531] : memref<160000xi32, #tpu.memory_space<hbm>> -> memref<128xi32, #tpu.memory_space<hbm>>
          %dma_start3A_533 = tpu.memref_slice %arg2[%add3A_531] : memref<160000xi32, #tpu.memory_space<hbm>> -> memref<128xi32, #tpu.memory_space<hbm>>
          tpu.enqueue_dma source(%dma_start3A_533 : memref<128xi32, #tpu.memory_space<hbm>>) target(%arg7 : memref<128xi32, #tpu.memory_space<vmem>>) target_semaphore(%arg17 : memref<!tpu.dma_semaphore, #tpu.memory_space<semaphore_mem>>)
        } else {
        }
        %dma_wait3A_514 = arith.constant 0 : i32
        %dma_wait3A_515 = tpu.memref_slice %arg3[%dma_wait3A_514] : memref<160000xi32, #tpu.memory_space<hbm>> -> memref<128xi32, #tpu.memory_space<hbm>>
        %dma_wait3A_516 = arith.constant 0 : i32
        %dma_wait3A_517 = tpu.memref_slice %arg3[%dma_wait3A_516] : memref<160000xi32, #tpu.memory_space<hbm>> -> memref<128xi32, #tpu.memory_space<hbm>>
        tpu.wait_dma2 semaphore(%arg20 : memref<!tpu.dma_semaphore, #tpu.memory_space<semaphore_mem>>) src(%dma_wait3A_517 : memref<128xi32, #tpu.memory_space<hbm>>) dst(%arg10 : memref<128xi32, #tpu.memory_space<vmem>>)
        %dma_start3A_518 = arith.constant 0 : i32
        %dma_start3A_519 = arith.constant 0 : i32
        %dma_start3A_520 = tpu.memref_slice %arg15[%dma_start3A_518, %dma_start3A_519] : memref<10000x128xf32, #tpu.memory_space<vmem_shared>> -> memref<10000x128xf32, #tpu.memory_space<vmem_shared>>
        tpu.enqueue_indirect_dma source(%arg13 : memref<128x128xf32, #tpu.memory_space<vmem>>) target(%dma_start3A_520 : memref<10000x128xf32, #tpu.memory_space<vmem_shared>>) offsets(%arg10 : memref<128xi32, #tpu.memory_space<vmem>>) semaphore(%arg26 : memref<!tpu.dma_semaphore, #tpu.memory_space<semaphore_mem>>) {add = true}
        %add3A_521 = arith.constant 2 : i32
        %add3A_522 = arith.addi %add3A_489, %add3A_521 : i32
        %lt3A_523 = arith.cmpi slt, %add3A_522, %select_n3A : i32
        %convert_element_type3A_524 = arith.extui %lt3A_523 : i1 to i32
        %cond3A_525 = arith.constant 0 : i32
        %cond3A_526 = arith.cmpi ne, %convert_element_type3A_524, %cond3A_525 : i32
        scf.if %cond3A_526 {
          %ge3A = arith.constant 1 : i32
          %ge3A_527 = arith.cmpi sge, %add3A_489, %ge3A : i32
          %convert_element_type3A_528 = arith.extui %ge3A_527 : i1 to i32
          %cond3A_529 = arith.constant 0 : i32
          %cond3A_530 = arith.cmpi ne, %convert_element_type3A_528, %cond3A_529 : i32
          scf.if %cond3A_530 {
            %dma_wait3A_617 = arith.constant 0 : i32
            %dma_wait3A_618 = arith.constant 0 : i32
            %dma_wait3A_619 = tpu.memref_slice %arg15[%dma_wait3A_617, %dma_wait3A_618] : memref<10000x128xf32, #tpu.memory_space<vmem_shared>> -> memref<128x128xf32, #tpu.memory_space<vmem_shared>>
            %dma_wait3A_620 = arith.constant 0 : i32
            %dma_wait3A_621 = arith.constant 0 : i32
            %dma_wait3A_622 = tpu.memref_slice %arg15[%dma_wait3A_620, %dma_wait3A_621] : memref<10000x128xf32, #tpu.memory_space<vmem_shared>> -> memref<128x128xf32, #tpu.memory_space<vmem_shared>>
            tpu.wait_dma2 semaphore(%arg25 : memref<!tpu.dma_semaphore, #tpu.memory_space<semaphore_mem>>) src(%arg12 : memref<128x128xf32, #tpu.memory_space<vmem>>) dst(%dma_wait3A_622 : memref<128x128xf32, #tpu.memory_space<vmem_shared>>)
          } else {
          }
          %dma_wait3A_531 = arith.constant 0 : i32
          %dma_wait3A_532 = tpu.memref_slice %arg2[%dma_wait3A_531] : memref<160000xi32, #tpu.memory_space<hbm>> -> memref<128xi32, #tpu.memory_space<hbm>>
          %dma_wait3A_533 = arith.constant 0 : i32
          %dma_wait3A_534 = tpu.memref_slice %arg2[%dma_wait3A_533] : memref<160000xi32, #tpu.memory_space<hbm>> -> memref<128xi32, #tpu.memory_space<hbm>>
          tpu.wait_dma2 semaphore(%arg16 : memref<!tpu.dma_semaphore, #tpu.memory_space<semaphore_mem>>) src(%dma_wait3A_534 : memref<128xi32, #tpu.memory_space<hbm>>) dst(%arg6 : memref<128xi32, #tpu.memory_space<vmem>>)
          %get3A_535 = arith.constant 0 : index
          %get3A_536 = tpu.vector_load %arg6[%get3A_535] {strides = array<i32>} : memref<128xi32, #tpu.memory_space<vmem>>, vector<16xi32>,
          %get3A_537 = vector.shape_cast %get3A_536 : vector<16xi32> to vector<16xi32>
          %add3A_538 = vector.broadcast %mul3A_235 : i32 to vector<16xi32>
          %add3A_539 = arith.addi %get3A_537, %add3A_538 : vector<16xi32>
          %swap3A_540 = arith.constant 0 : index
          %swap3A_541 = tpu.vector_load %arg6[%swap3A_540] {strides = array<i32>} : memref<128xi32, #tpu.memory_space<vmem>>, vector<16xi32>,
          %swap3A_542 = vector.shape_cast %swap3A_541 : vector<16xi32> to vector<16xi32>
          %swap3A_543 = vector.shape_cast %add3A_539 : vector<16xi32> to vector<16xi32>
          tpu.vector_store %arg6[%swap3A_540], %swap3A_543 {strides = array<i32>} : memref<128xi32, #tpu.memory_space<vmem>>, vector<16xi32>,
          %get3A_544 = arith.constant 16 : index
          %get3A_545 = tpu.vector_load %arg6[%get3A_544] {strides = array<i32>} : memref<128xi32, #tpu.memory_space<vmem>>, vector<16xi32>,
          %get3A_546 = vector.shape_cast %get3A_545 : vector<16xi32> to vector<16xi32>
          %add3A_547 = vector.broadcast %mul3A_235 : i32 to vector<16xi32>
          %add3A_548 = arith.addi %get3A_546, %add3A_547 : vector<16xi32>
          %swap3A_549 = arith.constant 16 : index
          %swap3A_550 = tpu.vector_load %arg6[%swap3A_549] {strides = array<i32>} : memref<128xi32, #tpu.memory_space<vmem>>, vector<16xi32>,
          %swap3A_551 = vector.shape_cast %swap3A_550 : vector<16xi32> to vector<16xi32>
          %swap3A_552 = vector.shape_cast %add3A_548 : vector<16xi32> to vector<16xi32>
          tpu.vector_store %arg6[%swap3A_549], %swap3A_552 {strides = array<i32>} : memref<128xi32, #tpu.memory_space<vmem>>, vector<16xi32>,
          %get3A_553 = arith.constant 32 : index
          %get3A_554 = tpu.vector_load %arg6[%get3A_553] {strides = array<i32>} : memref<128xi32, #tpu.memory_space<vmem>>, vector<16xi32>,
          %get3A_555 = vector.shape_cast %get3A_554 : vector<16xi32> to vector<16xi32>
          %add3A_556 = vector.broadcast %mul3A_235 : i32 to vector<16xi32>
          %add3A_557 = arith.addi %get3A_555, %add3A_556 : vector<16xi32>
          %swap3A_558 = arith.constant 32 : index
          %swap3A_559 = tpu.vector_load %arg6[%swap3A_558] {strides = array<i32>} : memref<128xi32, #tpu.memory_space<vmem>>, vector<16xi32>,
          %swap3A_560 = vector.shape_cast %swap3A_559 : vector<16xi32> to vector<16xi32>
          %swap3A_561 = vector.shape_cast %add3A_557 : vector<16xi32> to vector<16xi32>
          tpu.vector_store %arg6[%swap3A_558], %swap3A_561 {strides = array<i32>} : memref<128xi32, #tpu.memory_space<vmem>>, vector<16xi32>,
          %get3A_562 = arith.constant 48 : index
          %get3A_563 = tpu.vector_load %arg6[%get3A_562] {strides = array<i32>} : memref<128xi32, #tpu.memory_space<vmem>>, vector<16xi32>,
          %get3A_564 = vector.shape_cast %get3A_563 : vector<16xi32> to vector<16xi32>
          %add3A_565 = vector.broadcast %mul3A_235 : i32 to vector<16xi32>
          %add3A_566 = arith.addi %get3A_564, %add3A_565 : vector<16xi32>
          %swap3A_567 = arith.constant 48 : index
          %swap3A_568 = tpu.vector_load %arg6[%swap3A_567] {strides = array<i32>} : memref<128xi32, #tpu.memory_space<vmem>>, vector<16xi32>,
          %swap3A_569 = vector.shape_cast %swap3A_568 : vector<16xi32> to vector<16xi32>
          %swap3A_570 = vector.shape_cast %add3A_566 : vector<16xi32> to vector<16xi32>
          tpu.vector_store %arg6[%swap3A_567], %swap3A_570 {strides = array<i32>} : memref<128xi32, #tpu.memory_space<vmem>>, vector<16xi32>,
          %get3A_571 = arith.constant 64 : index
          %get3A_572 = tpu.vector_load %arg6[%get3A_571] {strides = array<i32>} : memref<128xi32, #tpu.memory_space<vmem>>, vector<16xi32>,
          %get3A_573 = vector.shape_cast %get3A_572 : vector<16xi32> to vector<16xi32>
          %add3A_574 = vector.broadcast %mul3A_235 : i32 to vector<16xi32>
          %add3A_575 = arith.addi %get3A_573, %add3A_574 : vector<16xi32>
          %swap3A_576 = arith.constant 64 : index
          %swap3A_577 = tpu.vector_load %arg6[%swap3A_576] {strides = array<i32>} : memref<128xi32, #tpu.memory_space<vmem>>, vector<16xi32>,
          %swap3A_578 = vector.shape_cast %swap3A_577 : vector<16xi32> to vector<16xi32>
          %swap3A_579 = vector.shape_cast %add3A_575 : vector<16xi32> to vector<16xi32>
          tpu.vector_store %arg6[%swap3A_576], %swap3A_579 {strides = array<i32>} : memref<128xi32, #tpu.memory_space<vmem>>, vector<16xi32>,
          %get3A_580 = arith.constant 80 : index
          %get3A_581 = tpu.vector_load %arg6[%get3A_580] {strides = array<i32>} : memref<128xi32, #tpu.memory_space<vmem>>, vector<16xi32>,
          %get3A_582 = vector.shape_cast %get3A_581 : vector<16xi32> to vector<16xi32>
          %add3A_583 = vector.broadcast %mul3A_235 : i32 to vector<16xi32>
          %add3A_584 = arith.addi %get3A_582, %add3A_583 : vector<16xi32>
          %swap3A_585 = arith.constant 80 : index
          %swap3A_586 = tpu.vector_load %arg6[%swap3A_585] {strides = array<i32>} : memref<128xi32, #tpu.memory_space<vmem>>, vector<16xi32>,
          %swap3A_587 = vector.shape_cast %swap3A_586 : vector<16xi32> to vector<16xi32>
          %swap3A_588 = vector.shape_cast %add3A_584 : vector<16xi32> to vector<16xi32>
          tpu.vector_store %arg6[%swap3A_585], %swap3A_588 {strides = array<i32>} : memref<128xi32, #tpu.memory_space<vmem>>, vector<16xi32>,
          %get3A_589 = arith.constant 96 : index
          %get3A_590 = tpu.vector_load %arg6[%get3A_589] {strides = array<i32>} : memref<128xi32, #tpu.memory_space<vmem>>, vector<16xi32>,
          %get3A_591 = vector.shape_cast %get3A_590 : vector<16xi32> to vector<16xi32>
          %add3A_592 = vector.broadcast %mul3A_235 : i32 to vector<16xi32>
          %add3A_593 = arith.addi %get3A_591, %add3A_592 : vector<16xi32>
          %swap3A_594 = arith.constant 96 : index
          %swap3A_595 = tpu.vector_load %arg6[%swap3A_594] {strides = array<i32>} : memref<128xi32, #tpu.memory_space<vmem>>, vector<16xi32>,
          %swap3A_596 = vector.shape_cast %swap3A_595 : vector<16xi32> to vector<16xi32>
          %swap3A_597 = vector.shape_cast %add3A_593 : vector<16xi32> to vector<16xi32>
          tpu.vector_store %arg6[%swap3A_594], %swap3A_597 {strides = array<i32>} : memref<128xi32, #tpu.memory_space<vmem>>, vector<16xi32>,
          %get3A_598 = arith.constant 112 : index
          %get3A_599 = tpu.vector_load %arg6[%get3A_598] {strides = array<i32>} : memref<128xi32, #tpu.memory_space<vmem>>, vector<16xi32>,
          %get3A_600 = vector.shape_cast %get3A_599 : vector<16xi32> to vector<16xi32>
          %add3A_601 = vector.broadcast %mul3A_235 : i32 to vector<16xi32>
          %add3A_602 = arith.addi %get3A_600, %add3A_601 : vector<16xi32>
          %swap3A_603 = arith.constant 112 : index
          %swap3A_604 = tpu.vector_load %arg6[%swap3A_603] {strides = array<i32>} : memref<128xi32, #tpu.memory_space<vmem>>, vector<16xi32>,
          %swap3A_605 = vector.shape_cast %swap3A_604 : vector<16xi32> to vector<16xi32>
          %swap3A_606 = vector.shape_cast %add3A_602 : vector<16xi32> to vector<16xi32>
          tpu.vector_store %arg6[%swap3A_603], %swap3A_606 {strides = array<i32>} : memref<128xi32, #tpu.memory_space<vmem>>, vector<16xi32>,
          %dma_start3A_607 = arith.constant 0 : i32
          %dma_start3A_608 = arith.constant 0 : i32
          %dma_start3A_609 = tpu.memref_slice %arg4[%dma_start3A_607, %dma_start3A_608] : memref<40000x128xf32, #tpu.memory_space<hbm>> -> memref<40000x128xf32, #tpu.memory_space<hbm>>
          tpu.enqueue_indirect_dma source(%dma_start3A_609 : memref<40000x128xf32, #tpu.memory_space<hbm>>) target(%arg12 : memref<128x128xf32, #tpu.memory_space<vmem>>) offsets(%arg6 : memref<128xi32, #tpu.memory_space<vmem>>) semaphore(%arg22 : memref<!tpu.dma_semaphore, #tpu.memory_space<semaphore_mem>>)
          %add3A_610 = arith.constant 2 : i32
          %add3A_611 = arith.addi %add3A_489, %add3A_610 : i32
          %mul3A_612 = arith.constant 128 : i32
          %mul3A_613 = arith.muli %add3A_611, %mul3A_612 : i32
          %add3A_614 = arith.addi %mul3A_2, %mul3A_613 : i32
          %dma_start3A_615 = tpu.memref_slice %arg3[%add3A_614] : memref<160000xi32, #tpu.memory_space<hbm>> -> memref<128xi32, #tpu.memory_space<hbm>>
          %dma_start3A_616 = tpu.memref_slice %arg3[%add3A_614] : memref<160000xi32, #tpu.memory_space<hbm>> -> memref<128xi32, #tpu.memory_space<hbm>>
          tpu.enqueue_dma source(%dma_start3A_616 : memref<128xi32, #tpu.memory_space<hbm>>) target(%arg9 : memref<128xi32, #tpu.memory_space<vmem>>) target_semaphore(%arg19 : memref<!tpu.dma_semaphore, #tpu.memory_space<semaphore_mem>>)
        } else {
        }
      } else {
      }
      %mul3A_494 = arith.constant 3 : i32
      %mul3A_495 = arith.muli %mul3A_494, %while3A_477 : i32
      %add3A_496 = arith.constant 2 : i32
      %add3A_497 = arith.addi %mul3A_495, %add3A_496 : i32
      %lt3A_498 = arith.cmpi slt, %add3A_497, %select_n3A : i32
      %convert_element_type3A_499 = arith.extui %lt3A_498 : i1 to i32
      %cond3A_500 = arith.constant 0 : i32
      %cond3A_501 = arith.cmpi ne, %convert_element_type3A_499, %cond3A_500 : i32
      scf.if %cond3A_501 {
        %dma_wait3A_502 = arith.constant 0 : i32
        %dma_wait3A_503 = arith.constant 0 : i32
        %dma_wait3A_504 = tpu.memref_slice %arg4[%dma_wait3A_502, %dma_wait3A_503] : memref<40000x128xf32, #tpu.memory_space<hbm>> -> memref<128x128xf32, #tpu.memory_space<hbm>>
        %dma_wait3A_505 = arith.constant 0 : i32
        %dma_wait3A_506 = arith.constant 0 : i32
        %dma_wait3A_507 = tpu.memref_slice %arg4[%dma_wait3A_505, %dma_wait3A_506] : memref<40000x128xf32, #tpu.memory_space<hbm>> -> memref<128x128xf32, #tpu.memory_space<hbm>>
        tpu.wait_dma2 semaphore(%arg24 : memref<!tpu.dma_semaphore, #tpu.memory_space<semaphore_mem>>) src(%dma_wait3A_507 : memref<128x128xf32, #tpu.memory_space<hbm>>) dst(%arg14 : memref<128x128xf32, #tpu.memory_space<vmem>>)
        %add3A_508 = arith.constant 3 : i32
        %add3A_509 = arith.addi %add3A_497, %add3A_508 : i32
        %lt3A_510 = arith.cmpi slt, %add3A_509, %select_n3A : i32
        %convert_element_type3A_511 = arith.extui %lt3A_510 : i1 to i32
        %cond3A_512 = arith.constant 0 : i32
        %cond3A_513 = arith.cmpi ne, %convert_element_type3A_511, %cond3A_512 : i32
        scf.if %cond3A_513 {
          %add3A_527 = arith.constant 3 : i32
          %add3A_528 = arith.addi %add3A_497, %add3A_527 : i32
          %mul3A_529 = arith.constant 128 : i32
          %mul3A_530 = arith.muli %add3A_528, %mul3A_529 : i32
          %add3A_531 = arith.addi %mul3A_2, %mul3A_530 : i32
          %dma_start3A_532 = tpu.memref_slice %arg2[%add3A_531] : memref<160000xi32, #tpu.memory_space<hbm>> -> memref<128xi32, #tpu.memory_space<hbm>>
          %dma_start3A_533 = tpu.memref_slice %arg2[%add3A_531] : memref<160000xi32, #tpu.memory_space<hbm>> -> memref<128xi32, #tpu.memory_space<hbm>>
          tpu.enqueue_dma source(%dma_start3A_533 : memref<128xi32, #tpu.memory_space<hbm>>) target(%arg8 : memref<128xi32, #tpu.memory_space<vmem>>) target_semaphore(%arg18 : memref<!tpu.dma_semaphore, #tpu.memory_space<semaphore_mem>>)
        } else {
        }
        %dma_wait3A_514 = arith.constant 0 : i32
        %dma_wait3A_515 = tpu.memref_slice %arg3[%dma_wait3A_514] : memref<160000xi32, #tpu.memory_space<hbm>> -> memref<128xi32, #tpu.memory_space<hbm>>
        %dma_wait3A_516 = arith.constant 0 : i32
        %dma_wait3A_517 = tpu.memref_slice %arg3[%dma_wait3A_516] : memref<160000xi32, #tpu.memory_space<hbm>> -> memref<128xi32, #tpu.memory_space<hbm>>
        tpu.wait_dma2 semaphore(%arg21 : memref<!tpu.dma_semaphore, #tpu.memory_space<semaphore_mem>>) src(%dma_wait3A_517 : memref<128xi32, #tpu.memory_space<hbm>>) dst(%arg11 : memref<128xi32, #tpu.memory_space<vmem>>)
        %dma_start3A_518 = arith.constant 0 : i32
        %dma_start3A_519 = arith.constant 0 : i32
        %dma_start3A_520 = tpu.memref_slice %arg15[%dma_start3A_518, %dma_start3A_519] : memref<10000x128xf32, #tpu.memory_space<vmem_shared>> -> memref<10000x128xf32, #tpu.memory_space<vmem_shared>>
        tpu.enqueue_indirect_dma source(%arg14 : memref<128x128xf32, #tpu.memory_space<vmem>>) target(%dma_start3A_520 : memref<10000x128xf32, #tpu.memory_space<vmem_shared>>) offsets(%arg11 : memref<128xi32, #tpu.memory_space<vmem>>) semaphore(%arg27 : memref<!tpu.dma_semaphore, #tpu.memory_space<semaphore_mem>>) {add = true}
        %add3A_521 = arith.constant 2 : i32
        %add3A_522 = arith.addi %add3A_497, %add3A_521 : i32
        %lt3A_523 = arith.cmpi slt, %add3A_522, %select_n3A : i32
        %convert_element_type3A_524 = arith.extui %lt3A_523 : i1 to i32
        %cond3A_525 = arith.constant 0 : i32
        %cond3A_526 = arith.cmpi ne, %convert_element_type3A_524, %cond3A_525 : i32
        scf.if %cond3A_526 {
          %ge3A = arith.constant 1 : i32
          %ge3A_527 = arith.cmpi sge, %add3A_497, %ge3A : i32
          %convert_element_type3A_528 = arith.extui %ge3A_527 : i1 to i32
          %cond3A_529 = arith.constant 0 : i32
          %cond3A_530 = arith.cmpi ne, %convert_element_type3A_528, %cond3A_529 : i32
          scf.if %cond3A_530 {
            %dma_wait3A_617 = arith.constant 0 : i32
            %dma_wait3A_618 = arith.constant 0 : i32
            %dma_wait3A_619 = tpu.memref_slice %arg15[%dma_wait3A_617, %dma_wait3A_618] : memref<10000x128xf32, #tpu.memory_space<vmem_shared>> -> memref<128x128xf32, #tpu.memory_space<vmem_shared>>
            %dma_wait3A_620 = arith.constant 0 : i32
            %dma_wait3A_621 = arith.constant 0 : i32
            %dma_wait3A_622 = tpu.memref_slice %arg15[%dma_wait3A_620, %dma_wait3A_621] : memref<10000x128xf32, #tpu.memory_space<vmem_shared>> -> memref<128x128xf32, #tpu.memory_space<vmem_shared>>
            tpu.wait_dma2 semaphore(%arg26 : memref<!tpu.dma_semaphore, #tpu.memory_space<semaphore_mem>>) src(%arg13 : memref<128x128xf32, #tpu.memory_space<vmem>>) dst(%dma_wait3A_622 : memref<128x128xf32, #tpu.memory_space<vmem_shared>>)
          } else {
          }
          %dma_wait3A_531 = arith.constant 0 : i32
          %dma_wait3A_532 = tpu.memref_slice %arg2[%dma_wait3A_531] : memref<160000xi32, #tpu.memory_space<hbm>> -> memref<128xi32, #tpu.memory_space<hbm>>
          %dma_wait3A_533 = arith.constant 0 : i32
          %dma_wait3A_534 = tpu.memref_slice %arg2[%dma_wait3A_533] : memref<160000xi32, #tpu.memory_space<hbm>> -> memref<128xi32, #tpu.memory_space<hbm>>
          tpu.wait_dma2 semaphore(%arg17 : memref<!tpu.dma_semaphore, #tpu.memory_space<semaphore_mem>>) src(%dma_wait3A_534 : memref<128xi32, #tpu.memory_space<hbm>>) dst(%arg7 : memref<128xi32, #tpu.memory_space<vmem>>)
          %get3A_535 = arith.constant 0 : index
          %get3A_536 = tpu.vector_load %arg7[%get3A_535] {strides = array<i32>} : memref<128xi32, #tpu.memory_space<vmem>>, vector<16xi32>,
          %get3A_537 = vector.shape_cast %get3A_536 : vector<16xi32> to vector<16xi32>
          %add3A_538 = vector.broadcast %mul3A_235 : i32 to vector<16xi32>
          %add3A_539 = arith.addi %get3A_537, %add3A_538 : vector<16xi32>
          %swap3A_540 = arith.constant 0 : index
          %swap3A_541 = tpu.vector_load %arg7[%swap3A_540] {strides = array<i32>} : memref<128xi32, #tpu.memory_space<vmem>>, vector<16xi32>,
          %swap3A_542 = vector.shape_cast %swap3A_541 : vector<16xi32> to vector<16xi32>
          %swap3A_543 = vector.shape_cast %add3A_539 : vector<16xi32> to vector<16xi32>
          tpu.vector_store %arg7[%swap3A_540], %swap3A_543 {strides = array<i32>} : memref<128xi32, #tpu.memory_space<vmem>>, vector<16xi32>,
          %get3A_544 = arith.constant 16 : index
          %get3A_545 = tpu.vector_load %arg7[%get3A_544] {strides = array<i32>} : memref<128xi32, #tpu.memory_space<vmem>>, vector<16xi32>,
          %get3A_546 = vector.shape_cast %get3A_545 : vector<16xi32> to vector<16xi32>
          %add3A_547 = vector.broadcast %mul3A_235 : i32 to vector<16xi32>
          %add3A_548 = arith.addi %get3A_546, %add3A_547 : vector<16xi32>
          %swap3A_549 = arith.constant 16 : index
          %swap3A_550 = tpu.vector_load %arg7[%swap3A_549] {strides = array<i32>} : memref<128xi32, #tpu.memory_space<vmem>>, vector<16xi32>,
          %swap3A_551 = vector.shape_cast %swap3A_550 : vector<16xi32> to vector<16xi32>
          %swap3A_552 = vector.shape_cast %add3A_548 : vector<16xi32> to vector<16xi32>
          tpu.vector_store %arg7[%swap3A_549], %swap3A_552 {strides = array<i32>} : memref<128xi32, #tpu.memory_space<vmem>>, vector<16xi32>,
          %get3A_553 = arith.constant 32 : index
          %get3A_554 = tpu.vector_load %arg7[%get3A_553] {strides = array<i32>} : memref<128xi32, #tpu.memory_space<vmem>>, vector<16xi32>,
          %get3A_555 = vector.shape_cast %get3A_554 : vector<16xi32> to vector<16xi32>
          %add3A_556 = vector.broadcast %mul3A_235 : i32 to vector<16xi32>
          %add3A_557 = arith.addi %get3A_555, %add3A_556 : vector<16xi32>
          %swap3A_558 = arith.constant 32 : index
          %swap3A_559 = tpu.vector_load %arg7[%swap3A_558] {strides = array<i32>} : memref<128xi32, #tpu.memory_space<vmem>>, vector<16xi32>,
          %swap3A_560 = vector.shape_cast %swap3A_559 : vector<16xi32> to vector<16xi32>
          %swap3A_561 = vector.shape_cast %add3A_557 : vector<16xi32> to vector<16xi32>
          tpu.vector_store %arg7[%swap3A_558], %swap3A_561 {strides = array<i32>} : memref<128xi32, #tpu.memory_space<vmem>>, vector<16xi32>,
          %get3A_562 = arith.constant 48 : index
          %get3A_563 = tpu.vector_load %arg7[%get3A_562] {strides = array<i32>} : memref<128xi32, #tpu.memory_space<vmem>>, vector<16xi32>,
          %get3A_564 = vector.shape_cast %get3A_563 : vector<16xi32> to vector<16xi32>
          %add3A_565 = vector.broadcast %mul3A_235 : i32 to vector<16xi32>
          %add3A_566 = arith.addi %get3A_564, %add3A_565 : vector<16xi32>
          %swap3A_567 = arith.constant 48 : index
          %swap3A_568 = tpu.vector_load %arg7[%swap3A_567] {strides = array<i32>} : memref<128xi32, #tpu.memory_space<vmem>>, vector<16xi32>,
          %swap3A_569 = vector.shape_cast %swap3A_568 : vector<16xi32> to vector<16xi32>
          %swap3A_570 = vector.shape_cast %add3A_566 : vector<16xi32> to vector<16xi32>
          tpu.vector_store %arg7[%swap3A_567], %swap3A_570 {strides = array<i32>} : memref<128xi32, #tpu.memory_space<vmem>>, vector<16xi32>,
          %get3A_571 = arith.constant 64 : index
          %get3A_572 = tpu.vector_load %arg7[%get3A_571] {strides = array<i32>} : memref<128xi32, #tpu.memory_space<vmem>>, vector<16xi32>,
          %get3A_573 = vector.shape_cast %get3A_572 : vector<16xi32> to vector<16xi32>
          %add3A_574 = vector.broadcast %mul3A_235 : i32 to vector<16xi32>
          %add3A_575 = arith.addi %get3A_573, %add3A_574 : vector<16xi32>
          %swap3A_576 = arith.constant 64 : index
          %swap3A_577 = tpu.vector_load %arg7[%swap3A_576] {strides = array<i32>} : memref<128xi32, #tpu.memory_space<vmem>>, vector<16xi32>,
          %swap3A_578 = vector.shape_cast %swap3A_577 : vector<16xi32> to vector<16xi32>
          %swap3A_579 = vector.shape_cast %add3A_575 : vector<16xi32> to vector<16xi32>
          tpu.vector_store %arg7[%swap3A_576], %swap3A_579 {strides = array<i32>} : memref<128xi32, #tpu.memory_space<vmem>>, vector<16xi32>,
          %get3A_580 = arith.constant 80 : index
          %get3A_581 = tpu.vector_load %arg7[%get3A_580] {strides = array<i32>} : memref<128xi32, #tpu.memory_space<vmem>>, vector<16xi32>,
          %get3A_582 = vector.shape_cast %get3A_581 : vector<16xi32> to vector<16xi32>
          %add3A_583 = vector.broadcast %mul3A_235 : i32 to vector<16xi32>
          %add3A_584 = arith.addi %get3A_582, %add3A_583 : vector<16xi32>
          %swap3A_585 = arith.constant 80 : index
          %swap3A_586 = tpu.vector_load %arg7[%swap3A_585] {strides = array<i32>} : memref<128xi32, #tpu.memory_space<vmem>>, vector<16xi32>,
          %swap3A_587 = vector.shape_cast %swap3A_586 : vector<16xi32> to vector<16xi32>
          %swap3A_588 = vector.shape_cast %add3A_584 : vector<16xi32> to vector<16xi32>
          tpu.vector_store %arg7[%swap3A_585], %swap3A_588 {strides = array<i32>} : memref<128xi32, #tpu.memory_space<vmem>>, vector<16xi32>,
          %get3A_589 = arith.constant 96 : index
          %get3A_590 = tpu.vector_load %arg7[%get3A_589] {strides = array<i32>} : memref<128xi32, #tpu.memory_space<vmem>>, vector<16xi32>,
          %get3A_591 = vector.shape_cast %get3A_590 : vector<16xi32> to vector<16xi32>
          %add3A_592 = vector.broadcast %mul3A_235 : i32 to vector<16xi32>
          %add3A_593 = arith.addi %get3A_591, %add3A_592 : vector<16xi32>
          %swap3A_594 = arith.constant 96 : index
          %swap3A_595 = tpu.vector_load %arg7[%swap3A_594] {strides = array<i32>} : memref<128xi32, #tpu.memory_space<vmem>>, vector<16xi32>,
          %swap3A_596 = vector.shape_cast %swap3A_595 : vector<16xi32> to vector<16xi32>
          %swap3A_597 = vector.shape_cast %add3A_593 : vector<16xi32> to vector<16xi32>
          tpu.vector_store %arg7[%swap3A_594], %swap3A_597 {strides = array<i32>} : memref<128xi32, #tpu.memory_space<vmem>>, vector<16xi32>,
          %get3A_598 = arith.constant 112 : index
          %get3A_599 = tpu.vector_load %arg7[%get3A_598] {strides = array<i32>} : memref<128xi32, #tpu.memory_space<vmem>>, vector<16xi32>,
          %get3A_600 = vector.shape_cast %get3A_599 : vector<16xi32> to vector<16xi32>
          %add3A_601 = vector.broadcast %mul3A_235 : i32 to vector<16xi32>
          %add3A_602 = arith.addi %get3A_600, %add3A_601 : vector<16xi32>
          %swap3A_603 = arith.constant 112 : index
          %swap3A_604 = tpu.vector_load %arg7[%swap3A_603] {strides = array<i32>} : memref<128xi32, #tpu.memory_space<vmem>>, vector<16xi32>,
          %swap3A_605 = vector.shape_cast %swap3A_604 : vector<16xi32> to vector<16xi32>
          %swap3A_606 = vector.shape_cast %add3A_602 : vector<16xi32> to vector<16xi32>
          tpu.vector_store %arg7[%swap3A_603], %swap3A_606 {strides = array<i32>} : memref<128xi32, #tpu.memory_space<vmem>>, vector<16xi32>,
          %dma_start3A_607 = arith.constant 0 : i32
          %dma_start3A_608 = arith.constant 0 : i32
          %dma_start3A_609 = tpu.memref_slice %arg4[%dma_start3A_607, %dma_start3A_608] : memref<40000x128xf32, #tpu.memory_space<hbm>> -> memref<40000x128xf32, #tpu.memory_space<hbm>>
          tpu.enqueue_indirect_dma source(%dma_start3A_609 : memref<40000x128xf32, #tpu.memory_space<hbm>>) target(%arg13 : memref<128x128xf32, #tpu.memory_space<vmem>>) offsets(%arg7 : memref<128xi32, #tpu.memory_space<vmem>>) semaphore(%arg23 : memref<!tpu.dma_semaphore, #tpu.memory_space<semaphore_mem>>)
          %add3A_610 = arith.constant 2 : i32
          %add3A_611 = arith.addi %add3A_497, %add3A_610 : i32
          %mul3A_612 = arith.constant 128 : i32
          %mul3A_613 = arith.muli %add3A_611, %mul3A_612 : i32
          %add3A_614 = arith.addi %mul3A_2, %mul3A_613 : i32
          %dma_start3A_615 = tpu.memref_slice %arg3[%add3A_614] : memref<160000xi32, #tpu.memory_space<hbm>> -> memref<128xi32, #tpu.memory_space<hbm>>
          %dma_start3A_616 = tpu.memref_slice %arg3[%add3A_614] : memref<160000xi32, #tpu.memory_space<hbm>> -> memref<128xi32, #tpu.memory_space<hbm>>
          tpu.enqueue_dma source(%dma_start3A_616 : memref<128xi32, #tpu.memory_space<hbm>>) target(%arg10 : memref<128xi32, #tpu.memory_space<vmem>>) target_semaphore(%arg20 : memref<!tpu.dma_semaphore, #tpu.memory_space<semaphore_mem>>)
        } else {
        }
      } else {
      }
    }
    %dma_wait3A_447 = arith.constant 0 : i32
    %dma_wait3A_448 = arith.constant 0 : i32
    %dma_wait3A_449 = tpu.memref_slice %arg15[%dma_wait3A_447, %dma_wait3A_448] : memref<10000x128xf32, #tpu.memory_space<vmem_shared>> -> memref<128x128xf32, #tpu.memory_space<vmem_shared>>
    %dma_wait3A_450 = arith.constant 0 : i32
    %dma_wait3A_451 = arith.constant 0 : i32
    %dma_wait3A_452 = tpu.memref_slice %arg15[%dma_wait3A_450, %dma_wait3A_451] : memref<10000x128xf32, #tpu.memory_space<vmem_shared>> -> memref<128x128xf32, #tpu.memory_space<vmem_shared>>
    tpu.wait_dma2 semaphore(%arg27 : memref<!tpu.dma_semaphore, #tpu.memory_space<semaphore_mem>>) src(%arg14 : memref<128x128xf32, #tpu.memory_space<vmem>>) dst(%dma_wait3A_452 : memref<128x128xf32, #tpu.memory_space<vmem_shared>>)
    %dma_wait3A_453 = arith.constant 0 : i32
    %dma_wait3A_454 = arith.constant 0 : i32
    %dma_wait3A_455 = tpu.memref_slice %arg15[%dma_wait3A_453, %dma_wait3A_454] : memref<10000x128xf32, #tpu.memory_space<vmem_shared>> -> memref<128x128xf32, #tpu.memory_space<vmem_shared>>
    %dma_wait3A_456 = arith.constant 0 : i32
    %dma_wait3A_457 = arith.constant 0 : i32
    %dma_wait3A_458 = tpu.memref_slice %arg15[%dma_wait3A_456, %dma_wait3A_457] : memref<10000x128xf32, #tpu.memory_space<vmem_shared>> -> memref<128x128xf32, #tpu.memory_space<vmem_shared>>
    tpu.wait_dma2 semaphore(%arg25 : memref<!tpu.dma_semaphore, #tpu.memory_space<semaphore_mem>>) src(%arg12 : memref<128x128xf32, #tpu.memory_space<vmem>>) dst(%dma_wait3A_458 : memref<128x128xf32, #tpu.memory_space<vmem_shared>>)
    %dma_wait3A_459 = arith.constant 0 : i32
    %dma_wait3A_460 = arith.constant 0 : i32
    %dma_wait3A_461 = tpu.memref_slice %arg15[%dma_wait3A_459, %dma_wait3A_460] : memref<10000x128xf32, #tpu.memory_space<vmem_shared>> -> memref<128x128xf32, #tpu.memory_space<vmem_shared>>
    %dma_wait3A_462 = arith.constant 0 : i32
    %dma_wait3A_463 = arith.constant 0 : i32
    %dma_wait3A_464 = tpu.memref_slice %arg15[%dma_wait3A_462, %dma_wait3A_463] : memref<10000x128xf32, #tpu.memory_space<vmem_shared>> -> memref<128x128xf32, #tpu.memory_space<vmem_shared>>
    tpu.wait_dma2 semaphore(%arg26 : memref<!tpu.dma_semaphore, #tpu.memory_space<semaphore_mem>>) src(%arg13 : memref<128x128xf32, #tpu.memory_space<vmem>>) dst(%dma_wait3A_464 : memref<128x128xf32, #tpu.memory_space<vmem_shared>>)
    %barrier3A_465 = arith.constant 0 : index
    tpu.barrier barrier_id(%barrier3A_465)
    %lt3A_466 = arith.constant 15 : i32
    %lt3A_467 = arith.cmpi slt, %arg1, %lt3A_466 : i32
    %convert_element_type3A_468 = arith.extui %lt3A_467 : i1 to i32
    %cond3A_469 = arith.constant 0 : i32
    %cond3A_470 = arith.cmpi ne, %convert_element_type3A_468, %cond3A_469 : i32
    scf.if %cond3A_470 {
      %mul3A_477 = arith.constant 640 : i32
      %mul3A_478 = arith.muli %arg1, %mul3A_477 : i32
      %mul3A_479 = arith.constant 640 : i32
      %mul3A_480 = arith.muli %arg1, %mul3A_479 : i32
      %add3A_481 = arith.addi %mul3A_235, %mul3A_480 : i32
      "tpu.region"() ({
        %run_scoped3A = tpu.sem_alloc : memref<!tpu.dma_semaphore, #tpu.memory_space<semaphore_mem>>
        %dma_start3A_482 = arith.constant 0 : i32
        %dma_start3A_483 = tpu.memref_slice %arg5[%add3A_481, %dma_start3A_482] : memref<40000x128xf32, #tpu.memory_space<hbm>> -> memref<640x128xf32, #tpu.memory_space<hbm>>
        %dma_start3A_484 = arith.constant 0 : i32
        %dma_start3A_485 = tpu.memref_slice %arg15[%mul3A_478, %dma_start3A_484] : memref<10000x128xf32, #tpu.memory_space<vmem_shared>> -> memref<640x128xf32, #tpu.memory_space<vmem_shared>>
        tpu.enqueue_dma source(%dma_start3A_485 : memref<640x128xf32, #tpu.memory_space<vmem_shared>>) target(%dma_start3A_483 : memref<640x128xf32, #tpu.memory_space<hbm>>) target_semaphore(%run_scoped3A : memref<!tpu.dma_semaphore, #tpu.memory_space<semaphore_mem>>)
        %dma_wait3A_486 = arith.constant 0 : i32
        %dma_wait3A_487 = tpu.memref_slice %arg5[%add3A_481, %dma_wait3A_486] : memref<40000x128xf32, #tpu.memory_space<hbm>> -> memref<640x128xf32, #tpu.memory_space<hbm>>
        %dma_wait3A_488 = arith.constant 0 : i32
        %dma_wait3A_489 = tpu.memref_slice %arg15[%mul3A_478, %dma_wait3A_488] : memref<10000x128xf32, #tpu.memory_space<vmem_shared>> -> memref<640x128xf32, #tpu.memory_space<vmem_shared>>
        tpu.wait_dma2 semaphore(%run_scoped3A : memref<!tpu.dma_semaphore, #tpu.memory_space<semaphore_mem>>) src(%dma_wait3A_489 : memref<640x128xf32, #tpu.memory_space<vmem_shared>>) dst(%dma_wait3A_487 : memref<640x128xf32, #tpu.memory_space<hbm>>)
        tpu.yield
      }) : () -> ()
    } else {
    }
    %eq3A_471 = arith.constant 15 : i32
    %eq3A_472 = arith.cmpi eq, %arg1, %eq3A_471 : i32
    %convert_element_type3A_473 = arith.extui %eq3A_472 : i1 to i32
    %cond3A_474 = arith.constant 0 : i32
    %cond3A_475 = arith.cmpi ne, %convert_element_type3A_473, %cond3A_474 : i32
    scf.if %cond3A_475 {
      %add3A_477 = arith.constant 9600 : i32
      %add3A_478 = arith.addi %mul3A_235, %add3A_477 : i32
      "tpu.region"() ({
        %run_scoped3A = tpu.sem_alloc : memref<!tpu.dma_semaphore, #tpu.memory_space<semaphore_mem>>
        %dma_start3A_479 = arith.constant 0 : i32
        %dma_start3A_480 = tpu.memref_slice %arg5[%add3A_478, %dma_start3A_479] : memref<40000x128xf32, #tpu.memory_space<hbm>> -> memref<400x128xf32, #tpu.memory_space<hbm>>
        %dma_start3A_481 = arith.constant 9600 : i32
        %dma_start3A_482 = arith.constant 0 : i32
        %dma_start3A_483 = tpu.memref_slice %arg15[%dma_start3A_481, %dma_start3A_482] : memref<10000x128xf32, #tpu.memory_space<vmem_shared>> -> memref<400x128xf32, #tpu.memory_space<vmem_shared>>
        tpu.enqueue_dma source(%dma_start3A_483 : memref<400x128xf32, #tpu.memory_space<vmem_shared>>) target(%dma_start3A_480 : memref<400x128xf32, #tpu.memory_space<hbm>>) target_semaphore(%run_scoped3A : memref<!tpu.dma_semaphore, #tpu.memory_space<semaphore_mem>>)
        %dma_wait3A_484 = arith.constant 0 : i32
        %dma_wait3A_485 = tpu.memref_slice %arg5[%add3A_478, %dma_wait3A_484] : memref<40000x128xf32, #tpu.memory_space<hbm>> -> memref<400x128xf32, #tpu.memory_space<hbm>>
        %dma_wait3A_486 = arith.constant 9600 : i32
        %dma_wait3A_487 = arith.constant 0 : i32
        %dma_wait3A_488 = tpu.memref_slice %arg15[%dma_wait3A_486, %dma_wait3A_487] : memref<10000x128xf32, #tpu.memory_space<vmem_shared>> -> memref<400x128xf32, #tpu.memory_space<vmem_shared>>
        tpu.wait_dma2 semaphore(%run_scoped3A : memref<!tpu.dma_semaphore, #tpu.memory_space<semaphore_mem>>) src(%dma_wait3A_488 : memref<400x128xf32, #tpu.memory_space<vmem_shared>>) dst(%dma_wait3A_485 : memref<400x128xf32, #tpu.memory_space<hbm>>)
        tpu.yield
      }) : () -> ()
    } else {
    }
    %barrier3A_476 = arith.constant 0 : index
    tpu.barrier barrier_id(%barrier3A_476)
    return
  }
}

module attributes {stable_mosaic.version = 14 : i64} {
  func.func @_scale_body(%arg0: i32, %arg1: memref<2000x256xf32, #tpu.memory_space<vmem>>, %arg2: memref<2000x2xf32, #tpu.memory_space<vmem>>, %arg3: memref<2x2000x128xf32, #tpu.memory_space<vmem>>) attributes {dimension_semantics = [#tpu.dimension_semantics<arbitrary>], iteration_bounds = array<i64: 5>, scalar_prefetch = 0 : i64, scratch_operands = 0 : i64, tpu.core_type = #tpu.core_type<tc>, window_params = [{transform_indices = @transform_0, window_bounds = array<i64: 2000, 256>}, {transform_indices = @transform_1, window_bounds = array<i64: 2000, 2>}, {transform_indices = @transform_2, window_bounds = array<i64: 2, 2000, 128>}]} {
    %get3A = arith.constant 0 : index
    %get3A_0 = arith.constant 0 : index
    %get3A_1 = vector.load %arg1[%get3A, %get3A_0] : memref<2000x256xf32, #tpu.memory_space<vmem>>, vector<2000x256xf32>
    %get3A_2 = arith.constant 0 : index
    %get3A_3 = arith.constant 0 : index
    %get3A_4 = vector.load %arg2[%get3A_2, %get3A_3] : memref<2000x2xf32, #tpu.memory_space<vmem>>, vector<2000x1xf32>
    %get3A_5 = arith.constant 0 : index
    %get3A_6 = arith.constant 1 : index
    %get3A_7 = vector.load %arg2[%get3A_5, %get3A_6] : memref<2000x2xf32, #tpu.memory_space<vmem>>, vector<2000x1xf32>
    %add3A = arith.addf %get3A_4, %get3A_7 : vector<2000x1xf32>
    %add3A_8 = arith.constant 1.000000e+00 : f32
    %add3A_9 = vector.broadcast %add3A_8 : f32 to vector<2000x1xf32>
    %add3A_10 = arith.addf %add3A, %add3A_9 : vector<2000x1xf32>
    %rsqrt3A = math.rsqrt %add3A_10 : vector<2000x1xf32>
    %mul3A = vector.broadcast %rsqrt3A : vector<2000x1xf32> to vector<2000x256xf32>
    %mul3A_11 = arith.mulf %get3A_1, %mul3A : vector<2000x256xf32>
    %slice3A = vector.extract_strided_slice %mul3A_11 {offsets = [0, 0], sizes = [2000, 128], strides = [1, 1]} : vector<2000x256xf32> to vector<2000x128xf32>
    %swap3A = arith.constant 0 : index
    %swap3A_12 = arith.constant 0 : index
    %swap3A_13 = arith.constant 0 : index
    %swap3A_14 = vector.load %arg3[%swap3A, %swap3A_12, %swap3A_13] : memref<2x2000x128xf32, #tpu.memory_space<vmem>>, vector<1x2000x128xf32>
    %swap3A_15 = vector.shape_cast %swap3A_14 : vector<1x2000x128xf32> to vector<2000x128xf32>
    %swap3A_16 = vector.shape_cast %slice3A : vector<2000x128xf32> to vector<1x2000x128xf32>
    tpu.vector_store %arg3[%swap3A, %swap3A_12, %swap3A_13], %swap3A_16 {strides = array<i32>} : memref<2x2000x128xf32, #tpu.memory_space<vmem>>, vector<1x2000x128xf32>,
    %slice3A_17 = vector.extract_strided_slice %mul3A_11 {offsets = [0, 128], sizes = [2000, 128], strides = [1, 1]} : vector<2000x256xf32> to vector<2000x128xf32>
    %swap3A_18 = arith.constant 1 : index
    %swap3A_19 = arith.constant 0 : index
    %swap3A_20 = arith.constant 0 : index
    %swap3A_21 = vector.load %arg3[%swap3A_18, %swap3A_19, %swap3A_20] : memref<2x2000x128xf32, #tpu.memory_space<vmem>>, vector<1x2000x128xf32>
    %swap3A_22 = vector.shape_cast %swap3A_21 : vector<1x2000x128xf32> to vector<2000x128xf32>
    %swap3A_23 = vector.shape_cast %slice3A_17 : vector<2000x128xf32> to vector<1x2000x128xf32>
    tpu.vector_store %arg3[%swap3A_18, %swap3A_19, %swap3A_20], %swap3A_23 {strides = array<i32>} : memref<2x2000x128xf32, #tpu.memory_space<vmem>>, vector<1x2000x128xf32>,
    return
  }
  func.func @transform_0(%arg0: i32) -> (i32, i32) {
    %c0_i32 = arith.constant 0 : i32
    %c0_i32_0 = arith.constant 0 : i32
    return %arg0, %c0_i32 : i32, i32
  }
  func.func @transform_1(%arg0: i32) -> (i32, i32) {
    %c0_i32 = arith.constant 0 : i32
    %c0_i32_0 = arith.constant 0 : i32
    return %arg0, %c0_i32 : i32, i32
  }
  func.func @transform_2(%arg0: i32) -> (i32, i32, i32) {
    %c0_i32 = arith.constant 0 : i32
    %c0_i32_0 = arith.constant 0 : i32
    %c0_i32_1 = arith.constant 0 : i32
    return %c0_i32, %arg0, %c0_i32_0 : i32, i32, i32
  }
}

module attributes {stable_mosaic.version = 14 : i64} {
  func.func @_mm1_body(%arg0: i32, %arg1: memref<2x2000x128xf32, #tpu.memory_space<vmem>>, %arg2: memref<2000x2xf32, #tpu.memory_space<vmem>>, %arg3: memref<256x512xbf16, #tpu.memory_space<vmem>>, %arg4: memref<1x512xf32, #tpu.memory_space<vmem>>, %arg5: memref<4x2000x128xf32, #tpu.memory_space<vmem>>) attributes {dimension_semantics = [#tpu.dimension_semantics<arbitrary>], iteration_bounds = array<i64: 5>, scalar_prefetch = 0 : i64, scratch_operands = 0 : i64, tpu.core_type = #tpu.core_type<tc>, window_params = [{transform_indices = @transform_0, window_bounds = array<i64: 2, 2000, 128>}, {transform_indices = @transform_1, window_bounds = array<i64: 2000, 2>}, {pipeline_mode = #tpu.pipeline_mode<synchronous>, transform_indices = @transform_2, window_bounds = array<i64: 256, 512>}, {pipeline_mode = #tpu.pipeline_mode<synchronous>, transform_indices = @transform_3, window_bounds = array<i64: 1, 512>}, {transform_indices = @transform_4, window_bounds = array<i64: 4, 2000, 128>}]} {
    %get3A = arith.constant 0 : index
    %get3A_0 = arith.constant 0 : index
    %get3A_1 = arith.constant 0 : index
    %get3A_2 = vector.load %arg1[%get3A, %get3A_0, %get3A_1] : memref<2x2000x128xf32, #tpu.memory_space<vmem>>, vector<1x2000x128xf32>
    %get3A_3 = vector.shape_cast %get3A_2 : vector<1x2000x128xf32> to vector<2000x128xf32>
    %convert_element_type3A = arith.truncf %get3A_3 : vector<2000x128xf32> to vector<2000x128xbf16>
    %get3A_4 = arith.constant 0 : index
    %get3A_5 = arith.constant 0 : index
    %get3A_6 = vector.load %arg3[%get3A_4, %get3A_5] : memref<256x512xbf16, #tpu.memory_space<vmem>>, vector<128x512xbf16>
    %dot_general3A = arith.constant dense<0.000000e+00> : vector<2000x512xf32>
    %dot_general3A_7 = tpu.matmul %convert_element_type3A, %get3A_6, %dot_general3A {dimension_numbers = #tpu.dot_dimension_numbers<[1], [0], [0], [1], [0, 0, 1, 1], [], []>, transpose_lhs_hint = false} : vector<2000x128xbf16>, vector<128x512xbf16>, vector<2000x512xf32> -> vector<2000x512xf32>
    %get3A_8 = arith.constant 1 : index
    %get3A_9 = arith.constant 0 : index
    %get3A_10 = arith.constant 0 : index
    %get3A_11 = vector.load %arg1[%get3A_8, %get3A_9, %get3A_10] : memref<2x2000x128xf32, #tpu.memory_space<vmem>>, vector<1x2000x128xf32>
    %get3A_12 = vector.shape_cast %get3A_11 : vector<1x2000x128xf32> to vector<2000x128xf32>
    %convert_element_type3A_13 = arith.truncf %get3A_12 : vector<2000x128xf32> to vector<2000x128xbf16>
    %get3A_14 = arith.constant 128 : index
    %get3A_15 = arith.constant 0 : index
    %get3A_16 = vector.load %arg3[%get3A_14, %get3A_15] : memref<256x512xbf16, #tpu.memory_space<vmem>>, vector<128x512xbf16>
    %dot_general3A_17 = arith.constant dense<0.000000e+00> : vector<2000x512xf32>
    %dot_general3A_18 = tpu.matmul %convert_element_type3A_13, %get3A_16, %dot_general3A_17 {dimension_numbers = #tpu.dot_dimension_numbers<[1], [0], [0], [1], [0, 0, 1, 1], [], []>, transpose_lhs_hint = false} : vector<2000x128xbf16>, vector<128x512xbf16>, vector<2000x512xf32> -> vector<2000x512xf32>
    %add3A = arith.addf %dot_general3A_7, %dot_general3A_18 : vector<2000x512xf32>
    %get3A_19 = arith.constant 0 : index
    %get3A_20 = arith.constant 0 : index
    %get3A_21 = vector.load %arg2[%get3A_19, %get3A_20] : memref<2000x2xf32, #tpu.memory_space<vmem>>, vector<2000x1xf32>
    %get3A_22 = arith.constant 0 : index
    %get3A_23 = arith.constant 1 : index
    %get3A_24 = vector.load %arg2[%get3A_22, %get3A_23] : memref<2000x2xf32, #tpu.memory_space<vmem>>, vector<2000x1xf32>
    %add3A_25 = arith.addf %get3A_21, %get3A_24 : vector<2000x1xf32>
    %add3A_26 = arith.constant 1.000000e+00 : f32
    %add3A_27 = vector.broadcast %add3A_26 : f32 to vector<2000x1xf32>
    %add3A_28 = arith.addf %add3A_25, %add3A_27 : vector<2000x1xf32>
    %rsqrt3A = math.rsqrt %add3A_28 : vector<2000x1xf32>
    %mul3A = vector.broadcast %rsqrt3A : vector<2000x1xf32> to vector<2000x512xf32>
    %mul3A_29 = arith.mulf %mul3A, %add3A : vector<2000x512xf32>
    %get3A_30 = arith.constant 0 : index
    %get3A_31 = arith.constant 0 : index
    %get3A_32 = vector.load %arg4[%get3A_30, %get3A_31] : memref<1x512xf32, #tpu.memory_space<vmem>>, vector<1x512xf32>
    %add3A_33 = vector.broadcast %get3A_32 : vector<1x512xf32> to vector<2000x512xf32>
    %add3A_34 = arith.addf %mul3A_29, %add3A_33 : vector<2000x512xf32>
    %max3A = arith.constant 0.000000e+00 : f32
    %max3A_35 = vector.broadcast %max3A : f32 to vector<2000x512xf32>
    %max3A_36 = arith.maximumf %add3A_34, %max3A_35 : vector<2000x512xf32>
    %mul3A_37 = vector.broadcast %rsqrt3A : vector<2000x1xf32> to vector<2000x512xf32>
    %mul3A_38 = arith.mulf %mul3A_37, %max3A_36 : vector<2000x512xf32>
    %slice3A = vector.extract_strided_slice %mul3A_38 {offsets = [0, 0], sizes = [2000, 128], strides = [1, 1]} : vector<2000x512xf32> to vector<2000x128xf32>
    %swap3A = arith.constant 0 : index
    %swap3A_39 = arith.constant 0 : index
    %swap3A_40 = arith.constant 0 : index
    %swap3A_41 = vector.load %arg5[%swap3A, %swap3A_39, %swap3A_40] : memref<4x2000x128xf32, #tpu.memory_space<vmem>>, vector<1x2000x128xf32>
    %swap3A_42 = vector.shape_cast %swap3A_41 : vector<1x2000x128xf32> to vector<2000x128xf32>
    %swap3A_43 = vector.shape_cast %slice3A : vector<2000x128xf32> to vector<1x2000x128xf32>
    tpu.vector_store %arg5[%swap3A, %swap3A_39, %swap3A_40], %swap3A_43 {strides = array<i32>} : memref<4x2000x128xf32, #tpu.memory_space<vmem>>, vector<1x2000x128xf32>,
    %slice3A_44 = vector.extract_strided_slice %mul3A_38 {offsets = [0, 128], sizes = [2000, 128], strides = [1, 1]} : vector<2000x512xf32> to vector<2000x128xf32>
    %swap3A_45 = arith.constant 1 : index
    %swap3A_46 = arith.constant 0 : index
    %swap3A_47 = arith.constant 0 : index
    %swap3A_48 = vector.load %arg5[%swap3A_45, %swap3A_46, %swap3A_47] : memref<4x2000x128xf32, #tpu.memory_space<vmem>>, vector<1x2000x128xf32>
    %swap3A_49 = vector.shape_cast %swap3A_48 : vector<1x2000x128xf32> to vector<2000x128xf32>
    %swap3A_50 = vector.shape_cast %slice3A_44 : vector<2000x128xf32> to vector<1x2000x128xf32>
    tpu.vector_store %arg5[%swap3A_45, %swap3A_46, %swap3A_47], %swap3A_50 {strides = array<i32>} : memref<4x2000x128xf32, #tpu.memory_space<vmem>>, vector<1x2000x128xf32>,
    %slice3A_51 = vector.extract_strided_slice %mul3A_38 {offsets = [0, 256], sizes = [2000, 128], strides = [1, 1]} : vector<2000x512xf32> to vector<2000x128xf32>
    %swap3A_52 = arith.constant 2 : index
    %swap3A_53 = arith.constant 0 : index
    %swap3A_54 = arith.constant 0 : index
    %swap3A_55 = vector.load %arg5[%swap3A_52, %swap3A_53, %swap3A_54] : memref<4x2000x128xf32, #tpu.memory_space<vmem>>, vector<1x2000x128xf32>
    %swap3A_56 = vector.shape_cast %swap3A_55 : vector<1x2000x128xf32> to vector<2000x128xf32>
    %swap3A_57 = vector.shape_cast %slice3A_51 : vector<2000x128xf32> to vector<1x2000x128xf32>
    tpu.vector_store %arg5[%swap3A_52, %swap3A_53, %swap3A_54], %swap3A_57 {strides = array<i32>} : memref<4x2000x128xf32, #tpu.memory_space<vmem>>, vector<1x2000x128xf32>,
    %slice3A_58 = vector.extract_strided_slice %mul3A_38 {offsets = [0, 384], sizes = [2000, 128], strides = [1, 1]} : vector<2000x512xf32> to vector<2000x128xf32>
    %swap3A_59 = arith.constant 3 : index
    %swap3A_60 = arith.constant 0 : index
    %swap3A_61 = arith.constant 0 : index
    %swap3A_62 = vector.load %arg5[%swap3A_59, %swap3A_60, %swap3A_61] : memref<4x2000x128xf32, #tpu.memory_space<vmem>>, vector<1x2000x128xf32>
    %swap3A_63 = vector.shape_cast %swap3A_62 : vector<1x2000x128xf32> to vector<2000x128xf32>
    %swap3A_64 = vector.shape_cast %slice3A_58 : vector<2000x128xf32> to vector<1x2000x128xf32>
    tpu.vector_store %arg5[%swap3A_59, %swap3A_60, %swap3A_61], %swap3A_64 {strides = array<i32>} : memref<4x2000x128xf32, #tpu.memory_space<vmem>>, vector<1x2000x128xf32>,
    return
  }
  func.func @transform_0(%arg0: i32) -> (i32, i32, i32) {
    %c0_i32 = arith.constant 0 : i32
    %c0_i32_0 = arith.constant 0 : i32
    %c0_i32_1 = arith.constant 0 : i32
    return %c0_i32, %arg0, %c0_i32_0 : i32, i32, i32
  }
  func.func @transform_1(%arg0: i32) -> (i32, i32) {
    %c0_i32 = arith.constant 0 : i32
    %c0_i32_0 = arith.constant 0 : i32
    return %arg0, %c0_i32 : i32, i32
  }
  func.func @transform_2(%arg0: i32) -> (i32, i32) {
    %c0_i32 = arith.constant 0 : i32
    %c0_i32_0 = arith.constant 0 : i32
    %c0_i32_1 = arith.constant 0 : i32
    return %c0_i32, %c0_i32_0 : i32, i32
  }
  func.func @transform_3(%arg0: i32) -> (i32, i32) {
    %c0_i32 = arith.constant 0 : i32
    %c0_i32_0 = arith.constant 0 : i32
    %c0_i32_1 = arith.constant 0 : i32
    return %c0_i32, %c0_i32_0 : i32, i32
  }
  func.func @transform_4(%arg0: i32) -> (i32, i32, i32) {
    %c0_i32 = arith.constant 0 : i32
    %c0_i32_0 = arith.constant 0 : i32
    %c0_i32_1 = arith.constant 0 : i32
    return %c0_i32, %arg0, %c0_i32_0 : i32, i32, i32
  }
}

module attributes {stable_mosaic.version = 14 : i64} {
  func.func @_mm2_body(%arg0: i32, %arg1: memref<4x2000x128xf32, #tpu.memory_space<vmem>>, %arg2: memref<2000x2xf32, #tpu.memory_space<vmem>>, %arg3: memref<512x512xbf16, #tpu.memory_space<vmem>>, %arg4: memref<1x512xf32, #tpu.memory_space<vmem>>, %arg5: memref<1x512xf32, #tpu.memory_space<vmem>>, %arg6: memref<1x1xf32, #tpu.memory_space<vmem>>, %arg7: memref<1x1xf32, #tpu.memory_space<vmem>>) attributes {dimension_semantics = [#tpu.dimension_semantics<arbitrary>], iteration_bounds = array<i64: 5>, scalar_prefetch = 0 : i64, scratch_operands = 0 : i64, tpu.core_type = #tpu.core_type<tc>, window_params = [{transform_indices = @transform_0, window_bounds = array<i64: 4, 2000, 128>}, {transform_indices = @transform_1, window_bounds = array<i64: 2000, 2>}, {pipeline_mode = #tpu.pipeline_mode<synchronous>, transform_indices = @transform_2, window_bounds = array<i64: 512, 512>}, {pipeline_mode = #tpu.pipeline_mode<synchronous>, transform_indices = @transform_3, window_bounds = array<i64: 1, 512>}, {pipeline_mode = #tpu.pipeline_mode<synchronous>, transform_indices = @transform_4, window_bounds = array<i64: 1, 512>}, {pipeline_mode = #tpu.pipeline_mode<synchronous>, transform_indices = @transform_5, window_bounds = array<i64: 1, 1>}, {pipeline_mode = #tpu.pipeline_mode<synchronous>, transform_indices = @transform_6, window_bounds = array<i64: 1, 1>}]} {
    %get3A = arith.constant 0 : index
    %get3A_0 = arith.constant 0 : index
    %get3A_1 = arith.constant 0 : index
    %get3A_2 = vector.load %arg1[%get3A, %get3A_0, %get3A_1] : memref<4x2000x128xf32, #tpu.memory_space<vmem>>, vector<1x2000x128xf32>
    %get3A_3 = vector.shape_cast %get3A_2 : vector<1x2000x128xf32> to vector<2000x128xf32>
    %convert_element_type3A = arith.truncf %get3A_3 : vector<2000x128xf32> to vector<2000x128xbf16>
    %get3A_4 = arith.constant 0 : index
    %get3A_5 = arith.constant 0 : index
    %get3A_6 = vector.load %arg3[%get3A_4, %get3A_5] : memref<512x512xbf16, #tpu.memory_space<vmem>>, vector<128x512xbf16>
    %dot_general3A = arith.constant dense<0.000000e+00> : vector<2000x512xf32>
    %dot_general3A_7 = tpu.matmul %convert_element_type3A, %get3A_6, %dot_general3A {dimension_numbers = #tpu.dot_dimension_numbers<[1], [0], [0], [1], [0, 0, 1, 1], [], []>, transpose_lhs_hint = false} : vector<2000x128xbf16>, vector<128x512xbf16>, vector<2000x512xf32> -> vector<2000x512xf32>
    %get3A_8 = arith.constant 1 : index
    %get3A_9 = arith.constant 0 : index
    %get3A_10 = arith.constant 0 : index
    %get3A_11 = vector.load %arg1[%get3A_8, %get3A_9, %get3A_10] : memref<4x2000x128xf32, #tpu.memory_space<vmem>>, vector<1x2000x128xf32>
    %get3A_12 = vector.shape_cast %get3A_11 : vector<1x2000x128xf32> to vector<2000x128xf32>
    %convert_element_type3A_13 = arith.truncf %get3A_12 : vector<2000x128xf32> to vector<2000x128xbf16>
    %get3A_14 = arith.constant 128 : index
    %get3A_15 = arith.constant 0 : index
    %get3A_16 = vector.load %arg3[%get3A_14, %get3A_15] : memref<512x512xbf16, #tpu.memory_space<vmem>>, vector<128x512xbf16>
    %dot_general3A_17 = arith.constant dense<0.000000e+00> : vector<2000x512xf32>
    %dot_general3A_18 = tpu.matmul %convert_element_type3A_13, %get3A_16, %dot_general3A_17 {dimension_numbers = #tpu.dot_dimension_numbers<[1], [0], [0], [1], [0, 0, 1, 1], [], []>, transpose_lhs_hint = false} : vector<2000x128xbf16>, vector<128x512xbf16>, vector<2000x512xf32> -> vector<2000x512xf32>
    %add3A = arith.addf %dot_general3A_7, %dot_general3A_18 : vector<2000x512xf32>
    %get3A_19 = arith.constant 2 : index
    %get3A_20 = arith.constant 0 : index
    %get3A_21 = arith.constant 0 : index
    %get3A_22 = vector.load %arg1[%get3A_19, %get3A_20, %get3A_21] : memref<4x2000x128xf32, #tpu.memory_space<vmem>>, vector<1x2000x128xf32>
    %get3A_23 = vector.shape_cast %get3A_22 : vector<1x2000x128xf32> to vector<2000x128xf32>
    %convert_element_type3A_24 = arith.truncf %get3A_23 : vector<2000x128xf32> to vector<2000x128xbf16>
    %get3A_25 = arith.constant 256 : index
    %get3A_26 = arith.constant 0 : index
    %get3A_27 = vector.load %arg3[%get3A_25, %get3A_26] : memref<512x512xbf16, #tpu.memory_space<vmem>>, vector<128x512xbf16>
    %dot_general3A_28 = arith.constant dense<0.000000e+00> : vector<2000x512xf32>
    %dot_general3A_29 = tpu.matmul %convert_element_type3A_24, %get3A_27, %dot_general3A_28 {dimension_numbers = #tpu.dot_dimension_numbers<[1], [0], [0], [1], [0, 0, 1, 1], [], []>, transpose_lhs_hint = false} : vector<2000x128xbf16>, vector<128x512xbf16>, vector<2000x512xf32> -> vector<2000x512xf32>
    %add3A_30 = arith.addf %add3A, %dot_general3A_29 : vector<2000x512xf32>
    %get3A_31 = arith.constant 3 : index
    %get3A_32 = arith.constant 0 : index
    %get3A_33 = arith.constant 0 : index
    %get3A_34 = vector.load %arg1[%get3A_31, %get3A_32, %get3A_33] : memref<4x2000x128xf32, #tpu.memory_space<vmem>>, vector<1x2000x128xf32>
    %get3A_35 = vector.shape_cast %get3A_34 : vector<1x2000x128xf32> to vector<2000x128xf32>
    %convert_element_type3A_36 = arith.truncf %get3A_35 : vector<2000x128xf32> to vector<2000x128xbf16>
    %get3A_37 = arith.constant 384 : index
    %get3A_38 = arith.constant 0 : index
    %get3A_39 = vector.load %arg3[%get3A_37, %get3A_38] : memref<512x512xbf16, #tpu.memory_space<vmem>>, vector<128x512xbf16>
    %dot_general3A_40 = arith.constant dense<0.000000e+00> : vector<2000x512xf32>
    %dot_general3A_41 = tpu.matmul %convert_element_type3A_36, %get3A_39, %dot_general3A_40 {dimension_numbers = #tpu.dot_dimension_numbers<[1], [0], [0], [1], [0, 0, 1, 1], [], []>, transpose_lhs_hint = false} : vector<2000x128xbf16>, vector<128x512xbf16>, vector<2000x512xf32> -> vector<2000x512xf32>
    %add3A_42 = arith.addf %add3A_30, %dot_general3A_41 : vector<2000x512xf32>
    %get3A_43 = arith.constant 0 : index
    %get3A_44 = arith.constant 0 : index
    %get3A_45 = vector.load %arg2[%get3A_43, %get3A_44] : memref<2000x2xf32, #tpu.memory_space<vmem>>, vector<2000x1xf32>
    %get3A_46 = arith.constant 0 : index
    %get3A_47 = arith.constant 1 : index
    %get3A_48 = vector.load %arg2[%get3A_46, %get3A_47] : memref<2000x2xf32, #tpu.memory_space<vmem>>, vector<2000x1xf32>
    %add3A_49 = arith.addf %get3A_45, %get3A_48 : vector<2000x1xf32>
    %add3A_50 = arith.constant 1.000000e+00 : f32
    %add3A_51 = vector.broadcast %add3A_50 : f32 to vector<2000x1xf32>
    %add3A_52 = arith.addf %add3A_49, %add3A_51 : vector<2000x1xf32>
    %rsqrt3A = math.rsqrt %add3A_52 : vector<2000x1xf32>
    %mul3A = vector.broadcast %rsqrt3A : vector<2000x1xf32> to vector<2000x512xf32>
    %mul3A_53 = arith.mulf %mul3A, %add3A_42 : vector<2000x512xf32>
    %get3A_54 = arith.constant 0 : index
    %get3A_55 = arith.constant 0 : index
    %get3A_56 = vector.load %arg4[%get3A_54, %get3A_55] : memref<1x512xf32, #tpu.memory_space<vmem>>, vector<1x512xf32>
    %add3A_57 = vector.broadcast %get3A_56 : vector<1x512xf32> to vector<2000x512xf32>
    %add3A_58 = arith.addf %mul3A_53, %add3A_57 : vector<2000x512xf32>
    %max3A = arith.constant 0.000000e+00 : f32
    %max3A_59 = vector.broadcast %max3A : f32 to vector<2000x512xf32>
    %max3A_60 = arith.maximumf %add3A_58, %max3A_59 : vector<2000x512xf32>
    %get3A_61 = arith.constant 0 : index
    %get3A_62 = arith.constant 0 : index
    %get3A_63 = vector.load %arg5[%get3A_61, %get3A_62] : memref<1x512xf32, #tpu.memory_space<vmem>>, vector<1x512xf32>
    %mul3A_64 = vector.broadcast %get3A_63 : vector<1x512xf32> to vector<2000x512xf32>
    %mul3A_65 = arith.mulf %max3A_60, %mul3A_64 : vector<2000x512xf32>
    %reduce_sum3A = vector.shape_cast %mul3A_65 : vector<2000x512xf32> to vector<1x2000x512xf32>
    %reduce_sum3A_66 = arith.constant dense<0.000000e+00> : vector<1xf32>
    %reduce_sum3A_67 = vector.multi_reduction <add>, %reduce_sum3A, %reduce_sum3A_66 [1, 2] : vector<1x2000x512xf32> to vector<1xf32>
    %reduce_sum3A_68 = vector.shape_cast %reduce_sum3A_67 : vector<1xf32> to vector<1x1x1xf32>
    %reduce_sum3A_69 = vector.extract %reduce_sum3A_68[0, 0, 0] : f32 from vector<1x1x1xf32>
    %broadcast_in_dim3A = vector.broadcast %reduce_sum3A_69 : f32 to vector<1x1xf32>
    %eq3A = arith.constant 0 : i32
    %eq3A_70 = arith.cmpi eq, %arg0, %eq3A : i32
    %convert_element_type3A_71 = arith.extui %eq3A_70 : i1 to i32
    %cond3A = arith.constant 0 : i32
    %cond3A_72 = arith.cmpi ne, %convert_element_type3A_71, %cond3A : i32
    scf.if %cond3A_72 {
      %swap3A = arith.constant 0 : index
      %swap3A_82 = arith.constant 0 : index
      %swap3A_83 = vector.load %arg7[%swap3A, %swap3A_82] : memref<1x1xf32, #tpu.memory_space<vmem>>, vector<1x1xf32>
      tpu.vector_store %arg7[%swap3A, %swap3A_82], %broadcast_in_dim3A {strides = array<i32>} : memref<1x1xf32, #tpu.memory_space<vmem>>, vector<1x1xf32>,
    } else {
    }
    %ne3A = arith.constant 0 : i32
    %ne3A_73 = arith.cmpi ne, %arg0, %ne3A : i32
    %convert_element_type3A_74 = arith.extui %ne3A_73 : i1 to i32
    %cond3A_75 = arith.constant 0 : i32
    %cond3A_76 = arith.cmpi ne, %convert_element_type3A_74, %cond3A_75 : i32
    scf.if %cond3A_76 {
      %get3A_82 = arith.constant 0 : index
      %get3A_83 = arith.constant 0 : index
      %get3A_84 = vector.load %arg7[%get3A_82, %get3A_83] : memref<1x1xf32, #tpu.memory_space<vmem>>, vector<1x1xf32>
      %add3A_85 = arith.addf %get3A_84, %broadcast_in_dim3A : vector<1x1xf32>
      %swap3A = arith.constant 0 : index
      %swap3A_86 = arith.constant 0 : index
      %swap3A_87 = vector.load %arg7[%swap3A, %swap3A_86] : memref<1x1xf32, #tpu.memory_space<vmem>>, vector<1x1xf32>
      tpu.vector_store %arg7[%swap3A, %swap3A_86], %add3A_85 {strides = array<i32>} : memref<1x1xf32, #tpu.memory_space<vmem>>, vector<1x1xf32>,
    } else {
    }
    %eq3A_77 = arith.constant 4 : i32
    %eq3A_78 = arith.cmpi eq, %arg0, %eq3A_77 : i32
    %convert_element_type3A_79 = arith.extui %eq3A_78 : i1 to i32
    %cond3A_80 = arith.constant 0 : i32
    %cond3A_81 = arith.cmpi ne, %convert_element_type3A_79, %cond3A_80 : i32
    scf.if %cond3A_81 {
      %get3A_82 = arith.constant 0 : index
      %get3A_83 = arith.constant 0 : index
      %get3A_84 = vector.load %arg7[%get3A_82, %get3A_83] : memref<1x1xf32, #tpu.memory_space<vmem>>, vector<1x1xf32>
      %mul3A_85 = arith.constant 9.99999974E-5 : f32
      %mul3A_86 = vector.broadcast %mul3A_85 : f32 to vector<1x1xf32>
      %mul3A_87 = arith.mulf %get3A_84, %mul3A_86 : vector<1x1xf32>
      %get3A_88 = arith.constant 0 : index
      %get3A_89 = arith.constant 0 : index
      %get3A_90 = vector.load %arg6[%get3A_88, %get3A_89] : memref<1x1xf32, #tpu.memory_space<vmem>>, vector<1x1xf32>
      %add3A_91 = arith.addf %mul3A_87, %get3A_90 : vector<1x1xf32>
      %logistic3A = arith.negf %add3A_91 : vector<1x1xf32>
      %logistic3A_92 = math.exp %logistic3A : vector<1x1xf32>
      %logistic3A_93 = arith.constant 1.000000e+00 : f32
      %logistic3A_94 = vector.broadcast %logistic3A_93 : f32 to vector<1x1xf32>
      %logistic3A_95 = arith.addf %logistic3A_94, %logistic3A_92 : vector<1x1xf32>
      %logistic3A_96 = arith.divf %logistic3A_94, %logistic3A_95 : vector<1x1xf32>
      %swap3A = arith.constant 0 : index
      %swap3A_97 = arith.constant 0 : index
      %swap3A_98 = vector.load %arg7[%swap3A, %swap3A_97] : memref<1x1xf32, #tpu.memory_space<vmem>>, vector<1x1xf32>
      tpu.vector_store %arg7[%swap3A, %swap3A_97], %logistic3A_96 {strides = array<i32>} : memref<1x1xf32, #tpu.memory_space<vmem>>, vector<1x1xf32>,
    } else {
    }
    return
  }
  func.func @transform_0(%arg0: i32) -> (i32, i32, i32) {
    %c0_i32 = arith.constant 0 : i32
    %c0_i32_0 = arith.constant 0 : i32
    %c0_i32_1 = arith.constant 0 : i32
    return %c0_i32, %arg0, %c0_i32_0 : i32, i32, i32
  }
  func.func @transform_1(%arg0: i32) -> (i32, i32) {
    %c0_i32 = arith.constant 0 : i32
    %c0_i32_0 = arith.constant 0 : i32
    return %arg0, %c0_i32 : i32, i32
  }
  func.func @transform_2(%arg0: i32) -> (i32, i32) {
    %c0_i32 = arith.constant 0 : i32
    %c0_i32_0 = arith.constant 0 : i32
    %c0_i32_1 = arith.constant 0 : i32
    return %c0_i32, %c0_i32_0 : i32, i32
  }
  func.func @transform_3(%arg0: i32) -> (i32, i32) {
    %c0_i32 = arith.constant 0 : i32
    %c0_i32_0 = arith.constant 0 : i32
    %c0_i32_1 = arith.constant 0 : i32
    return %c0_i32, %c0_i32_0 : i32, i32
  }
  func.func @transform_4(%arg0: i32) -> (i32, i32) {
    %c0_i32 = arith.constant 0 : i32
    %c0_i32_0 = arith.constant 0 : i32
    %c0_i32_1 = arith.constant 0 : i32
    return %c0_i32, %c0_i32_0 : i32, i32
  }
  func.func @transform_5(%arg0: i32) -> (i32, i32) {
    %c0_i32 = arith.constant 0 : i32
    %c0_i32_0 = arith.constant 0 : i32
    %c0_i32_1 = arith.constant 0 : i32
    return %c0_i32, %c0_i32_0 : i32, i32
  }
  func.func @transform_6(%arg0: i32) -> (i32, i32) {
    %c0_i32 = arith.constant 0 : i32
    %c0_i32_0 = arith.constant 0 : i32
    %c0_i32_1 = arith.constant 0 : i32
    return %c0_i32, %c0_i32_0 : i32, i32
  }
}

</mosaic_0001>

<sc_bundles>
// kernel: kernel.11.cloned.1.call-start
scs
__scs_entry_jumppad:
0x0: {  	(pc) =	sbr.rel $0x88, $3  }
0x1: {  	(tag) =	ssettag $0x0;
	lr =	simm.s32 $0x1  }
0x2: {  	[smem:$0x3F99] =	sst lr;
	_ =	strace $0xD0000000  }
0x3: {  	_ = 	snop  }
0x4: {  	_ = 	snop  }
0x5: {  	_ = 	snop  }
0x6: {  	_ = 	snop  }
0x7: {  	_ = 	snop  }
__scs_overlays_trampoline_lowered:
0x8: {  	[smem:$0x3FA8] =	sst s0  }
0x9: {  	[smem:$0x3FA9] =	sst s1  }
0xa: {  	[smem:$0x3FAA] =	sst s2  }
0xb: {  	[smem:$0x3FAB] =	sst s3  }
0xc: {  	[smem:$0x3FAC] =	sst s4  }
0xd: {  	[smem:$0x3FAD] =	sst s5  }
0xe: {  	[smem:$0x3FAE] =	sst s6  }
0xf: {  	[smem:$0x3FAF] =	sst s7  }
0x10: {  	[smem:$0x3FB0] =	sst s8  }
0x11: {  	[smem:$0x3FB1] =	sst s9;
	s0 =	simm.s32 @!p0 $0x0  }
0x12: {  	s1 =	sld [smem:$0x3F97];
	s0 =	simm.s32 @p0 $0x1  }
0x13: {  	[smem:$0x3FB2] =	sst s0;
	s0 =	simm.s32 @!p1 $0x0  }
0x14: {  	s2 =	sld [smem:$0x3F96];
	s0 =	simm.s32 @p1 $0x1  }
0x15: {  	[smem:$0x3FB3] =	sst s0;
	s0 =	simm.s32 @!p2 $0x0  }
0x16: {  	s3 =	sld [smem:$0x3FDB];
	s0 =	simm.s32 @p2 $0x1  }
0x17: {  	s4 =	simm.s32 $0x1BF5;
	[smem:$0x3FB5] =	sst s0  }
0x18: {  	s0 =	sld [smem:$0x3F98];
	_ =	swait.ge [sflag:s4], $0x0  }
0x19: {  	s7 =	sld [smem:$0x3F99]  }
0x1a: {  	s8 =	sadd.s32 $0xFFFFE003, lr  }
0x1b: {  	s9 =	sadd.s32 $0xFFFFFEF7, lr;
	s5 =	simm.s32 $0xFFFFFFFF;
	p2 =	slt.u32 s8, $0xFFFFF086  }
0x1c: {  	p1 =	slt.u32 s9, $0xF7A;
	s5 =	simm.s32 @!p2 $0x0  }
0x1d: {  	s5 =	simm.s32 @p1 $0x1;
	p0 =	seq.s32 s7, s2  }
0x1e: {  	s7 =	smul.u32 @!p0 $0xF7A, s2;
	p2 =	seq.s32 @!p0 s5, $0x0  }
0x1f: {  	s9 =	smul.u32 $0xF7A, s1;
	s8 =	simm.s32 @!p0 $0x1BF5;
	p2 =	por !p2, p0  }
0x20: {  	[sflag:s8] =	ssyncset.s32 @!p0 $0xFFFFF086;
	s6 =	sadd.s32 @!p0 s3, s7;
	s7 =	simm.s32 @!p0 $0x108  }
0x21: {  	s3 =	sadd.s32 s3, s9;
	s6 =	sadd.s32 @!p0 $0x88, s6;
	s7 =	simm.s32 @p2 $0x1082  }
0x22: {  	[simem:s7], [sflag:s8] =	dma.local @!p0 [hbm:s6], $0xF7A  }
0x23: {  	s9 =	sor.u32 $0xD0000000, s2;
	s6 =	simm.s32 $0x108;
	_ =	swait.ge @!p0 [sflag:s8], $0x0  }
0x24: {  	s3 =	sadd.s32 $0x88, s3;
	s6 =	simm.s32 @!p1 $0x1082;
	[sflag:s4] =	ssyncset.s32 $0xFFFFF086  }
0x25: {  	[simem:s6], [sflag:s4] =	dma.local [hbm:s3], $0xF7A  }
0x26: {  	[smem:$0x3F99] =	sst s1;
	(tag) =	ssettag s2;
	_ =	strace s9  }
0x27: {  	s1 =	sld [smem:$0x3FA9]  }
0x28: {  	s2 =	sld [smem:$0x3FAA]  }
0x29: {  	s4 =	sld [smem:$0x3FAC]  }
0x2a: {  	p0 =	seq.s32 s5, $0x0;
	s5 =	sld [smem:$0x3FAD]  }
0x2b: {  	s6 =	sld [smem:$0x3FAE]  }
0x2c: {  	s7 =	sld [smem:$0x3FAF]  }
0x2d: {  	s3 =	simm.s32 $0x108;
	s8 =	sld [smem:$0x3FB0]  }
0x2e: {  	s3 =	simm.s32 @!p0 $0x1082;
	s9 =	sld [smem:$0x3FB1]  }
0x2f: {  	lr =	sadd.s32 s0, s3;
	s0 =	sld [smem:$0x3FA8]  }
0x30: {  	s3 =	sld [smem:$0x3FAB]  }
0x31: {  	[smem:$0x3FB4] =	sst s10  }
0x32: {  	s10 =	sld [smem:$0x3FB2];
	_ =	sdelay $0x3  }
0x33: {  	p0 =	seq.s32 s10, $0x1;
	s10 =	sld [smem:$0x3FB4];
	_ =	sdelay $0x3  }
0x34: {  	[smem:$0x3FB4] =	sst s10  }
0x35: {  	s10 =	sld [smem:$0x3FB3];
	_ =	sdelay $0x3  }
0x36: {  	p1 =	seq.s32 s10, $0x1;
	s10 =	sld [smem:$0x3FB4];
	_ =	sdelay $0x3  }
0x37: {  	[smem:$0x3FB4] =	sst s10  }
0x38: {  	s10 =	sld [smem:$0x3FB5]  }
0x39: {  	_ = 	snop;
	(pc) =	sbr.ind lr, $3  }
0x3a: {  	_ = 	snop  }
0x3b: {  	_ = 	snop  }
0x3c: {  	p2 =	seq.s32 s10, $0x1;
	s10 =	sld [smem:$0x3FB4]  }
0x3d: {  	_ =	shalt  }
0x3e: {  	_ =	shalt  }
0x3f: {  	_ =	shalt  }
0x40: {  	_ =	shalt  }
0x41: {  	_ =	shalt  }
0x42: {  	_ =	shalt  }
0x43: {  	_ =	shalt  }
0x44: {  	_ =	shalt  }
0x45: {  	_ =	shalt  }
0x46: {  	_ =	shalt  }
0x47: {  	_ =	shalt  }
0x48: {  	_ =	shalt  }
0x49: {  	_ =	shalt  }
0x4a: {  	_ =	shalt  }
0x4b: {  	_ =	shalt  }
0x4c: {  	_ =	shalt  }
0x4d: {  	_ =	shalt  }
0x4e: {  	_ =	shalt  }
0x4f: {  	_ =	shalt  }
0x50: {  	_ =	shalt  }
0x51: {  	_ =	shalt  }
0x52: {  	_ =	shalt  }
0x53: {  	_ =	shalt  }
0x54: {  	_ =	shalt  }
0x55: {  	_ =	shalt  }
0x56: {  	_ =	shalt  }
0x57: {  	_ =	shalt  }
0x58: {  	_ =	shalt  }
0x59: {  	_ =	shalt  }
0x5a: {  	_ =	shalt  }
0x5b: {  	_ =	shalt  }
0x5c: {  	_ =	shalt  }
0x5d: {  	_ =	shalt  }
0x5e: {  	_ =	shalt  }
0x5f: {  	_ =	shalt  }
0x60: {  	_ =	shalt  }
0x61: {  	_ =	shalt  }
0x62: {  	_ =	shalt  }
0x63: {  	_ =	shalt  }
0x64: {  	_ =	shalt  }
0x65: {  	_ =	shalt  }
0x66: {  	_ =	shalt  }
0x67: {  	_ =	shalt  }
0x68: {  	_ =	shalt  }
0x69: {  	_ =	shalt  }
0x6a: {  	_ =	shalt  }
0x6b: {  	_ =	shalt  }
0x6c: {  	_ =	shalt  }
0x6d: {  	_ =	shalt  }
0x6e: {  	_ =	shalt  }
0x6f: {  	_ =	shalt  }
0x70: {  	_ =	shalt  }
0x71: {  	_ =	shalt  }
0x72: {  	_ =	shalt  }
0x73: {  	_ =	shalt  }
0x74: {  	_ =	shalt  }
0x75: {  	_ =	shalt  }
0x76: {  	_ =	shalt  }
0x77: {  	_ =	shalt  }
0x78: {  	_ =	shalt  }
0x79: {  	_ =	shalt  }
0x7a: {  	_ =	shalt  }
0x7b: {  	_ =	shalt  }
0x7c: {  	_ =	shalt  }
0x7d: {  	_ =	shalt  }
0x7e: {  	_ =	shalt  }
0x7f: {  	_ =	shalt  }
0x80: {  	_ =	shalt  }
0x81: {  	_ =	shalt  }
0x82: {  	_ =	shalt  }
0x83: {  	_ =	shalt  }
0x84: {  	_ =	shalt  }
0x85: {  	_ =	shalt  }
0x86: {  	_ =	shalt  }
0x87: {  	_ =	shalt  }
.Lfunc_end0:
.L_simem_size_0:
called_computation.1_lowered:
.L_overlay_start_0:
0x88: {  	s2 =	sld [smem:$0x3FD9]  }
0x89: {  	s3 =	sld [smem:$0x3FFE];
	_ =	sdelay $0x1  }
0x8a: {  	s1 =	srdreg.scid  }
0x8b: {  	s0 =	sand.u32 $0x1, s1  }
0x8c: {  	s16 =	sshll.u32 s0, $0xA;
	s2 =	sadd.s32 s3, s2  }
0x8d: {  	s2 =	sadd.s32 s2, s16  }
0x8e: {  	[smem:$0x3FC0] =	sst s2  }
0x8f: {  	_ = 	snop  }
0x90: {  	(tm) =	ssettm $0x1  }
0x91: {  	s17 =	sld [smem:$0x3FFB];
	_ =	sdelay $0x3  }
0x92: {  	_ =	strace s17  }
0x93: {  	s2 =	sld [smem:$0x3FFC];
	_ =	sdelay $0x3  }
0x94: {  	_ =	strace s2  }
0x95: {  	s2 =	sld [smem:$0x3FFD];
	_ =	sdelay $0x3  }
0x96: {  	_ =	strace s2  }
0x97: {  	_ =	strace $0x8FFFFFFF  }
0x98: {  	s18 =	sld [smem:$0x3FDB];
	_ =	sdelay $0x1  }
0x99: {  	s19 =	simm.s32 $_scs_section_size  }
0x9a: {  	s4 =	simm.s32 $_size__tile_overlayer_lowered;
	s5 =	simm.s32 $_tile_overlayer_lowered  }
0x9b: {  	s22 =	simm.s32 $0x1BFF;
	s21 =	sshll.u32 s5, $0x1;
	s2 =	sadd.s32 s19, s18  }
0x9c: {  	s6 =	simm.s32 $0x0;
	s20 =	sshll.u32 s4, $0x1;
	s4 =	sadd.s32 s21, s2  }
0x9d: {  	[timem:s6], [sflag:s22] =	dma.local [hbm:s4], s20  }
0x9e: {  	_ =	swait.ge [sflag:s22], s20  }
0x9f: {  	s3 =	ssub.s32 $0x0, s20;
	[sflag:s22] =	ssyncset.done $0x0  }
0xa0: {  	[sflag:s22] =	ssyncadd.s32 s3;
	_ =	sdelay $0x1  }
0xa1: {  	s23 =	simm.s32 $0x1B8B  }
0xa2: {  	_ =	swait.ge [sflag:s23], $0x1  }
0xa3: {  	[sflag:s23] =	ssyncset.done $0x0  }
0xa4: {  	s25 =	simm.s32 $0x1B8E;
	s24 =	sld [smem:$0x3FFE];
	[sflag:s23] =	ssyncadd.s32 $0xFFFFFFFF  }
0xa5: {  	s26 =	simm.s32 $execute0_lowered;
	[smem:$0x3FD2] =	sst s25  }
0xa6: {  	s4 =	sshll.u32 s26, $0x1;
	_ =	strace $0x80000049;
	[dreg:$0x1] =	wrdreg $0xFFFFFFFF  }
0xa7: {  	s28 =	simm.s32 $_size_execute0_lowered;
	s2 =	sadd.s32 s2, s4;
	[dreg:$0x0] =	wrdreg $0x0  }
0xa8: {  	s4 =	sshll.u32 s28, $0x1;
	[dreg:$0x2] =	wrdreg s2  }
0xa9: {  	[dreg:$0x3] =	wrdreg s4  }
0xaa: {  	[dreg:$0x4] =	wrdreg $0xC0  }
0xab: {  	_ =	task [dreg:s6], $0x5FFFF  }
0xac: {  	[dreg:$0x1] =	wrdreg $0xFFFFFFFF  }
0xad: {  	[dreg:$0x0] =	wrdreg $0x60  }
0xae: {  	[dreg:$0x2] =	wrdreg s24  }
0xaf: {  	[dreg:$0x3] =	wrdreg $0xC3000  }
0xb0: {  	[dreg:$0x4] =	wrdreg $0x9  }
0xb1: {  	_ =	task.clear_ibuf [dreg:s6], $0x5FFFF;
	_ =	strace $0x90000049  }
0xb2: {  	s29 =	simm.s32 $0x9;
	_ =	strace $0x8000004B  }
0xb3: {  	_ =	swait.ge [sflag:s29], $0x1  }
0xb4: {  	[sflag:s29] =	ssyncadd.s32 $0xFFFFFFFF  }
0xb5: {  	_ =	strace $0x9000004B  }
0xb6: {  	_ =	sfence  }
0xb7: {  	s30 =	sld [smem:$0x0];
	_ =	sdelay $0x2  }
0xb8: {  	s31 =	sshll.u32 s1, $0xD;
	s1 =	sshrl.u32 s1, $0x2  }
0xb9: {  	s3 =	sand.u32 $0x4000, s31;
	s1 =	sadd.s32 s1, s30  }
0xba: {  	s0 =	sor.u32 s3, s0;
	s1 =	sshll.u32 s1, $0x11  }
0xbb: {  	s0 =	sor.u32 s1, s0  }
0xbc: {  	s0 =	sadd.s32 $0x8F2B, s0  }
0xbd: {  	[sflag:s0] =	ssyncadd.remote.s32 $0x1  }
0xbe: {  	_ =	sfence.sel $0xFFFF  }
0xbf: {  	[dreg:$0x0] =	wrdreg $0xFFFFFFFF;
	(pc) =	sbr.abs _section_cstart, $3  }
0xc0: {  	[dreg:$0x1] =	wrdreg $0xFFFFFFFF  }
0xc1: {  	_ =	task.clear_ibuf [dreg:s6], $0x2FFFF;
	_ =	strace $0x9FFFFFFF  }
0xc2: {  	(tm) =	ssettm $0x7FFFFFFF  }
0xc3: {  	_ =	shalt  }
tec
execute0_lowered:
.L_overlay_start_1:
0x0: {  	(tag) =	ssettag $0x1  }
0x1: {  	s0 =	rddreg [dreg:$0x0]  }
0x2: {  	s1 =	rddreg [dreg:$0x1]  }
0x3: {  	s2 =	simm.s32 $0x0;
	s5 =	srdreg.scid;
	s13 =	stileid.u32  }
0x4: {  	s29 =	simm.s32 $0x180;
	s31 =	simm.s32 $0x7;
	s28 =	simm.s32 $0xA  }
0x5: {  	s30 =	simm.s32 $0xB;
	[smem:$0x7FF] =	sst s2;
	s10 =	smul.u32 $0x280, s13  }
0x6: {  	s3 =	sadd.s32 $0x6200, s0;
	s6 =	sadd.s32 $0x1200, s0;
	s11 =	smul.u32 $0x50000, s13  }
0x7: {  	s4 =	sadd.s32 $0xB200, s0;
	s7 =	sand.u32 $0x1, s5;
	s12 =	smul.u32 $0x2800, s13  }
0x8: {  	s0 =	sadd.s32 $0x59400, s0;
	p0 =	seq.s32 s13, $0xF;
	s26 =	smul.u32 $0x500, s13  }
0x9: {  	s20 =	sadd.s32 $0x12C000, s1;
	_ =	strace $0x8000004A;
	s8 =	smul.u32 $0x2710, s7  }
0xa: {  	s5 =	ssub.s32 $0x2, s7;
	s7 =	smul.u32 $0x138800, s7;
	[dreg:$0x5] =	wrdreg s20  }
0xb: {  	s9 =	sshrl.u32 s5, $0x1;
	s11 =	sshrl.u32 s11, $0x2;
	s21 =	sshrl.u32 s12, $0x3  }
0xc: {  	s9 =	ssub.s32 s5, s9;
	s5 =	simm.s32 $0x32;
	s10 =	sadd.s32 s10, s8  }
0xd: {  	s18 =	sadd.s32 s11, s1;
	s7 =	sshrl.u32 s7, $0x3;
	s12 =	sor.u32 $0x10, s21  }
0xe: {  	s11 =	sadd.s32 s6, s21;
	s15 =	sshll.u32 s10, $0x4;
	s5 =	simm.s32 @!p0 $0x50  }
0xf: {  	[dreg:$0x3] =	wrdreg s18;
	s7 =	sadd.s32 $0x25800, s7;
	s10 =	sadd.s32 s3, s21  }
0x10: {  	s16 =	sadd.s32 s3, s12;
	[dreg:$0x9] =	wrdreg s11;
	s12 =	sadd.s32 s6, s12  }
0x11: {  	s17 =	smax.u32 s9, $0x1;
	s21 =	sadd.s32 s26, s3;
	[dreg:$0x7] =	wrdreg s16  }
0x12: {  	s3 =	simm.s32 $0x0;
	s19 =	sadd.s32 s4, s15;
	[dreg:$0xa] =	wrdreg s12  }
0x13: {  	s14 =	smul.u32 $0x56, s5;
	s22 =	sadd.s32 s4, s7;
	[dreg:$0x4] =	wrdreg s19  }
0x14: {  	s23 =	sadd.s32 $0x20, s10;
	s25 =	sadd.s32 s0, s15;
	[dreg:$0x6] =	wrdreg s22  }
.Ltmp0:
0x15: {  	s16 =	sadd.s32 s0, s7;
	[dreg:$0x8] =	wrdreg s23;
	(pc) =	sbr.rel .LBB2_1-.Ltmp0, $4  }
0x16: {  	s18 =	sadd.s32 $0xFFFFFFFF, s5;
	s0 =	simm.s32 $0x4;
	[dreg:$0xb] =	wrdreg s25  }
0x17: {  	s19 =	sadd.s32 $0xFFFFFFFE, s5;
	s22 =	sadd.s32 s26, s6;
	s24 =	sadd.s32 $0xAC, s14  }
0x18: {  	s23 =	simm.s32 $0xD;
	s25 =	simm.s32 $0x300;
	s11 =	sshrl.u32 s24, $0x8  }
0x19: {  	v0 =	vmov s8;
	s26 =	simm.s32 $0xC;
	s24 =	simm.s32 $0x80;
	s20 =	smul.u32 $0x30, s11  }
.LBB2_5:
0x1a: {  	_ =	swait.ge [sflag:s26], $0x4000  }
0x1b: {  	[sflag:s26] =	ssyncset.done $0x0  }
0x1c: {  	[sflag:s26] =	ssyncadd.s32 $0xFFFFC000  }
0x1d: {  	_ =	swait.ge [sflag:s28], $0x4000  }
0x1e: {  	[sflag:s28] =	ssyncset.done $0x0  }
0x1f: {  	[sflag:s28] =	ssyncadd.s32 $0xFFFFC000  }
0x20: {  	_ =	swait.ge [sflag:s30], $0x4000  }
0x21: {  	[sflag:s30] =	ssyncset.done $0x0  }
0x22: {  	[sflag:s30] =	ssyncadd.s32 $0xFFFFC000  }
0x23: {  	s9 =	simm.s32 @p0 $0x1FCD;
	[bflag:$0x0] =	sbarrier.arrive $0xFFFF  }
0x24: {  	[hbm:s16], [sflag:s9] =	dma.local @p0 [spmem:s6], $0x1900  }
0x25: {  	s6 =	simm.s32 @p0 $0xD  }
0x26: {  	_ =	swait.ge @p0 [sflag:s6], $0x1900  }
0x27: {  	[sflag:s6] =	ssyncset.done @p0 $0x0  }
0x28: {  	s3 =	sadd.s32 $0x1, s3;
	[sflag:s6] =	ssyncadd.s32 @p0 $0xFFFFE700;
	s6 =	rddreg [dreg:$0xb]  }
0x29: {  	[hbm:s6], [sflag:s7] =	dma.local @!p0 [spmem:s8], $0x2800  }
0x2a: {  	p1 =	sne.s32 s3, s17;
	s6 =	simm.s32 @!p0 $0xD  }
.Ltmp1:
0x2b: {  	_ =	swait.ge @!p0 [sflag:s6], $0x2800;
	(pc) =	sbr.rel @!p1 .LBB2_6-.Ltmp1, $3  }
0x2c: {  	[sflag:s6] =	ssyncset.done @!p0 $0x0  }
0x2d: {  	[sflag:s6] =	ssyncadd.s32 @!p0 $0xFFFFD800  }
0x2e: {  	[bflag:$0x0] =	sbarrier.arrive $0xFFFF;
	_ =	sdelay $0x1  }
.LBB2_1:
0x2f: {  	s6 =	rddreg [dreg:$0x5]  }
0x30: {  	s7 =	simm.s32 @p0 $0x1FCD;
	s8 =	rddreg [dreg:$0x6];
	s6 =	sshrl.u32 @p0 s6, $0x3  }
0x31: {  	[spmem:s6], [sflag:s7] =	dma.local @p0 [hbm:s8], $0x1900  }
0x32: {  	s7 =	simm.s32 @p0 $0xD  }
0x33: {  	s8 =	stileid.u32;
	_ =	swait.ge @p0 [sflag:s7], $0x1900  }
0x34: {  	s8 =	sshll.u32 @!p0 s8, $0x6;
	[sflag:s7] =	ssyncset.done @p0 $0x0  }
0x35: {  	[sflag:s7] =	ssyncadd.s32 @p0 $0xFFFFE700;
	s7 =	sor.u32 @!p0 $0x1C0D, s8;
	s8 =	rddreg [dreg:$0x3]  }
0x36: {  	s9 =	rddreg [dreg:$0x4];
	s8 =	sshrl.u32 @!p0 s8, $0x3  }
0x37: {  	[spmem:s8], [sflag:s7] =	dma.local @!p0 [hbm:s9], $0x2800  }
0x38: {  	s9 =	simm.s32 @!p0 $0xD  }
0x39: {  	_ =	swait.ge @!p0 [sflag:s9], $0x2800  }
0x3a: {  	[sflag:s9] =	ssyncset.done @!p0 $0x0  }
0x3b: {  	[sflag:s9] =	ssyncadd.s32 @!p0 $0xFFFFD800  }
0x3c: {  	[tilespmem:s2], [sflag:$0xD] =	stream.linear.gather [hbm4b:s10+s2], $0x80, $0x38;
	[tilespmem:$0x1FB80] =	vst v63  }
0x3d: {  	_ =	swait.ge [sflag:s23], $0x80  }
0x3e: {  	[sflag:s23] =	ssyncset.done $0x0  }
0x3f: {  	[sflag:s23] =	ssyncadd.s32 $0xFFFFFF80  }
0x40: {  	v1 =	vld [tilespmem:$0x0]  }
0x41: {  	v2 =	vld [tilespmem:$0x10]  }
0x42: {  	v3 =	vld [tilespmem:$0x20]  }
0x43: {  	v4 =	vld [tilespmem:$0x30]  }
0x44: {  	v5 =	vld [tilespmem:$0x40]  }
0x45: {  	v6 =	vld [tilespmem:$0x50];
	v1 =	vadd.s32 v0, v1  }
0x46: {  	[tilespmem:$0x0] =	vst v1;
	v1 =	vadd.s32 v0, v2;
	v2 =	vld [tilespmem:$0x60]  }
0x47: {  	[tilespmem:$0x10] =	vst v1;
	v1 =	vadd.s32 v0, v3;
	v3 =	vld [tilespmem:$0x70]  }
0x48: {  	[tilespmem:$0x20] =	vst v1;
	v1 =	vadd.s32 v0, v4  }
0x49: {  	[tilespmem:$0x30] =	vst v1;
	v1 =	vadd.s32 v0, v5  }
0x4a: {  	[tilespmem:$0x40] =	vst v1;
	v1 =	vadd.s32 v0, v6  }
0x4b: {  	[tilespmem:$0x50] =	vst v1;
	v1 =	vadd.s32 v0, v2  }
0x4c: {  	[tilespmem:$0x60] =	vst v1;
	v1 =	vadd.s32 v0, v3  }
0x4d: {  	[tilespmem:$0x70] =	vst v1  }
0x4e: {  	[tilespmem:s25], [sflag:$0x7] =	stream.indirect.gather [hbm4b:s4+s24], $0x80, s2, s24, $0xb8;
	[tilespmem:$0x1FB80] =	vst v63  }
0x4f: {  	s15 =	rddreg [dreg:$0x7]  }
0x50: {  	[tilespmem:s24], [sflag:$0xD] =	stream.linear.gather [hbm4b:s15+s2], $0x80, $0x38;
	[tilespmem:$0x1FB80] =	vst v63  }
0x51: {  	_ =	swait.ge [sflag:s23], $0x80  }
0x52: {  	[sflag:s23] =	ssyncset.done $0x0  }
0x53: {  	[sflag:s23] =	ssyncadd.s32 $0xFFFFFF80  }
0x54: {  	v1 =	vld [tilespmem:$0x80]  }
0x55: {  	v2 =	vld [tilespmem:$0x90]  }
0x56: {  	v3 =	vld [tilespmem:$0xA0]  }
0x57: {  	v61 =	vld [tilespmem:$0xB0]  }
0x58: {  	v62 =	vld [tilespmem:$0xC0]  }
0x59: {  	v63 =	vld [tilespmem:$0xD0];
	v1 =	vadd.s32 v0, v1  }
0x5a: {  	[tilespmem:$0x80] =	vst v1;
	v1 =	vadd.s32 v0, v2;
	v2 =	vld [tilespmem:$0xE0]  }
0x5b: {  	[tilespmem:$0x90] =	vst v1;
	v1 =	vadd.s32 v0, v3;
	v3 =	vld [tilespmem:$0xF0]  }
0x5c: {  	[tilespmem:$0xA0] =	vst v1;
	v1 =	vadd.s32 v0, v61  }
0x5d: {  	[tilespmem:$0xB0] =	vst v1;
	v1 =	vadd.s32 v0, v62  }
0x5e: {  	[tilespmem:$0xC0] =	vst v1;
	v1 =	vadd.s32 v0, v63  }
0x5f: {  	[tilespmem:$0xD0] =	vst v1;
	v1 =	vadd.s32 v0, v2  }
0x60: {  	[tilespmem:$0xE0] =	vst v1;
	v1 =	vadd.s32 v0, v3  }
0x61: {  	s11 =	simm.s32 $0x4300;
	[tilespmem:$0xF0] =	vst v1  }
0x62: {  	[tilespmem:s11], [sflag:$0x8] =	stream.indirect.gather [hbm4b:s4+s24], $0x80, s24, s24, $0xb8;
	[tilespmem:$0x1FB80] =	vst v63  }
0x63: {  	s12 =	rddreg [dreg:$0x8];
	s11 =	simm.s32 $0x100  }
0x64: {  	[tilespmem:s11], [sflag:$0x3] =	stream.linear.gather [hbm4b:s12+s2], $0x80, $0x38;
	[tilespmem:$0x1FB80] =	vst v63  }
0x65: {  	s13 =	rddreg [dreg:$0x9]  }
0x66: {  	[tilespmem:s29], [sflag:$0x4] =	stream.linear.gather [hbm4b:s13+s2], $0x80, $0x38;
	[tilespmem:$0x1FB80] =	vst v63  }
.Ltmp2:
0x67: {  	_ = 	snop;
	(pc) =	sbr.rel .LBB2_2-.Ltmp2, $4  }
0x68: {  	s15 =	simm.s32 $0x200;
	s14 =	rddreg [dreg:$0xa]  }
0x69: {  	[tilespmem:s15], [sflag:$0x5] =	stream.linear.gather [hbm4b:s14+s2], $0x80, $0x38;
	[tilespmem:$0x1FB80] =	vst v63  }
0x6a: {  	[bflag:$0x0] =	sbarrier.arrive $0xFFFF  }
0x6b: {  	s9 =	simm.s32 $0x0;
	s11 =	simm.s32 $0x0  }
.LBB2_4:
0x6c: {  	p1 =	sge.u32 s11, s18  }
0x6d: {  	s13 =	simm.s32 @!p1 $0x8;
	s14 =	sadd.s32 @!p1 $0x4, s11  }
0x6e: {  	_ =	swait.ge @!p1 [sflag:s13], $0x4000;
	p2 =	sge.u32 @!p1 s14, s5  }
0x6f: {  	[sflag:s13] =	ssyncset.done @!p1 $0x0;
	p2 =	por p2, p1  }
0x70: {  	[sflag:s13] =	ssyncadd.s32 @!p1 $0xFFFFC000;
	s13 =	sadd.s32 @!p2 s9, s21  }
0x71: {  	s14 =	simm.s32 @!p2 $0x0;
	s15 =	simm.s32 @!p2 $0x80;
	s13 =	sadd.s32 @!p2 $0x40, s13  }
0x72: {  	[tilespmem:s15], [sflag:$0x2] =	stream.linear.gather @!p2 [hbm4b:s13+s14], $0x80, $0x38;
	[tilespmem:$0x1FB80] =	vst v63  }
0x73: {  	s13 =	simm.s32 @!p1 $0x5  }
0x74: {  	_ =	swait.ge @!p1 [sflag:s13], $0x80  }
0x75: {  	s14 =	simm.s32 @!p1 $0x200;
	[sflag:s13] =	ssyncset.done @!p1 $0x0  }
0x76: {  	s15 =	simm.s32 @!p1 $0x4300;
	[sflag:s13] =	ssyncadd.s32 @!p1 $0xFFFFFF80;
	s13 =	simm.s32 @!p1 $0x80  }
0x77: {  	[spmem:s1] =	stream.indirect.scatter.add.f32 @!p1 [tilespmem:s15], [sflag:$0xB], $0x80, s14, s13, $0xb8;
	[tilespmem:$0x1FB80] =	vst v63  }
0x78: {  	s13 =	sadd.s32 @!p1 $0x3, s11  }
0x79: {  	p2 =	sge.u32 @!p1 s13, s5  }
0x7a: {  	p1 =	por p2, p1  }
0x7b: {  	s13 =	simm.s32 @!p1 $0xA  }
0x7c: {  	_ =	swait.ge @!p1 [sflag:s13], $0x4000  }
0x7d: {  	[sflag:s13] =	ssyncset.done @!p1 $0x0  }
0x7e: {  	[sflag:s13] =	ssyncadd.s32 @!p1 $0xFFFFC000;
	s13 =	simm.s32 @!p1 $0x1  }
0x7f: {  	_ =	swait.ge @!p1 [sflag:s13], $0x80  }
0x80: {  	[sflag:s13] =	ssyncset.done @!p1 $0x0  }
0x81: {  	[sflag:s13] =	ssyncadd.s32 @!p1 $0xFFFFFF80  }
0x82: {  	v1 =	vld @!p1 [tilespmem:$0x0]  }
0x83: {  	v2 =	vld @!p1 [tilespmem:$0x10]  }
0x84: {  	v3 =	vld @!p1 [tilespmem:$0x20]  }
0x85: {  	v4 =	vld @!p1 [tilespmem:$0x30]  }
0x86: {  	v5 =	vld @!p1 [tilespmem:$0x40]  }
0x87: {  	v6 =	vld @!p1 [tilespmem:$0x50];
	v1 =	vadd.s32 @!p1 v0, v1  }
0x88: {  	[tilespmem:$0x0] =	vst @!p1 v1;
	v1 =	vadd.s32 @!p1 v0, v2;
	v2 =	vld @!p1 [tilespmem:$0x60]  }
0x89: {  	[tilespmem:$0x10] =	vst @!p1 v1;
	v1 =	vadd.s32 @!p1 v0, v3;
	v3 =	vld @!p1 [tilespmem:$0x70]  }
0x8a: {  	[tilespmem:$0x20] =	vst @!p1 v1;
	v1 =	vadd.s32 @!p1 v0, v4  }
0x8b: {  	[tilespmem:$0x30] =	vst @!p1 v1;
	v1 =	vadd.s32 @!p1 v0, v5  }
0x8c: {  	[tilespmem:$0x40] =	vst @!p1 v1;
	v1 =	vadd.s32 @!p1 v0, v6  }
0x8d: {  	[tilespmem:$0x50] =	vst @!p1 v1;
	v1 =	vadd.s32 @!p1 v0, v2  }
0x8e: {  	[tilespmem:$0x60] =	vst @!p1 v1;
	v1 =	vadd.s32 @!p1 v0, v3  }
0x8f: {  	s14 =	simm.s32 @!p1 $0x0;
	s15 =	simm.s32 @!p1 $0x300;
	s13 =	simm.s32 @!p1 $0x80;
	[tilespmem:$0x70] =	vst @!p1 v1  }
0x90: {  	[tilespmem:s15], [sflag:$0x7] =	stream.indirect.gather @!p1 [hbm4b:s4+s13], $0x80, s14, s13, $0xb8;
	[tilespmem:$0x1FB80] =	vst v63  }
0x91: {  	s13 =	sadd.s32 @!p1 s9, s22  }
0x92: {  	s15 =	simm.s32 @!p1 $0x180;
	s13 =	sadd.s32 @!p1 $0x30, s13  }
0x93: {  	[tilespmem:s15], [sflag:$0x4] =	stream.linear.gather @!p1 [hbm4b:s13+s14], $0x80, $0x38;
	[tilespmem:$0x1FB80] =	vst v63  }
0x94: {  	p1 =	sge.u32 s11, s19  }
0x95: {  	s13 =	simm.s32 @!p1 $0x9;
	s14 =	sadd.s32 @!p1 $0x5, s11  }
0x96: {  	_ =	swait.ge @!p1 [sflag:s13], $0x4000;
	p2 =	sge.u32 @!p1 s14, s5  }
0x97: {  	[sflag:s13] =	ssyncset.done @!p1 $0x0;
	p2 =	por p2, p1  }
0x98: {  	[sflag:s13] =	ssyncadd.s32 @!p1 $0xFFFFC000;
	s13 =	sadd.s32 @!p2 s9, s21  }
0x99: {  	s14 =	simm.s32 @!p2 $0x0;
	s15 =	simm.s32 @!p2 $0x100;
	s13 =	sadd.s32 @!p2 $0x50, s13  }
0x9a: {  	[tilespmem:s15], [sflag:$0x3] =	stream.linear.gather @!p2 [hbm4b:s13+s14], $0x80, $0x38;
	[tilespmem:$0x1FB80] =	vst v63  }
0x9b: {  	s13 =	simm.s32 @!p1 $0x6  }
0x9c: {  	s11 =	sadd.s32 @!p1 $0x4, s11;
	_ =	swait.ge @!p1 [sflag:s13], $0x80  }
0x9d: {  	s14 =	simm.s32 @!p1 $0x280;
	s15 =	simm.s32 @!p1 $0x8300;
	[sflag:s13] =	ssyncset.done @!p1 $0x0  }
0x9e: {  	p2 =	sge.u32 @!p1 s11, s5;
	[sflag:s13] =	ssyncadd.s32 @!p1 $0xFFFFFF80;
	s13 =	simm.s32 @!p1 $0x80  }
0x9f: {  	[spmem:s1] =	stream.indirect.scatter.add.f32 @!p1 [tilespmem:s15], [sflag:$0xC], $0x80, s14, s13, $0xb8;
	[tilespmem:$0x1FB80] =	vst v63  }
0xa0: {  	p1 =	por p2, p1  }
0xa1: {  	s11 =	simm.s32 @!p1 $0xB  }
0xa2: {  	_ =	swait.ge @!p1 [sflag:s11], $0x4000  }
0xa3: {  	[sflag:s11] =	ssyncset.done @!p1 $0x0  }
0xa4: {  	[sflag:s11] =	ssyncadd.s32 @!p1 $0xFFFFC000;
	s11 =	simm.s32 @!p1 $0x2  }
0xa5: {  	_ =	swait.ge @!p1 [sflag:s11], $0x80  }
0xa6: {  	[sflag:s11] =	ssyncset.done @!p1 $0x0  }
0xa7: {  	[sflag:s11] =	ssyncadd.s32 @!p1 $0xFFFFFF80  }
0xa8: {  	v1 =	vld @!p1 [tilespmem:$0x80]  }
0xa9: {  	v2 =	vld @!p1 [tilespmem:$0x90]  }
0xaa: {  	v3 =	vld @!p1 [tilespmem:$0xA0]  }
0xab: {  	v4 =	vld @!p1 [tilespmem:$0xB0]  }
0xac: {  	v5 =	vld @!p1 [tilespmem:$0xC0]  }
0xad: {  	v6 =	vld @!p1 [tilespmem:$0xD0];
	v1 =	vadd.s32 @!p1 v0, v1  }
0xae: {  	[tilespmem:$0x80] =	vst @!p1 v1;
	v1 =	vadd.s32 @!p1 v0, v2;
	v2 =	vld @!p1 [tilespmem:$0xE0]  }
0xaf: {  	[tilespmem:$0x90] =	vst @!p1 v1;
	v1 =	vadd.s32 @!p1 v0, v3;
	v3 =	vld @!p1 [tilespmem:$0xF0]  }
0xb0: {  	[tilespmem:$0xA0] =	vst @!p1 v1;
	v1 =	vadd.s32 @!p1 v0, v4  }
0xb1: {  	[tilespmem:$0xB0] =	vst @!p1 v1;
	v1 =	vadd.s32 @!p1 v0, v5  }
0xb2: {  	[tilespmem:$0xC0] =	vst @!p1 v1;
	v1 =	vadd.s32 @!p1 v0, v6  }
0xb3: {  	[tilespmem:$0xD0] =	vst @!p1 v1;
	v1 =	vadd.s32 @!p1 v0, v2  }
0xb4: {  	[tilespmem:$0xE0] =	vst @!p1 v1;
	v1 =	vadd.s32 @!p1 v0, v3  }
0xb5: {  	s13 =	simm.s32 @!p1 $0x4300;
	s11 =	simm.s32 @!p1 $0x80;
	[tilespmem:$0xF0] =	vst @!p1 v1  }
0xb6: {  	[tilespmem:s13], [sflag:$0x8] =	stream.indirect.gather @!p1 [hbm4b:s4+s11], $0x80, s11, s11, $0xb8;
	[tilespmem:$0x1FB80] =	vst v63  }
0xb7: {  	s14 =	simm.s32 @!p1 $0x200;
	s11 =	sadd.s32 @!p1 s9, s22  }
0xb8: {  	s13 =	simm.s32 @!p1 $0x0;
	s9 =	sadd.s32 $0x30, s9;
	s11 =	sadd.s32 @!p1 $0x40, s11  }
0xb9: {  	[tilespmem:s14], [sflag:$0x5] =	stream.linear.gather @!p1 [hbm4b:s11+s13], $0x80, $0x38;
	[tilespmem:$0x1FB80] =	vst v63  }
0xba: {  	p1 =	sne.s32 s20, s9  }
.Ltmp3:
0xbb: {  	_ = 	snop;
	(pc) =	sbr.rel @!p1 .LBB2_5-.Ltmp3, $2  }
0xbc: {  	_ =	sdelay $0x2  }
0xbd: {  	s11 =	smov.u32 s12  }
.LBB2_2:
0xbe: {  	p1 =	sge.u32 s11, s5  }
.Ltmp4:
0xbf: {  	_ = 	snop;
	(pc) =	sbr.rel @p1 .LBB2_4-.Ltmp4, $2  }
0xc0: {  	_ =	sdelay $0x2  }
0xc1: {  	s12 =	sadd.s32 $0x3, s11  }
0xc2: {  	s13 =	sadd.s32 $0x3, s11  }
0xc3: {  	_ =	swait.ge [sflag:s31], $0x4000;
	p1 =	sge.u32 s13, s5  }
0xc4: {  	s15 =	sadd.s32 $0x2, s11;
	[sflag:s31] =	ssyncset.done $0x0;
	s13 =	sadd.s32 @!p1 s9, s21  }
0xc5: {  	[sflag:s31] =	ssyncadd.s32 $0xFFFFC000;
	s14 =	simm.s32 @!p1 $0x0;
	s13 =	sadd.s32 @!p1 $0x30, s13  }
0xc6: {  	[tilespmem:s14], [sflag:$0x1] =	stream.linear.gather @!p1 [hbm4b:s13+s14], $0x80, $0x38;
	[tilespmem:$0x1FB80] =	vst v63  }
0xc7: {  	p1 =	sge.u32 s15, s5  }
0xc8: {  	_ =	swait.ge [sflag:s0], $0x80;
	p2 =	seq.s32 @!p1 s9, $0x0  }
0xc9: {  	[sflag:s0] =	ssyncset.done $0x0;
	p2 =	por p2, p1  }
0xca: {  	[sflag:s0] =	ssyncadd.s32 $0xFFFFFF80;
	s13 =	simm.s32 @!p2 $0xC  }
0xcb: {  	[spmem:s1] =	stream.indirect.scatter.add.f32 [tilespmem:s25], [sflag:$0xA], $0x80, s29, s24, $0xb8;
	[tilespmem:$0x1FB80] =	vst v63  }
0xcc: {  	_ =	swait.ge @!p2 [sflag:s13], $0x4000  }
0xcd: {  	[sflag:s13] =	ssyncset.done @!p2 $0x0  }
0xce: {  	[sflag:s13] =	ssyncadd.s32 @!p2 $0xFFFFC000;
	s13 =	simm.s32 @!p1 $0x3  }
0xcf: {  	_ =	swait.ge @!p1 [sflag:s13], $0x80  }
0xd0: {  	[sflag:s13] =	ssyncset.done @!p1 $0x0  }
0xd1: {  	[sflag:s13] =	ssyncadd.s32 @!p1 $0xFFFFFF80  }
0xd2: {  	v1 =	vld @!p1 [tilespmem:$0x100]  }
0xd3: {  	v2 =	vld @!p1 [tilespmem:$0x110]  }
0xd4: {  	v3 =	vld @!p1 [tilespmem:$0x120]  }
0xd5: {  	v4 =	vld @!p1 [tilespmem:$0x130]  }
0xd6: {  	v5 =	vld @!p1 [tilespmem:$0x140]  }
0xd7: {  	v6 =	vld @!p1 [tilespmem:$0x150];
	v1 =	vadd.s32 @!p1 v0, v1  }
0xd8: {  	[tilespmem:$0x100] =	vst @!p1 v1;
	v1 =	vadd.s32 @!p1 v0, v2;
	v2 =	vld @!p1 [tilespmem:$0x160]  }
0xd9: {  	[tilespmem:$0x110] =	vst @!p1 v1;
	v1 =	vadd.s32 @!p1 v0, v3;
	v3 =	vld @!p1 [tilespmem:$0x170]  }
0xda: {  	[tilespmem:$0x120] =	vst @!p1 v1;
	v1 =	vadd.s32 @!p1 v0, v4  }
0xdb: {  	[tilespmem:$0x130] =	vst @!p1 v1;
	v1 =	vadd.s32 @!p1 v0, v5  }
0xdc: {  	[tilespmem:$0x140] =	vst @!p1 v1;
	v1 =	vadd.s32 @!p1 v0, v6  }
0xdd: {  	[tilespmem:$0x150] =	vst @!p1 v1;
	v1 =	vadd.s32 @!p1 v0, v2  }
0xde: {  	s14 =	simm.s32 @!p1 $0x100;
	[tilespmem:$0x160] =	vst @!p1 v1;
	v1 =	vadd.s32 @!p1 v0, v3  }
.Ltmp5:
0xdf: {  	s15 =	simm.s32 @!p1 $0x8300;
	s13 =	simm.s32 @!p1 $0x80;
	[tilespmem:$0x170] =	vst @!p1 v1;
	(pc) =	sbr.rel .LBB2_4-.Ltmp5, $4  }
0xe0: {  	[tilespmem:s15], [sflag:$0x9] =	stream.indirect.gather @!p1 [hbm4b:s4+s13], $0x80, s14, s13, $0xb8;
	[tilespmem:$0x1FB80] =	vst v63  }
0xe1: {  	s13 =	sadd.s32 @!p1 s9, s22  }
0xe2: {  	s14 =	simm.s32 @!p1 $0x0;
	s15 =	simm.s32 @!p1 $0x280;
	s13 =	sadd.s32 @!p1 $0x20, s13  }
0xe3: {  	[tilespmem:s15], [sflag:$0x6] =	stream.linear.gather @!p1 [hbm4b:s13+s14], $0x80, $0x38;
	[tilespmem:$0x1FB80] =	vst v63  }
.LBB2_6:
0xe4: {  	_ =	sfence.sel $0x180000  }
0xe5: {  	[bflag:$0x0] =	sbarrier.arrive $0xFFFF  }
0xe6: {  	_ =	strace $0x9000004A  }
0xe7: {  	s0 =	stileid.u32;
	[bflag:$0x2] =	sbarrier.arrive $0xFFFF  }
0xe8: {  	p0 =	sne.s32 s0, $0x0;
	s0 =	rddreg [dreg:$0x2]  }
0xe9: {  	s0 =	sadd.s32 @!p0 $0x100000, s0  }
0xea: {  	[sflag:s0] =	ssyncadd.tile.s32 @!p0 $0x1;
	_ =	shalt  }
.Lfunc_end2:
_tile_overlayer_lowered:
.L_overlay_start_2:
0xeb: {  	(tag) =	ssettag $0x2  }
0xec: {  	s0 =	rddreg [dreg:$0x0];
	s2 =	stileid.u32  }
0xed: {  	s1 =	rddreg [dreg:$0x1];
	p0 =	sne.s32 s2, $0x0  }
0xee: {  	s3 =	rddreg [dreg:$0x2];
	[bflag:$0x3] =	sbarrier.arrive $0xFFFF;
	s2 =	simm.s32 @!p0 $0x1C0D  }
0xef: {  	[timem:s3], [sflag:s2] =	dma.local @!p0 [hbm:s0], s1  }
0xf0: {  	s0 =	simm.s32 @!p0 $0xD  }
0xf1: {  	_ =	swait.ge @!p0 [sflag:s0], s1  }
0xf2: {  	s1 =	ssub.s32 @!p0 $0x0, s1;
	[sflag:s0] =	ssyncset.done @!p0 $0x0  }
0xf3: {  	[sflag:s0] =	ssyncadd.s32 @!p0 s1  }
0xf4: {  	[bflag:$0x3] =	sbarrier.arrive $0xFFFF  }
0xf5: {  	_ =	shalt  }

// kernel: kernel.14.cloned.1.call-start
scs
__scs_entry_jumppad:
0x0: {  	(pc) =	sbr.rel $0x88, $3  }
0x1: {  	(tag) =	ssettag $0x0;
	lr =	simm.s32 $0x1  }
0x2: {  	[smem:$0x3F99] =	sst lr;
	_ =	strace $0xD0000000  }
0x3: {  	_ = 	snop  }
0x4: {  	_ = 	snop  }
0x5: {  	_ = 	snop  }
0x6: {  	_ = 	snop  }
0x7: {  	_ = 	snop  }
__scs_overlays_trampoline_lowered:
0x8: {  	[smem:$0x3FA8] =	sst s0  }
0x9: {  	[smem:$0x3FA9] =	sst s1  }
0xa: {  	[smem:$0x3FAA] =	sst s2  }
0xb: {  	[smem:$0x3FAB] =	sst s3  }
0xc: {  	[smem:$0x3FAC] =	sst s4  }
0xd: {  	[smem:$0x3FAD] =	sst s5  }
0xe: {  	[smem:$0x3FAE] =	sst s6  }
0xf: {  	[smem:$0x3FAF] =	sst s7  }
0x10: {  	[smem:$0x3FB0] =	sst s8  }
0x11: {  	[smem:$0x3FB1] =	sst s9;
	s0 =	simm.s32 @!p0 $0x0  }
0x12: {  	s1 =	sld [smem:$0x3F97];
	s0 =	simm.s32 @p0 $0x1  }
0x13: {  	[smem:$0x3FB2] =	sst s0;
	s0 =	simm.s32 @!p1 $0x0  }
0x14: {  	s2 =	sld [smem:$0x3F96];
	s0 =	simm.s32 @p1 $0x1  }
0x15: {  	[smem:$0x3FB3] =	sst s0;
	s0 =	simm.s32 @!p2 $0x0  }
0x16: {  	s3 =	sld [smem:$0x3FDB];
	s0 =	simm.s32 @p2 $0x1  }
0x17: {  	s4 =	simm.s32 $0x1BF5;
	[smem:$0x3FB5] =	sst s0  }
0x18: {  	s0 =	sld [smem:$0x3F98];
	_ =	swait.ge [sflag:s4], $0x0  }
0x19: {  	s7 =	sld [smem:$0x3F99]  }
0x1a: {  	s8 =	sadd.s32 $0xFFFFE003, lr  }
0x1b: {  	s9 =	sadd.s32 $0xFFFFFEF7, lr;
	s5 =	simm.s32 $0xFFFFFFFF;
	p2 =	slt.u32 s8, $0xFFFFF086  }
0x1c: {  	p1 =	slt.u32 s9, $0xF7A;
	s5 =	simm.s32 @!p2 $0x0  }
0x1d: {  	s5 =	simm.s32 @p1 $0x1;
	p0 =	seq.s32 s7, s2  }
0x1e: {  	s7 =	smul.u32 @!p0 $0xF7A, s2;
	p2 =	seq.s32 @!p0 s5, $0x0  }
0x1f: {  	s9 =	smul.u32 $0xF7A, s1;
	s8 =	simm.s32 @!p0 $0x1BF5;
	p2 =	por !p2, p0  }
0x20: {  	[sflag:s8] =	ssyncset.s32 @!p0 $0xFFFFF086;
	s6 =	sadd.s32 @!p0 s3, s7;
	s7 =	simm.s32 @!p0 $0x108  }
0x21: {  	s3 =	sadd.s32 s3, s9;
	s6 =	sadd.s32 @!p0 $0x88, s6;
	s7 =	simm.s32 @p2 $0x1082  }
0x22: {  	[simem:s7], [sflag:s8] =	dma.local @!p0 [hbm:s6], $0xF7A  }
0x23: {  	s9 =	sor.u32 $0xD0000000, s2;
	s6 =	simm.s32 $0x108;
	_ =	swait.ge @!p0 [sflag:s8], $0x0  }
0x24: {  	s3 =	sadd.s32 $0x88, s3;
	s6 =	simm.s32 @!p1 $0x1082;
	[sflag:s4] =	ssyncset.s32 $0xFFFFF086  }
0x25: {  	[simem:s6], [sflag:s4] =	dma.local [hbm:s3], $0xF7A  }
0x26: {  	[smem:$0x3F99] =	sst s1;
	(tag) =	ssettag s2;
	_ =	strace s9  }
0x27: {  	s1 =	sld [smem:$0x3FA9]  }
0x28: {  	s2 =	sld [smem:$0x3FAA]  }
0x29: {  	s4 =	sld [smem:$0x3FAC]  }
0x2a: {  	p0 =	seq.s32 s5, $0x0;
	s5 =	sld [smem:$0x3FAD]  }
0x2b: {  	s6 =	sld [smem:$0x3FAE]  }
0x2c: {  	s7 =	sld [smem:$0x3FAF]  }
0x2d: {  	s3 =	simm.s32 $0x108;
	s8 =	sld [smem:$0x3FB0]  }
0x2e: {  	s3 =	simm.s32 @!p0 $0x1082;
	s9 =	sld [smem:$0x3FB1]  }
0x2f: {  	lr =	sadd.s32 s0, s3;
	s0 =	sld [smem:$0x3FA8]  }
0x30: {  	s3 =	sld [smem:$0x3FAB]  }
0x31: {  	[smem:$0x3FB4] =	sst s10  }
0x32: {  	s10 =	sld [smem:$0x3FB2];
	_ =	sdelay $0x3  }
0x33: {  	p0 =	seq.s32 s10, $0x1;
	s10 =	sld [smem:$0x3FB4];
	_ =	sdelay $0x3  }
0x34: {  	[smem:$0x3FB4] =	sst s10  }
0x35: {  	s10 =	sld [smem:$0x3FB3];
	_ =	sdelay $0x3  }
0x36: {  	p1 =	seq.s32 s10, $0x1;
	s10 =	sld [smem:$0x3FB4];
	_ =	sdelay $0x3  }
0x37: {  	[smem:$0x3FB4] =	sst s10  }
0x38: {  	s10 =	sld [smem:$0x3FB5]  }
0x39: {  	_ = 	snop;
	(pc) =	sbr.ind lr, $3  }
0x3a: {  	_ = 	snop  }
0x3b: {  	_ = 	snop  }
0x3c: {  	p2 =	seq.s32 s10, $0x1;
	s10 =	sld [smem:$0x3FB4]  }
0x3d: {  	_ =	shalt  }
0x3e: {  	_ =	shalt  }
0x3f: {  	_ =	shalt  }
0x40: {  	_ =	shalt  }
0x41: {  	_ =	shalt  }
0x42: {  	_ =	shalt  }
0x43: {  	_ =	shalt  }
0x44: {  	_ =	shalt  }
0x45: {  	_ =	shalt  }
0x46: {  	_ =	shalt  }
0x47: {  	_ =	shalt  }
0x48: {  	_ =	shalt  }
0x49: {  	_ =	shalt  }
0x4a: {  	_ =	shalt  }
0x4b: {  	_ =	shalt  }
0x4c: {  	_ =	shalt  }
0x4d: {  	_ =	shalt  }
0x4e: {  	_ =	shalt  }
0x4f: {  	_ =	shalt  }
0x50: {  	_ =	shalt  }
0x51: {  	_ =	shalt  }
0x52: {  	_ =	shalt  }
0x53: {  	_ =	shalt  }
0x54: {  	_ =	shalt  }
0x55: {  	_ =	shalt  }
0x56: {  	_ =	shalt  }
0x57: {  	_ =	shalt  }
0x58: {  	_ =	shalt  }
0x59: {  	_ =	shalt  }
0x5a: {  	_ =	shalt  }
0x5b: {  	_ =	shalt  }
0x5c: {  	_ =	shalt  }
0x5d: {  	_ =	shalt  }
0x5e: {  	_ =	shalt  }
0x5f: {  	_ =	shalt  }
0x60: {  	_ =	shalt  }
0x61: {  	_ =	shalt  }
0x62: {  	_ =	shalt  }
0x63: {  	_ =	shalt  }
0x64: {  	_ =	shalt  }
0x65: {  	_ =	shalt  }
0x66: {  	_ =	shalt  }
0x67: {  	_ =	shalt  }
0x68: {  	_ =	shalt  }
0x69: {  	_ =	shalt  }
0x6a: {  	_ =	shalt  }
0x6b: {  	_ =	shalt  }
0x6c: {  	_ =	shalt  }
0x6d: {  	_ =	shalt  }
0x6e: {  	_ =	shalt  }
0x6f: {  	_ =	shalt  }
0x70: {  	_ =	shalt  }
0x71: {  	_ =	shalt  }
0x72: {  	_ =	shalt  }
0x73: {  	_ =	shalt  }
0x74: {  	_ =	shalt  }
0x75: {  	_ =	shalt  }
0x76: {  	_ =	shalt  }
0x77: {  	_ =	shalt  }
0x78: {  	_ =	shalt  }
0x79: {  	_ =	shalt  }
0x7a: {  	_ =	shalt  }
0x7b: {  	_ =	shalt  }
0x7c: {  	_ =	shalt  }
0x7d: {  	_ =	shalt  }
0x7e: {  	_ =	shalt  }
0x7f: {  	_ =	shalt  }
0x80: {  	_ =	shalt  }
0x81: {  	_ =	shalt  }
0x82: {  	_ =	shalt  }
0x83: {  	_ =	shalt  }
0x84: {  	_ =	shalt  }
0x85: {  	_ =	shalt  }
0x86: {  	_ =	shalt  }
0x87: {  	_ =	shalt  }
.Lfunc_end0:
.L_simem_size_0:
called_computation.2_lowered:
.L_overlay_start_0:
0x88: {  	s2 =	sld [smem:$0x3FD9]  }
0x89: {  	s3 =	sld [smem:$0x3FFE];
	_ =	sdelay $0x1  }
0x8a: {  	s1 =	srdreg.scid  }
0x8b: {  	s0 =	sand.u32 $0x1, s1  }
0x8c: {  	s16 =	sshll.u32 s0, $0xA;
	s2 =	sadd.s32 s3, s2  }
0x8d: {  	s2 =	sadd.s32 s2, s16  }
0x8e: {  	[smem:$0x3FC0] =	sst s2  }
0x8f: {  	_ = 	snop  }
0x90: {  	(tm) =	ssettm $0x1  }
0x91: {  	s17 =	sld [smem:$0x3FFB];
	_ =	sdelay $0x3  }
0x92: {  	_ =	strace s17  }
0x93: {  	s2 =	sld [smem:$0x3FFC];
	_ =	sdelay $0x3  }
0x94: {  	_ =	strace s2  }
0x95: {  	s2 =	sld [smem:$0x3FFD];
	_ =	sdelay $0x3  }
0x96: {  	_ =	strace s2  }
0x97: {  	_ =	strace $0x8FFFFFFF  }
0x98: {  	s18 =	sld [smem:$0x3FDB];
	_ =	sdelay $0x1  }
0x99: {  	s19 =	simm.s32 $_scs_section_size  }
0x9a: {  	s4 =	simm.s32 $_size__tile_overlayer_lowered;
	s5 =	simm.s32 $_tile_overlayer_lowered  }
0x9b: {  	s22 =	simm.s32 $0x1BFF;
	s21 =	sshll.u32 s5, $0x1;
	s2 =	sadd.s32 s19, s18  }
0x9c: {  	s6 =	simm.s32 $0x0;
	s20 =	sshll.u32 s4, $0x1;
	s4 =	sadd.s32 s21, s2  }
0x9d: {  	[timem:s6], [sflag:s22] =	dma.local [hbm:s4], s20  }
0x9e: {  	_ =	swait.ge [sflag:s22], s20  }
0x9f: {  	s3 =	ssub.s32 $0x0, s20;
	[sflag:s22] =	ssyncset.done $0x0  }
0xa0: {  	[sflag:s22] =	ssyncadd.s32 s3;
	_ =	sdelay $0x1  }
0xa1: {  	s23 =	simm.s32 $0x1B8B  }
0xa2: {  	_ =	swait.ge [sflag:s23], $0x1  }
0xa3: {  	[sflag:s23] =	ssyncset.done $0x0  }
0xa4: {  	s25 =	simm.s32 $0x1B8E;
	s24 =	sld [smem:$0x3FFE];
	[sflag:s23] =	ssyncadd.s32 $0xFFFFFFFF  }
0xa5: {  	s26 =	simm.s32 $execute0_lowered;
	[smem:$0x3FD2] =	sst s25  }
0xa6: {  	s4 =	sshll.u32 s26, $0x1;
	_ =	strace $0x8000004C;
	[dreg:$0x1] =	wrdreg $0xFFFFFFFF  }
0xa7: {  	s28 =	simm.s32 $_size_execute0_lowered;
	s2 =	sadd.s32 s2, s4;
	[dreg:$0x0] =	wrdreg $0x0  }
0xa8: {  	s4 =	sshll.u32 s28, $0x1;
	[dreg:$0x2] =	wrdreg s2  }
0xa9: {  	[dreg:$0x3] =	wrdreg s4  }
0xaa: {  	[dreg:$0x4] =	wrdreg $0xC0  }
0xab: {  	_ =	task [dreg:s6], $0x5FFFF  }
0xac: {  	[dreg:$0x1] =	wrdreg $0xFFFFFFFF  }
0xad: {  	[dreg:$0x0] =	wrdreg $0x60  }
0xae: {  	[dreg:$0x2] =	wrdreg s24  }
0xaf: {  	[dreg:$0x3] =	wrdreg $0xC3000  }
0xb0: {  	[dreg:$0x4] =	wrdreg $0x9  }
0xb1: {  	_ =	task.clear_ibuf [dreg:s6], $0x5FFFF;
	_ =	strace $0x9000004C  }
0xb2: {  	s29 =	simm.s32 $0x9;
	_ =	strace $0x8000004E  }
0xb3: {  	_ =	swait.ge [sflag:s29], $0x1  }
0xb4: {  	[sflag:s29] =	ssyncadd.s32 $0xFFFFFFFF  }
0xb5: {  	_ =	strace $0x9000004E  }
0xb6: {  	_ =	sfence  }
0xb7: {  	s30 =	sld [smem:$0x0];
	_ =	sdelay $0x2  }
0xb8: {  	s31 =	sshll.u32 s1, $0xD;
	s1 =	sshrl.u32 s1, $0x2  }
0xb9: {  	s3 =	sand.u32 $0x4000, s31;
	s1 =	sadd.s32 s1, s30  }
0xba: {  	s0 =	sor.u32 s3, s0;
	s1 =	sshll.u32 s1, $0x11  }
0xbb: {  	s0 =	sor.u32 s1, s0  }
0xbc: {  	s0 =	sadd.s32 $0x8F2B, s0  }
0xbd: {  	[sflag:s0] =	ssyncadd.remote.s32 $0x1  }
0xbe: {  	_ =	sfence.sel $0xFFFF  }
0xbf: {  	[dreg:$0x0] =	wrdreg $0xFFFFFFFF;
	(pc) =	sbr.abs _section_cstart, $3  }
0xc0: {  	[dreg:$0x1] =	wrdreg $0xFFFFFFFF  }
0xc1: {  	_ =	task.clear_ibuf [dreg:s6], $0x2FFFF;
	_ =	strace $0x9FFFFFFF  }
0xc2: {  	(tm) =	ssettm $0x7FFFFFFF  }
0xc3: {  	_ =	shalt  }
tec
execute0_lowered:
.L_overlay_start_1:
0x0: {  	(tag) =	ssettag $0x1  }
0x1: {  	s0 =	rddreg [dreg:$0x0]  }
0x2: {  	s1 =	rddreg [dreg:$0x1]  }
0x3: {  	s2 =	simm.s32 $0x0;
	s3 =	srdreg.scid;
	s19 =	stileid.u32  }
0x4: {  	s28 =	simm.s32 $0xD;
	s29 =	simm.s32 $0x80;
	s30 =	simm.s32 $0x300  }
0x5: {  	[smem:$0x7FF] =	sst s2;
	s6 =	sadd.s32 $0x6200, s0;
	s9 =	smul.u32 $0x50000, s19  }
0x6: {  	s7 =	sadd.s32 $0x1200, s0;
	s3 =	sand.u32 $0x1, s3;
	s15 =	smul.u32 $0x280, s19  }
0x7: {  	s4 =	sadd.s32 $0xB200, s0;
	s0 =	sadd.s32 $0xA7600, s0;
	s10 =	smul.u32 $0x2800, s19  }
0x8: {  	p0 =	seq.s32 s19, $0xF;
	s17 =	sadd.s32 $0x12C000, s1;
	s19 =	smul.u32 $0x500, s19  }
0x9: {  	_ =	strace $0x8000004D;
	s5 =	ssub.s32 $0x2, s3;
	s14 =	smul.u32 $0x2710, s3  }
0xa: {  	s3 =	smul.u32 $0x138800, s3;
	[dreg:$0x5] =	wrdreg s17;
	s8 =	sshrl.u32 s5, $0x1  }
0xb: {  	s9 =	sshrl.u32 s9, $0x2;
	s12 =	sshrl.u32 s10, $0x3;
	s8 =	ssub.s32 s5, s8  }
0xc: {  	s5 =	simm.s32 $0x32;
	s11 =	sadd.s32 s15, s14;
	s3 =	sshrl.u32 s3, $0x3  }
0xd: {  	s9 =	sadd.s32 s9, s1;
	s10 =	sadd.s32 s6, s12;
	s13 =	sor.u32 $0x10, s12  }
0xe: {  	s21 =	sadd.s32 s7, s12;
	s5 =	simm.s32 @!p0 $0x50;
	s16 =	sshll.u32 s11, $0x4  }
0xf: {  	[dreg:$0x3] =	wrdreg s9;
	s31 =	sadd.s32 $0x25800, s3;
	s20 =	sadd.s32 s6, s13  }
0x10: {  	[dreg:$0x8] =	wrdreg s21;
	s13 =	sadd.s32 s7, s13;
	s3 =	sadd.s32 $0x73A00, s3  }
0x11: {  	s9 =	simm.s32 $0xC;
	s26 =	sadd.s32 s4, s16;
	[dreg:$0x7] =	wrdreg s20  }
0x12: {  	s18 =	sadd.s32 s4, s31;
	s17 =	smul.u32 $0x56, s5;
	[dreg:$0x4] =	wrdreg s26  }
0x13: {  	s22 =	sadd.s32 s0, s16;
	s16 =	sadd.s32 s19, s7;
	[dreg:$0x6] =	wrdreg s18  }
0x14: {  	s24 =	sadd.s32 s0, s31;
	s31 =	smax.u32 s8, $0x1;
	[dreg:$0x9] =	wrdreg s22  }
0x15: {  	s7 =	simm.s32 $0x7;
	s8 =	simm.s32 $0x4;
	[dreg:$0xb] =	wrdreg s24  }
0x16: {  	s18 =	sadd.s32 $0x4E20, s14;
	s26 =	sadd.s32 s4, s3;
	[dreg:$0xf] =	wrdreg s31  }
0x17: {  	v0 =	vmov s14;
	s24 =	sadd.s32 $0x20, s10;
	s14 =	simm.s32 $0xA;
	s15 =	sadd.s32 s15, s18  }
0x18: {  	s17 =	sadd.s32 $0xAC, s17;
	[dreg:$0xe] =	wrdreg s26;
	s20 =	sshll.u32 s15, $0x4  }
.Ltmp0:
0x19: {  	s26 =	sadd.s32 $0xFFFFFFFE, s5;
	s23 =	sadd.s32 s4, s20;
	(pc) =	sbr.rel .LBB2_1-.Ltmp0, $4  }
0x1a: {  	v1 =	vmov s18;
	s18 =	simm.s32 $0x0;
	s25 =	sadd.s32 s0, s20;
	[dreg:$0xa] =	wrdreg s23  }
0x1b: {  	s17 =	sshrl.u32 s17, $0x8;
	s0 =	sadd.s32 s0, s3;
	[dreg:$0xc] =	wrdreg s25  }
0x1c: {  	s15 =	sadd.s32 s19, s6;
	s3 =	simm.s32 $0x180;
	[dreg:$0xd] =	wrdreg s0  }
0x1d: {  	s23 =	smul.u32 $0x30, s17;
	s25 =	sadd.s32 $0xFFFFFFFF, s5;
	s17 =	simm.s32 $0xB  }
.LBB2_9:
0x1e: {  	_ =	swait.ge [sflag:s9], $0x4000  }
0x1f: {  	[sflag:s9] =	ssyncset.done $0x0  }
0x20: {  	[sflag:s9] =	ssyncadd.s32 $0xFFFFC000  }
0x21: {  	_ =	swait.ge [sflag:s14], $0x4000  }
0x22: {  	[sflag:s14] =	ssyncset.done $0x0  }
0x23: {  	[sflag:s14] =	ssyncadd.s32 $0xFFFFC000  }
0x24: {  	_ =	swait.ge [sflag:s17], $0x4000  }
0x25: {  	[sflag:s17] =	ssyncset.done $0x0  }
0x26: {  	[sflag:s17] =	ssyncadd.s32 $0xFFFFC000  }
0x27: {  	[bflag:$0x0] =	sbarrier.arrive $0xFFFF  }
0x28: {  	s0 =	simm.s32 @p0 $0x1FCD;
	s6 =	rddreg [dreg:$0xd]  }
0x29: {  	[hbm:s6], [sflag:s0] =	dma.local @p0 [spmem:s19], $0x1900  }
0x2a: {  	s0 =	simm.s32 @p0 $0xD  }
0x2b: {  	_ =	swait.ge @p0 [sflag:s0], $0x1900  }
0x2c: {  	[sflag:s0] =	ssyncset.done @p0 $0x0  }
0x2d: {  	[sflag:s0] =	ssyncadd.s32 @p0 $0xFFFFE700;
	s0 =	rddreg [dreg:$0xc]  }
0x2e: {  	[hbm:s0], [sflag:s20] =	dma.local @!p0 [spmem:s31], $0x2800  }
0x2f: {  	s0 =	simm.s32 @!p0 $0xD  }
0x30: {  	_ =	swait.ge @!p0 [sflag:s0], $0x2800  }
0x31: {  	s18 =	sadd.s32 $0x1, s18;
	s31 =	rddreg [dreg:$0xf]  }
0x32: {  	p1 =	sne.s32 s18, s31  }
.Ltmp1:
0x33: {  	_ = 	snop;
	(pc) =	sbr.rel @!p1 .LBB2_10-.Ltmp1, $3  }
0x34: {  	[sflag:s0] =	ssyncset.done @!p0 $0x0  }
0x35: {  	[sflag:s0] =	ssyncadd.s32 @!p0 $0xFFFFD800  }
0x36: {  	[bflag:$0x0] =	sbarrier.arrive $0xFFFF;
	_ =	sdelay $0x1  }
.LBB2_1:
0x37: {  	s0 =	rddreg [dreg:$0x5]  }
0x38: {  	s6 =	rddreg [dreg:$0x6];
	s19 =	sshrl.u32 @p0 s0, $0x3;
	s0 =	simm.s32 @p0 $0x1FCD  }
0x39: {  	[spmem:s19], [sflag:s0] =	dma.local @p0 [hbm:s6], $0x1900  }
0x3a: {  	s0 =	simm.s32 @p0 $0xD  }
0x3b: {  	_ =	swait.ge @p0 [sflag:s0], $0x1900  }
0x3c: {  	s6 =	stileid.u32;
	[sflag:s0] =	ssyncset.done @p0 $0x0  }
0x3d: {  	s20 =	sshll.u32 @!p0 s6, $0x6;
	[sflag:s0] =	ssyncadd.s32 @p0 $0xFFFFE700;
	s0 =	rddreg [dreg:$0x3]  }
0x3e: {  	s20 =	sor.u32 @!p0 $0x1C0D, s20;
	s31 =	sshrl.u32 @!p0 s0, $0x3;
	s0 =	rddreg [dreg:$0x4]  }
0x3f: {  	[spmem:s31], [sflag:s20] =	dma.local @!p0 [hbm:s0], $0x2800  }
0x40: {  	s0 =	simm.s32 @!p0 $0xD  }
0x41: {  	_ =	swait.ge @!p0 [sflag:s0], $0x2800  }
0x42: {  	[sflag:s0] =	ssyncset.done @!p0 $0x0  }
0x43: {  	[sflag:s0] =	ssyncadd.s32 @!p0 $0xFFFFD800  }
0x44: {  	[tilespmem:s2], [sflag:$0xD] =	stream.linear.gather [hbm4b:s10+s2], $0x80, $0x38;
	[tilespmem:$0x1FB80] =	vst v63  }
0x45: {  	_ =	swait.ge [sflag:s28], $0x80  }
0x46: {  	[sflag:s28] =	ssyncset.done $0x0  }
0x47: {  	[sflag:s28] =	ssyncadd.s32 $0xFFFFFF80  }
0x48: {  	v2 =	vld [tilespmem:$0x0]  }
0x49: {  	v3 =	vld [tilespmem:$0x10]  }
0x4a: {  	v4 =	vld [tilespmem:$0x20]  }
0x4b: {  	v5 =	vld [tilespmem:$0x30]  }
0x4c: {  	v6 =	vld [tilespmem:$0x40]  }
0x4d: {  	v7 =	vld [tilespmem:$0x50];
	v2 =	vadd.s32 v0, v2  }
0x4e: {  	[tilespmem:$0x0] =	vst v2;
	v2 =	vadd.s32 v0, v3;
	v3 =	vld [tilespmem:$0x60]  }
0x4f: {  	v58 =	vld [tilespmem:$0x70];
	[tilespmem:$0x10] =	vst v2;
	v2 =	vadd.s32 v0, v4  }
0x50: {  	[tilespmem:$0x20] =	vst v2;
	v2 =	vadd.s32 v0, v5  }
0x51: {  	[tilespmem:$0x30] =	vst v2;
	v2 =	vadd.s32 v0, v6  }
0x52: {  	[tilespmem:$0x40] =	vst v2;
	v2 =	vadd.s32 v0, v7  }
0x53: {  	[tilespmem:$0x50] =	vst v2;
	v2 =	vadd.s32 v0, v3  }
0x54: {  	[tilespmem:$0x60] =	vst v2;
	v2 =	vadd.s32 v0, v58  }
0x55: {  	[tilespmem:$0x70] =	vst v2  }
0x56: {  	[tilespmem:s30], [sflag:$0x7] =	stream.indirect.gather [hbm4b:s4+s29], $0x80, s2, s29, $0xb8;
	[tilespmem:$0x1FB80] =	vst v63  }
0x57: {  	s6 =	rddreg [dreg:$0x7]  }
0x58: {  	[tilespmem:s29], [sflag:$0xD] =	stream.linear.gather [hbm4b:s6+s2], $0x80, $0x38;
	[tilespmem:$0x1FB80] =	vst v63  }
0x59: {  	_ =	swait.ge [sflag:s28], $0x80  }
0x5a: {  	[sflag:s28] =	ssyncset.done $0x0  }
0x5b: {  	[sflag:s28] =	ssyncadd.s32 $0xFFFFFF80  }
0x5c: {  	v2 =	vld [tilespmem:$0x80]  }
0x5d: {  	v3 =	vld [tilespmem:$0x90]  }
0x5e: {  	v59 =	vld [tilespmem:$0xA0]  }
0x5f: {  	v60 =	vld [tilespmem:$0xB0]  }
0x60: {  	v61 =	vld [tilespmem:$0xC0]  }
0x61: {  	v62 =	vld [tilespmem:$0xD0];
	v2 =	vadd.s32 v0, v2  }
0x62: {  	[tilespmem:$0x80] =	vst v2;
	v2 =	vadd.s32 v0, v3;
	v3 =	vld [tilespmem:$0xE0]  }
0x63: {  	v63 =	vld [tilespmem:$0xF0];
	[tilespmem:$0x90] =	vst v2;
	v2 =	vadd.s32 v0, v59  }
0x64: {  	[tilespmem:$0xA0] =	vst v2;
	v2 =	vadd.s32 v0, v60  }
0x65: {  	[tilespmem:$0xB0] =	vst v2;
	v2 =	vadd.s32 v0, v61  }
0x66: {  	[tilespmem:$0xC0] =	vst v2;
	v2 =	vadd.s32 v0, v62  }
0x67: {  	[tilespmem:$0xD0] =	vst v2;
	v2 =	vadd.s32 v0, v3  }
0x68: {  	[tilespmem:$0xE0] =	vst v2;
	v2 =	vadd.s32 v0, v63  }
0x69: {  	s11 =	simm.s32 $0x4300;
	[tilespmem:$0xF0] =	vst v2  }
0x6a: {  	[tilespmem:s11], [sflag:$0x8] =	stream.indirect.gather [hbm4b:s4+s29], $0x80, s29, s29, $0xb8;
	[tilespmem:$0x1FB80] =	vst v63  }
0x6b: {  	s12 =	simm.s32 $0x100  }
0x6c: {  	[tilespmem:s12], [sflag:$0x3] =	stream.linear.gather [hbm4b:s24+s2], $0x80, $0x38;
	[tilespmem:$0x1FB80] =	vst v63  }
0x6d: {  	s21 =	rddreg [dreg:$0x8]  }
0x6e: {  	[tilespmem:s3], [sflag:$0x4] =	stream.linear.gather [hbm4b:s21+s2], $0x80, $0x38;
	[tilespmem:$0x1FB80] =	vst v63  }
.Ltmp2:
0x6f: {  	_ = 	snop;
	(pc) =	sbr.rel .LBB2_2-.Ltmp2, $4  }
0x70: {  	s22 =	simm.s32 $0x200  }
0x71: {  	[tilespmem:s22], [sflag:$0x5] =	stream.linear.gather [hbm4b:s13+s2], $0x80, $0x38;
	[tilespmem:$0x1FB80] =	vst v63  }
0x72: {  	[bflag:$0x0] =	sbarrier.arrive $0xFFFF  }
0x73: {  	s21 =	simm.s32 $0x0;
	s22 =	simm.s32 $0x0  }
.LBB2_4:
0x74: {  	p1 =	sge.u32 s22, s25  }
0x75: {  	s6 =	simm.s32 @!p1 $0x8;
	s11 =	sadd.s32 @!p1 $0x4, s22  }
0x76: {  	_ =	swait.ge @!p1 [sflag:s6], $0x4000;
	p2 =	sge.u32 @!p1 s11, s5  }
0x77: {  	[sflag:s6] =	ssyncset.done @!p1 $0x0;
	p2 =	por p2, p1  }
0x78: {  	[sflag:s6] =	ssyncadd.s32 @!p1 $0xFFFFC000;
	s6 =	sadd.s32 @!p2 s21, s15  }
0x79: {  	s11 =	simm.s32 @!p2 $0x0;
	s12 =	simm.s32 @!p2 $0x80;
	s6 =	sadd.s32 @!p2 $0x40, s6  }
0x7a: {  	[tilespmem:s12], [sflag:$0x2] =	stream.linear.gather @!p2 [hbm4b:s6+s11], $0x80, $0x38;
	[tilespmem:$0x1FB80] =	vst v63  }
0x7b: {  	s6 =	simm.s32 @!p1 $0x5  }
0x7c: {  	_ =	swait.ge @!p1 [sflag:s6], $0x80  }
0x7d: {  	s11 =	simm.s32 @!p1 $0x200;
	[sflag:s6] =	ssyncset.done @!p1 $0x0  }
0x7e: {  	s12 =	simm.s32 @!p1 $0x4300;
	[sflag:s6] =	ssyncadd.s32 @!p1 $0xFFFFFF80;
	s6 =	simm.s32 @!p1 $0x80  }
0x7f: {  	[spmem:s1] =	stream.indirect.scatter.add.f32 @!p1 [tilespmem:s12], [sflag:$0xB], $0x80, s11, s6, $0xb8;
	[tilespmem:$0x1FB80] =	vst v63  }
0x80: {  	s6 =	sadd.s32 @!p1 $0x3, s22  }
0x81: {  	p2 =	sge.u32 @!p1 s6, s5  }
0x82: {  	p1 =	por p2, p1  }
0x83: {  	s6 =	simm.s32 @!p1 $0xA  }
0x84: {  	_ =	swait.ge @!p1 [sflag:s6], $0x4000  }
0x85: {  	[sflag:s6] =	ssyncset.done @!p1 $0x0  }
0x86: {  	[sflag:s6] =	ssyncadd.s32 @!p1 $0xFFFFC000;
	s6 =	simm.s32 @!p1 $0x1  }
0x87: {  	_ =	swait.ge @!p1 [sflag:s6], $0x80  }
0x88: {  	[sflag:s6] =	ssyncset.done @!p1 $0x0  }
0x89: {  	[sflag:s6] =	ssyncadd.s32 @!p1 $0xFFFFFF80  }
0x8a: {  	v2 =	vld @!p1 [tilespmem:$0x0]  }
0x8b: {  	v3 =	vld @!p1 [tilespmem:$0x10]  }
0x8c: {  	v4 =	vld @!p1 [tilespmem:$0x20]  }
0x8d: {  	v5 =	vld @!p1 [tilespmem:$0x30]  }
0x8e: {  	v6 =	vld @!p1 [tilespmem:$0x40]  }
0x8f: {  	v7 =	vld @!p1 [tilespmem:$0x50];
	v2 =	vadd.s32 @!p1 v0, v2  }
0x90: {  	[tilespmem:$0x0] =	vst @!p1 v2;
	v2 =	vadd.s32 @!p1 v0, v3;
	v3 =	vld @!p1 [tilespmem:$0x60]  }
0x91: {  	[tilespmem:$0x10] =	vst @!p1 v2;
	v2 =	vadd.s32 @!p1 v0, v4;
	v4 =	vld @!p1 [tilespmem:$0x70]  }
0x92: {  	[tilespmem:$0x20] =	vst @!p1 v2;
	v2 =	vadd.s32 @!p1 v0, v5  }
0x93: {  	[tilespmem:$0x30] =	vst @!p1 v2;
	v2 =	vadd.s32 @!p1 v0, v6  }
0x94: {  	[tilespmem:$0x40] =	vst @!p1 v2;
	v2 =	vadd.s32 @!p1 v0, v7  }
0x95: {  	[tilespmem:$0x50] =	vst @!p1 v2;
	v2 =	vadd.s32 @!p1 v0, v3  }
0x96: {  	[tilespmem:$0x60] =	vst @!p1 v2;
	v2 =	vadd.s32 @!p1 v0, v4  }
0x97: {  	s11 =	simm.s32 @!p1 $0x0;
	s12 =	simm.s32 @!p1 $0x300;
	s6 =	simm.s32 @!p1 $0x80;
	[tilespmem:$0x70] =	vst @!p1 v2  }
0x98: {  	[tilespmem:s12], [sflag:$0x7] =	stream.indirect.gather @!p1 [hbm4b:s4+s6], $0x80, s11, s6, $0xb8;
	[tilespmem:$0x1FB80] =	vst v63  }
0x99: {  	s6 =	sadd.s32 @!p1 s21, s16  }
0x9a: {  	s12 =	simm.s32 @!p1 $0x180;
	s6 =	sadd.s32 @!p1 $0x30, s6  }
0x9b: {  	[tilespmem:s12], [sflag:$0x4] =	stream.linear.gather @!p1 [hbm4b:s6+s11], $0x80, $0x38;
	[tilespmem:$0x1FB80] =	vst v63  }
0x9c: {  	p1 =	sge.u32 s22, s26  }
0x9d: {  	s6 =	simm.s32 @!p1 $0x9;
	s11 =	sadd.s32 @!p1 $0x5, s22  }
0x9e: {  	_ =	swait.ge @!p1 [sflag:s6], $0x4000;
	p2 =	sge.u32 @!p1 s11, s5  }
0x9f: {  	[sflag:s6] =	ssyncset.done @!p1 $0x0;
	p2 =	por p2, p1  }
0xa0: {  	[sflag:s6] =	ssyncadd.s32 @!p1 $0xFFFFC000;
	s6 =	sadd.s32 @!p2 s21, s15  }
0xa1: {  	s11 =	simm.s32 @!p2 $0x0;
	s12 =	simm.s32 @!p2 $0x100;
	s6 =	sadd.s32 @!p2 $0x50, s6  }
0xa2: {  	[tilespmem:s12], [sflag:$0x3] =	stream.linear.gather @!p2 [hbm4b:s6+s11], $0x80, $0x38;
	[tilespmem:$0x1FB80] =	vst v63  }
0xa3: {  	s6 =	simm.s32 @!p1 $0x6  }
0xa4: {  	_ =	swait.ge @!p1 [sflag:s6], $0x80  }
0xa5: {  	s11 =	simm.s32 @!p1 $0x280;
	[sflag:s6] =	ssyncset.done @!p1 $0x0  }
0xa6: {  	s12 =	simm.s32 @!p1 $0x8300;
	[sflag:s6] =	ssyncadd.s32 @!p1 $0xFFFFFF80;
	s6 =	simm.s32 @!p1 $0x80  }
0xa7: {  	[spmem:s1] =	stream.indirect.scatter.add.f32 @!p1 [tilespmem:s12], [sflag:$0xC], $0x80, s11, s6, $0xb8;
	[tilespmem:$0x1FB80] =	vst v63  }
0xa8: {  	s6 =	sadd.s32 @!p1 $0x4, s22  }
0xa9: {  	p2 =	sge.u32 @!p1 s6, s5  }
0xaa: {  	p1 =	por p2, p1  }
0xab: {  	s6 =	simm.s32 @!p1 $0xB  }
0xac: {  	_ =	swait.ge @!p1 [sflag:s6], $0x4000  }
0xad: {  	[sflag:s6] =	ssyncset.done @!p1 $0x0  }
0xae: {  	[sflag:s6] =	ssyncadd.s32 @!p1 $0xFFFFC000;
	s6 =	simm.s32 @!p1 $0x2  }
0xaf: {  	_ =	swait.ge @!p1 [sflag:s6], $0x80  }
0xb0: {  	[sflag:s6] =	ssyncset.done @!p1 $0x0  }
0xb1: {  	[sflag:s6] =	ssyncadd.s32 @!p1 $0xFFFFFF80  }
0xb2: {  	v2 =	vld @!p1 [tilespmem:$0x80]  }
0xb3: {  	v3 =	vld @!p1 [tilespmem:$0x90]  }
0xb4: {  	v4 =	vld @!p1 [tilespmem:$0xA0]  }
0xb5: {  	v5 =	vld @!p1 [tilespmem:$0xB0]  }
0xb6: {  	v6 =	vld @!p1 [tilespmem:$0xC0]  }
0xb7: {  	v7 =	vld @!p1 [tilespmem:$0xD0];
	v2 =	vadd.s32 @!p1 v0, v2  }
0xb8: {  	[tilespmem:$0x80] =	vst @!p1 v2;
	v2 =	vadd.s32 @!p1 v0, v3;
	v3 =	vld @!p1 [tilespmem:$0xE0]  }
0xb9: {  	[tilespmem:$0x90] =	vst @!p1 v2;
	v2 =	vadd.s32 @!p1 v0, v4;
	v4 =	vld @!p1 [tilespmem:$0xF0]  }
0xba: {  	[tilespmem:$0xA0] =	vst @!p1 v2;
	v2 =	vadd.s32 @!p1 v0, v5  }
0xbb: {  	[tilespmem:$0xB0] =	vst @!p1 v2;
	v2 =	vadd.s32 @!p1 v0, v6  }
0xbc: {  	[tilespmem:$0xC0] =	vst @!p1 v2;
	v2 =	vadd.s32 @!p1 v0, v7  }
0xbd: {  	[tilespmem:$0xD0] =	vst @!p1 v2;
	v2 =	vadd.s32 @!p1 v0, v3  }
0xbe: {  	[tilespmem:$0xE0] =	vst @!p1 v2;
	v2 =	vadd.s32 @!p1 v0, v4  }
0xbf: {  	s11 =	simm.s32 @!p1 $0x4300;
	s6 =	simm.s32 @!p1 $0x80;
	[tilespmem:$0xF0] =	vst @!p1 v2  }
0xc0: {  	[tilespmem:s11], [sflag:$0x8] =	stream.indirect.gather @!p1 [hbm4b:s4+s6], $0x80, s6, s6, $0xb8;
	[tilespmem:$0x1FB80] =	vst v63  }
0xc1: {  	s12 =	simm.s32 @!p1 $0x200;
	s6 =	sadd.s32 @!p1 s21, s16  }
0xc2: {  	s11 =	simm.s32 @!p1 $0x0;
	s21 =	sadd.s32 $0x30, s21;
	s6 =	sadd.s32 @!p1 $0x40, s6  }
0xc3: {  	[tilespmem:s12], [sflag:$0x5] =	stream.linear.gather @!p1 [hbm4b:s6+s11], $0x80, $0x38;
	[tilespmem:$0x1FB80] =	vst v63  }
0xc4: {  	p1 =	sne.s32 s23, s21  }
.Ltmp3:
0xc5: {  	_ = 	snop;
	(pc) =	sbr.rel @!p1 .LBB2_5-.Ltmp3, $2  }
0xc6: {  	_ =	sdelay $0x2  }
0xc7: {  	s22 =	smov.u32 s0  }
.LBB2_2:
0xc8: {  	p1 =	sge.u32 s22, s5  }
.Ltmp4:
0xc9: {  	_ = 	snop;
	(pc) =	sbr.rel @p1 .LBB2_4-.Ltmp4, $2  }
0xca: {  	_ =	sdelay $0x2  }
0xcb: {  	s0 =	sadd.s32 $0x3, s22  }
0xcc: {  	s6 =	sadd.s32 $0x3, s22  }
0xcd: {  	_ =	swait.ge [sflag:s7], $0x4000;
	p1 =	sge.u32 s6, s5  }
0xce: {  	s12 =	sadd.s32 $0x2, s22;
	[sflag:s7] =	ssyncset.done $0x0;
	s6 =	sadd.s32 @!p1 s21, s15  }
0xcf: {  	[sflag:s7] =	ssyncadd.s32 $0xFFFFC000;
	s11 =	simm.s32 @!p1 $0x0;
	s6 =	sadd.s32 @!p1 $0x30, s6  }
0xd0: {  	[tilespmem:s11], [sflag:$0x1] =	stream.linear.gather @!p1 [hbm4b:s6+s11], $0x80, $0x38;
	[tilespmem:$0x1FB80] =	vst v63  }
0xd1: {  	p1 =	sge.u32 s12, s5  }
0xd2: {  	_ =	swait.ge [sflag:s8], $0x80;
	p2 =	seq.s32 @!p1 s21, $0x0  }
0xd3: {  	[sflag:s8] =	ssyncset.done $0x0;
	p2 =	por p2, p1  }
0xd4: {  	[sflag:s8] =	ssyncadd.s32 $0xFFFFFF80;
	s6 =	simm.s32 @!p2 $0xC  }
0xd5: {  	[spmem:s1] =	stream.indirect.scatter.add.f32 [tilespmem:s30], [sflag:$0xA], $0x80, s3, s29, $0xb8;
	[tilespmem:$0x1FB80] =	vst v63  }
0xd6: {  	_ =	swait.ge @!p2 [sflag:s6], $0x4000  }
0xd7: {  	[sflag:s6] =	ssyncset.done @!p2 $0x0  }
0xd8: {  	[sflag:s6] =	ssyncadd.s32 @!p2 $0xFFFFC000;
	s6 =	simm.s32 @!p1 $0x3  }
0xd9: {  	_ =	swait.ge @!p1 [sflag:s6], $0x80  }
0xda: {  	[sflag:s6] =	ssyncset.done @!p1 $0x0  }
0xdb: {  	[sflag:s6] =	ssyncadd.s32 @!p1 $0xFFFFFF80  }
0xdc: {  	v2 =	vld @!p1 [tilespmem:$0x100]  }
0xdd: {  	v3 =	vld @!p1 [tilespmem:$0x110]  }
0xde: {  	v4 =	vld @!p1 [tilespmem:$0x120]  }
0xdf: {  	v5 =	vld @!p1 [tilespmem:$0x130]  }
0xe0: {  	v6 =	vld @!p1 [tilespmem:$0x140]  }
0xe1: {  	v7 =	vld @!p1 [tilespmem:$0x150];
	v2 =	vadd.s32 @!p1 v0, v2  }
0xe2: {  	[tilespmem:$0x100] =	vst @!p1 v2;
	v2 =	vadd.s32 @!p1 v0, v3;
	v3 =	vld @!p1 [tilespmem:$0x160]  }
0xe3: {  	[tilespmem:$0x110] =	vst @!p1 v2;
	v2 =	vadd.s32 @!p1 v0, v4;
	v4 =	vld @!p1 [tilespmem:$0x170]  }
0xe4: {  	[tilespmem:$0x120] =	vst @!p1 v2;
	v2 =	vadd.s32 @!p1 v0, v5  }
0xe5: {  	[tilespmem:$0x130] =	vst @!p1 v2;
	v2 =	vadd.s32 @!p1 v0, v6  }
0xe6: {  	[tilespmem:$0x140] =	vst @!p1 v2;
	v2 =	vadd.s32 @!p1 v0, v7  }
0xe7: {  	[tilespmem:$0x150] =	vst @!p1 v2;
	v2 =	vadd.s32 @!p1 v0, v3  }
0xe8: {  	s11 =	simm.s32 @!p1 $0x100;
	[tilespmem:$0x160] =	vst @!p1 v2;
	v2 =	vadd.s32 @!p1 v0, v4  }
.Ltmp5:
0xe9: {  	s12 =	simm.s32 @!p1 $0x8300;
	s6 =	simm.s32 @!p1 $0x80;
	[tilespmem:$0x170] =	vst @!p1 v2;
	(pc) =	sbr.rel .LBB2_4-.Ltmp5, $4  }
0xea: {  	[tilespmem:s12], [sflag:$0x9] =	stream.indirect.gather @!p1 [hbm4b:s4+s6], $0x80, s11, s6, $0xb8;
	[tilespmem:$0x1FB80] =	vst v63  }
0xeb: {  	s6 =	sadd.s32 @!p1 s21, s16  }
0xec: {  	s11 =	simm.s32 @!p1 $0x0;
	s12 =	simm.s32 @!p1 $0x280;
	s6 =	sadd.s32 @!p1 $0x20, s6  }
0xed: {  	[tilespmem:s12], [sflag:$0x6] =	stream.linear.gather @!p1 [hbm4b:s6+s11], $0x80, $0x38;
	[tilespmem:$0x1FB80] =	vst v63  }
.LBB2_5:
0xee: {  	_ =	swait.ge [sflag:s9], $0x4000  }
0xef: {  	[sflag:s9] =	ssyncset.done $0x0  }
0xf0: {  	[sflag:s9] =	ssyncadd.s32 $0xFFFFC000  }
0xf1: {  	_ =	swait.ge [sflag:s14], $0x4000  }
0xf2: {  	[sflag:s14] =	ssyncset.done $0x0  }
0xf3: {  	[sflag:s14] =	ssyncadd.s32 $0xFFFFC000  }
0xf4: {  	_ =	swait.ge [sflag:s17], $0x4000  }
0xf5: {  	[sflag:s17] =	ssyncset.done $0x0  }
0xf6: {  	[sflag:s17] =	ssyncadd.s32 $0xFFFFC000  }
0xf7: {  	[bflag:$0x0] =	sbarrier.arrive $0xFFFF  }
0xf8: {  	s0 =	simm.s32 @p0 $0x1FCD;
	s6 =	rddreg [dreg:$0xb]  }
0xf9: {  	[hbm:s6], [sflag:s0] =	dma.local @p0 [spmem:s19], $0x1900  }
0xfa: {  	s6 =	simm.s32 @p0 $0xD  }
0xfb: {  	_ =	swait.ge @p0 [sflag:s6], $0x1900  }
0xfc: {  	[sflag:s6] =	ssyncset.done @p0 $0x0  }
0xfd: {  	[sflag:s6] =	ssyncadd.s32 @p0 $0xFFFFE700  }
0xfe: {  	[bflag:$0x0] =	sbarrier.arrive @p0 $0xFFFF  }
0xff: {  	s11 =	rddreg [dreg:$0xe]  }
0x100: {  	[spmem:s19], [sflag:s0] =	dma.local @p0 [hbm:s11], $0x1900  }
0x101: {  	_ =	swait.ge @p0 [sflag:s6], $0x1900  }
0x102: {  	[sflag:s6] =	ssyncset.done @p0 $0x0  }
0x103: {  	s0 =	rddreg [dreg:$0x9];
	[sflag:s6] =	ssyncadd.s32 @p0 $0xFFFFE700  }
0x104: {  	[hbm:s0], [sflag:s20] =	dma.local @!p0 [spmem:s31], $0x2800  }
0x105: {  	s0 =	simm.s32 @!p0 $0xD  }
0x106: {  	_ =	swait.ge @!p0 [sflag:s0], $0x2800  }
0x107: {  	[sflag:s0] =	ssyncset.done @!p0 $0x0  }
0x108: {  	[sflag:s0] =	ssyncadd.s32 @!p0 $0xFFFFD800  }
0x109: {  	[bflag:$0x0] =	sbarrier.arrive @!p0 $0xFFFF  }
0x10a: {  	s6 =	rddreg [dreg:$0xa]  }
0x10b: {  	[spmem:s31], [sflag:s20] =	dma.local @!p0 [hbm:s6], $0x2800  }
0x10c: {  	_ =	swait.ge @!p0 [sflag:s0], $0x2800  }
0x10d: {  	[sflag:s0] =	ssyncset.done @!p0 $0x0  }
0x10e: {  	s21 =	simm.s32 $0x0;
	[sflag:s0] =	ssyncadd.s32 @!p0 $0xFFFFD800  }
0x10f: {  	[tilespmem:s21], [sflag:$0xD] =	stream.linear.gather [hbm4b:s10+s21], $0x80, $0x38;
	[tilespmem:$0x1FB80] =	vst v63  }
0x110: {  	_ =	swait.ge [sflag:s28], $0x80  }
0x111: {  	[sflag:s28] =	ssyncset.done $0x0  }
0x112: {  	[sflag:s28] =	ssyncadd.s32 $0xFFFFFF80  }
0x113: {  	v2 =	vld [tilespmem:$0x0]  }
0x114: {  	v3 =	vld [tilespmem:$0x10]  }
0x115: {  	v4 =	vld [tilespmem:$0x20]  }
0x116: {  	v5 =	vld [tilespmem:$0x30]  }
0x117: {  	v6 =	vld [tilespmem:$0x40]  }
0x118: {  	v7 =	vld [tilespmem:$0x50];
	v2 =	vadd.s32 v1, v2  }
0x119: {  	[tilespmem:$0x0] =	vst v2;
	v2 =	vadd.s32 v1, v3;
	v3 =	vld [tilespmem:$0x60]  }
0x11a: {  	v58 =	vld [tilespmem:$0x70];
	[tilespmem:$0x10] =	vst v2;
	v2 =	vadd.s32 v1, v4  }
0x11b: {  	[tilespmem:$0x20] =	vst v2;
	v2 =	vadd.s32 v1, v5  }
0x11c: {  	[tilespmem:$0x30] =	vst v2;
	v2 =	vadd.s32 v1, v6  }
0x11d: {  	[tilespmem:$0x40] =	vst v2;
	v2 =	vadd.s32 v1, v7  }
0x11e: {  	[tilespmem:$0x50] =	vst v2;
	v2 =	vadd.s32 v1, v3  }
0x11f: {  	[tilespmem:$0x60] =	vst v2;
	v2 =	vadd.s32 v1, v58  }
0x120: {  	[tilespmem:$0x70] =	vst v2  }
0x121: {  	[tilespmem:s30], [sflag:$0x7] =	stream.indirect.gather [hbm4b:s4+s29], $0x80, s21, s29, $0xb8;
	[tilespmem:$0x1FB80] =	vst v63  }
0x122: {  	s22 =	rddreg [dreg:$0x7]  }
0x123: {  	[tilespmem:s29], [sflag:$0xD] =	stream.linear.gather [hbm4b:s22+s21], $0x80, $0x38;
	[tilespmem:$0x1FB80] =	vst v63  }
0x124: {  	_ =	swait.ge [sflag:s28], $0x80  }
0x125: {  	[sflag:s28] =	ssyncset.done $0x0  }
0x126: {  	[sflag:s28] =	ssyncadd.s32 $0xFFFFFF80  }
0x127: {  	v2 =	vld [tilespmem:$0x80]  }
0x128: {  	v3 =	vld [tilespmem:$0x90]  }
0x129: {  	v59 =	vld [tilespmem:$0xA0]  }
0x12a: {  	v60 =	vld [tilespmem:$0xB0]  }
0x12b: {  	v61 =	vld [tilespmem:$0xC0]  }
0x12c: {  	v62 =	vld [tilespmem:$0xD0];
	v2 =	vadd.s32 v1, v2  }
0x12d: {  	[tilespmem:$0x80] =	vst v2;
	v2 =	vadd.s32 v1, v3;
	v3 =	vld [tilespmem:$0xE0]  }
0x12e: {  	v63 =	vld [tilespmem:$0xF0];
	[tilespmem:$0x90] =	vst v2;
	v2 =	vadd.s32 v1, v59  }
0x12f: {  	[tilespmem:$0xA0] =	vst v2;
	v2 =	vadd.s32 v1, v60  }
0x130: {  	[tilespmem:$0xB0] =	vst v2;
	v2 =	vadd.s32 v1, v61  }
0x131: {  	[tilespmem:$0xC0] =	vst v2;
	v2 =	vadd.s32 v1, v62  }
0x132: {  	[tilespmem:$0xD0] =	vst v2;
	v2 =	vadd.s32 v1, v3  }
0x133: {  	[tilespmem:$0xE0] =	vst v2;
	v2 =	vadd.s32 v1, v63  }
0x134: {  	s6 =	simm.s32 $0x4300;
	[tilespmem:$0xF0] =	vst v2  }
0x135: {  	[tilespmem:s6], [sflag:$0x8] =	stream.indirect.gather [hbm4b:s4+s29], $0x80, s29, s29, $0xb8;
	[tilespmem:$0x1FB80] =	vst v63  }
0x136: {  	s11 =	simm.s32 $0x100  }
0x137: {  	[tilespmem:s11], [sflag:$0x3] =	stream.linear.gather [hbm4b:s24+s21], $0x80, $0x38;
	[tilespmem:$0x1FB80] =	vst v63  }
0x138: {  	s12 =	rddreg [dreg:$0x8]  }
0x139: {  	[tilespmem:s3], [sflag:$0x4] =	stream.linear.gather [hbm4b:s12+s21], $0x80, $0x38;
	[tilespmem:$0x1FB80] =	vst v63  }
.Ltmp6:
0x13a: {  	_ = 	snop;
	(pc) =	sbr.rel .LBB2_6-.Ltmp6, $4  }
0x13b: {  	s22 =	simm.s32 $0x200  }
0x13c: {  	[tilespmem:s22], [sflag:$0x5] =	stream.linear.gather [hbm4b:s13+s21], $0x80, $0x38;
	[tilespmem:$0x1FB80] =	vst v63  }
0x13d: {  	[bflag:$0x0] =	sbarrier.arrive $0xFFFF  }
0x13e: {  	s0 =	simm.s32 $0x0  }
.LBB2_8:
0x13f: {  	p1 =	sge.u32 s21, s25  }
0x140: {  	s6 =	simm.s32 @!p1 $0x8;
	s11 =	sadd.s32 @!p1 $0x4, s21  }
0x141: {  	_ =	swait.ge @!p1 [sflag:s6], $0x4000;
	p2 =	sge.u32 @!p1 s11, s5  }
0x142: {  	[sflag:s6] =	ssyncset.done @!p1 $0x0;
	p2 =	por p2, p1  }
0x143: {  	[sflag:s6] =	ssyncadd.s32 @!p1 $0xFFFFC000;
	s6 =	sadd.s32 @!p2 s0, s15  }
0x144: {  	s11 =	simm.s32 @!p2 $0x0;
	s12 =	simm.s32 @!p2 $0x80;
	s6 =	sadd.s32 @!p2 $0x40, s6  }
0x145: {  	[tilespmem:s12], [sflag:$0x2] =	stream.linear.gather @!p2 [hbm4b:s6+s11], $0x80, $0x38;
	[tilespmem:$0x1FB80] =	vst v63  }
0x146: {  	s6 =	simm.s32 @!p1 $0x5  }
0x147: {  	_ =	swait.ge @!p1 [sflag:s6], $0x80  }
0x148: {  	s11 =	simm.s32 @!p1 $0x200;
	[sflag:s6] =	ssyncset.done @!p1 $0x0  }
0x149: {  	s12 =	simm.s32 @!p1 $0x4300;
	[sflag:s6] =	ssyncadd.s32 @!p1 $0xFFFFFF80;
	s6 =	simm.s32 @!p1 $0x80  }
0x14a: {  	[spmem:s1] =	stream.indirect.scatter.add.f32 @!p1 [tilespmem:s12], [sflag:$0xB], $0x80, s11, s6, $0xb8;
	[tilespmem:$0x1FB80] =	vst v63  }
0x14b: {  	s6 =	sadd.s32 @!p1 $0x3, s21  }
0x14c: {  	p2 =	sge.u32 @!p1 s6, s5  }
0x14d: {  	p1 =	por p2, p1  }
0x14e: {  	s6 =	simm.s32 @!p1 $0xA  }
0x14f: {  	_ =	swait.ge @!p1 [sflag:s6], $0x4000  }
0x150: {  	[sflag:s6] =	ssyncset.done @!p1 $0x0  }
0x151: {  	[sflag:s6] =	ssyncadd.s32 @!p1 $0xFFFFC000;
	s6 =	simm.s32 @!p1 $0x1  }
0x152: {  	_ =	swait.ge @!p1 [sflag:s6], $0x80  }
0x153: {  	[sflag:s6] =	ssyncset.done @!p1 $0x0  }
0x154: {  	[sflag:s6] =	ssyncadd.s32 @!p1 $0xFFFFFF80  }
0x155: {  	v2 =	vld @!p1 [tilespmem:$0x0]  }
0x156: {  	v3 =	vld @!p1 [tilespmem:$0x10]  }
0x157: {  	v4 =	vld @!p1 [tilespmem:$0x20]  }
0x158: {  	v5 =	vld @!p1 [tilespmem:$0x30]  }
0x159: {  	v6 =	vld @!p1 [tilespmem:$0x40]  }
0x15a: {  	v7 =	vld @!p1 [tilespmem:$0x50];
	v2 =	vadd.s32 @!p1 v1, v2  }
0x15b: {  	[tilespmem:$0x0] =	vst @!p1 v2;
	v2 =	vadd.s32 @!p1 v1, v3;
	v3 =	vld @!p1 [tilespmem:$0x60]  }
0x15c: {  	[tilespmem:$0x10] =	vst @!p1 v2;
	v2 =	vadd.s32 @!p1 v1, v4;
	v4 =	vld @!p1 [tilespmem:$0x70]  }
0x15d: {  	[tilespmem:$0x20] =	vst @!p1 v2;
	v2 =	vadd.s32 @!p1 v1, v5  }
0x15e: {  	[tilespmem:$0x30] =	vst @!p1 v2;
	v2 =	vadd.s32 @!p1 v1, v6  }
0x15f: {  	[tilespmem:$0x40] =	vst @!p1 v2;
	v2 =	vadd.s32 @!p1 v1, v7  }
0x160: {  	[tilespmem:$0x50] =	vst @!p1 v2;
	v2 =	vadd.s32 @!p1 v1, v3  }
0x161: {  	[tilespmem:$0x60] =	vst @!p1 v2;
	v2 =	vadd.s32 @!p1 v1, v4  }
0x162: {  	s11 =	simm.s32 @!p1 $0x0;
	s12 =	simm.s32 @!p1 $0x300;
	s6 =	simm.s32 @!p1 $0x80;
	[tilespmem:$0x70] =	vst @!p1 v2  }
0x163: {  	[tilespmem:s12], [sflag:$0x7] =	stream.indirect.gather @!p1 [hbm4b:s4+s6], $0x80, s11, s6, $0xb8;
	[tilespmem:$0x1FB80] =	vst v63  }
0x164: {  	s6 =	sadd.s32 @!p1 s0, s16  }
0x165: {  	s12 =	simm.s32 @!p1 $0x180;
	s6 =	sadd.s32 @!p1 $0x30, s6  }
0x166: {  	[tilespmem:s12], [sflag:$0x4] =	stream.linear.gather @!p1 [hbm4b:s6+s11], $0x80, $0x38;
	[tilespmem:$0x1FB80] =	vst v63  }
0x167: {  	p1 =	sge.u32 s21, s26  }
0x168: {  	s6 =	simm.s32 @!p1 $0x9;
	s11 =	sadd.s32 @!p1 $0x5, s21  }
0x169: {  	_ =	swait.ge @!p1 [sflag:s6], $0x4000;
	p2 =	sge.u32 @!p1 s11, s5  }
0x16a: {  	[sflag:s6] =	ssyncset.done @!p1 $0x0;
	p2 =	por p2, p1  }
0x16b: {  	[sflag:s6] =	ssyncadd.s32 @!p1 $0xFFFFC000;
	s6 =	sadd.s32 @!p2 s0, s15  }
0x16c: {  	s11 =	simm.s32 @!p2 $0x0;
	s12 =	simm.s32 @!p2 $0x100;
	s6 =	sadd.s32 @!p2 $0x50, s6  }
0x16d: {  	[tilespmem:s12], [sflag:$0x3] =	stream.linear.gather @!p2 [hbm4b:s6+s11], $0x80, $0x38;
	[tilespmem:$0x1FB80] =	vst v63  }
0x16e: {  	s6 =	simm.s32 @!p1 $0x6  }
0x16f: {  	_ =	swait.ge @!p1 [sflag:s6], $0x80  }
0x170: {  	s11 =	simm.s32 @!p1 $0x280;
	[sflag:s6] =	ssyncset.done @!p1 $0x0  }
0x171: {  	s12 =	simm.s32 @!p1 $0x8300;
	[sflag:s6] =	ssyncadd.s32 @!p1 $0xFFFFFF80;
	s6 =	simm.s32 @!p1 $0x80  }
0x172: {  	[spmem:s1] =	stream.indirect.scatter.add.f32 @!p1 [tilespmem:s12], [sflag:$0xC], $0x80, s11, s6, $0xb8;
	[tilespmem:$0x1FB80] =	vst v63  }
0x173: {  	s6 =	sadd.s32 @!p1 $0x4, s21  }
0x174: {  	p2 =	sge.u32 @!p1 s6, s5  }
0x175: {  	p1 =	por p2, p1  }
0x176: {  	s6 =	simm.s32 @!p1 $0xB  }
0x177: {  	_ =	swait.ge @!p1 [sflag:s6], $0x4000  }
0x178: {  	[sflag:s6] =	ssyncset.done @!p1 $0x0  }
0x179: {  	[sflag:s6] =	ssyncadd.s32 @!p1 $0xFFFFC000;
	s6 =	simm.s32 @!p1 $0x2  }
0x17a: {  	_ =	swait.ge @!p1 [sflag:s6], $0x80  }
0x17b: {  	[sflag:s6] =	ssyncset.done @!p1 $0x0  }
0x17c: {  	[sflag:s6] =	ssyncadd.s32 @!p1 $0xFFFFFF80  }
0x17d: {  	v2 =	vld @!p1 [tilespmem:$0x80]  }
0x17e: {  	v3 =	vld @!p1 [tilespmem:$0x90]  }
0x17f: {  	v4 =	vld @!p1 [tilespmem:$0xA0]  }
0x180: {  	v5 =	vld @!p1 [tilespmem:$0xB0]  }
0x181: {  	v6 =	vld @!p1 [tilespmem:$0xC0]  }
0x182: {  	v7 =	vld @!p1 [tilespmem:$0xD0];
	v2 =	vadd.s32 @!p1 v1, v2  }
0x183: {  	[tilespmem:$0x80] =	vst @!p1 v2;
	v2 =	vadd.s32 @!p1 v1, v3;
	v3 =	vld @!p1 [tilespmem:$0xE0]  }
0x184: {  	[tilespmem:$0x90] =	vst @!p1 v2;
	v2 =	vadd.s32 @!p1 v1, v4;
	v4 =	vld @!p1 [tilespmem:$0xF0]  }
0x185: {  	[tilespmem:$0xA0] =	vst @!p1 v2;
	v2 =	vadd.s32 @!p1 v1, v5  }
0x186: {  	[tilespmem:$0xB0] =	vst @!p1 v2;
	v2 =	vadd.s32 @!p1 v1, v6  }
0x187: {  	[tilespmem:$0xC0] =	vst @!p1 v2;
	v2 =	vadd.s32 @!p1 v1, v7  }
0x188: {  	[tilespmem:$0xD0] =	vst @!p1 v2;
	v2 =	vadd.s32 @!p1 v1, v3  }
0x189: {  	[tilespmem:$0xE0] =	vst @!p1 v2;
	v2 =	vadd.s32 @!p1 v1, v4  }
0x18a: {  	s11 =	simm.s32 @!p1 $0x4300;
	s6 =	simm.s32 @!p1 $0x80;
	[tilespmem:$0xF0] =	vst @!p1 v2  }
0x18b: {  	[tilespmem:s11], [sflag:$0x8] =	stream.indirect.gather @!p1 [hbm4b:s4+s6], $0x80, s6, s6, $0xb8;
	[tilespmem:$0x1FB80] =	vst v63  }
0x18c: {  	s12 =	simm.s32 @!p1 $0x200;
	s6 =	sadd.s32 @!p1 s0, s16  }
0x18d: {  	s11 =	simm.s32 @!p1 $0x0;
	s0 =	sadd.s32 $0x30, s0;
	s6 =	sadd.s32 @!p1 $0x40, s6  }
0x18e: {  	[tilespmem:s12], [sflag:$0x5] =	stream.linear.gather @!p1 [hbm4b:s6+s11], $0x80, $0x38;
	[tilespmem:$0x1FB80] =	vst v63  }
0x18f: {  	p1 =	sne.s32 s23, s0  }
.Ltmp7:
0x190: {  	_ = 	snop;
	(pc) =	sbr.rel @!p1 .LBB2_9-.Ltmp7, $2  }
0x191: {  	_ =	sdelay $0x2  }
0x192: {  	s21 =	smov.u32 s22  }
.LBB2_6:
0x193: {  	p1 =	sge.u32 s21, s5  }
.Ltmp8:
0x194: {  	_ = 	snop;
	(pc) =	sbr.rel @p1 .LBB2_8-.Ltmp8, $2  }
0x195: {  	_ =	sdelay $0x2  }
0x196: {  	s22 =	sadd.s32 $0x3, s21  }
0x197: {  	s6 =	sadd.s32 $0x3, s21  }
0x198: {  	_ =	swait.ge [sflag:s7], $0x4000;
	p1 =	sge.u32 s6, s5  }
0x199: {  	s12 =	sadd.s32 $0x2, s21;
	[sflag:s7] =	ssyncset.done $0x0;
	s6 =	sadd.s32 @!p1 s0, s15  }
0x19a: {  	[sflag:s7] =	ssyncadd.s32 $0xFFFFC000;
	s11 =	simm.s32 @!p1 $0x0;
	s6 =	sadd.s32 @!p1 $0x30, s6  }
0x19b: {  	[tilespmem:s11], [sflag:$0x1] =	stream.linear.gather @!p1 [hbm4b:s6+s11], $0x80, $0x38;
	[tilespmem:$0x1FB80] =	vst v63  }
0x19c: {  	p1 =	sge.u32 s12, s5  }
0x19d: {  	_ =	swait.ge [sflag:s8], $0x80;
	p2 =	seq.s32 @!p1 s0, $0x0  }
0x19e: {  	[sflag:s8] =	ssyncset.done $0x0;
	p2 =	por p2, p1  }
0x19f: {  	[sflag:s8] =	ssyncadd.s32 $0xFFFFFF80;
	s6 =	simm.s32 @!p2 $0xC  }
0x1a0: {  	[spmem:s1] =	stream.indirect.scatter.add.f32 [tilespmem:s30], [sflag:$0xA], $0x80, s3, s29, $0xb8;
	[tilespmem:$0x1FB80] =	vst v63  }
0x1a1: {  	_ =	swait.ge @!p2 [sflag:s6], $0x4000  }
0x1a2: {  	[sflag:s6] =	ssyncset.done @!p2 $0x0  }
0x1a3: {  	[sflag:s6] =	ssyncadd.s32 @!p2 $0xFFFFC000;
	s6 =	simm.s32 @!p1 $0x3  }
0x1a4: {  	_ =	swait.ge @!p1 [sflag:s6], $0x80  }
0x1a5: {  	[sflag:s6] =	ssyncset.done @!p1 $0x0  }
0x1a6: {  	[sflag:s6] =	ssyncadd.s32 @!p1 $0xFFFFFF80  }
0x1a7: {  	v2 =	vld @!p1 [tilespmem:$0x100]  }
0x1a8: {  	v3 =	vld @!p1 [tilespmem:$0x110]  }
0x1a9: {  	v4 =	vld @!p1 [tilespmem:$0x120]  }
0x1aa: {  	v5 =	vld @!p1 [tilespmem:$0x130]  }
0x1ab: {  	v6 =	vld @!p1 [tilespmem:$0x140]  }
0x1ac: {  	v7 =	vld @!p1 [tilespmem:$0x150];
	v2 =	vadd.s32 @!p1 v1, v2  }
0x1ad: {  	[tilespmem:$0x100] =	vst @!p1 v2;
	v2 =	vadd.s32 @!p1 v1, v3;
	v3 =	vld @!p1 [tilespmem:$0x160]  }
0x1ae: {  	[tilespmem:$0x110] =	vst @!p1 v2;
	v2 =	vadd.s32 @!p1 v1, v4;
	v4 =	vld @!p1 [tilespmem:$0x170]  }
0x1af: {  	[tilespmem:$0x120] =	vst @!p1 v2;
	v2 =	vadd.s32 @!p1 v1, v5  }
0x1b0: {  	[tilespmem:$0x130] =	vst @!p1 v2;
	v2 =	vadd.s32 @!p1 v1, v6  }
0x1b1: {  	[tilespmem:$0x140] =	vst @!p1 v2;
	v2 =	vadd.s32 @!p1 v1, v7  }
0x1b2: {  	[tilespmem:$0x150] =	vst @!p1 v2;
	v2 =	vadd.s32 @!p1 v1, v3  }
0x1b3: {  	s11 =	simm.s32 @!p1 $0x100;
	[tilespmem:$0x160] =	vst @!p1 v2;
	v2 =	vadd.s32 @!p1 v1, v4  }
.Ltmp9:
0x1b4: {  	s12 =	simm.s32 @!p1 $0x8300;
	s6 =	simm.s32 @!p1 $0x80;
	[tilespmem:$0x170] =	vst @!p1 v2;
	(pc) =	sbr.rel .LBB2_8-.Ltmp9, $4  }
0x1b5: {  	[tilespmem:s12], [sflag:$0x9] =	stream.indirect.gather @!p1 [hbm4b:s4+s6], $0x80, s11, s6, $0xb8;
	[tilespmem:$0x1FB80] =	vst v63  }
0x1b6: {  	s6 =	sadd.s32 @!p1 s0, s16  }
0x1b7: {  	s11 =	simm.s32 @!p1 $0x0;
	s12 =	simm.s32 @!p1 $0x280;
	s6 =	sadd.s32 @!p1 $0x20, s6  }
0x1b8: {  	[tilespmem:s12], [sflag:$0x6] =	stream.linear.gather @!p1 [hbm4b:s6+s11], $0x80, $0x38;
	[tilespmem:$0x1FB80] =	vst v63  }
.LBB2_10:
0x1b9: {  	_ =	sfence.sel $0x180000  }
0x1ba: {  	[bflag:$0x0] =	sbarrier.arrive $0xFFFF  }
0x1bb: {  	_ =	strace $0x9000004D  }
0x1bc: {  	s0 =	stileid.u32;
	[bflag:$0x2] =	sbarrier.arrive $0xFFFF  }
0x1bd: {  	p0 =	sne.s32 s0, $0x0;
	s0 =	rddreg [dreg:$0x2]  }
0x1be: {  	s0 =	sadd.s32 @!p0 $0x100000, s0  }
0x1bf: {  	[sflag:s0] =	ssyncadd.tile.s32 @!p0 $0x1;
	_ =	shalt  }
.Lfunc_end2:
_tile_overlayer_lowered:
.L_overlay_start_2:
0x1c0: {  	(tag) =	ssettag $0x2  }
0x1c1: {  	s0 =	rddreg [dreg:$0x0];
	s2 =	stileid.u32  }
0x1c2: {  	s1 =	rddreg [dreg:$0x1];
	p0 =	sne.s32 s2, $0x0  }
0x1c3: {  	s3 =	rddreg [dreg:$0x2];
	[bflag:$0x3] =	sbarrier.arrive $0xFFFF;
	s2 =	simm.s32 @!p0 $0x1C0D  }
0x1c4: {  	[timem:s3], [sflag:s2] =	dma.local @!p0 [hbm:s0], s1  }
0x1c5: {  	s0 =	simm.s32 @!p0 $0xD  }
0x1c6: {  	_ =	swait.ge @!p0 [sflag:s0], s1  }
0x1c7: {  	s1 =	ssub.s32 @!p0 $0x0, s1;
	[sflag:s0] =	ssyncset.done @!p0 $0x0  }
0x1c8: {  	[sflag:s0] =	ssyncadd.s32 @!p0 s1  }
0x1c9: {  	[bflag:$0x3] =	sbarrier.arrive $0xFFFF  }
0x1ca: {  	_ =	shalt  }

// kernel: kernel.8.cloned.1.call-start
scs
__scs_entry_jumppad:
0x0: {  	(pc) =	sbr.rel $0x88, $3  }
0x1: {  	(tag) =	ssettag $0x0;
	lr =	simm.s32 $0x1  }
0x2: {  	[smem:$0x3F99] =	sst lr;
	_ =	strace $0xD0000000  }
0x3: {  	_ = 	snop  }
0x4: {  	_ = 	snop  }
0x5: {  	_ = 	snop  }
0x6: {  	_ = 	snop  }
0x7: {  	_ = 	snop  }
__scs_overlays_trampoline_lowered:
0x8: {  	[smem:$0x3FA8] =	sst s0  }
0x9: {  	[smem:$0x3FA9] =	sst s1  }
0xa: {  	[smem:$0x3FAA] =	sst s2  }
0xb: {  	[smem:$0x3FAB] =	sst s3  }
0xc: {  	[smem:$0x3FAC] =	sst s4  }
0xd: {  	[smem:$0x3FAD] =	sst s5  }
0xe: {  	[smem:$0x3FAE] =	sst s6  }
0xf: {  	[smem:$0x3FAF] =	sst s7  }
0x10: {  	[smem:$0x3FB0] =	sst s8  }
0x11: {  	[smem:$0x3FB1] =	sst s9;
	s0 =	simm.s32 @!p0 $0x0  }
0x12: {  	s1 =	sld [smem:$0x3F97];
	s0 =	simm.s32 @p0 $0x1  }
0x13: {  	[smem:$0x3FB2] =	sst s0;
	s0 =	simm.s32 @!p1 $0x0  }
0x14: {  	s2 =	sld [smem:$0x3F96];
	s0 =	simm.s32 @p1 $0x1  }
0x15: {  	[smem:$0x3FB3] =	sst s0;
	s0 =	simm.s32 @!p2 $0x0  }
0x16: {  	s3 =	sld [smem:$0x3FDB];
	s0 =	simm.s32 @p2 $0x1  }
0x17: {  	s4 =	simm.s32 $0x1BF5;
	[smem:$0x3FB5] =	sst s0  }
0x18: {  	s0 =	sld [smem:$0x3F98];
	_ =	swait.ge [sflag:s4], $0x0  }
0x19: {  	s7 =	sld [smem:$0x3F99]  }
0x1a: {  	s8 =	sadd.s32 $0xFFFFE003, lr  }
0x1b: {  	s9 =	sadd.s32 $0xFFFFFEF7, lr;
	s5 =	simm.s32 $0xFFFFFFFF;
	p2 =	slt.u32 s8, $0xFFFFF086  }
0x1c: {  	p1 =	slt.u32 s9, $0xF7A;
	s5 =	simm.s32 @!p2 $0x0  }
0x1d: {  	s5 =	simm.s32 @p1 $0x1;
	p0 =	seq.s32 s7, s2  }
0x1e: {  	s7 =	smul.u32 @!p0 $0xF7A, s2;
	p2 =	seq.s32 @!p0 s5, $0x0  }
0x1f: {  	s9 =	smul.u32 $0xF7A, s1;
	s8 =	simm.s32 @!p0 $0x1BF5;
	p2 =	por !p2, p0  }
0x20: {  	[sflag:s8] =	ssyncset.s32 @!p0 $0xFFFFF086;
	s6 =	sadd.s32 @!p0 s3, s7;
	s7 =	simm.s32 @!p0 $0x108  }
0x21: {  	s3 =	sadd.s32 s3, s9;
	s6 =	sadd.s32 @!p0 $0x88, s6;
	s7 =	simm.s32 @p2 $0x1082  }
0x22: {  	[simem:s7], [sflag:s8] =	dma.local @!p0 [hbm:s6], $0xF7A  }
0x23: {  	s9 =	sor.u32 $0xD0000000, s2;
	s6 =	simm.s32 $0x108;
	_ =	swait.ge @!p0 [sflag:s8], $0x0  }
0x24: {  	s3 =	sadd.s32 $0x88, s3;
	s6 =	simm.s32 @!p1 $0x1082;
	[sflag:s4] =	ssyncset.s32 $0xFFFFF086  }
0x25: {  	[simem:s6], [sflag:s4] =	dma.local [hbm:s3], $0xF7A  }
0x26: {  	[smem:$0x3F99] =	sst s1;
	(tag) =	ssettag s2;
	_ =	strace s9  }
0x27: {  	s1 =	sld [smem:$0x3FA9]  }
0x28: {  	s2 =	sld [smem:$0x3FAA]  }
0x29: {  	s4 =	sld [smem:$0x3FAC]  }
0x2a: {  	p0 =	seq.s32 s5, $0x0;
	s5 =	sld [smem:$0x3FAD]  }
0x2b: {  	s6 =	sld [smem:$0x3FAE]  }
0x2c: {  	s7 =	sld [smem:$0x3FAF]  }
0x2d: {  	s3 =	simm.s32 $0x108;
	s8 =	sld [smem:$0x3FB0]  }
0x2e: {  	s3 =	simm.s32 @!p0 $0x1082;
	s9 =	sld [smem:$0x3FB1]  }
0x2f: {  	lr =	sadd.s32 s0, s3;
	s0 =	sld [smem:$0x3FA8]  }
0x30: {  	s3 =	sld [smem:$0x3FAB]  }
0x31: {  	[smem:$0x3FB4] =	sst s10  }
0x32: {  	s10 =	sld [smem:$0x3FB2];
	_ =	sdelay $0x3  }
0x33: {  	p0 =	seq.s32 s10, $0x1;
	s10 =	sld [smem:$0x3FB4];
	_ =	sdelay $0x3  }
0x34: {  	[smem:$0x3FB4] =	sst s10  }
0x35: {  	s10 =	sld [smem:$0x3FB3];
	_ =	sdelay $0x3  }
0x36: {  	p1 =	seq.s32 s10, $0x1;
	s10 =	sld [smem:$0x3FB4];
	_ =	sdelay $0x3  }
0x37: {  	[smem:$0x3FB4] =	sst s10  }
0x38: {  	s10 =	sld [smem:$0x3FB5]  }
0x39: {  	_ = 	snop;
	(pc) =	sbr.ind lr, $3  }
0x3a: {  	_ = 	snop  }
0x3b: {  	_ = 	snop  }
0x3c: {  	p2 =	seq.s32 s10, $0x1;
	s10 =	sld [smem:$0x3FB4]  }
0x3d: {  	_ =	shalt  }
0x3e: {  	_ =	shalt  }
0x3f: {  	_ =	shalt  }
0x40: {  	_ =	shalt  }
0x41: {  	_ =	shalt  }
0x42: {  	_ =	shalt  }
0x43: {  	_ =	shalt  }
0x44: {  	_ =	shalt  }
0x45: {  	_ =	shalt  }
0x46: {  	_ =	shalt  }
0x47: {  	_ =	shalt  }
0x48: {  	_ =	shalt  }
0x49: {  	_ =	shalt  }
0x4a: {  	_ =	shalt  }
0x4b: {  	_ =	shalt  }
0x4c: {  	_ =	shalt  }
0x4d: {  	_ =	shalt  }
0x4e: {  	_ =	shalt  }
0x4f: {  	_ =	shalt  }
0x50: {  	_ =	shalt  }
0x51: {  	_ =	shalt  }
0x52: {  	_ =	shalt  }
0x53: {  	_ =	shalt  }
0x54: {  	_ =	shalt  }
0x55: {  	_ =	shalt  }
0x56: {  	_ =	shalt  }
0x57: {  	_ =	shalt  }
0x58: {  	_ =	shalt  }
0x59: {  	_ =	shalt  }
0x5a: {  	_ =	shalt  }
0x5b: {  	_ =	shalt  }
0x5c: {  	_ =	shalt  }
0x5d: {  	_ =	shalt  }
0x5e: {  	_ =	shalt  }
0x5f: {  	_ =	shalt  }
0x60: {  	_ =	shalt  }
0x61: {  	_ =	shalt  }
0x62: {  	_ =	shalt  }
0x63: {  	_ =	shalt  }
0x64: {  	_ =	shalt  }
0x65: {  	_ =	shalt  }
0x66: {  	_ =	shalt  }
0x67: {  	_ =	shalt  }
0x68: {  	_ =	shalt  }
0x69: {  	_ =	shalt  }
0x6a: {  	_ =	shalt  }
0x6b: {  	_ =	shalt  }
0x6c: {  	_ =	shalt  }
0x6d: {  	_ =	shalt  }
0x6e: {  	_ =	shalt  }
0x6f: {  	_ =	shalt  }
0x70: {  	_ =	shalt  }
0x71: {  	_ =	shalt  }
0x72: {  	_ =	shalt  }
0x73: {  	_ =	shalt  }
0x74: {  	_ =	shalt  }
0x75: {  	_ =	shalt  }
0x76: {  	_ =	shalt  }
0x77: {  	_ =	shalt  }
0x78: {  	_ =	shalt  }
0x79: {  	_ =	shalt  }
0x7a: {  	_ =	shalt  }
0x7b: {  	_ =	shalt  }
0x7c: {  	_ =	shalt  }
0x7d: {  	_ =	shalt  }
0x7e: {  	_ =	shalt  }
0x7f: {  	_ =	shalt  }
0x80: {  	_ =	shalt  }
0x81: {  	_ =	shalt  }
0x82: {  	_ =	shalt  }
0x83: {  	_ =	shalt  }
0x84: {  	_ =	shalt  }
0x85: {  	_ =	shalt  }
0x86: {  	_ =	shalt  }
0x87: {  	_ =	shalt  }
.Lfunc_end0:
.L_simem_size_0:
called_computation_lowered:
.L_overlay_start_0:
0x88: {  	s2 =	sld [smem:$0x3FD9]  }
0x89: {  	s3 =	sld [smem:$0x3FFE];
	_ =	sdelay $0x1  }
0x8a: {  	s1 =	srdreg.scid  }
0x8b: {  	s0 =	sand.u32 $0x1, s1  }
0x8c: {  	s16 =	sshll.u32 s0, $0xA;
	s2 =	sadd.s32 s3, s2  }
0x8d: {  	s2 =	sadd.s32 s2, s16  }
0x8e: {  	[smem:$0x3FC0] =	sst s2  }
0x8f: {  	_ = 	snop  }
0x90: {  	(tm) =	ssettm $0x1  }
0x91: {  	s17 =	sld [smem:$0x3FFB];
	_ =	sdelay $0x3  }
0x92: {  	_ =	strace s17  }
0x93: {  	s2 =	sld [smem:$0x3FFC];
	_ =	sdelay $0x3  }
0x94: {  	_ =	strace s2  }
0x95: {  	s2 =	sld [smem:$0x3FFD];
	_ =	sdelay $0x3  }
0x96: {  	_ =	strace s2  }
0x97: {  	_ =	strace $0x8FFFFFFF  }
0x98: {  	s18 =	sld [smem:$0x3FDB];
	_ =	sdelay $0x1  }
0x99: {  	s19 =	simm.s32 $_scs_section_size  }
0x9a: {  	s4 =	simm.s32 $_size__tile_overlayer_lowered;
	s5 =	simm.s32 $_tile_overlayer_lowered  }
0x9b: {  	s22 =	simm.s32 $0x1BFF;
	s21 =	sshll.u32 s5, $0x1;
	s2 =	sadd.s32 s19, s18  }
0x9c: {  	s6 =	simm.s32 $0x0;
	s20 =	sshll.u32 s4, $0x1;
	s4 =	sadd.s32 s21, s2  }
0x9d: {  	[timem:s6], [sflag:s22] =	dma.local [hbm:s4], s20  }
0x9e: {  	_ =	swait.ge [sflag:s22], s20  }
0x9f: {  	s3 =	ssub.s32 $0x0, s20;
	[sflag:s22] =	ssyncset.done $0x0  }
0xa0: {  	[sflag:s22] =	ssyncadd.s32 s3;
	_ =	sdelay $0x1  }
0xa1: {  	s23 =	simm.s32 $0x1B8B  }
0xa2: {  	_ =	swait.ge [sflag:s23], $0x1  }
0xa3: {  	[sflag:s23] =	ssyncset.done $0x0  }
0xa4: {  	s25 =	simm.s32 $0x1B8E;
	s24 =	sld [smem:$0x3FFE];
	[sflag:s23] =	ssyncadd.s32 $0xFFFFFFFF  }
0xa5: {  	s26 =	simm.s32 $execute0_lowered;
	[smem:$0x3FD2] =	sst s25  }
0xa6: {  	s4 =	sshll.u32 s26, $0x1;
	_ =	strace $0x80000046;
	[dreg:$0x1] =	wrdreg $0xFFFFFFFF  }
0xa7: {  	s28 =	simm.s32 $_size_execute0_lowered;
	s2 =	sadd.s32 s2, s4;
	[dreg:$0x0] =	wrdreg $0x0  }
0xa8: {  	s4 =	sshll.u32 s28, $0x1;
	[dreg:$0x2] =	wrdreg s2  }
0xa9: {  	[dreg:$0x3] =	wrdreg s4  }
0xaa: {  	[dreg:$0x4] =	wrdreg $0xC0  }
0xab: {  	_ =	task [dreg:s6], $0x5FFFF  }
0xac: {  	[dreg:$0x1] =	wrdreg $0xFFFFFFFF  }
0xad: {  	[dreg:$0x0] =	wrdreg $0x60  }
0xae: {  	[dreg:$0x2] =	wrdreg s24  }
0xaf: {  	[dreg:$0x3] =	wrdreg $0x2000  }
0xb0: {  	[dreg:$0x4] =	wrdreg $0x9  }
0xb1: {  	_ =	task.clear_ibuf [dreg:s6], $0x5FFFF;
	_ =	strace $0x90000046  }
0xb2: {  	s29 =	simm.s32 $0x9;
	_ =	strace $0x80000048  }
0xb3: {  	_ =	swait.ge [sflag:s29], $0x1  }
0xb4: {  	[sflag:s29] =	ssyncadd.s32 $0xFFFFFFFF  }
0xb5: {  	_ =	strace $0x90000048  }
0xb6: {  	_ =	sfence  }
0xb7: {  	s30 =	sld [smem:$0x0];
	_ =	sdelay $0x2  }
0xb8: {  	s31 =	sshll.u32 s1, $0xD;
	s1 =	sshrl.u32 s1, $0x2  }
0xb9: {  	s3 =	sand.u32 $0x4000, s31;
	s1 =	sadd.s32 s1, s30  }
0xba: {  	s0 =	sor.u32 s3, s0;
	s1 =	sshll.u32 s1, $0x11  }
0xbb: {  	s0 =	sor.u32 s1, s0  }
0xbc: {  	s0 =	sadd.s32 $0x8F2B, s0  }
0xbd: {  	[sflag:s0] =	ssyncadd.remote.s32 $0x1  }
0xbe: {  	_ =	sfence.sel $0xFFFF  }
0xbf: {  	[dreg:$0x0] =	wrdreg $0xFFFFFFFF;
	(pc) =	sbr.abs _section_cstart, $3  }
0xc0: {  	[dreg:$0x1] =	wrdreg $0xFFFFFFFF  }
0xc1: {  	_ =	task.clear_ibuf [dreg:s6], $0x2FFFF;
	_ =	strace $0x9FFFFFFF  }
0xc2: {  	(tm) =	ssettm $0x7FFFFFFF  }
0xc3: {  	_ =	shalt  }
tec
execute0_lowered:
.L_overlay_start_1:
0x0: {  	(tag) =	ssettag $0x1  }
0x1: {  	s0 =	rddreg [dreg:$0x0]  }
0x2: {  	s1 =	rddreg [dreg:$0x1]  }
0x3: {  	s2 =	srdreg.scid;
	s6 =	stileid.u32;
	s19 =	simm.s32 $0x80  }
0x4: {  	s3 =	sand.u32 $0x1, s2;
	s2 =	simm.s32 $0x0;
	s5 =	smul.u32 $0x1400, s6  }
0x5: {  	s8 =	sadd.s32 $0x1200, s0;
	s7 =	sadd.s32 $0xB200, s0;
	p0 =	seq.s32 s6, $0xF  }
0x6: {  	s4 =	smul.u32 $0x13880, s3;
	[smem:$0x7FF] =	sst s2;
	s20 =	sshll.u32 s3, $0x4  }
0x7: {  	s3 =	ssub.s32 $0x2, s3;
	_ =	strace $0x80000047;
	[dreg:$0x3] =	wrdreg s7  }
0x8: {  	s0 =	sadd.s32 s20, s0;
	s21 =	sshrl.u32 s3, $0x1;
	s11 =	sadd.s32 s5, s4  }
0x9: {  	s4 =	simm.s32 $0x19;
	s3 =	ssub.s32 s3, s21;
	s0 =	sadd.s32 $0xB800, s0  }
0xa: {  	s5 =	sshrl.u32 s11, $0x3;
	s4 =	simm.s32 @!p0 $0x28;
	[dreg:$0x6] =	wrdreg s0  }
0xb: {  	s23 =	smax.u32 s3, $0x1;
	s28 =	sadd.s32 $0x280, s11;
	s30 =	sadd.s32 $0x380, s11  }
0xc: {  	s31 =	sadd.s32 $0x300, s11;
	p0 =	sne.s32 s6, $0x0;
	s5 =	sadd.s32 s8, s5  }
0xd: {  	[dreg:$0x7] =	wrdreg s23;
	s24 =	sor.u32 $0x2, s4;
	s9 =	sadd.s32 $0xFFFFFFFF, s4  }
0xe: {  	s10 =	sadd.s32 $0xFFFFFFFE, s4;
	s29 =	sshrl.u32 s28, $0x3;
	s11 =	sshrl.u32 s31, $0x3  }
0xf: {  	s18 =	sshrl.u32 @!p0 s1, $0x3;
	s23 =	simm.s32 $0x5;
	s22 =	sadd.s32 $0x10, s5  }
0x10: {  	s0 =	smulhi.u32 $0x55555556, s24;
	s25 =	sadd.s32 $0x20, s5;
	[dreg:$0x4] =	wrdreg s5  }
0x11: {  	s26 =	sadd.s32 $0x30, s5;
	s5 =	sadd.s32 $0x40, s5;
	[dreg:$0x5] =	wrdreg s22  }
0x12: {  	s3 =	sadd.s32 s29, s8;
	s17 =	sadd.s32 s11, s8;
	[dreg:$0x8] =	wrdreg s25  }
0x13: {  	p1 =	seq.s32 s9, $0x0;
	s24 =	simm.s32 $0x6;
	[dreg:$0x9] =	wrdreg s26  }
0x14: {  	[dreg:$0xa] =	wrdreg s5;
	s14 =	smul.u32 $0x3, s0;
	s0 =	sshrl.u32 s30, $0x3  }
0x15: {  	v0 =	vimm.f32 $1.000000000e+00;
	s25 =	simm.s32 $0x4;
	s26 =	simm.s32 $0x0;
	s7 =	sadd.s32 s0, s8  }
.LBB2_1:
0x16: {  	s29 =	simm.s32 @!p0 $0x1C07;
	s0 =	rddreg [dreg:$0x3];
	s28 =	simm.s32 @!p0 $0x7  }
0x17: {  	[spmem:s18], [sflag:s29] =	dma.local @!p0 [hbm:s0], $0x4F0  }
0x18: {  	_ =	swait.ge @!p0 [sflag:s28], $0x4F0  }
0x19: {  	[sflag:s28] =	ssyncset.done @!p0 $0x0  }
0x1a: {  	[sflag:s28] =	ssyncadd.s32 @!p0 $0xFFFFFB10  }
0x1b: {  	[tilespmem:$0x180] =	vst v0  }
0x1c: {  	[tilespmem:$0x190] =	vst v0  }
0x1d: {  	[tilespmem:$0x1A0] =	vst v0  }
0x1e: {  	[tilespmem:$0x1B0] =	vst v0  }
0x1f: {  	[tilespmem:$0x1C0] =	vst v0  }
0x20: {  	[tilespmem:$0x1D0] =	vst v0  }
0x21: {  	[tilespmem:$0x1E0] =	vst v0  }
0x22: {  	s20 =	rddreg [dreg:$0x4];
	[tilespmem:$0x1F0] =	vst v0  }
0x23: {  	[tilespmem:s2], [sflag:$0x1] =	stream.linear.gather [hbm4b:s20+s2], $0x80, $0x38;
	[tilespmem:$0x478] =	vst v63  }
0x24: {  	s21 =	rddreg [dreg:$0x5]  }
0x25: {  	[tilespmem:s19], [sflag:$0x2] =	stream.linear.gather [hbm4b:s21+s2], $0x80, $0x38;
	[tilespmem:$0x478] =	vst v63  }
0x26: {  	s22 =	simm.s32 $0x1;
	[bflag:$0x0] =	sbarrier.arrive $0xFFFF  }
0x27: {  	_ =	swait.ge [sflag:s22], $0x80  }
0x28: {  	[sflag:s22] =	ssyncset.done $0x0  }
0x29: {  	s8 =	simm.s32 $0x180;
	[sflag:s22] =	ssyncadd.s32 $0xFFFFFF80  }
0x2a: {  	[spmem:s1] =	stream.indirect.scatter.add.f32 [tilespmem:s8], [sflag:$0x4], $0x1, s2, s19, $0xb8;
	[tilespmem:$0x478] =	vst v63  }
0x2b: {  	s11 =	simm.s32 $0x100;
	s0 =	simm.s32 @!p1 $0x2;
	s30 =	rddreg [dreg:$0x8]  }
0x2c: {  	[tilespmem:s11], [sflag:$0x3] =	stream.linear.gather [hbm4b:s30+s2], $0x80, $0x38;
	[tilespmem:$0x478] =	vst v63  }
0x2d: {  	_ =	swait.ge @!p1 [sflag:s0], $0x80  }
0x2e: {  	[sflag:s0] =	ssyncset.done @!p1 $0x0  }
0x2f: {  	s6 =	simm.s32 @!p1 $0x180;
	[sflag:s0] =	ssyncadd.s32 @!p1 $0xFFFFFF80;
	s0 =	simm.s32 @!p1 $0x80  }
0x30: {  	[spmem:s1] =	stream.indirect.scatter.add.f32 @!p1 [tilespmem:s6], [sflag:$0x5], $0x1, s0, s0, $0xb8;
	[tilespmem:$0x478] =	vst v63  }
0x31: {  	s0 =	simm.s32 @!p1 $0x4  }
0x32: {  	_ =	swait.ge @!p1 [sflag:s0], $0x80  }
0x33: {  	s6 =	simm.s32 $0x3;
	[sflag:s0] =	ssyncset.done @!p1 $0x0  }
0x34: {  	s5 =	rddreg [dreg:$0x9];
	[sflag:s0] =	ssyncadd.s32 @!p1 $0xFFFFFF80;
	s0 =	simm.s32 @!p1 $0x0  }
0x35: {  	[tilespmem:s0], [sflag:$0x1] =	stream.linear.gather @!p1 [hbm4b:s5+s0], $0x80, $0x38;
	[tilespmem:$0x478] =	vst v63  }
0x36: {  	_ =	swait.ge [sflag:s6], $0x80  }
0x37: {  	[sflag:s6] =	ssyncset.done $0x0  }
0x38: {  	p4 =	sne.s32 s14, $0x6;
	[sflag:s6] =	ssyncadd.s32 $0xFFFFFF80  }
0x39: {  	[spmem:s1] =	stream.indirect.scatter.add.f32 [tilespmem:s8], [sflag:$0x6], $0x1, s11, s19, $0xb8;
	[tilespmem:$0x478] =	vst v63  }
.Ltmp0:
0x3a: {  	_ = 	snop;
	(pc) =	sbr.rel @!p4 .LBB2_2-.Ltmp0, $4  }
0x3b: {  	p3 =	sle.u32 s4, $0x3;
	_ =	swait.ge [sflag:s23], $0x80  }
0x3c: {  	p2 =	por $0x0, $0x0;
	s0 =	simm.s32 $0x6;
	[sflag:s23] =	ssyncset.done $0x0  }
0x3d: {  	s8 =	simm.s32 @!p3 $0x180;
	s31 =	rddreg [dreg:$0xa];
	[sflag:s23] =	ssyncadd.s32 $0xFFFFFF80  }
0x3e: {  	[tilespmem:s19], [sflag:$0x2] =	stream.linear.gather [hbm4b:s31+s2], $0x80, $0x38;
	[tilespmem:$0x478] =	vst v63  }
0x3f: {  	s6 =	simm.s32 @!p3 $0x1  }
0x40: {  	p2 =	sle.u32 @!p3 s4, $0x5;
	s11 =	simm.s32 @!p3 $0x0;
	_ =	swait.ge @!p3 [sflag:s6], $0x80  }
0x41: {  	s12 =	simm.s32 @!p3 $0x80;
	p2 =	por p2, p3;
	[sflag:s6] =	ssyncset.done @!p3 $0x0  }
0x42: {  	p4 =	sne.s32 s14, $0x9;
	s13 =	simm.s32 @!p2 $0x6;
	[sflag:s6] =	ssyncadd.s32 @!p3 $0xFFFFFF80  }
0x43: {  	[spmem:s1] =	stream.indirect.scatter.add.f32 @!p3 [tilespmem:s8], [sflag:$0x4], $0x1, s11, s12, $0xb8;
	[tilespmem:$0x478] =	vst v63  }
0x44: {  	s31 =	sadd.s32 $0x30, s17;
	s15 =	sadd.s32 $0x30, s3;
	_ =	swait.ge @!p2 [sflag:s13], $0x80  }
0x45: {  	s6 =	simm.s32 @!p2 $0x100;
	p3 =	sle.u32 s9, $0x3;
	[sflag:s13] =	ssyncset.done @!p2 $0x0  }
0x46: {  	s8 =	simm.s32 @!p2 $0x0;
	s11 =	simm.s32 @!p3 $0x2;
	[sflag:s13] =	ssyncadd.s32 @!p2 $0xFFFFFF80  }
0x47: {  	[tilespmem:s6], [sflag:$0x3] =	stream.linear.gather @!p2 [hbm4b:s3+s8], $0x80, $0x38;
	[tilespmem:$0x478] =	vst v63  }
0x48: {  	s30 =	sadd.s32 $0x30, s7;
	p2 =	sle.u32 @!p3 s4, $0x6;
	_ =	swait.ge @!p3 [sflag:s11], $0x80  }
0x49: {  	s6 =	simm.s32 @!p3 $0x180;
	p5 =	por p2, p3;
	[sflag:s11] =	ssyncset.done @!p3 $0x0  }
0x4a: {  	s8 =	simm.s32 @!p3 $0x80;
	[sflag:s11] =	ssyncadd.s32 @!p3 $0xFFFFFF80;
	s11 =	simm.s32 @!p5 $0x4  }
0x4b: {  	[spmem:s1] =	stream.indirect.scatter.add.f32 @!p3 [tilespmem:s6], [sflag:$0x5], $0x1, s8, s8, $0xb8;
	[tilespmem:$0x478] =	vst v63  }
0x4c: {  	s16 =	smov.u32 s7;
	p2 =	sle.u32 s10, $0x3;
	_ =	swait.ge @!p5 [sflag:s11], $0x80  }
0x4d: {  	s12 =	simm.s32 @!p2 $0x100;
	s6 =	simm.s32 $0x9;
	[sflag:s11] =	ssyncset.done @!p5 $0x0  }
0x4e: {  	s8 =	simm.s32 @!p5 $0x0;
	[sflag:s11] =	ssyncadd.s32 @!p5 $0xFFFFFF80;
	s11 =	simm.s32 @!p2 $0x3  }
0x4f: {  	[tilespmem:s8], [sflag:$0x1] =	stream.linear.gather @!p5 [hbm4b:s17+s8], $0x80, $0x38;
	[tilespmem:$0x478] =	vst v63  }
0x50: {  	p3 =	sle.u32 @!p2 s4, $0x7;
	s8 =	simm.s32 @!p2 $0x180;
	_ =	swait.ge @!p2 [sflag:s11], $0x80  }
.Ltmp1:
0x51: {  	p5 =	por p3, p2;
	[sflag:s11] =	ssyncset.done @!p2 $0x0;
	(pc) =	sbr.rel @!p4 .LBB2_4-.Ltmp1, $4  }
0x52: {  	p3 =	sle.u32 s4, $0x6;
	[sflag:s11] =	ssyncadd.s32 @!p2 $0xFFFFFF80;
	s11 =	simm.s32 @!p2 $0x80  }
0x53: {  	[spmem:s1] =	stream.indirect.scatter.add.f32 @!p2 [tilespmem:s8], [sflag:$0x6], $0x1, s12, s11, $0xb8;
	[tilespmem:$0x478] =	vst v63  }
0x54: {  	s13 =	simm.s32 @!p5 $0x0;
	s21 =	simm.s32 @!p5 $0x80;
	s12 =	simm.s32 @!p5 $0x5  }
0x55: {  	s8 =	simm.s32 @!p3 $0x180;
	p2 =	por $0x1, $0x1;
	_ =	swait.ge @!p5 [sflag:s12], $0x80  }
.LBB2_5:
0x56: {  	s22 =	simm.s32 @!p3 $0x1;
	s5 =	sadd.s32 @!p3 $0x2, s0;
	[sflag:s12] =	ssyncset.done @!p5 $0x0  }
0x57: {  	s11 =	smov.u32 s0;
	s0 =	smov.u32 s6;
	s20 =	smov.u32 s31  }
0x58: {  	s6 =	sadd.s32 $0x3, s6;
	p4 =	sge.u32 @!p3 s5, s4;
	[sflag:s12] =	ssyncadd.s32 @!p5 $0xFFFFFF80  }
0x59: {  	[tilespmem:s21], [sflag:$0x2] =	stream.linear.gather @!p5 [hbm4b:s16+s13], $0x80, $0x38;
	[tilespmem:$0x478] =	vst v63  }
0x5a: {  	s5 =	simm.s32 @!p3 $0x0;
	p5 =	por p4, p3;
	_ =	swait.ge @!p3 [sflag:s22], $0x80  }
0x5b: {  	s12 =	simm.s32 @!p3 $0x80;
	s13 =	simm.s32 @!p5 $0x6;
	[sflag:s22] =	ssyncset.done @!p3 $0x0  }
0x5c: {  	p4 =	sne.s32 s14, s6;
	s16 =	smov.u32 s30;
	[sflag:s22] =	ssyncadd.s32 @!p3 $0xFFFFFF80  }
0x5d: {  	[spmem:s1] =	stream.indirect.scatter.add.f32 @!p3 [tilespmem:s8], [sflag:$0x4], $0x1, s5, s12, $0xb8;
	[tilespmem:$0x478] =	vst v63  }
0x5e: {  	s5 =	simm.s32 @!p5 $0x100;
	p3 =	sge.u32 s11, s9;
	_ =	swait.ge @!p5 [sflag:s13], $0x80  }
0x5f: {  	s8 =	simm.s32 @!p5 $0x0;
	s12 =	simm.s32 @!p3 $0x2;
	[sflag:s13] =	ssyncset.done @!p5 $0x0  }
0x60: {  	[sflag:s13] =	ssyncadd.s32 @!p5 $0xFFFFFF80;
	s13 =	sadd.s32 @!p3 $0x3, s11  }
0x61: {  	[tilespmem:s5], [sflag:$0x3] =	stream.linear.gather @!p5 [hbm4b:s15+s8], $0x80, $0x38;
	[tilespmem:$0x478] =	vst v63  }
0x62: {  	s5 =	simm.s32 @!p3 $0x180;
	p5 =	sge.u32 @!p3 s13, s4;
	_ =	swait.ge @!p3 [sflag:s12], $0x80  }
0x63: {  	s8 =	simm.s32 @!p3 $0x80;
	p5 =	por p5, p3;
	[sflag:s12] =	ssyncset.done @!p3 $0x0  }
0x64: {  	s31 =	sadd.s32 $0x30, s31;
	[sflag:s12] =	ssyncadd.s32 @!p3 $0xFFFFFF80;
	s12 =	simm.s32 @!p5 $0x4  }
0x65: {  	[spmem:s1] =	stream.indirect.scatter.add.f32 @!p3 [tilespmem:s5], [sflag:$0x5], $0x1, s8, s8, $0xb8;
	[tilespmem:$0x478] =	vst v63  }
0x66: {  	s30 =	sadd.s32 $0x30, s30;
	s15 =	sadd.s32 $0x30, s15;
	_ =	swait.ge @!p5 [sflag:s12], $0x80  }
0x67: {  	s5 =	simm.s32 @!p5 $0x0;
	p3 =	sge.u32 s11, s10;
	[sflag:s12] =	ssyncset.done @!p5 $0x0  }
0x68: {  	s8 =	simm.s32 @!p3 $0x3;
	[sflag:s12] =	ssyncadd.s32 @!p5 $0xFFFFFF80;
	s12 =	simm.s32 @!p3 $0x180  }
0x69: {  	[tilespmem:s5], [sflag:$0x1] =	stream.linear.gather @!p5 [hbm4b:s20+s5], $0x80, $0x38;
	[tilespmem:$0x478] =	vst v63  }
0x6a: {  	s11 =	sadd.s32 @!p3 $0x4, s11;
	s5 =	simm.s32 @!p3 $0x100;
	_ =	swait.ge @!p3 [sflag:s8], $0x80  }
.Ltmp2:
0x6b: {  	p5 =	sge.u32 @!p3 s11, s4;
	[sflag:s8] =	ssyncset.done @!p3 $0x0;
	(pc) =	sbr.rel @p4 .LBB2_5-.Ltmp2, $4  }
0x6c: {  	p5 =	por p5, p3;
	[sflag:s8] =	ssyncadd.s32 @!p3 $0xFFFFFF80;
	s8 =	simm.s32 @!p3 $0x80  }
0x6d: {  	[spmem:s1] =	stream.indirect.scatter.add.f32 @!p3 [tilespmem:s12], [sflag:$0x6], $0x1, s5, s8, $0xb8;
	[tilespmem:$0x478] =	vst v63  }
0x6e: {  	s13 =	simm.s32 @!p5 $0x0;
	p3 =	sge.u32 s0, s4;
	s12 =	simm.s32 @!p5 $0x5  }
0x6f: {  	s21 =	simm.s32 @!p5 $0x80;
	s8 =	simm.s32 @!p3 $0x180;
	_ =	swait.ge @!p5 [sflag:s12], $0x80  }
0x70: {  	s6 =	smov.u32 s0  }
.LBB2_7:
0x71: {  	p2 =	por p5, !p2  }
0x72: {  	[sflag:s12] =	ssyncset.done @!p2 $0x0  }
0x73: {  	s0 =	simm.s32 @!p3 $0x1;
	s5 =	sadd.s32 @!p3 $0x2, s6;
	[sflag:s12] =	ssyncadd.s32 @!p2 $0xFFFFFF80  }
0x74: {  	[tilespmem:s21], [sflag:$0x2] =	stream.linear.gather @!p2 [hbm4b:s16+s13], $0x80, $0x38;
	[tilespmem:$0x478] =	vst v63  }
0x75: {  	p2 =	sge.u32 @!p3 s5, s4;
	_ =	swait.ge @!p3 [sflag:s0], $0x80  }
0x76: {  	s11 =	simm.s32 @!p3 $0x80;
	p4 =	por p2, p3;
	[sflag:s0] =	ssyncset.done @!p3 $0x0  }
0x77: {  	s5 =	simm.s32 @!p3 $0x0;
	s12 =	simm.s32 @!p4 $0x6;
	[sflag:s0] =	ssyncadd.s32 @!p3 $0xFFFFFF80  }
0x78: {  	[spmem:s1] =	stream.indirect.scatter.add.f32 @!p3 [tilespmem:s8], [sflag:$0x4], $0x1, s5, s11, $0xb8;
	[tilespmem:$0x478] =	vst v63  }
0x79: {  	p2 =	sge.u32 s6, s9;
	_ =	swait.ge @!p4 [sflag:s12], $0x80  }
0x7a: {  	s0 =	simm.s32 @!p4 $0x100;
	s5 =	simm.s32 @!p4 $0x0;
	[sflag:s12] =	ssyncset.done @!p4 $0x0  }
0x7b: {  	s8 =	simm.s32 @!p2 $0x2;
	s11 =	sadd.s32 @!p2 $0x3, s6;
	[sflag:s12] =	ssyncadd.s32 @!p4 $0xFFFFFF80  }
0x7c: {  	[tilespmem:s0], [sflag:$0x3] =	stream.linear.gather @!p4 [hbm4b:s15+s5], $0x80, $0x38;
	[tilespmem:$0x478] =	vst v63  }
0x7d: {  	p3 =	sge.u32 @!p2 s11, s4;
	_ =	swait.ge @!p2 [sflag:s8], $0x80  }
0x7e: {  	p3 =	por p3, p2;
	s0 =	simm.s32 @!p2 $0x180;
	[sflag:s8] =	ssyncset.done @!p2 $0x0  }
0x7f: {  	s5 =	simm.s32 @!p2 $0x80;
	[sflag:s8] =	ssyncadd.s32 @!p2 $0xFFFFFF80;
	s8 =	simm.s32 @!p3 $0x4  }
0x80: {  	[spmem:s1] =	stream.indirect.scatter.add.f32 @!p2 [tilespmem:s0], [sflag:$0x5], $0x1, s5, s5, $0xb8;
	[tilespmem:$0x478] =	vst v63  }
0x81: {  	_ =	swait.ge @!p3 [sflag:s8], $0x80  }
0x82: {  	p2 =	sge.u32 s6, s10;
	[sflag:s8] =	ssyncset.done @!p3 $0x0  }
0x83: {  	s0 =	simm.s32 @!p3 $0x0;
	s5 =	simm.s32 @!p2 $0x3;
	[sflag:s8] =	ssyncadd.s32 @!p3 $0xFFFFFF80  }
0x84: {  	[tilespmem:s0], [sflag:$0x1] =	stream.linear.gather @!p3 [hbm4b:s31+s0], $0x80, $0x38;
	[tilespmem:$0x478] =	vst v63  }
0x85: {  	s6 =	sadd.s32 @!p2 $0x4, s6;
	s8 =	simm.s32 @!p2 $0x100;
	_ =	swait.ge @!p2 [sflag:s5], $0x80  }
0x86: {  	s0 =	simm.s32 @!p2 $0x180;
	p3 =	sge.u32 @!p2 s6, s4;
	[sflag:s5] =	ssyncset.done @!p2 $0x0  }
0x87: {  	p3 =	por p3, p2;
	[sflag:s5] =	ssyncadd.s32 @!p2 $0xFFFFFF80;
	s5 =	simm.s32 @!p2 $0x80  }
0x88: {  	[spmem:s1] =	stream.indirect.scatter.add.f32 @!p2 [tilespmem:s0], [sflag:$0x6], $0x1, s8, s5, $0xb8;
	[tilespmem:$0x478] =	vst v63  }
0x89: {  	s0 =	simm.s32 @!p3 $0x5  }
0x8a: {  	_ =	swait.ge @!p3 [sflag:s0], $0x80  }
0x8b: {  	[sflag:s0] =	ssyncset.done @!p3 $0x0  }
0x8c: {  	s6 =	simm.s32 @!p3 $0x80;
	s5 =	simm.s32 @!p3 $0x0;
	[sflag:s0] =	ssyncadd.s32 @!p3 $0xFFFFFF80  }
0x8d: {  	[tilespmem:s6], [sflag:$0x2] =	stream.linear.gather @!p3 [hbm4b:s30+s5], $0x80, $0x38;
	[tilespmem:$0x478] =	vst v63  }
0x8e: {  	_ =	swait.ge [sflag:s24], $0x80  }
0x8f: {  	[sflag:s24] =	ssyncset.done $0x0  }
0x90: {  	[sflag:s24] =	ssyncadd.s32 $0xFFFFFF80  }
0x91: {  	_ =	swait.ge [sflag:s25], $0x80  }
0x92: {  	[sflag:s25] =	ssyncset.done $0x0  }
0x93: {  	[sflag:s25] =	ssyncadd.s32 $0xFFFFFF80  }
0x94: {  	_ =	swait.ge [sflag:s23], $0x80  }
0x95: {  	[sflag:s23] =	ssyncset.done $0x0  }
0x96: {  	[sflag:s23] =	ssyncadd.s32 $0xFFFFFF80  }
0x97: {  	s0 =	simm.s32 @!p0 $0x1;
	[bflag:$0x0] =	sbarrier.arrive $0xFFFF  }
0x98: {  	s5 =	simm.s32 @!p0 $0x20;
	s6 =	simm.s32 @!p0 $0x10;
	s8 =	rddreg [dreg:$0x6]  }
0x99: {  	[hbm:s8@s5], [sflag:s29] =	dma.strided @!p0 [spmem:s18@s6], $0x4F0, s0, $0x10   }
0x9a: {  	_ =	swait.ge @!p0 [sflag:s28], $0x4F0  }
0x9b: {  	s26 =	sadd.s32 $0x1, s26;
	s31 =	rddreg [dreg:$0x7]  }
0x9c: {  	p2 =	sne.s32 s26, s31  }
.Ltmp3:
0x9d: {  	_ = 	snop;
	(pc) =	sbr.rel @p2 .LBB2_1-.Ltmp3, $4  }
.Ltmp4:
0x9e: {  	_ = 	snop;
	(pc) =	sbr.rel @!p2 .LBB2_8-.Ltmp4, $4  }
0x9f: {  	_ = 	snop  }
0xa0: {  	[sflag:s28] =	ssyncset.done @!p0 $0x0  }
0xa1: {  	[sflag:s28] =	ssyncadd.s32 @!p0 $0xFFFFFB10  }
0xa2: {  	_ = 	snop  }
.LBB2_2:
.Ltmp5:
0xa3: {  	(pc) =	sbr.rel .LBB2_7-.Ltmp5, $2  }
0xa4: {  	_ =	sdelay $0x2  }
0xa5: {  	s31 =	smov.u32 s17;
	s30 =	smov.u32 s7;
	s15 =	smov.u32 s3  }
.LBB2_4:
.Ltmp6:
0xa6: {  	(pc) =	sbr.rel .LBB2_7-.Ltmp6, $2  }
0xa7: {  	_ =	sdelay $0x2  }
0xa8: {  	s6 =	simm.s32 $0x6;
	s16 =	smov.u32 s7  }
.LBB2_8:
0xa9: {  	_ =	sfence.sel $0x180000  }
0xaa: {  	[bflag:$0x0] =	sbarrier.arrive $0xFFFF  }
0xab: {  	_ =	strace $0x90000047  }
0xac: {  	[bflag:$0x2] =	sbarrier.arrive $0xFFFF  }
0xad: {  	s0 =	rddreg [dreg:$0x2]  }
0xae: {  	s0 =	sadd.s32 @!p0 $0x100000, s0  }
0xaf: {  	[sflag:s0] =	ssyncadd.tile.s32 @!p0 $0x1;
	_ =	shalt  }
.Lfunc_end2:
_tile_overlayer_lowered:
.L_overlay_start_2:
0xb0: {  	(tag) =	ssettag $0x2  }
0xb1: {  	s0 =	rddreg [dreg:$0x0];
	s2 =	stileid.u32  }
0xb2: {  	s1 =	rddreg [dreg:$0x1];
	p0 =	sne.s32 s2, $0x0  }
0xb3: {  	s3 =	rddreg [dreg:$0x2];
	[bflag:$0x3] =	sbarrier.arrive $0xFFFF;
	s2 =	simm.s32 @!p0 $0x1C07  }
0xb4: {  	[timem:s3], [sflag:s2] =	dma.local @!p0 [hbm:s0], s1  }
0xb5: {  	s0 =	simm.s32 @!p0 $0x7  }
0xb6: {  	_ =	swait.ge @!p0 [sflag:s0], s1  }
0xb7: {  	s1 =	ssub.s32 @!p0 $0x0, s1;
	[sflag:s0] =	ssyncset.done @!p0 $0x0  }
0xb8: {  	[sflag:s0] =	ssyncadd.s32 @!p0 s1  }
0xb9: {  	[bflag:$0x3] =	sbarrier.arrive $0xFFFF  }
0xba: {  	_ =	shalt  }

</sc_bundles>
